<compile_context>
chip_gen: v7x
topology: tpu7x:2x2x1
jax: 0.10.2.dev20260603
libtpu: 0.0.44.dev20260713+nightly
codegen_flags: <defaults>
</compile_context>

<pallas_src>
import functools

import jax
import jax.numpy as jnp
from jax import lax
from jax.experimental import pallas as pl
from jax.experimental.pallas import tpu as pltpu
from jax.experimental.pallas import tpu_sc as plsc

_B = 16384
_EMB = 64
_NW = 32
_BPW = _B // _NW
_NCH = 4
_CH = 128

_f32 = jnp.float32


def _sc_main(uidx, bidx, uemb, bemb, ubt1, bbt1):
  mesh = plsc.VectorSubcoreMesh(
      core_axis_name="c", subcore_axis_name="s", num_cores=2, num_subcores=16)

  @functools.partial(
      pl.kernel,
      out_type=(
          jax.ShapeDtypeStruct((_NW, 128), _f32),
          jax.ShapeDtypeStruct((128, 128), _f32),
          jax.ShapeDtypeStruct((128, 128), _f32),
      ),
      mesh=mesh,
      compiler_params=pltpu.CompilerParams(
          use_tc_tiling_on_sc=True, disable_bounds_checks=True),
      scratch_types=[
          pltpu.VMEM((_NCH, _CH), jnp.int32),
          pltpu.VMEM((_NCH, _CH), jnp.int32),
          pltpu.VMEM((_CH, _EMB), _f32),
          pltpu.VMEM((_CH, _EMB), _f32),
          pltpu.VMEM((_CH, _EMB), _f32),
          pltpu.VMEM((_CH, _EMB), _f32),
          pltpu.VMEM((_NCH, _CH), _f32),
          pltpu.VMEM((_NCH, _CH), _f32),
          pltpu.VMEM((128,), _f32),
          pltpu.SemaphoreType.DMA,
          pltpu.SemaphoreType.DMA,
          pltpu.SemaphoreType.DMA,
          pltpu.SemaphoreType.DMA,
          pltpu.SemaphoreType.DMA,
      ],
  )
  def sc_k(uidx_h, bidx_h, uemb_h, bemb_h, ubt_h, bbt_h,
           part_o, ub_o, bb_o,
           uidx_v, bidx_v,
           u0, u1, b0, b1, ubias_v, bbias_v, accv,
           sem_u0, sem_u1, sem_b0, sem_b1, sem_bias):
    ubufs, bbufs = (u0, u1), (b0, b1)
    usems, bsems = (sem_u0, sem_u1), (sem_b0, sem_b1)
    wid = lax.axis_index("s") * 2 + lax.axis_index("c")
    row0 = wid * _NCH
    pltpu.sync_copy(uidx_h.at[pl.ds(row0, _NCH)], uidx_v)
    pltpu.sync_copy(bidx_h.at[pl.ds(row0, _NCH)], bidx_v)

    bias_copies = []
    for j in range(_NCH):
      bias_copies.append(
          pltpu.async_copy(ubt_h.at[uidx_v.at[j]], ubias_v.at[j], sem_bias))
      bias_copies.append(
          pltpu.async_copy(bbt_h.at[bidx_v.at[j]], bbias_v.at[j], sem_bias))

    def issue_chunk(j):
      bu, bb2 = ubufs[j % 2], bbufs[j % 2]
      su, sb = usems[j % 2], bsems[j % 2]

      def it(g, _):
        base = g * 16
        u16 = uidx_v[j, pl.ds(base, 16)]
        b16 = bidx_v[j, pl.ds(base, 16)]
        for t in range(16):
          pltpu.async_copy(uemb_h.at[u16[t]], bu.at[base + t], su)
          pltpu.async_copy(bemb_h.at[b16[t]], bb2.at[base + t], sb)
        return 0

      lax.fori_loop(0, _CH // 16, it, 0)

    def drain_chunk(j):
      pltpu.make_async_copy(
          uemb_h.at[pl.ds(0, _CH)], ubufs[j % 2], usems[j % 2]).wait()
      pltpu.make_async_copy(
          bemb_h.at[pl.ds(0, _CH)], bbufs[j % 2], bsems[j % 2]).wait()

    issue_chunk(0)
    acc = jnp.zeros((16,), _f32)
    for j in range(_NCH):
      drain_chunk(j)
      if j + 1 < _NCH:
        issue_chunk(j + 1)
      bu, bb2 = ubufs[j % 2], bbufs[j % 2]

      def body(r, a, bu=bu, bb2=bb2):
        for k in range(_EMB // 16):
          sl = pl.ds(k * 16, 16)
          a = a + bu[r, sl] * bb2[r, sl]
        return a

      acc = lax.fori_loop(0, _CH, body, acc)

    accv[pl.ds(0, 16)] = acc
    for t in range(1, 8):
      accv[pl.ds(t * 16, 16)] = jnp.zeros((16,), _f32)
    for c in bias_copies:
      c.wait()

    pltpu.sync_copy(accv, part_o.at[wid])
    out_sl = pl.ds(row0, _NCH)
    pltpu.sync_copy(ubias_v, ub_o.at[out_sl])
    pltpu.sync_copy(bbias_v, bb_o.at[out_sl])

  return sc_k(uidx, bidx, uemb, bemb, ubt1, bbt1)


def _tc_body(part_ref, ub_ref, bb_ref, o_ref):
  s = jnp.sum(part_ref[...])
  o_ref[...] = jax.nn.sigmoid(ub_ref[...] + bb_ref[...] + s)


def kernel(inputs, user_embedding, user_bias_table, book_embedding,
           book_bias_table):
  idx = inputs.astype(jnp.int32)
  uidx = idx[:, 0].reshape(128, 128)
  bidx = idx[:, 1].reshape(128, 128)
  ubt1 = user_bias_table.reshape(100000)
  bbt1 = book_bias_table.reshape(100000)
  partials, ub, bb = _sc_main(uidx, bidx, user_embedding, book_embedding,
                              ubt1, bbt1)
  out = pl.pallas_call(
      _tc_body,
      out_shape=jax.ShapeDtypeStruct((128, 128), _f32),
  )(partials, ub, bb)
  return out.reshape(_B, 1)

# --- scband reference (transcript-rebuilt; emitter-appended) ---
"""Pipeline reference for scband-recommender-net-50465865728529 (READ-ONLY COPY).

The authoritative reference and input builder live on the scoring server;
editing this copy changes nothing except your own understanding.
"""

import jax, jax.numpy as jnp
import numpy as np

NUM_USERS = 100000
NUM_BOOKS = 100000
EMB = 64
BATCH = 16384


def setup_inputs(seed: int = 0) -> dict:
    key = jax.random.key(seed)
    k1, k2, k3, k4, k5 = jax.random.split(key, 5)
    inputs = jax.random.randint(k1, (BATCH, 2), 0, NUM_USERS)
    # he_normal-ish init for embedding tables
    user_embedding = jax.random.normal(k2, (NUM_USERS, EMB), dtype=jnp.float32) * jnp.sqrt(2.0 / EMB)
    book_embedding = jax.random.normal(k3, (NUM_BOOKS, EMB), dtype=jnp.float32) * jnp.sqrt(2.0 / EMB)
    user_bias_table = jax.random.normal(k4, (NUM_USERS, 1), dtype=jnp.float32) * 0.01
    book_bias_table = jax.random.normal(k5, (NUM_BOOKS, 1), dtype=jnp.float32) * 0.01
    return {
        "inputs": inputs,
        "user_embedding": user_embedding,
        "user_bias_table": user_bias_table,
        "book_embedding": book_embedding,
        "book_bias_table": book_bias_table,
    }


def reference(inputs, user_embedding, user_bias_table, book_embedding, book_bias_table):
    # Embedding lookups (gather)
    user_vector = jnp.take(user_embedding, inputs[:, 0], axis=0)   # [B, EMB]
    # Dropout is identity at inference (Keras call with training=False)
    user_bias = jnp.take(user_bias_table, inputs[:, 0], axis=0)    # [B, 1]
    book_vector = jnp.take(book_embedding, inputs[:, 1], axis=0)   # [B, EMB]
    book_bias = jnp.take(book_bias_table, inputs[:, 1], axis=0)    # [B, 1]
    # Faithful to original: tf.tensordot(user_vector, book_vector, 2) is a FULL
    # contraction over both axes, producing a scalar.
    dot_user_book = jnp.tensordot(user_vector, book_vector, axes=2)  # scalar
    x = dot_user_book + user_bias + book_bias                        # [B, 1] via broadcast
    return jax.nn.sigmoid(x)

if __name__ == "__main__":
    import jax
    _d = setup_inputs()
    print(jax.jit(kernel)(*tuple(_d.values())))

</pallas_src>

<mosaic_0001>
#map = affine_map<(d0, d1) -> (0, 0)>
#map1 = affine_map<(d0, d1) -> (0)>
module attributes {stable_mosaic.version = 14 : i64} {
  func.func @sc_k(%arg0: i32, %arg1: i32, %arg2: memref<128x128xi32, #tpu.memory_space<hbm>>, %arg3: memref<128x128xi32, #tpu.memory_space<hbm>>, %arg4: memref<100000x64xf32, #tpu.memory_space<hbm>>, %arg5: memref<100000x64xf32, #tpu.memory_space<hbm>>, %arg6: memref<100000xf32, #tpu.memory_space<hbm>>, %arg7: memref<100000xf32, #tpu.memory_space<hbm>>, %arg8: memref<32x128xf32, #tpu.memory_space<hbm>>, %arg9: memref<128x128xf32, #tpu.memory_space<hbm>>, %arg10: memref<128x128xf32, #tpu.memory_space<hbm>>, %arg11: memref<4x128xi32, #tpu.memory_space<vmem>>, %arg12: memref<4x128xi32, #tpu.memory_space<vmem>>, %arg13: memref<128x64xf32, #tpu.memory_space<vmem>>, %arg14: memref<128x64xf32, #tpu.memory_space<vmem>>, %arg15: memref<128x64xf32, #tpu.memory_space<vmem>>, %arg16: memref<128x64xf32, #tpu.memory_space<vmem>>, %arg17: memref<4x128xf32, #tpu.memory_space<vmem>>, %arg18: memref<4x128xf32, #tpu.memory_space<vmem>>, %arg19: memref<128xf32, #tpu.memory_space<vmem>>, %arg20: memref<!tpu.dma_semaphore, #tpu.memory_space<semaphore_mem>>, %arg21: memref<!tpu.dma_semaphore, #tpu.memory_space<semaphore_mem>>, %arg22: memref<!tpu.dma_semaphore, #tpu.memory_space<semaphore_mem>>, %arg23: memref<!tpu.dma_semaphore, #tpu.memory_space<semaphore_mem>>, %arg24: memref<!tpu.dma_semaphore, #tpu.memory_space<semaphore_mem>>) attributes {dimension_semantics = [#tpu.dimension_semantics<core_parallel>, #tpu.dimension_semantics<subcore_parallel>], iteration_bounds = array<i64: 2, 16>, scalar_prefetch = 0 : i64, scratch_operands = 14 : i64, tpu.core_type = #tpu.core_type<sc_vector_subcore>, window_params = [{transform_indices = #map}, {transform_indices = #map}, {transform_indices = #map}, {transform_indices = #map}, {transform_indices = #map1}, {transform_indices = #map1}, {transform_indices = #map}, {transform_indices = #map}, {transform_indices = #map}]} {
    %mul3A = arith.constant 2 : i32
    %mul3A_0 = arith.muli %arg1, %mul3A : i32
    %add3A = arith.addi %mul3A_0, %arg0 : i32
    %mul3A_1 = arith.constant 4 : i32
    %mul3A_2 = arith.muli %add3A, %mul3A_1 : i32
    "tpu.region"() ({
      %run_scoped3A = tpu.sem_alloc : memref<!tpu.dma_semaphore, #tpu.memory_space<semaphore_mem>>
      %dma_start3A_306 = arith.constant 0 : i32
      %dma_start3A_307 = tpu.memref_slice %arg2[%mul3A_2, %dma_start3A_306] : memref<128x128xi32, #tpu.memory_space<hbm>> -> memref<4x128xi32, #tpu.memory_space<hbm>>
      %dma_start3A_308 = arith.constant 0 : i32
      %dma_start3A_309 = tpu.memref_slice %arg2[%mul3A_2, %dma_start3A_308] : memref<128x128xi32, #tpu.memory_space<hbm>> -> memref<4x128xi32, #tpu.memory_space<hbm>>
      tpu.enqueue_dma source(%dma_start3A_309 : memref<4x128xi32, #tpu.memory_space<hbm>>) target(%arg11 : memref<4x128xi32, #tpu.memory_space<vmem>>) target_semaphore(%run_scoped3A : memref<!tpu.dma_semaphore, #tpu.memory_space<semaphore_mem>>)
      %dma_wait3A_310 = arith.constant 0 : i32
      %dma_wait3A_311 = tpu.memref_slice %arg2[%mul3A_2, %dma_wait3A_310] : memref<128x128xi32, #tpu.memory_space<hbm>> -> memref<4x128xi32, #tpu.memory_space<hbm>>
      %dma_wait3A_312 = arith.constant 0 : i32
      %dma_wait3A_313 = tpu.memref_slice %arg2[%mul3A_2, %dma_wait3A_312] : memref<128x128xi32, #tpu.memory_space<hbm>> -> memref<4x128xi32, #tpu.memory_space<hbm>>
      tpu.wait_dma2 semaphore(%run_scoped3A : memref<!tpu.dma_semaphore, #tpu.memory_space<semaphore_mem>>) src(%dma_wait3A_313 : memref<4x128xi32, #tpu.memory_space<hbm>>) dst(%arg11 : memref<4x128xi32, #tpu.memory_space<vmem>>)
      tpu.yield
    }) : () -> ()
    "tpu.region"() ({
      %run_scoped3A = tpu.sem_alloc : memref<!tpu.dma_semaphore, #tpu.memory_space<semaphore_mem>>
      %dma_start3A_306 = arith.constant 0 : i32
      %dma_start3A_307 = tpu.memref_slice %arg3[%mul3A_2, %dma_start3A_306] : memref<128x128xi32, #tpu.memory_space<hbm>> -> memref<4x128xi32, #tpu.memory_space<hbm>>
      %dma_start3A_308 = arith.constant 0 : i32
      %dma_start3A_309 = tpu.memref_slice %arg3[%mul3A_2, %dma_start3A_308] : memref<128x128xi32, #tpu.memory_space<hbm>> -> memref<4x128xi32, #tpu.memory_space<hbm>>
      tpu.enqueue_dma source(%dma_start3A_309 : memref<4x128xi32, #tpu.memory_space<hbm>>) target(%arg12 : memref<4x128xi32, #tpu.memory_space<vmem>>) target_semaphore(%run_scoped3A : memref<!tpu.dma_semaphore, #tpu.memory_space<semaphore_mem>>)
      %dma_wait3A_310 = arith.constant 0 : i32
      %dma_wait3A_311 = tpu.memref_slice %arg3[%mul3A_2, %dma_wait3A_310] : memref<128x128xi32, #tpu.memory_space<hbm>> -> memref<4x128xi32, #tpu.memory_space<hbm>>
      %dma_wait3A_312 = arith.constant 0 : i32
      %dma_wait3A_313 = tpu.memref_slice %arg3[%mul3A_2, %dma_wait3A_312] : memref<128x128xi32, #tpu.memory_space<hbm>> -> memref<4x128xi32, #tpu.memory_space<hbm>>
      tpu.wait_dma2 semaphore(%run_scoped3A : memref<!tpu.dma_semaphore, #tpu.memory_space<semaphore_mem>>) src(%dma_wait3A_313 : memref<4x128xi32, #tpu.memory_space<hbm>>) dst(%arg12 : memref<4x128xi32, #tpu.memory_space<vmem>>)
      tpu.yield
    }) : () -> ()
    %dma_start3A = arith.constant 0 : i32
    %dma_start3A_3 = arith.constant 0 : i32
    %dma_start3A_4 = arith.constant 0 : i32
    %dma_start3A_5 = tpu.memref_slice %arg17[%dma_start3A_3, %dma_start3A_4] : memref<4x128xf32, #tpu.memory_space<vmem>> -> memref<1x128xf32, #tpu.memory_space<vmem>>
    %dma_start3A_6 = tpu.memref_squeeze %dma_start3A_5 : memref<1x128xf32, #tpu.memory_space<vmem>> -> memref<128xf32, #tpu.memory_space<vmem>>
    %dma_start3A_7 = arith.constant 0 : i32
    %dma_start3A_8 = tpu.memref_slice %arg11[%dma_start3A, %dma_start3A_7] : memref<4x128xi32, #tpu.memory_space<vmem>> -> memref<1x128xi32, #tpu.memory_space<vmem>>
    %dma_start3A_9 = tpu.memref_squeeze %dma_start3A_8 : memref<1x128xi32, #tpu.memory_space<vmem>> -> memref<128xi32, #tpu.memory_space<vmem>>
    %dma_start3A_10 = arith.constant 0 : i32
    %dma_start3A_11 = tpu.memref_slice %arg6[%dma_start3A_10] : memref<100000xf32, #tpu.memory_space<hbm>> -> memref<100000xf32, #tpu.memory_space<hbm>>
    tpu.enqueue_indirect_dma source(%dma_start3A_11 : memref<100000xf32, #tpu.memory_space<hbm>>) target(%dma_start3A_6 : memref<128xf32, #tpu.memory_space<vmem>>) offsets(%dma_start3A_9 : memref<128xi32, #tpu.memory_space<vmem>>) semaphore(%arg24 : memref<!tpu.dma_semaphore, #tpu.memory_space<semaphore_mem>>)
    %dma_start3A_12 = arith.constant 0 : i32
    %dma_start3A_13 = arith.constant 0 : i32
    %dma_start3A_14 = arith.constant 0 : i32
    %dma_start3A_15 = tpu.memref_slice %arg18[%dma_start3A_13, %dma_start3A_14] : memref<4x128xf32, #tpu.memory_space<vmem>> -> memref<1x128xf32, #tpu.memory_space<vmem>>
    %dma_start3A_16 = tpu.memref_squeeze %dma_start3A_15 : memref<1x128xf32, #tpu.memory_space<vmem>> -> memref<128xf32, #tpu.memory_space<vmem>>
    %dma_start3A_17 = arith.constant 0 : i32
    %dma_start3A_18 = tpu.memref_slice %arg12[%dma_start3A_12, %dma_start3A_17] : memref<4x128xi32, #tpu.memory_space<vmem>> -> memref<1x128xi32, #tpu.memory_space<vmem>>
    %dma_start3A_19 = tpu.memref_squeeze %dma_start3A_18 : memref<1x128xi32, #tpu.memory_space<vmem>> -> memref<128xi32, #tpu.memory_space<vmem>>
    %dma_start3A_20 = arith.constant 0 : i32
    %dma_start3A_21 = tpu.memref_slice %arg7[%dma_start3A_20] : memref<100000xf32, #tpu.memory_space<hbm>> -> memref<100000xf32, #tpu.memory_space<hbm>>
    tpu.enqueue_indirect_dma source(%dma_start3A_21 : memref<100000xf32, #tpu.memory_space<hbm>>) target(%dma_start3A_16 : memref<128xf32, #tpu.memory_space<vmem>>) offsets(%dma_start3A_19 : memref<128xi32, #tpu.memory_space<vmem>>) semaphore(%arg24 : memref<!tpu.dma_semaphore, #tpu.memory_space<semaphore_mem>>)
    %dma_start3A_22 = arith.constant 1 : i32
    %dma_start3A_23 = arith.constant 1 : i32
    %dma_start3A_24 = arith.constant 0 : i32
    %dma_start3A_25 = tpu.memref_slice %arg17[%dma_start3A_23, %dma_start3A_24] : memref<4x128xf32, #tpu.memory_space<vmem>> -> memref<1x128xf32, #tpu.memory_space<vmem>>
    %dma_start3A_26 = tpu.memref_squeeze %dma_start3A_25 : memref<1x128xf32, #tpu.memory_space<vmem>> -> memref<128xf32, #tpu.memory_space<vmem>>
    %dma_start3A_27 = arith.constant 0 : i32
    %dma_start3A_28 = tpu.memref_slice %arg11[%dma_start3A_22, %dma_start3A_27] : memref<4x128xi32, #tpu.memory_space<vmem>> -> memref<1x128xi32, #tpu.memory_space<vmem>>
    %dma_start3A_29 = tpu.memref_squeeze %dma_start3A_28 : memref<1x128xi32, #tpu.memory_space<vmem>> -> memref<128xi32, #tpu.memory_space<vmem>>
    %dma_start3A_30 = arith.constant 0 : i32
    %dma_start3A_31 = tpu.memref_slice %arg6[%dma_start3A_30] : memref<100000xf32, #tpu.memory_space<hbm>> -> memref<100000xf32, #tpu.memory_space<hbm>>
    tpu.enqueue_indirect_dma source(%dma_start3A_31 : memref<100000xf32, #tpu.memory_space<hbm>>) target(%dma_start3A_26 : memref<128xf32, #tpu.memory_space<vmem>>) offsets(%dma_start3A_29 : memref<128xi32, #tpu.memory_space<vmem>>) semaphore(%arg24 : memref<!tpu.dma_semaphore, #tpu.memory_space<semaphore_mem>>)
    %dma_start3A_32 = arith.constant 1 : i32
    %dma_start3A_33 = arith.constant 1 : i32
    %dma_start3A_34 = arith.constant 0 : i32
    %dma_start3A_35 = tpu.memref_slice %arg18[%dma_start3A_33, %dma_start3A_34] : memref<4x128xf32, #tpu.memory_space<vmem>> -> memref<1x128xf32, #tpu.memory_space<vmem>>
    %dma_start3A_36 = tpu.memref_squeeze %dma_start3A_35 : memref<1x128xf32, #tpu.memory_space<vmem>> -> memref<128xf32, #tpu.memory_space<vmem>>
    %dma_start3A_37 = arith.constant 0 : i32
    %dma_start3A_38 = tpu.memref_slice %arg12[%dma_start3A_32, %dma_start3A_37] : memref<4x128xi32, #tpu.memory_space<vmem>> -> memref<1x128xi32, #tpu.memory_space<vmem>>
    %dma_start3A_39 = tpu.memref_squeeze %dma_start3A_38 : memref<1x128xi32, #tpu.memory_space<vmem>> -> memref<128xi32, #tpu.memory_space<vmem>>
    %dma_start3A_40 = arith.constant 0 : i32
    %dma_start3A_41 = tpu.memref_slice %arg7[%dma_start3A_40] : memref<100000xf32, #tpu.memory_space<hbm>> -> memref<100000xf32, #tpu.memory_space<hbm>>
    tpu.enqueue_indirect_dma source(%dma_start3A_41 : memref<100000xf32, #tpu.memory_space<hbm>>) target(%dma_start3A_36 : memref<128xf32, #tpu.memory_space<vmem>>) offsets(%dma_start3A_39 : memref<128xi32, #tpu.memory_space<vmem>>) semaphore(%arg24 : memref<!tpu.dma_semaphore, #tpu.memory_space<semaphore_mem>>)
    %dma_start3A_42 = arith.constant 2 : i32
    %dma_start3A_43 = arith.constant 2 : i32
    %dma_start3A_44 = arith.constant 0 : i32
    %dma_start3A_45 = tpu.memref_slice %arg17[%dma_start3A_43, %dma_start3A_44] : memref<4x128xf32, #tpu.memory_space<vmem>> -> memref<1x128xf32, #tpu.memory_space<vmem>>
    %dma_start3A_46 = tpu.memref_squeeze %dma_start3A_45 : memref<1x128xf32, #tpu.memory_space<vmem>> -> memref<128xf32, #tpu.memory_space<vmem>>
    %dma_start3A_47 = arith.constant 0 : i32
    %dma_start3A_48 = tpu.memref_slice %arg11[%dma_start3A_42, %dma_start3A_47] : memref<4x128xi32, #tpu.memory_space<vmem>> -> memref<1x128xi32, #tpu.memory_space<vmem>>
    %dma_start3A_49 = tpu.memref_squeeze %dma_start3A_48 : memref<1x128xi32, #tpu.memory_space<vmem>> -> memref<128xi32, #tpu.memory_space<vmem>>
    %dma_start3A_50 = arith.constant 0 : i32
    %dma_start3A_51 = tpu.memref_slice %arg6[%dma_start3A_50] : memref<100000xf32, #tpu.memory_space<hbm>> -> memref<100000xf32, #tpu.memory_space<hbm>>
    tpu.enqueue_indirect_dma source(%dma_start3A_51 : memref<100000xf32, #tpu.memory_space<hbm>>) target(%dma_start3A_46 : memref<128xf32, #tpu.memory_space<vmem>>) offsets(%dma_start3A_49 : memref<128xi32, #tpu.memory_space<vmem>>) semaphore(%arg24 : memref<!tpu.dma_semaphore, #tpu.memory_space<semaphore_mem>>)
    %dma_start3A_52 = arith.constant 2 : i32
    %dma_start3A_53 = arith.constant 2 : i32
    %dma_start3A_54 = arith.constant 0 : i32
    %dma_start3A_55 = tpu.memref_slice %arg18[%dma_start3A_53, %dma_start3A_54] : memref<4x128xf32, #tpu.memory_space<vmem>> -> memref<1x128xf32, #tpu.memory_space<vmem>>
    %dma_start3A_56 = tpu.memref_squeeze %dma_start3A_55 : memref<1x128xf32, #tpu.memory_space<vmem>> -> memref<128xf32, #tpu.memory_space<vmem>>
    %dma_start3A_57 = arith.constant 0 : i32
    %dma_start3A_58 = tpu.memref_slice %arg12[%dma_start3A_52, %dma_start3A_57] : memref<4x128xi32, #tpu.memory_space<vmem>> -> memref<1x128xi32, #tpu.memory_space<vmem>>
    %dma_start3A_59 = tpu.memref_squeeze %dma_start3A_58 : memref<1x128xi32, #tpu.memory_space<vmem>> -> memref<128xi32, #tpu.memory_space<vmem>>
    %dma_start3A_60 = arith.constant 0 : i32
    %dma_start3A_61 = tpu.memref_slice %arg7[%dma_start3A_60] : memref<100000xf32, #tpu.memory_space<hbm>> -> memref<100000xf32, #tpu.memory_space<hbm>>
    tpu.enqueue_indirect_dma source(%dma_start3A_61 : memref<100000xf32, #tpu.memory_space<hbm>>) target(%dma_start3A_56 : memref<128xf32, #tpu.memory_space<vmem>>) offsets(%dma_start3A_59 : memref<128xi32, #tpu.memory_space<vmem>>) semaphore(%arg24 : memref<!tpu.dma_semaphore, #tpu.memory_space<semaphore_mem>>)
    %dma_start3A_62 = arith.constant 3 : i32
    %dma_start3A_63 = arith.constant 3 : i32
    %dma_start3A_64 = arith.constant 0 : i32
    %dma_start3A_65 = tpu.memref_slice %arg17[%dma_start3A_63, %dma_start3A_64] : memref<4x128xf32, #tpu.memory_space<vmem>> -> memref<1x128xf32, #tpu.memory_space<vmem>>
    %dma_start3A_66 = tpu.memref_squeeze %dma_start3A_65 : memref<1x128xf32, #tpu.memory_space<vmem>> -> memref<128xf32, #tpu.memory_space<vmem>>
    %dma_start3A_67 = arith.constant 0 : i32
    %dma_start3A_68 = tpu.memref_slice %arg11[%dma_start3A_62, %dma_start3A_67] : memref<4x128xi32, #tpu.memory_space<vmem>> -> memref<1x128xi32, #tpu.memory_space<vmem>>
    %dma_start3A_69 = tpu.memref_squeeze %dma_start3A_68 : memref<1x128xi32, #tpu.memory_space<vmem>> -> memref<128xi32, #tpu.memory_space<vmem>>
    %dma_start3A_70 = arith.constant 0 : i32
    %dma_start3A_71 = tpu.memref_slice %arg6[%dma_start3A_70] : memref<100000xf32, #tpu.memory_space<hbm>> -> memref<100000xf32, #tpu.memory_space<hbm>>
    tpu.enqueue_indirect_dma source(%dma_start3A_71 : memref<100000xf32, #tpu.memory_space<hbm>>) target(%dma_start3A_66 : memref<128xf32, #tpu.memory_space<vmem>>) offsets(%dma_start3A_69 : memref<128xi32, #tpu.memory_space<vmem>>) semaphore(%arg24 : memref<!tpu.dma_semaphore, #tpu.memory_space<semaphore_mem>>)
    %dma_start3A_72 = arith.constant 3 : i32
    %dma_start3A_73 = arith.constant 3 : i32
    %dma_start3A_74 = arith.constant 0 : i32
    %dma_start3A_75 = tpu.memref_slice %arg18[%dma_start3A_73, %dma_start3A_74] : memref<4x128xf32, #tpu.memory_space<vmem>> -> memref<1x128xf32, #tpu.memory_space<vmem>>
    %dma_start3A_76 = tpu.memref_squeeze %dma_start3A_75 : memref<1x128xf32, #tpu.memory_space<vmem>> -> memref<128xf32, #tpu.memory_space<vmem>>
    %dma_start3A_77 = arith.constant 0 : i32
    %dma_start3A_78 = tpu.memref_slice %arg12[%dma_start3A_72, %dma_start3A_77] : memref<4x128xi32, #tpu.memory_space<vmem>> -> memref<1x128xi32, #tpu.memory_space<vmem>>
    %dma_start3A_79 = tpu.memref_squeeze %dma_start3A_78 : memref<1x128xi32, #tpu.memory_space<vmem>> -> memref<128xi32, #tpu.memory_space<vmem>>
    %dma_start3A_80 = arith.constant 0 : i32
    %dma_start3A_81 = tpu.memref_slice %arg7[%dma_start3A_80] : memref<100000xf32, #tpu.memory_space<hbm>> -> memref<100000xf32, #tpu.memory_space<hbm>>
    tpu.enqueue_indirect_dma source(%dma_start3A_81 : memref<100000xf32, #tpu.memory_space<hbm>>) target(%dma_start3A_76 : memref<128xf32, #tpu.memory_space<vmem>>) offsets(%dma_start3A_79 : memref<128xi32, #tpu.memory_space<vmem>>) semaphore(%arg24 : memref<!tpu.dma_semaphore, #tpu.memory_space<semaphore_mem>>)
    %scan3A = arith.constant 0 : i32
    %scan3A_82 = arith.constant 0 : i32
    %scan3A_83 = arith.constant 8 : i32
    %scan3A_84 = arith.addi %scan3A_82, %scan3A_83 : i32
    %scan3A_85 = arith.constant 1 : i32
    %scan3A_86 = scf.for %scan3A_306 = %scan3A_82 to %scan3A_84 step %scan3A_85 iter_args(%scan3A_307 = %scan3A) -> (i32)  : i32 {
      %mul3A_308 = arith.constant 16 : i32
      %mul3A_309 = arith.muli %scan3A_306, %mul3A_308 : i32
      %get3A = arith.constant 0 : i32
      %get3A_310 = arith.index_cast %get3A : i32 to index
      %get3A_311 = arith.index_cast %mul3A_309 : i32 to index
      %get3A_312 = tpu.vector_load %arg11[%get3A_310, %get3A_311] {strides = array<i32>} : memref<4x128xi32, #tpu.memory_space<vmem>>, vector<1x16xi32>,
      %get3A_313 = vector.shape_cast %get3A_312 : vector<1x16xi32> to vector<16xi32>
      %get3A_314 = arith.constant 0 : i32
      %get3A_315 = arith.index_cast %get3A_314 : i32 to index
      %get3A_316 = arith.index_cast %mul3A_309 : i32 to index
      %get3A_317 = tpu.vector_load %arg12[%get3A_315, %get3A_316] {strides = array<i32>} : memref<4x128xi32, #tpu.memory_space<vmem>>, vector<1x16xi32>,
      %get3A_318 = vector.shape_cast %get3A_317 : vector<1x16xi32> to vector<16xi32>
      %slice3A = vector.extract_strided_slice %get3A_313 {offsets = [0], sizes = [1], strides = [1]} : vector<16xi32> to vector<1xi32>
      %squeeze3A = vector.extract %slice3A[0] : i32 from vector<1xi32>
      %add3A_319 = arith.constant 0 : i32
      %add3A_320 = arith.addi %mul3A_309, %add3A_319 : i32
      %dma_start3A_321 = arith.constant 0 : i32
      %dma_start3A_322 = tpu.memref_slice %arg13[%add3A_320, %dma_start3A_321] : memref<128x64xf32, #tpu.memory_space<vmem>> -> memref<1x64xf32, #tpu.memory_space<vmem>>
      %dma_start3A_323 = tpu.memref_squeeze %dma_start3A_322 : memref<1x64xf32, #tpu.memory_space<vmem>> -> memref<64xf32, #tpu.memory_space<vmem>>
      %dma_start3A_324 = arith.constant 0 : i32
      %dma_start3A_325 = tpu.memref_slice %arg4[%squeeze3A, %dma_start3A_324] : memref<100000x64xf32, #tpu.memory_space<hbm>> -> memref<1x64xf32, #tpu.memory_space<hbm>>
      %dma_start3A_326 = tpu.memref_squeeze %dma_start3A_325 : memref<1x64xf32, #tpu.memory_space<hbm>> -> memref<64xf32, #tpu.memory_space<hbm>>
      %dma_start3A_327 = arith.constant 0 : i32
      %dma_start3A_328 = tpu.memref_slice %arg13[%add3A_320, %dma_start3A_327] : memref<128x64xf32, #tpu.memory_space<vmem>> -> memref<1x64xf32, #tpu.memory_space<vmem>>
      %dma_start3A_329 = tpu.memref_squeeze %dma_start3A_328 : memref<1x64xf32, #tpu.memory_space<vmem>> -> memref<64xf32, #tpu.memory_space<vmem>>
      %dma_start3A_330 = arith.constant 0 : i32
      %dma_start3A_331 = tpu.memref_slice %arg4[%squeeze3A, %dma_start3A_330] : memref<100000x64xf32, #tpu.memory_space<hbm>> -> memref<1x64xf32, #tpu.memory_space<hbm>>
      %dma_start3A_332 = tpu.memref_squeeze %dma_start3A_331 : memref<1x64xf32, #tpu.memory_space<hbm>> -> memref<64xf32, #tpu.memory_space<hbm>>
      tpu.enqueue_dma source(%dma_start3A_332 : memref<64xf32, #tpu.memory_space<hbm>>) target(%dma_start3A_329 : memref<64xf32, #tpu.memory_space<vmem>>) target_semaphore(%arg20 : memref<!tpu.dma_semaphore, #tpu.memory_space<semaphore_mem>>)
      %slice3A_333 = vector.extract_strided_slice %get3A_318 {offsets = [0], sizes = [1], strides = [1]} : vector<16xi32> to vector<1xi32>
      %squeeze3A_334 = vector.extract %slice3A_333[0] : i32 from vector<1xi32>
      %add3A_335 = arith.constant 0 : i32
      %add3A_336 = arith.addi %mul3A_309, %add3A_335 : i32
      %dma_start3A_337 = arith.constant 0 : i32
      %dma_start3A_338 = tpu.memref_slice %arg15[%add3A_336, %dma_start3A_337] : memref<128x64xf32, #tpu.memory_space<vmem>> -> memref<1x64xf32, #tpu.memory_space<vmem>>
      %dma_start3A_339 = tpu.memref_squeeze %dma_start3A_338 : memref<1x64xf32, #tpu.memory_space<vmem>> -> memref<64xf32, #tpu.memory_space<vmem>>
      %dma_start3A_340 = arith.constant 0 : i32
      %dma_start3A_341 = tpu.memref_slice %arg5[%squeeze3A_334, %dma_start3A_340] : memref<100000x64xf32, #tpu.memory_space<hbm>> -> memref<1x64xf32, #tpu.memory_space<hbm>>
      %dma_start3A_342 = tpu.memref_squeeze %dma_start3A_341 : memref<1x64xf32, #tpu.memory_space<hbm>> -> memref<64xf32, #tpu.memory_space<hbm>>
      %dma_start3A_343 = arith.constant 0 : i32
      %dma_start3A_344 = tpu.memref_slice %arg15[%add3A_336, %dma_start3A_343] : memref<128x64xf32, #tpu.memory_space<vmem>> -> memref<1x64xf32, #tpu.memory_space<vmem>>
      %dma_start3A_345 = tpu.memref_squeeze %dma_start3A_344 : memref<1x64xf32, #tpu.memory_space<vmem>> -> memref<64xf32, #tpu.memory_space<vmem>>
      %dma_start3A_346 = arith.constant 0 : i32
      %dma_start3A_347 = tpu.memref_slice %arg5[%squeeze3A_334, %dma_start3A_346] : memref<100000x64xf32, #tpu.memory_space<hbm>> -> memref<1x64xf32, #tpu.memory_space<hbm>>
      %dma_start3A_348 = tpu.memref_squeeze %dma_start3A_347 : memref<1x64xf32, #tpu.memory_space<hbm>> -> memref<64xf32, #tpu.memory_space<hbm>>
      tpu.enqueue_dma source(%dma_start3A_348 : memref<64xf32, #tpu.memory_space<hbm>>) target(%dma_start3A_345 : memref<64xf32, #tpu.memory_space<vmem>>) target_semaphore(%arg22 : memref<!tpu.dma_semaphore, #tpu.memory_space<semaphore_mem>>)
      %slice3A_349 = vector.extract_strided_slice %get3A_313 {offsets = [1], sizes = [1], strides = [1]} : vector<16xi32> to vector<1xi32>
      %squeeze3A_350 = vector.extract %slice3A_349[0] : i32 from vector<1xi32>
      %add3A_351 = arith.constant 1 : i32
      %add3A_352 = arith.addi %mul3A_309, %add3A_351 : i32
      %dma_start3A_353 = arith.constant 0 : i32
      %dma_start3A_354 = tpu.memref_slice %arg13[%add3A_352, %dma_start3A_353] : memref<128x64xf32, #tpu.memory_space<vmem>> -> memref<1x64xf32, #tpu.memory_space<vmem>>
      %dma_start3A_355 = tpu.memref_squeeze %dma_start3A_354 : memref<1x64xf32, #tpu.memory_space<vmem>> -> memref<64xf32, #tpu.memory_space<vmem>>
      %dma_start3A_356 = arith.constant 0 : i32
      %dma_start3A_357 = tpu.memref_slice %arg4[%squeeze3A_350, %dma_start3A_356] : memref<100000x64xf32, #tpu.memory_space<hbm>> -> memref<1x64xf32, #tpu.memory_space<hbm>>
      %dma_start3A_358 = tpu.memref_squeeze %dma_start3A_357 : memref<1x64xf32, #tpu.memory_space<hbm>> -> memref<64xf32, #tpu.memory_space<hbm>>
      %dma_start3A_359 = arith.constant 0 : i32
      %dma_start3A_360 = tpu.memref_slice %arg13[%add3A_352, %dma_start3A_359] : memref<128x64xf32, #tpu.memory_space<vmem>> -> memref<1x64xf32, #tpu.memory_space<vmem>>
      %dma_start3A_361 = tpu.memref_squeeze %dma_start3A_360 : memref<1x64xf32, #tpu.memory_space<vmem>> -> memref<64xf32, #tpu.memory_space<vmem>>
      %dma_start3A_362 = arith.constant 0 : i32
      %dma_start3A_363 = tpu.memref_slice %arg4[%squeeze3A_350, %dma_start3A_362] : memref<100000x64xf32, #tpu.memory_space<hbm>> -> memref<1x64xf32, #tpu.memory_space<hbm>>
      %dma_start3A_364 = tpu.memref_squeeze %dma_start3A_363 : memref<1x64xf32, #tpu.memory_space<hbm>> -> memref<64xf32, #tpu.memory_space<hbm>>
      tpu.enqueue_dma source(%dma_start3A_364 : memref<64xf32, #tpu.memory_space<hbm>>) target(%dma_start3A_361 : memref<64xf32, #tpu.memory_space<vmem>>) target_semaphore(%arg20 : memref<!tpu.dma_semaphore, #tpu.memory_space<semaphore_mem>>)
      %slice3A_365 = vector.extract_strided_slice %get3A_318 {offsets = [1], sizes = [1], strides = [1]} : vector<16xi32> to vector<1xi32>
      %squeeze3A_366 = vector.extract %slice3A_365[0] : i32 from vector<1xi32>
      %add3A_367 = arith.constant 1 : i32
      %add3A_368 = arith.addi %mul3A_309, %add3A_367 : i32
      %dma_start3A_369 = arith.constant 0 : i32
      %dma_start3A_370 = tpu.memref_slice %arg15[%add3A_368, %dma_start3A_369] : memref<128x64xf32, #tpu.memory_space<vmem>> -> memref<1x64xf32, #tpu.memory_space<vmem>>
      %dma_start3A_371 = tpu.memref_squeeze %dma_start3A_370 : memref<1x64xf32, #tpu.memory_space<vmem>> -> memref<64xf32, #tpu.memory_space<vmem>>
      %dma_start3A_372 = arith.constant 0 : i32
      %dma_start3A_373 = tpu.memref_slice %arg5[%squeeze3A_366, %dma_start3A_372] : memref<100000x64xf32, #tpu.memory_space<hbm>> -> memref<1x64xf32, #tpu.memory_space<hbm>>
      %dma_start3A_374 = tpu.memref_squeeze %dma_start3A_373 : memref<1x64xf32, #tpu.memory_space<hbm>> -> memref<64xf32, #tpu.memory_space<hbm>>
      %dma_start3A_375 = arith.constant 0 : i32
      %dma_start3A_376 = tpu.memref_slice %arg15[%add3A_368, %dma_start3A_375] : memref<128x64xf32, #tpu.memory_space<vmem>> -> memref<1x64xf32, #tpu.memory_space<vmem>>
      %dma_start3A_377 = tpu.memref_squeeze %dma_start3A_376 : memref<1x64xf32, #tpu.memory_space<vmem>> -> memref<64xf32, #tpu.memory_space<vmem>>
      %dma_start3A_378 = arith.constant 0 : i32
      %dma_start3A_379 = tpu.memref_slice %arg5[%squeeze3A_366, %dma_start3A_378] : memref<100000x64xf32, #tpu.memory_space<hbm>> -> memref<1x64xf32, #tpu.memory_space<hbm>>
      %dma_start3A_380 = tpu.memref_squeeze %dma_start3A_379 : memref<1x64xf32, #tpu.memory_space<hbm>> -> memref<64xf32, #tpu.memory_space<hbm>>
      tpu.enqueue_dma source(%dma_start3A_380 : memref<64xf32, #tpu.memory_space<hbm>>) target(%dma_start3A_377 : memref<64xf32, #tpu.memory_space<vmem>>) target_semaphore(%arg22 : memref<!tpu.dma_semaphore, #tpu.memory_space<semaphore_mem>>)
      %slice3A_381 = vector.extract_strided_slice %get3A_313 {offsets = [2], sizes = [1], strides = [1]} : vector<16xi32> to vector<1xi32>
      %squeeze3A_382 = vector.extract %slice3A_381[0] : i32 from vector<1xi32>
      %add3A_383 = arith.constant 2 : i32
      %add3A_384 = arith.addi %mul3A_309, %add3A_383 : i32
      %dma_start3A_385 = arith.constant 0 : i32
      %dma_start3A_386 = tpu.memref_slice %arg13[%add3A_384, %dma_start3A_385] : memref<128x64xf32, #tpu.memory_space<vmem>> -> memref<1x64xf32, #tpu.memory_space<vmem>>
      %dma_start3A_387 = tpu.memref_squeeze %dma_start3A_386 : memref<1x64xf32, #tpu.memory_space<vmem>> -> memref<64xf32, #tpu.memory_space<vmem>>
      %dma_start3A_388 = arith.constant 0 : i32
      %dma_start3A_389 = tpu.memref_slice %arg4[%squeeze3A_382, %dma_start3A_388] : memref<100000x64xf32, #tpu.memory_space<hbm>> -> memref<1x64xf32, #tpu.memory_space<hbm>>
      %dma_start3A_390 = tpu.memref_squeeze %dma_start3A_389 : memref<1x64xf32, #tpu.memory_space<hbm>> -> memref<64xf32, #tpu.memory_space<hbm>>
      %dma_start3A_391 = arith.constant 0 : i32
      %dma_start3A_392 = tpu.memref_slice %arg13[%add3A_384, %dma_start3A_391] : memref<128x64xf32, #tpu.memory_space<vmem>> -> memref<1x64xf32, #tpu.memory_space<vmem>>
      %dma_start3A_393 = tpu.memref_squeeze %dma_start3A_392 : memref<1x64xf32, #tpu.memory_space<vmem>> -> memref<64xf32, #tpu.memory_space<vmem>>
      %dma_start3A_394 = arith.constant 0 : i32
      %dma_start3A_395 = tpu.memref_slice %arg4[%squeeze3A_382, %dma_start3A_394] : memref<100000x64xf32, #tpu.memory_space<hbm>> -> memref<1x64xf32, #tpu.memory_space<hbm>>
      %dma_start3A_396 = tpu.memref_squeeze %dma_start3A_395 : memref<1x64xf32, #tpu.memory_space<hbm>> -> memref<64xf32, #tpu.memory_space<hbm>>
      tpu.enqueue_dma source(%dma_start3A_396 : memref<64xf32, #tpu.memory_space<hbm>>) target(%dma_start3A_393 : memref<64xf32, #tpu.memory_space<vmem>>) target_semaphore(%arg20 : memref<!tpu.dma_semaphore, #tpu.memory_space<semaphore_mem>>)
      %slice3A_397 = vector.extract_strided_slice %get3A_318 {offsets = [2], sizes = [1], strides = [1]} : vector<16xi32> to vector<1xi32>
      %squeeze3A_398 = vector.extract %slice3A_397[0] : i32 from vector<1xi32>
      %add3A_399 = arith.constant 2 : i32
      %add3A_400 = arith.addi %mul3A_309, %add3A_399 : i32
      %dma_start3A_401 = arith.constant 0 : i32
      %dma_start3A_402 = tpu.memref_slice %arg15[%add3A_400, %dma_start3A_401] : memref<128x64xf32, #tpu.memory_space<vmem>> -> memref<1x64xf32, #tpu.memory_space<vmem>>
      %dma_start3A_403 = tpu.memref_squeeze %dma_start3A_402 : memref<1x64xf32, #tpu.memory_space<vmem>> -> memref<64xf32, #tpu.memory_space<vmem>>
      %dma_start3A_404 = arith.constant 0 : i32
      %dma_start3A_405 = tpu.memref_slice %arg5[%squeeze3A_398, %dma_start3A_404] : memref<100000x64xf32, #tpu.memory_space<hbm>> -> memref<1x64xf32, #tpu.memory_space<hbm>>
      %dma_start3A_406 = tpu.memref_squeeze %dma_start3A_405 : memref<1x64xf32, #tpu.memory_space<hbm>> -> memref<64xf32, #tpu.memory_space<hbm>>
      %dma_start3A_407 = arith.constant 0 : i32
      %dma_start3A_408 = tpu.memref_slice %arg15[%add3A_400, %dma_start3A_407] : memref<128x64xf32, #tpu.memory_space<vmem>> -> memref<1x64xf32, #tpu.memory_space<vmem>>
      %dma_start3A_409 = tpu.memref_squeeze %dma_start3A_408 : memref<1x64xf32, #tpu.memory_space<vmem>> -> memref<64xf32, #tpu.memory_space<vmem>>
      %dma_start3A_410 = arith.constant 0 : i32
      %dma_start3A_411 = tpu.memref_slice %arg5[%squeeze3A_398, %dma_start3A_410] : memref<100000x64xf32, #tpu.memory_space<hbm>> -> memref<1x64xf32, #tpu.memory_space<hbm>>
      %dma_start3A_412 = tpu.memref_squeeze %dma_start3A_411 : memref<1x64xf32, #tpu.memory_space<hbm>> -> memref<64xf32, #tpu.memory_space<hbm>>
      tpu.enqueue_dma source(%dma_start3A_412 : memref<64xf32, #tpu.memory_space<hbm>>) target(%dma_start3A_409 : memref<64xf32, #tpu.memory_space<vmem>>) target_semaphore(%arg22 : memref<!tpu.dma_semaphore, #tpu.memory_space<semaphore_mem>>)
      %slice3A_413 = vector.extract_strided_slice %get3A_313 {offsets = [3], sizes = [1], strides = [1]} : vector<16xi32> to vector<1xi32>
      %squeeze3A_414 = vector.extract %slice3A_413[0] : i32 from vector<1xi32>
      %add3A_415 = arith.constant 3 : i32
      %add3A_416 = arith.addi %mul3A_309, %add3A_415 : i32
      %dma_start3A_417 = arith.constant 0 : i32
      %dma_start3A_418 = tpu.memref_slice %arg13[%add3A_416, %dma_start3A_417] : memref<128x64xf32, #tpu.memory_space<vmem>> -> memref<1x64xf32, #tpu.memory_space<vmem>>
      %dma_start3A_419 = tpu.memref_squeeze %dma_start3A_418 : memref<1x64xf32, #tpu.memory_space<vmem>> -> memref<64xf32, #tpu.memory_space<vmem>>
      %dma_start3A_420 = arith.constant 0 : i32
      %dma_start3A_421 = tpu.memref_slice %arg4[%squeeze3A_414, %dma_start3A_420] : memref<100000x64xf32, #tpu.memory_space<hbm>> -> memref<1x64xf32, #tpu.memory_space<hbm>>
      %dma_start3A_422 = tpu.memref_squeeze %dma_start3A_421 : memref<1x64xf32, #tpu.memory_space<hbm>> -> memref<64xf32, #tpu.memory_space<hbm>>
      %dma_start3A_423 = arith.constant 0 : i32
      %dma_start3A_424 = tpu.memref_slice %arg13[%add3A_416, %dma_start3A_423] : memref<128x64xf32, #tpu.memory_space<vmem>> -> memref<1x64xf32, #tpu.memory_space<vmem>>
      %dma_start3A_425 = tpu.memref_squeeze %dma_start3A_424 : memref<1x64xf32, #tpu.memory_space<vmem>> -> memref<64xf32, #tpu.memory_space<vmem>>
      %dma_start3A_426 = arith.constant 0 : i32
      %dma_start3A_427 = tpu.memref_slice %arg4[%squeeze3A_414, %dma_start3A_426] : memref<100000x64xf32, #tpu.memory_space<hbm>> -> memref<1x64xf32, #tpu.memory_space<hbm>>
      %dma_start3A_428 = tpu.memref_squeeze %dma_start3A_427 : memref<1x64xf32, #tpu.memory_space<hbm>> -> memref<64xf32, #tpu.memory_space<hbm>>
      tpu.enqueue_dma source(%dma_start3A_428 : memref<64xf32, #tpu.memory_space<hbm>>) target(%dma_start3A_425 : memref<64xf32, #tpu.memory_space<vmem>>) target_semaphore(%arg20 : memref<!tpu.dma_semaphore, #tpu.memory_space<semaphore_mem>>)
      %slice3A_429 = vector.extract_strided_slice %get3A_318 {offsets = [3], sizes = [1], strides = [1]} : vector<16xi32> to vector<1xi32>
      %squeeze3A_430 = vector.extract %slice3A_429[0] : i32 from vector<1xi32>
      %add3A_431 = arith.constant 3 : i32
      %add3A_432 = arith.addi %mul3A_309, %add3A_431 : i32
      %dma_start3A_433 = arith.constant 0 : i32
      %dma_start3A_434 = tpu.memref_slice %arg15[%add3A_432, %dma_start3A_433] : memref<128x64xf32, #tpu.memory_space<vmem>> -> memref<1x64xf32, #tpu.memory_space<vmem>>
      %dma_start3A_435 = tpu.memref_squeeze %dma_start3A_434 : memref<1x64xf32, #tpu.memory_space<vmem>> -> memref<64xf32, #tpu.memory_space<vmem>>
      %dma_start3A_436 = arith.constant 0 : i32
      %dma_start3A_437 = tpu.memref_slice %arg5[%squeeze3A_430, %dma_start3A_436] : memref<100000x64xf32, #tpu.memory_space<hbm>> -> memref<1x64xf32, #tpu.memory_space<hbm>>
      %dma_start3A_438 = tpu.memref_squeeze %dma_start3A_437 : memref<1x64xf32, #tpu.memory_space<hbm>> -> memref<64xf32, #tpu.memory_space<hbm>>
      %dma_start3A_439 = arith.constant 0 : i32
      %dma_start3A_440 = tpu.memref_slice %arg15[%add3A_432, %dma_start3A_439] : memref<128x64xf32, #tpu.memory_space<vmem>> -> memref<1x64xf32, #tpu.memory_space<vmem>>
      %dma_start3A_441 = tpu.memref_squeeze %dma_start3A_440 : memref<1x64xf32, #tpu.memory_space<vmem>> -> memref<64xf32, #tpu.memory_space<vmem>>
      %dma_start3A_442 = arith.constant 0 : i32
      %dma_start3A_443 = tpu.memref_slice %arg5[%squeeze3A_430, %dma_start3A_442] : memref<100000x64xf32, #tpu.memory_space<hbm>> -> memref<1x64xf32, #tpu.memory_space<hbm>>
      %dma_start3A_444 = tpu.memref_squeeze %dma_start3A_443 : memref<1x64xf32, #tpu.memory_space<hbm>> -> memref<64xf32, #tpu.memory_space<hbm>>
      tpu.enqueue_dma source(%dma_start3A_444 : memref<64xf32, #tpu.memory_space<hbm>>) target(%dma_start3A_441 : memref<64xf32, #tpu.memory_space<vmem>>) target_semaphore(%arg22 : memref<!tpu.dma_semaphore, #tpu.memory_space<semaphore_mem>>)
      %slice3A_445 = vector.extract_strided_slice %get3A_313 {offsets = [4], sizes = [1], strides = [1]} : vector<16xi32> to vector<1xi32>
      %squeeze3A_446 = vector.extract %slice3A_445[0] : i32 from vector<1xi32>
      %add3A_447 = arith.constant 4 : i32
      %add3A_448 = arith.addi %mul3A_309, %add3A_447 : i32
      %dma_start3A_449 = arith.constant 0 : i32
      %dma_start3A_450 = tpu.memref_slice %arg13[%add3A_448, %dma_start3A_449] : memref<128x64xf32, #tpu.memory_space<vmem>> -> memref<1x64xf32, #tpu.memory_space<vmem>>
      %dma_start3A_451 = tpu.memref_squeeze %dma_start3A_450 : memref<1x64xf32, #tpu.memory_space<vmem>> -> memref<64xf32, #tpu.memory_space<vmem>>
      %dma_start3A_452 = arith.constant 0 : i32
      %dma_start3A_453 = tpu.memref_slice %arg4[%squeeze3A_446, %dma_start3A_452] : memref<100000x64xf32, #tpu.memory_space<hbm>> -> memref<1x64xf32, #tpu.memory_space<hbm>>
      %dma_start3A_454 = tpu.memref_squeeze %dma_start3A_453 : memref<1x64xf32, #tpu.memory_space<hbm>> -> memref<64xf32, #tpu.memory_space<hbm>>
      %dma_start3A_455 = arith.constant 0 : i32
      %dma_start3A_456 = tpu.memref_slice %arg13[%add3A_448, %dma_start3A_455] : memref<128x64xf32, #tpu.memory_space<vmem>> -> memref<1x64xf32, #tpu.memory_space<vmem>>
      %dma_start3A_457 = tpu.memref_squeeze %dma_start3A_456 : memref<1x64xf32, #tpu.memory_space<vmem>> -> memref<64xf32, #tpu.memory_space<vmem>>
      %dma_start3A_458 = arith.constant 0 : i32
      %dma_start3A_459 = tpu.memref_slice %arg4[%squeeze3A_446, %dma_start3A_458] : memref<100000x64xf32, #tpu.memory_space<hbm>> -> memref<1x64xf32, #tpu.memory_space<hbm>>
      %dma_start3A_460 = tpu.memref_squeeze %dma_start3A_459 : memref<1x64xf32, #tpu.memory_space<hbm>> -> memref<64xf32, #tpu.memory_space<hbm>>
      tpu.enqueue_dma source(%dma_start3A_460 : memref<64xf32, #tpu.memory_space<hbm>>) target(%dma_start3A_457 : memref<64xf32, #tpu.memory_space<vmem>>) target_semaphore(%arg20 : memref<!tpu.dma_semaphore, #tpu.memory_space<semaphore_mem>>)
      %slice3A_461 = vector.extract_strided_slice %get3A_318 {offsets = [4], sizes = [1], strides = [1]} : vector<16xi32> to vector<1xi32>
      %squeeze3A_462 = vector.extract %slice3A_461[0] : i32 from vector<1xi32>
      %add3A_463 = arith.constant 4 : i32
      %add3A_464 = arith.addi %mul3A_309, %add3A_463 : i32
      %dma_start3A_465 = arith.constant 0 : i32
      %dma_start3A_466 = tpu.memref_slice %arg15[%add3A_464, %dma_start3A_465] : memref<128x64xf32, #tpu.memory_space<vmem>> -> memref<1x64xf32, #tpu.memory_space<vmem>>
      %dma_start3A_467 = tpu.memref_squeeze %dma_start3A_466 : memref<1x64xf32, #tpu.memory_space<vmem>> -> memref<64xf32, #tpu.memory_space<vmem>>
      %dma_start3A_468 = arith.constant 0 : i32
      %dma_start3A_469 = tpu.memref_slice %arg5[%squeeze3A_462, %dma_start3A_468] : memref<100000x64xf32, #tpu.memory_space<hbm>> -> memref<1x64xf32, #tpu.memory_space<hbm>>
      %dma_start3A_470 = tpu.memref_squeeze %dma_start3A_469 : memref<1x64xf32, #tpu.memory_space<hbm>> -> memref<64xf32, #tpu.memory_space<hbm>>
      %dma_start3A_471 = arith.constant 0 : i32
      %dma_start3A_472 = tpu.memref_slice %arg15[%add3A_464, %dma_start3A_471] : memref<128x64xf32, #tpu.memory_space<vmem>> -> memref<1x64xf32, #tpu.memory_space<vmem>>
      %dma_start3A_473 = tpu.memref_squeeze %dma_start3A_472 : memref<1x64xf32, #tpu.memory_space<vmem>> -> memref<64xf32, #tpu.memory_space<vmem>>
      %dma_start3A_474 = arith.constant 0 : i32
      %dma_start3A_475 = tpu.memref_slice %arg5[%squeeze3A_462, %dma_start3A_474] : memref<100000x64xf32, #tpu.memory_space<hbm>> -> memref<1x64xf32, #tpu.memory_space<hbm>>
      %dma_start3A_476 = tpu.memref_squeeze %dma_start3A_475 : memref<1x64xf32, #tpu.memory_space<hbm>> -> memref<64xf32, #tpu.memory_space<hbm>>
      tpu.enqueue_dma source(%dma_start3A_476 : memref<64xf32, #tpu.memory_space<hbm>>) target(%dma_start3A_473 : memref<64xf32, #tpu.memory_space<vmem>>) target_semaphore(%arg22 : memref<!tpu.dma_semaphore, #tpu.memory_space<semaphore_mem>>)
      %slice3A_477 = vector.extract_strided_slice %get3A_313 {offsets = [5], sizes = [1], strides = [1]} : vector<16xi32> to vector<1xi32>
      %squeeze3A_478 = vector.extract %slice3A_477[0] : i32 from vector<1xi32>
      %add3A_479 = arith.constant 5 : i32
      %add3A_480 = arith.addi %mul3A_309, %add3A_479 : i32
      %dma_start3A_481 = arith.constant 0 : i32
      %dma_start3A_482 = tpu.memref_slice %arg13[%add3A_480, %dma_start3A_481] : memref<128x64xf32, #tpu.memory_space<vmem>> -> memref<1x64xf32, #tpu.memory_space<vmem>>
      %dma_start3A_483 = tpu.memref_squeeze %dma_start3A_482 : memref<1x64xf32, #tpu.memory_space<vmem>> -> memref<64xf32, #tpu.memory_space<vmem>>
      %dma_start3A_484 = arith.constant 0 : i32
      %dma_start3A_485 = tpu.memref_slice %arg4[%squeeze3A_478, %dma_start3A_484] : memref<100000x64xf32, #tpu.memory_space<hbm>> -> memref<1x64xf32, #tpu.memory_space<hbm>>
      %dma_start3A_486 = tpu.memref_squeeze %dma_start3A_485 : memref<1x64xf32, #tpu.memory_space<hbm>> -> memref<64xf32, #tpu.memory_space<hbm>>
      %dma_start3A_487 = arith.constant 0 : i32
      %dma_start3A_488 = tpu.memref_slice %arg13[%add3A_480, %dma_start3A_487] : memref<128x64xf32, #tpu.memory_space<vmem>> -> memref<1x64xf32, #tpu.memory_space<vmem>>
      %dma_start3A_489 = tpu.memref_squeeze %dma_start3A_488 : memref<1x64xf32, #tpu.memory_space<vmem>> -> memref<64xf32, #tpu.memory_space<vmem>>
      %dma_start3A_490 = arith.constant 0 : i32
      %dma_start3A_491 = tpu.memref_slice %arg4[%squeeze3A_478, %dma_start3A_490] : memref<100000x64xf32, #tpu.memory_space<hbm>> -> memref<1x64xf32, #tpu.memory_space<hbm>>
      %dma_start3A_492 = tpu.memref_squeeze %dma_start3A_491 : memref<1x64xf32, #tpu.memory_space<hbm>> -> memref<64xf32, #tpu.memory_space<hbm>>
      tpu.enqueue_dma source(%dma_start3A_492 : memref<64xf32, #tpu.memory_space<hbm>>) target(%dma_start3A_489 : memref<64xf32, #tpu.memory_space<vmem>>) target_semaphore(%arg20 : memref<!tpu.dma_semaphore, #tpu.memory_space<semaphore_mem>>)
      %slice3A_493 = vector.extract_strided_slice %get3A_318 {offsets = [5], sizes = [1], strides = [1]} : vector<16xi32> to vector<1xi32>
      %squeeze3A_494 = vector.extract %slice3A_493[0] : i32 from vector<1xi32>
      %add3A_495 = arith.constant 5 : i32
      %add3A_496 = arith.addi %mul3A_309, %add3A_495 : i32
      %dma_start3A_497 = arith.constant 0 : i32
      %dma_start3A_498 = tpu.memref_slice %arg15[%add3A_496, %dma_start3A_497] : memref<128x64xf32, #tpu.memory_space<vmem>> -> memref<1x64xf32, #tpu.memory_space<vmem>>
      %dma_start3A_499 = tpu.memref_squeeze %dma_start3A_498 : memref<1x64xf32, #tpu.memory_space<vmem>> -> memref<64xf32, #tpu.memory_space<vmem>>
      %dma_start3A_500 = arith.constant 0 : i32
      %dma_start3A_501 = tpu.memref_slice %arg5[%squeeze3A_494, %dma_start3A_500] : memref<100000x64xf32, #tpu.memory_space<hbm>> -> memref<1x64xf32, #tpu.memory_space<hbm>>
      %dma_start3A_502 = tpu.memref_squeeze %dma_start3A_501 : memref<1x64xf32, #tpu.memory_space<hbm>> -> memref<64xf32, #tpu.memory_space<hbm>>
      %dma_start3A_503 = arith.constant 0 : i32
      %dma_start3A_504 = tpu.memref_slice %arg15[%add3A_496, %dma_start3A_503] : memref<128x64xf32, #tpu.memory_space<vmem>> -> memref<1x64xf32, #tpu.memory_space<vmem>>
      %dma_start3A_505 = tpu.memref_squeeze %dma_start3A_504 : memref<1x64xf32, #tpu.memory_space<vmem>> -> memref<64xf32, #tpu.memory_space<vmem>>
      %dma_start3A_506 = arith.constant 0 : i32
      %dma_start3A_507 = tpu.memref_slice %arg5[%squeeze3A_494, %dma_start3A_506] : memref<100000x64xf32, #tpu.memory_space<hbm>> -> memref<1x64xf32, #tpu.memory_space<hbm>>
      %dma_start3A_508 = tpu.memref_squeeze %dma_start3A_507 : memref<1x64xf32, #tpu.memory_space<hbm>> -> memref<64xf32, #tpu.memory_space<hbm>>
      tpu.enqueue_dma source(%dma_start3A_508 : memref<64xf32, #tpu.memory_space<hbm>>) target(%dma_start3A_505 : memref<64xf32, #tpu.memory_space<vmem>>) target_semaphore(%arg22 : memref<!tpu.dma_semaphore, #tpu.memory_space<semaphore_mem>>)
      %slice3A_509 = vector.extract_strided_slice %get3A_313 {offsets = [6], sizes = [1], strides = [1]} : vector<16xi32> to vector<1xi32>
      %squeeze3A_510 = vector.extract %slice3A_509[0] : i32 from vector<1xi32>
      %add3A_511 = arith.constant 6 : i32
      %add3A_512 = arith.addi %mul3A_309, %add3A_511 : i32
      %dma_start3A_513 = arith.constant 0 : i32
      %dma_start3A_514 = tpu.memref_slice %arg13[%add3A_512, %dma_start3A_513] : memref<128x64xf32, #tpu.memory_space<vmem>> -> memref<1x64xf32, #tpu.memory_space<vmem>>
      %dma_start3A_515 = tpu.memref_squeeze %dma_start3A_514 : memref<1x64xf32, #tpu.memory_space<vmem>> -> memref<64xf32, #tpu.memory_space<vmem>>
      %dma_start3A_516 = arith.constant 0 : i32
      %dma_start3A_517 = tpu.memref_slice %arg4[%squeeze3A_510, %dma_start3A_516] : memref<100000x64xf32, #tpu.memory_space<hbm>> -> memref<1x64xf32, #tpu.memory_space<hbm>>
      %dma_start3A_518 = tpu.memref_squeeze %dma_start3A_517 : memref<1x64xf32, #tpu.memory_space<hbm>> -> memref<64xf32, #tpu.memory_space<hbm>>
      %dma_start3A_519 = arith.constant 0 : i32
      %dma_start3A_520 = tpu.memref_slice %arg13[%add3A_512, %dma_start3A_519] : memref<128x64xf32, #tpu.memory_space<vmem>> -> memref<1x64xf32, #tpu.memory_space<vmem>>
      %dma_start3A_521 = tpu.memref_squeeze %dma_start3A_520 : memref<1x64xf32, #tpu.memory_space<vmem>> -> memref<64xf32, #tpu.memory_space<vmem>>
      %dma_start3A_522 = arith.constant 0 : i32
      %dma_start3A_523 = tpu.memref_slice %arg4[%squeeze3A_510, %dma_start3A_522] : memref<100000x64xf32, #tpu.memory_space<hbm>> -> memref<1x64xf32, #tpu.memory_space<hbm>>
      %dma_start3A_524 = tpu.memref_squeeze %dma_start3A_523 : memref<1x64xf32, #tpu.memory_space<hbm>> -> memref<64xf32, #tpu.memory_space<hbm>>
      tpu.enqueue_dma source(%dma_start3A_524 : memref<64xf32, #tpu.memory_space<hbm>>) target(%dma_start3A_521 : memref<64xf32, #tpu.memory_space<vmem>>) target_semaphore(%arg20 : memref<!tpu.dma_semaphore, #tpu.memory_space<semaphore_mem>>)
      %slice3A_525 = vector.extract_strided_slice %get3A_318 {offsets = [6], sizes = [1], strides = [1]} : vector<16xi32> to vector<1xi32>
      %squeeze3A_526 = vector.extract %slice3A_525[0] : i32 from vector<1xi32>
      %add3A_527 = arith.constant 6 : i32
      %add3A_528 = arith.addi %mul3A_309, %add3A_527 : i32
      %dma_start3A_529 = arith.constant 0 : i32
      %dma_start3A_530 = tpu.memref_slice %arg15[%add3A_528, %dma_start3A_529] : memref<128x64xf32, #tpu.memory_space<vmem>> -> memref<1x64xf32, #tpu.memory_space<vmem>>
      %dma_start3A_531 = tpu.memref_squeeze %dma_start3A_530 : memref<1x64xf32, #tpu.memory_space<vmem>> -> memref<64xf32, #tpu.memory_space<vmem>>
      %dma_start3A_532 = arith.constant 0 : i32
      %dma_start3A_533 = tpu.memref_slice %arg5[%squeeze3A_526, %dma_start3A_532] : memref<100000x64xf32, #tpu.memory_space<hbm>> -> memref<1x64xf32, #tpu.memory_space<hbm>>
      %dma_start3A_534 = tpu.memref_squeeze %dma_start3A_533 : memref<1x64xf32, #tpu.memory_space<hbm>> -> memref<64xf32, #tpu.memory_space<hbm>>
      %dma_start3A_535 = arith.constant 0 : i32
      %dma_start3A_536 = tpu.memref_slice %arg15[%add3A_528, %dma_start3A_535] : memref<128x64xf32, #tpu.memory_space<vmem>> -> memref<1x64xf32, #tpu.memory_space<vmem>>
      %dma_start3A_537 = tpu.memref_squeeze %dma_start3A_536 : memref<1x64xf32, #tpu.memory_space<vmem>> -> memref<64xf32, #tpu.memory_space<vmem>>
      %dma_start3A_538 = arith.constant 0 : i32
      %dma_start3A_539 = tpu.memref_slice %arg5[%squeeze3A_526, %dma_start3A_538] : memref<100000x64xf32, #tpu.memory_space<hbm>> -> memref<1x64xf32, #tpu.memory_space<hbm>>
      %dma_start3A_540 = tpu.memref_squeeze %dma_start3A_539 : memref<1x64xf32, #tpu.memory_space<hbm>> -> memref<64xf32, #tpu.memory_space<hbm>>
      tpu.enqueue_dma source(%dma_start3A_540 : memref<64xf32, #tpu.memory_space<hbm>>) target(%dma_start3A_537 : memref<64xf32, #tpu.memory_space<vmem>>) target_semaphore(%arg22 : memref<!tpu.dma_semaphore, #tpu.memory_space<semaphore_mem>>)
      %slice3A_541 = vector.extract_strided_slice %get3A_313 {offsets = [7], sizes = [1], strides = [1]} : vector<16xi32> to vector<1xi32>
      %squeeze3A_542 = vector.extract %slice3A_541[0] : i32 from vector<1xi32>
      %add3A_543 = arith.constant 7 : i32
      %add3A_544 = arith.addi %mul3A_309, %add3A_543 : i32
      %dma_start3A_545 = arith.constant 0 : i32
      %dma_start3A_546 = tpu.memref_slice %arg13[%add3A_544, %dma_start3A_545] : memref<128x64xf32, #tpu.memory_space<vmem>> -> memref<1x64xf32, #tpu.memory_space<vmem>>
      %dma_start3A_547 = tpu.memref_squeeze %dma_start3A_546 : memref<1x64xf32, #tpu.memory_space<vmem>> -> memref<64xf32, #tpu.memory_space<vmem>>
      %dma_start3A_548 = arith.constant 0 : i32
      %dma_start3A_549 = tpu.memref_slice %arg4[%squeeze3A_542, %dma_start3A_548] : memref<100000x64xf32, #tpu.memory_space<hbm>> -> memref<1x64xf32, #tpu.memory_space<hbm>>
      %dma_start3A_550 = tpu.memref_squeeze %dma_start3A_549 : memref<1x64xf32, #tpu.memory_space<hbm>> -> memref<64xf32, #tpu.memory_space<hbm>>
      %dma_start3A_551 = arith.constant 0 : i32
      %dma_start3A_552 = tpu.memref_slice %arg13[%add3A_544, %dma_start3A_551] : memref<128x64xf32, #tpu.memory_space<vmem>> -> memref<1x64xf32, #tpu.memory_space<vmem>>
      %dma_start3A_553 = tpu.memref_squeeze %dma_start3A_552 : memref<1x64xf32, #tpu.memory_space<vmem>> -> memref<64xf32, #tpu.memory_space<vmem>>
      %dma_start3A_554 = arith.constant 0 : i32
      %dma_start3A_555 = tpu.memref_slice %arg4[%squeeze3A_542, %dma_start3A_554] : memref<100000x64xf32, #tpu.memory_space<hbm>> -> memref<1x64xf32, #tpu.memory_space<hbm>>
      %dma_start3A_556 = tpu.memref_squeeze %dma_start3A_555 : memref<1x64xf32, #tpu.memory_space<hbm>> -> memref<64xf32, #tpu.memory_space<hbm>>
      tpu.enqueue_dma source(%dma_start3A_556 : memref<64xf32, #tpu.memory_space<hbm>>) target(%dma_start3A_553 : memref<64xf32, #tpu.memory_space<vmem>>) target_semaphore(%arg20 : memref<!tpu.dma_semaphore, #tpu.memory_space<semaphore_mem>>)
      %slice3A_557 = vector.extract_strided_slice %get3A_318 {offsets = [7], sizes = [1], strides = [1]} : vector<16xi32> to vector<1xi32>
      %squeeze3A_558 = vector.extract %slice3A_557[0] : i32 from vector<1xi32>
      %add3A_559 = arith.constant 7 : i32
      %add3A_560 = arith.addi %mul3A_309, %add3A_559 : i32
      %dma_start3A_561 = arith.constant 0 : i32
      %dma_start3A_562 = tpu.memref_slice %arg15[%add3A_560, %dma_start3A_561] : memref<128x64xf32, #tpu.memory_space<vmem>> -> memref<1x64xf32, #tpu.memory_space<vmem>>
      %dma_start3A_563 = tpu.memref_squeeze %dma_start3A_562 : memref<1x64xf32, #tpu.memory_space<vmem>> -> memref<64xf32, #tpu.memory_space<vmem>>
      %dma_start3A_564 = arith.constant 0 : i32
      %dma_start3A_565 = tpu.memref_slice %arg5[%squeeze3A_558, %dma_start3A_564] : memref<100000x64xf32, #tpu.memory_space<hbm>> -> memref<1x64xf32, #tpu.memory_space<hbm>>
      %dma_start3A_566 = tpu.memref_squeeze %dma_start3A_565 : memref<1x64xf32, #tpu.memory_space<hbm>> -> memref<64xf32, #tpu.memory_space<hbm>>
      %dma_start3A_567 = arith.constant 0 : i32
      %dma_start3A_568 = tpu.memref_slice %arg15[%add3A_560, %dma_start3A_567] : memref<128x64xf32, #tpu.memory_space<vmem>> -> memref<1x64xf32, #tpu.memory_space<vmem>>
      %dma_start3A_569 = tpu.memref_squeeze %dma_start3A_568 : memref<1x64xf32, #tpu.memory_space<vmem>> -> memref<64xf32, #tpu.memory_space<vmem>>
      %dma_start3A_570 = arith.constant 0 : i32
      %dma_start3A_571 = tpu.memref_slice %arg5[%squeeze3A_558, %dma_start3A_570] : memref<100000x64xf32, #tpu.memory_space<hbm>> -> memref<1x64xf32, #tpu.memory_space<hbm>>
      %dma_start3A_572 = tpu.memref_squeeze %dma_start3A_571 : memref<1x64xf32, #tpu.memory_space<hbm>> -> memref<64xf32, #tpu.memory_space<hbm>>
      tpu.enqueue_dma source(%dma_start3A_572 : memref<64xf32, #tpu.memory_space<hbm>>) target(%dma_start3A_569 : memref<64xf32, #tpu.memory_space<vmem>>) target_semaphore(%arg22 : memref<!tpu.dma_semaphore, #tpu.memory_space<semaphore_mem>>)
      %slice3A_573 = vector.extract_strided_slice %get3A_313 {offsets = [8], sizes = [1], strides = [1]} : vector<16xi32> to vector<1xi32>
      %squeeze3A_574 = vector.extract %slice3A_573[0] : i32 from vector<1xi32>
      %add3A_575 = arith.constant 8 : i32
      %add3A_576 = arith.addi %mul3A_309, %add3A_575 : i32
      %dma_start3A_577 = arith.constant 0 : i32
      %dma_start3A_578 = tpu.memref_slice %arg13[%add3A_576, %dma_start3A_577] : memref<128x64xf32, #tpu.memory_space<vmem>> -> memref<1x64xf32, #tpu.memory_space<vmem>>
      %dma_start3A_579 = tpu.memref_squeeze %dma_start3A_578 : memref<1x64xf32, #tpu.memory_space<vmem>> -> memref<64xf32, #tpu.memory_space<vmem>>
      %dma_start3A_580 = arith.constant 0 : i32
      %dma_start3A_581 = tpu.memref_slice %arg4[%squeeze3A_574, %dma_start3A_580] : memref<100000x64xf32, #tpu.memory_space<hbm>> -> memref<1x64xf32, #tpu.memory_space<hbm>>
      %dma_start3A_582 = tpu.memref_squeeze %dma_start3A_581 : memref<1x64xf32, #tpu.memory_space<hbm>> -> memref<64xf32, #tpu.memory_space<hbm>>
      %dma_start3A_583 = arith.constant 0 : i32
      %dma_start3A_584 = tpu.memref_slice %arg13[%add3A_576, %dma_start3A_583] : memref<128x64xf32, #tpu.memory_space<vmem>> -> memref<1x64xf32, #tpu.memory_space<vmem>>
      %dma_start3A_585 = tpu.memref_squeeze %dma_start3A_584 : memref<1x64xf32, #tpu.memory_space<vmem>> -> memref<64xf32, #tpu.memory_space<vmem>>
      %dma_start3A_586 = arith.constant 0 : i32
      %dma_start3A_587 = tpu.memref_slice %arg4[%squeeze3A_574, %dma_start3A_586] : memref<100000x64xf32, #tpu.memory_space<hbm>> -> memref<1x64xf32, #tpu.memory_space<hbm>>
      %dma_start3A_588 = tpu.memref_squeeze %dma_start3A_587 : memref<1x64xf32, #tpu.memory_space<hbm>> -> memref<64xf32, #tpu.memory_space<hbm>>
      tpu.enqueue_dma source(%dma_start3A_588 : memref<64xf32, #tpu.memory_space<hbm>>) target(%dma_start3A_585 : memref<64xf32, #tpu.memory_space<vmem>>) target_semaphore(%arg20 : memref<!tpu.dma_semaphore, #tpu.memory_space<semaphore_mem>>)
      %slice3A_589 = vector.extract_strided_slice %get3A_318 {offsets = [8], sizes = [1], strides = [1]} : vector<16xi32> to vector<1xi32>
      %squeeze3A_590 = vector.extract %slice3A_589[0] : i32 from vector<1xi32>
      %add3A_591 = arith.constant 8 : i32
      %add3A_592 = arith.addi %mul3A_309, %add3A_591 : i32
      %dma_start3A_593 = arith.constant 0 : i32
      %dma_start3A_594 = tpu.memref_slice %arg15[%add3A_592, %dma_start3A_593] : memref<128x64xf32, #tpu.memory_space<vmem>> -> memref<1x64xf32, #tpu.memory_space<vmem>>
      %dma_start3A_595 = tpu.memref_squeeze %dma_start3A_594 : memref<1x64xf32, #tpu.memory_space<vmem>> -> memref<64xf32, #tpu.memory_space<vmem>>
      %dma_start3A_596 = arith.constant 0 : i32
      %dma_start3A_597 = tpu.memref_slice %arg5[%squeeze3A_590, %dma_start3A_596] : memref<100000x64xf32, #tpu.memory_space<hbm>> -> memref<1x64xf32, #tpu.memory_space<hbm>>
      %dma_start3A_598 = tpu.memref_squeeze %dma_start3A_597 : memref<1x64xf32, #tpu.memory_space<hbm>> -> memref<64xf32, #tpu.memory_space<hbm>>
      %dma_start3A_599 = arith.constant 0 : i32
      %dma_start3A_600 = tpu.memref_slice %arg15[%add3A_592, %dma_start3A_599] : memref<128x64xf32, #tpu.memory_space<vmem>> -> memref<1x64xf32, #tpu.memory_space<vmem>>
      %dma_start3A_601 = tpu.memref_squeeze %dma_start3A_600 : memref<1x64xf32, #tpu.memory_space<vmem>> -> memref<64xf32, #tpu.memory_space<vmem>>
      %dma_start3A_602 = arith.constant 0 : i32
      %dma_start3A_603 = tpu.memref_slice %arg5[%squeeze3A_590, %dma_start3A_602] : memref<100000x64xf32, #tpu.memory_space<hbm>> -> memref<1x64xf32, #tpu.memory_space<hbm>>
      %dma_start3A_604 = tpu.memref_squeeze %dma_start3A_603 : memref<1x64xf32, #tpu.memory_space<hbm>> -> memref<64xf32, #tpu.memory_space<hbm>>
      tpu.enqueue_dma source(%dma_start3A_604 : memref<64xf32, #tpu.memory_space<hbm>>) target(%dma_start3A_601 : memref<64xf32, #tpu.memory_space<vmem>>) target_semaphore(%arg22 : memref<!tpu.dma_semaphore, #tpu.memory_space<semaphore_mem>>)
      %slice3A_605 = vector.extract_strided_slice %get3A_313 {offsets = [9], sizes = [1], strides = [1]} : vector<16xi32> to vector<1xi32>
      %squeeze3A_606 = vector.extract %slice3A_605[0] : i32 from vector<1xi32>
      %add3A_607 = arith.constant 9 : i32
      %add3A_608 = arith.addi %mul3A_309, %add3A_607 : i32
      %dma_start3A_609 = arith.constant 0 : i32
      %dma_start3A_610 = tpu.memref_slice %arg13[%add3A_608, %dma_start3A_609] : memref<128x64xf32, #tpu.memory_space<vmem>> -> memref<1x64xf32, #tpu.memory_space<vmem>>
      %dma_start3A_611 = tpu.memref_squeeze %dma_start3A_610 : memref<1x64xf32, #tpu.memory_space<vmem>> -> memref<64xf32, #tpu.memory_space<vmem>>
      %dma_start3A_612 = arith.constant 0 : i32
      %dma_start3A_613 = tpu.memref_slice %arg4[%squeeze3A_606, %dma_start3A_612] : memref<100000x64xf32, #tpu.memory_space<hbm>> -> memref<1x64xf32, #tpu.memory_space<hbm>>
      %dma_start3A_614 = tpu.memref_squeeze %dma_start3A_613 : memref<1x64xf32, #tpu.memory_space<hbm>> -> memref<64xf32, #tpu.memory_space<hbm>>
      %dma_start3A_615 = arith.constant 0 : i32
      %dma_start3A_616 = tpu.memref_slice %arg13[%add3A_608, %dma_start3A_615] : memref<128x64xf32, #tpu.memory_space<vmem>> -> memref<1x64xf32, #tpu.memory_space<vmem>>
      %dma_start3A_617 = tpu.memref_squeeze %dma_start3A_616 : memref<1x64xf32, #tpu.memory_space<vmem>> -> memref<64xf32, #tpu.memory_space<vmem>>
      %dma_start3A_618 = arith.constant 0 : i32
      %dma_start3A_619 = tpu.memref_slice %arg4[%squeeze3A_606, %dma_start3A_618] : memref<100000x64xf32, #tpu.memory_space<hbm>> -> memref<1x64xf32, #tpu.memory_space<hbm>>
      %dma_start3A_620 = tpu.memref_squeeze %dma_start3A_619 : memref<1x64xf32, #tpu.memory_space<hbm>> -> memref<64xf32, #tpu.memory_space<hbm>>
      tpu.enqueue_dma source(%dma_start3A_620 : memref<64xf32, #tpu.memory_space<hbm>>) target(%dma_start3A_617 : memref<64xf32, #tpu.memory_space<vmem>>) target_semaphore(%arg20 : memref<!tpu.dma_semaphore, #tpu.memory_space<semaphore_mem>>)
      %slice3A_621 = vector.extract_strided_slice %get3A_318 {offsets = [9], sizes = [1], strides = [1]} : vector<16xi32> to vector<1xi32>
      %squeeze3A_622 = vector.extract %slice3A_621[0] : i32 from vector<1xi32>
      %add3A_623 = arith.constant 9 : i32
      %add3A_624 = arith.addi %mul3A_309, %add3A_623 : i32
      %dma_start3A_625 = arith.constant 0 : i32
      %dma_start3A_626 = tpu.memref_slice %arg15[%add3A_624, %dma_start3A_625] : memref<128x64xf32, #tpu.memory_space<vmem>> -> memref<1x64xf32, #tpu.memory_space<vmem>>
      %dma_start3A_627 = tpu.memref_squeeze %dma_start3A_626 : memref<1x64xf32, #tpu.memory_space<vmem>> -> memref<64xf32, #tpu.memory_space<vmem>>
      %dma_start3A_628 = arith.constant 0 : i32
      %dma_start3A_629 = tpu.memref_slice %arg5[%squeeze3A_622, %dma_start3A_628] : memref<100000x64xf32, #tpu.memory_space<hbm>> -> memref<1x64xf32, #tpu.memory_space<hbm>>
      %dma_start3A_630 = tpu.memref_squeeze %dma_start3A_629 : memref<1x64xf32, #tpu.memory_space<hbm>> -> memref<64xf32, #tpu.memory_space<hbm>>
      %dma_start3A_631 = arith.constant 0 : i32
      %dma_start3A_632 = tpu.memref_slice %arg15[%add3A_624, %dma_start3A_631] : memref<128x64xf32, #tpu.memory_space<vmem>> -> memref<1x64xf32, #tpu.memory_space<vmem>>
      %dma_start3A_633 = tpu.memref_squeeze %dma_start3A_632 : memref<1x64xf32, #tpu.memory_space<vmem>> -> memref<64xf32, #tpu.memory_space<vmem>>
      %dma_start3A_634 = arith.constant 0 : i32
      %dma_start3A_635 = tpu.memref_slice %arg5[%squeeze3A_622, %dma_start3A_634] : memref<100000x64xf32, #tpu.memory_space<hbm>> -> memref<1x64xf32, #tpu.memory_space<hbm>>
      %dma_start3A_636 = tpu.memref_squeeze %dma_start3A_635 : memref<1x64xf32, #tpu.memory_space<hbm>> -> memref<64xf32, #tpu.memory_space<hbm>>
      tpu.enqueue_dma source(%dma_start3A_636 : memref<64xf32, #tpu.memory_space<hbm>>) target(%dma_start3A_633 : memref<64xf32, #tpu.memory_space<vmem>>) target_semaphore(%arg22 : memref<!tpu.dma_semaphore, #tpu.memory_space<semaphore_mem>>)
      %slice3A_637 = vector.extract_strided_slice %get3A_313 {offsets = [10], sizes = [1], strides = [1]} : vector<16xi32> to vector<1xi32>
      %squeeze3A_638 = vector.extract %slice3A_637[0] : i32 from vector<1xi32>
      %add3A_639 = arith.constant 10 : i32
      %add3A_640 = arith.addi %mul3A_309, %add3A_639 : i32
      %dma_start3A_641 = arith.constant 0 : i32
      %dma_start3A_642 = tpu.memref_slice %arg13[%add3A_640, %dma_start3A_641] : memref<128x64xf32, #tpu.memory_space<vmem>> -> memref<1x64xf32, #tpu.memory_space<vmem>>
      %dma_start3A_643 = tpu.memref_squeeze %dma_start3A_642 : memref<1x64xf32, #tpu.memory_space<vmem>> -> memref<64xf32, #tpu.memory_space<vmem>>
      %dma_start3A_644 = arith.constant 0 : i32
      %dma_start3A_645 = tpu.memref_slice %arg4[%squeeze3A_638, %dma_start3A_644] : memref<100000x64xf32, #tpu.memory_space<hbm>> -> memref<1x64xf32, #tpu.memory_space<hbm>>
      %dma_start3A_646 = tpu.memref_squeeze %dma_start3A_645 : memref<1x64xf32, #tpu.memory_space<hbm>> -> memref<64xf32, #tpu.memory_space<hbm>>
      %dma_start3A_647 = arith.constant 0 : i32
      %dma_start3A_648 = tpu.memref_slice %arg13[%add3A_640, %dma_start3A_647] : memref<128x64xf32, #tpu.memory_space<vmem>> -> memref<1x64xf32, #tpu.memory_space<vmem>>
      %dma_start3A_649 = tpu.memref_squeeze %dma_start3A_648 : memref<1x64xf32, #tpu.memory_space<vmem>> -> memref<64xf32, #tpu.memory_space<vmem>>
      %dma_start3A_650 = arith.constant 0 : i32
      %dma_start3A_651 = tpu.memref_slice %arg4[%squeeze3A_638, %dma_start3A_650] : memref<100000x64xf32, #tpu.memory_space<hbm>> -> memref<1x64xf32, #tpu.memory_space<hbm>>
      %dma_start3A_652 = tpu.memref_squeeze %dma_start3A_651 : memref<1x64xf32, #tpu.memory_space<hbm>> -> memref<64xf32, #tpu.memory_space<hbm>>
      tpu.enqueue_dma source(%dma_start3A_652 : memref<64xf32, #tpu.memory_space<hbm>>) target(%dma_start3A_649 : memref<64xf32, #tpu.memory_space<vmem>>) target_semaphore(%arg20 : memref<!tpu.dma_semaphore, #tpu.memory_space<semaphore_mem>>)
      %slice3A_653 = vector.extract_strided_slice %get3A_318 {offsets = [10], sizes = [1], strides = [1]} : vector<16xi32> to vector<1xi32>
      %squeeze3A_654 = vector.extract %slice3A_653[0] : i32 from vector<1xi32>
      %add3A_655 = arith.constant 10 : i32
      %add3A_656 = arith.addi %mul3A_309, %add3A_655 : i32
      %dma_start3A_657 = arith.constant 0 : i32
      %dma_start3A_658 = tpu.memref_slice %arg15[%add3A_656, %dma_start3A_657] : memref<128x64xf32, #tpu.memory_space<vmem>> -> memref<1x64xf32, #tpu.memory_space<vmem>>
      %dma_start3A_659 = tpu.memref_squeeze %dma_start3A_658 : memref<1x64xf32, #tpu.memory_space<vmem>> -> memref<64xf32, #tpu.memory_space<vmem>>
      %dma_start3A_660 = arith.constant 0 : i32
      %dma_start3A_661 = tpu.memref_slice %arg5[%squeeze3A_654, %dma_start3A_660] : memref<100000x64xf32, #tpu.memory_space<hbm>> -> memref<1x64xf32, #tpu.memory_space<hbm>>
      %dma_start3A_662 = tpu.memref_squeeze %dma_start3A_661 : memref<1x64xf32, #tpu.memory_space<hbm>> -> memref<64xf32, #tpu.memory_space<hbm>>
      %dma_start3A_663 = arith.constant 0 : i32
      %dma_start3A_664 = tpu.memref_slice %arg15[%add3A_656, %dma_start3A_663] : memref<128x64xf32, #tpu.memory_space<vmem>> -> memref<1x64xf32, #tpu.memory_space<vmem>>
      %dma_start3A_665 = tpu.memref_squeeze %dma_start3A_664 : memref<1x64xf32, #tpu.memory_space<vmem>> -> memref<64xf32, #tpu.memory_space<vmem>>
      %dma_start3A_666 = arith.constant 0 : i32
      %dma_start3A_667 = tpu.memref_slice %arg5[%squeeze3A_654, %dma_start3A_666] : memref<100000x64xf32, #tpu.memory_space<hbm>> -> memref<1x64xf32, #tpu.memory_space<hbm>>
      %dma_start3A_668 = tpu.memref_squeeze %dma_start3A_667 : memref<1x64xf32, #tpu.memory_space<hbm>> -> memref<64xf32, #tpu.memory_space<hbm>>
      tpu.enqueue_dma source(%dma_start3A_668 : memref<64xf32, #tpu.memory_space<hbm>>) target(%dma_start3A_665 : memref<64xf32, #tpu.memory_space<vmem>>) target_semaphore(%arg22 : memref<!tpu.dma_semaphore, #tpu.memory_space<semaphore_mem>>)
      %slice3A_669 = vector.extract_strided_slice %get3A_313 {offsets = [11], sizes = [1], strides = [1]} : vector<16xi32> to vector<1xi32>
      %squeeze3A_670 = vector.extract %slice3A_669[0] : i32 from vector<1xi32>
      %add3A_671 = arith.constant 11 : i32
      %add3A_672 = arith.addi %mul3A_309, %add3A_671 : i32
      %dma_start3A_673 = arith.constant 0 : i32
      %dma_start3A_674 = tpu.memref_slice %arg13[%add3A_672, %dma_start3A_673] : memref<128x64xf32, #tpu.memory_space<vmem>> -> memref<1x64xf32, #tpu.memory_space<vmem>>
      %dma_start3A_675 = tpu.memref_squeeze %dma_start3A_674 : memref<1x64xf32, #tpu.memory_space<vmem>> -> memref<64xf32, #tpu.memory_space<vmem>>
      %dma_start3A_676 = arith.constant 0 : i32
      %dma_start3A_677 = tpu.memref_slice %arg4[%squeeze3A_670, %dma_start3A_676] : memref<100000x64xf32, #tpu.memory_space<hbm>> -> memref<1x64xf32, #tpu.memory_space<hbm>>
      %dma_start3A_678 = tpu.memref_squeeze %dma_start3A_677 : memref<1x64xf32, #tpu.memory_space<hbm>> -> memref<64xf32, #tpu.memory_space<hbm>>
      %dma_start3A_679 = arith.constant 0 : i32
      %dma_start3A_680 = tpu.memref_slice %arg13[%add3A_672, %dma_start3A_679] : memref<128x64xf32, #tpu.memory_space<vmem>> -> memref<1x64xf32, #tpu.memory_space<vmem>>
      %dma_start3A_681 = tpu.memref_squeeze %dma_start3A_680 : memref<1x64xf32, #tpu.memory_space<vmem>> -> memref<64xf32, #tpu.memory_space<vmem>>
      %dma_start3A_682 = arith.constant 0 : i32
      %dma_start3A_683 = tpu.memref_slice %arg4[%squeeze3A_670, %dma_start3A_682] : memref<100000x64xf32, #tpu.memory_space<hbm>> -> memref<1x64xf32, #tpu.memory_space<hbm>>
      %dma_start3A_684 = tpu.memref_squeeze %dma_start3A_683 : memref<1x64xf32, #tpu.memory_space<hbm>> -> memref<64xf32, #tpu.memory_space<hbm>>
      tpu.enqueue_dma source(%dma_start3A_684 : memref<64xf32, #tpu.memory_space<hbm>>) target(%dma_start3A_681 : memref<64xf32, #tpu.memory_space<vmem>>) target_semaphore(%arg20 : memref<!tpu.dma_semaphore, #tpu.memory_space<semaphore_mem>>)
      %slice3A_685 = vector.extract_strided_slice %get3A_318 {offsets = [11], sizes = [1], strides = [1]} : vector<16xi32> to vector<1xi32>
      %squeeze3A_686 = vector.extract %slice3A_685[0] : i32 from vector<1xi32>
      %add3A_687 = arith.constant 11 : i32
      %add3A_688 = arith.addi %mul3A_309, %add3A_687 : i32
      %dma_start3A_689 = arith.constant 0 : i32
      %dma_start3A_690 = tpu.memref_slice %arg15[%add3A_688, %dma_start3A_689] : memref<128x64xf32, #tpu.memory_space<vmem>> -> memref<1x64xf32, #tpu.memory_space<vmem>>
      %dma_start3A_691 = tpu.memref_squeeze %dma_start3A_690 : memref<1x64xf32, #tpu.memory_space<vmem>> -> memref<64xf32, #tpu.memory_space<vmem>>
      %dma_start3A_692 = arith.constant 0 : i32
      %dma_start3A_693 = tpu.memref_slice %arg5[%squeeze3A_686, %dma_start3A_692] : memref<100000x64xf32, #tpu.memory_space<hbm>> -> memref<1x64xf32, #tpu.memory_space<hbm>>
      %dma_start3A_694 = tpu.memref_squeeze %dma_start3A_693 : memref<1x64xf32, #tpu.memory_space<hbm>> -> memref<64xf32, #tpu.memory_space<hbm>>
      %dma_start3A_695 = arith.constant 0 : i32
      %dma_start3A_696 = tpu.memref_slice %arg15[%add3A_688, %dma_start3A_695] : memref<128x64xf32, #tpu.memory_space<vmem>> -> memref<1x64xf32, #tpu.memory_space<vmem>>
      %dma_start3A_697 = tpu.memref_squeeze %dma_start3A_696 : memref<1x64xf32, #tpu.memory_space<vmem>> -> memref<64xf32, #tpu.memory_space<vmem>>
      %dma_start3A_698 = arith.constant 0 : i32
      %dma_start3A_699 = tpu.memref_slice %arg5[%squeeze3A_686, %dma_start3A_698] : memref<100000x64xf32, #tpu.memory_space<hbm>> -> memref<1x64xf32, #tpu.memory_space<hbm>>
      %dma_start3A_700 = tpu.memref_squeeze %dma_start3A_699 : memref<1x64xf32, #tpu.memory_space<hbm>> -> memref<64xf32, #tpu.memory_space<hbm>>
      tpu.enqueue_dma source(%dma_start3A_700 : memref<64xf32, #tpu.memory_space<hbm>>) target(%dma_start3A_697 : memref<64xf32, #tpu.memory_space<vmem>>) target_semaphore(%arg22 : memref<!tpu.dma_semaphore, #tpu.memory_space<semaphore_mem>>)
      %slice3A_701 = vector.extract_strided_slice %get3A_313 {offsets = [12], sizes = [1], strides = [1]} : vector<16xi32> to vector<1xi32>
      %squeeze3A_702 = vector.extract %slice3A_701[0] : i32 from vector<1xi32>
      %add3A_703 = arith.constant 12 : i32
      %add3A_704 = arith.addi %mul3A_309, %add3A_703 : i32
      %dma_start3A_705 = arith.constant 0 : i32
      %dma_start3A_706 = tpu.memref_slice %arg13[%add3A_704, %dma_start3A_705] : memref<128x64xf32, #tpu.memory_space<vmem>> -> memref<1x64xf32, #tpu.memory_space<vmem>>
      %dma_start3A_707 = tpu.memref_squeeze %dma_start3A_706 : memref<1x64xf32, #tpu.memory_space<vmem>> -> memref<64xf32, #tpu.memory_space<vmem>>
      %dma_start3A_708 = arith.constant 0 : i32
      %dma_start3A_709 = tpu.memref_slice %arg4[%squeeze3A_702, %dma_start3A_708] : memref<100000x64xf32, #tpu.memory_space<hbm>> -> memref<1x64xf32, #tpu.memory_space<hbm>>
      %dma_start3A_710 = tpu.memref_squeeze %dma_start3A_709 : memref<1x64xf32, #tpu.memory_space<hbm>> -> memref<64xf32, #tpu.memory_space<hbm>>
      %dma_start3A_711 = arith.constant 0 : i32
      %dma_start3A_712 = tpu.memref_slice %arg13[%add3A_704, %dma_start3A_711] : memref<128x64xf32, #tpu.memory_space<vmem>> -> memref<1x64xf32, #tpu.memory_space<vmem>>
      %dma_start3A_713 = tpu.memref_squeeze %dma_start3A_712 : memref<1x64xf32, #tpu.memory_space<vmem>> -> memref<64xf32, #tpu.memory_space<vmem>>
      %dma_start3A_714 = arith.constant 0 : i32
      %dma_start3A_715 = tpu.memref_slice %arg4[%squeeze3A_702, %dma_start3A_714] : memref<100000x64xf32, #tpu.memory_space<hbm>> -> memref<1x64xf32, #tpu.memory_space<hbm>>
      %dma_start3A_716 = tpu.memref_squeeze %dma_start3A_715 : memref<1x64xf32, #tpu.memory_space<hbm>> -> memref<64xf32, #tpu.memory_space<hbm>>
      tpu.enqueue_dma source(%dma_start3A_716 : memref<64xf32, #tpu.memory_space<hbm>>) target(%dma_start3A_713 : memref<64xf32, #tpu.memory_space<vmem>>) target_semaphore(%arg20 : memref<!tpu.dma_semaphore, #tpu.memory_space<semaphore_mem>>)
      %slice3A_717 = vector.extract_strided_slice %get3A_318 {offsets = [12], sizes = [1], strides = [1]} : vector<16xi32> to vector<1xi32>
      %squeeze3A_718 = vector.extract %slice3A_717[0] : i32 from vector<1xi32>
      %add3A_719 = arith.constant 12 : i32
      %add3A_720 = arith.addi %mul3A_309, %add3A_719 : i32
      %dma_start3A_721 = arith.constant 0 : i32
      %dma_start3A_722 = tpu.memref_slice %arg15[%add3A_720, %dma_start3A_721] : memref<128x64xf32, #tpu.memory_space<vmem>> -> memref<1x64xf32, #tpu.memory_space<vmem>>
      %dma_start3A_723 = tpu.memref_squeeze %dma_start3A_722 : memref<1x64xf32, #tpu.memory_space<vmem>> -> memref<64xf32, #tpu.memory_space<vmem>>
      %dma_start3A_724 = arith.constant 0 : i32
      %dma_start3A_725 = tpu.memref_slice %arg5[%squeeze3A_718, %dma_start3A_724] : memref<100000x64xf32, #tpu.memory_space<hbm>> -> memref<1x64xf32, #tpu.memory_space<hbm>>
      %dma_start3A_726 = tpu.memref_squeeze %dma_start3A_725 : memref<1x64xf32, #tpu.memory_space<hbm>> -> memref<64xf32, #tpu.memory_space<hbm>>
      %dma_start3A_727 = arith.constant 0 : i32
      %dma_start3A_728 = tpu.memref_slice %arg15[%add3A_720, %dma_start3A_727] : memref<128x64xf32, #tpu.memory_space<vmem>> -> memref<1x64xf32, #tpu.memory_space<vmem>>
      %dma_start3A_729 = tpu.memref_squeeze %dma_start3A_728 : memref<1x64xf32, #tpu.memory_space<vmem>> -> memref<64xf32, #tpu.memory_space<vmem>>
      %dma_start3A_730 = arith.constant 0 : i32
      %dma_start3A_731 = tpu.memref_slice %arg5[%squeeze3A_718, %dma_start3A_730] : memref<100000x64xf32, #tpu.memory_space<hbm>> -> memref<1x64xf32, #tpu.memory_space<hbm>>
      %dma_start3A_732 = tpu.memref_squeeze %dma_start3A_731 : memref<1x64xf32, #tpu.memory_space<hbm>> -> memref<64xf32, #tpu.memory_space<hbm>>
      tpu.enqueue_dma source(%dma_start3A_732 : memref<64xf32, #tpu.memory_space<hbm>>) target(%dma_start3A_729 : memref<64xf32, #tpu.memory_space<vmem>>) target_semaphore(%arg22 : memref<!tpu.dma_semaphore, #tpu.memory_space<semaphore_mem>>)
      %slice3A_733 = vector.extract_strided_slice %get3A_313 {offsets = [13], sizes = [1], strides = [1]} : vector<16xi32> to vector<1xi32>
      %squeeze3A_734 = vector.extract %slice3A_733[0] : i32 from vector<1xi32>
      %add3A_735 = arith.constant 13 : i32
      %add3A_736 = arith.addi %mul3A_309, %add3A_735 : i32
      %dma_start3A_737 = arith.constant 0 : i32
      %dma_start3A_738 = tpu.memref_slice %arg13[%add3A_736, %dma_start3A_737] : memref<128x64xf32, #tpu.memory_space<vmem>> -> memref<1x64xf32, #tpu.memory_space<vmem>>
      %dma_start3A_739 = tpu.memref_squeeze %dma_start3A_738 : memref<1x64xf32, #tpu.memory_space<vmem>> -> memref<64xf32, #tpu.memory_space<vmem>>
      %dma_start3A_740 = arith.constant 0 : i32
      %dma_start3A_741 = tpu.memref_slice %arg4[%squeeze3A_734, %dma_start3A_740] : memref<100000x64xf32, #tpu.memory_space<hbm>> -> memref<1x64xf32, #tpu.memory_space<hbm>>
      %dma_start3A_742 = tpu.memref_squeeze %dma_start3A_741 : memref<1x64xf32, #tpu.memory_space<hbm>> -> memref<64xf32, #tpu.memory_space<hbm>>
      %dma_start3A_743 = arith.constant 0 : i32
      %dma_start3A_744 = tpu.memref_slice %arg13[%add3A_736, %dma_start3A_743] : memref<128x64xf32, #tpu.memory_space<vmem>> -> memref<1x64xf32, #tpu.memory_space<vmem>>
      %dma_start3A_745 = tpu.memref_squeeze %dma_start3A_744 : memref<1x64xf32, #tpu.memory_space<vmem>> -> memref<64xf32, #tpu.memory_space<vmem>>
      %dma_start3A_746 = arith.constant 0 : i32
      %dma_start3A_747 = tpu.memref_slice %arg4[%squeeze3A_734, %dma_start3A_746] : memref<100000x64xf32, #tpu.memory_space<hbm>> -> memref<1x64xf32, #tpu.memory_space<hbm>>
      %dma_start3A_748 = tpu.memref_squeeze %dma_start3A_747 : memref<1x64xf32, #tpu.memory_space<hbm>> -> memref<64xf32, #tpu.memory_space<hbm>>
      tpu.enqueue_dma source(%dma_start3A_748 : memref<64xf32, #tpu.memory_space<hbm>>) target(%dma_start3A_745 : memref<64xf32, #tpu.memory_space<vmem>>) target_semaphore(%arg20 : memref<!tpu.dma_semaphore, #tpu.memory_space<semaphore_mem>>)
      %slice3A_749 = vector.extract_strided_slice %get3A_318 {offsets = [13], sizes = [1], strides = [1]} : vector<16xi32> to vector<1xi32>
      %squeeze3A_750 = vector.extract %slice3A_749[0] : i32 from vector<1xi32>
      %add3A_751 = arith.constant 13 : i32
      %add3A_752 = arith.addi %mul3A_309, %add3A_751 : i32
      %dma_start3A_753 = arith.constant 0 : i32
      %dma_start3A_754 = tpu.memref_slice %arg15[%add3A_752, %dma_start3A_753] : memref<128x64xf32, #tpu.memory_space<vmem>> -> memref<1x64xf32, #tpu.memory_space<vmem>>
      %dma_start3A_755 = tpu.memref_squeeze %dma_start3A_754 : memref<1x64xf32, #tpu.memory_space<vmem>> -> memref<64xf32, #tpu.memory_space<vmem>>
      %dma_start3A_756 = arith.constant 0 : i32
      %dma_start3A_757 = tpu.memref_slice %arg5[%squeeze3A_750, %dma_start3A_756] : memref<100000x64xf32, #tpu.memory_space<hbm>> -> memref<1x64xf32, #tpu.memory_space<hbm>>
      %dma_start3A_758 = tpu.memref_squeeze %dma_start3A_757 : memref<1x64xf32, #tpu.memory_space<hbm>> -> memref<64xf32, #tpu.memory_space<hbm>>
      %dma_start3A_759 = arith.constant 0 : i32
      %dma_start3A_760 = tpu.memref_slice %arg15[%add3A_752, %dma_start3A_759] : memref<128x64xf32, #tpu.memory_space<vmem>> -> memref<1x64xf32, #tpu.memory_space<vmem>>
      %dma_start3A_761 = tpu.memref_squeeze %dma_start3A_760 : memref<1x64xf32, #tpu.memory_space<vmem>> -> memref<64xf32, #tpu.memory_space<vmem>>
      %dma_start3A_762 = arith.constant 0 : i32
      %dma_start3A_763 = tpu.memref_slice %arg5[%squeeze3A_750, %dma_start3A_762] : memref<100000x64xf32, #tpu.memory_space<hbm>> -> memref<1x64xf32, #tpu.memory_space<hbm>>
      %dma_start3A_764 = tpu.memref_squeeze %dma_start3A_763 : memref<1x64xf32, #tpu.memory_space<hbm>> -> memref<64xf32, #tpu.memory_space<hbm>>
      tpu.enqueue_dma source(%dma_start3A_764 : memref<64xf32, #tpu.memory_space<hbm>>) target(%dma_start3A_761 : memref<64xf32, #tpu.memory_space<vmem>>) target_semaphore(%arg22 : memref<!tpu.dma_semaphore, #tpu.memory_space<semaphore_mem>>)
      %slice3A_765 = vector.extract_strided_slice %get3A_313 {offsets = [14], sizes = [1], strides = [1]} : vector<16xi32> to vector<1xi32>
      %squeeze3A_766 = vector.extract %slice3A_765[0] : i32 from vector<1xi32>
      %add3A_767 = arith.constant 14 : i32
      %add3A_768 = arith.addi %mul3A_309, %add3A_767 : i32
      %dma_start3A_769 = arith.constant 0 : i32
      %dma_start3A_770 = tpu.memref_slice %arg13[%add3A_768, %dma_start3A_769] : memref<128x64xf32, #tpu.memory_space<vmem>> -> memref<1x64xf32, #tpu.memory_space<vmem>>
      %dma_start3A_771 = tpu.memref_squeeze %dma_start3A_770 : memref<1x64xf32, #tpu.memory_space<vmem>> -> memref<64xf32, #tpu.memory_space<vmem>>
      %dma_start3A_772 = arith.constant 0 : i32
      %dma_start3A_773 = tpu.memref_slice %arg4[%squeeze3A_766, %dma_start3A_772] : memref<100000x64xf32, #tpu.memory_space<hbm>> -> memref<1x64xf32, #tpu.memory_space<hbm>>
      %dma_start3A_774 = tpu.memref_squeeze %dma_start3A_773 : memref<1x64xf32, #tpu.memory_space<hbm>> -> memref<64xf32, #tpu.memory_space<hbm>>
      %dma_start3A_775 = arith.constant 0 : i32
      %dma_start3A_776 = tpu.memref_slice %arg13[%add3A_768, %dma_start3A_775] : memref<128x64xf32, #tpu.memory_space<vmem>> -> memref<1x64xf32, #tpu.memory_space<vmem>>
      %dma_start3A_777 = tpu.memref_squeeze %dma_start3A_776 : memref<1x64xf32, #tpu.memory_space<vmem>> -> memref<64xf32, #tpu.memory_space<vmem>>
      %dma_start3A_778 = arith.constant 0 : i32
      %dma_start3A_779 = tpu.memref_slice %arg4[%squeeze3A_766, %dma_start3A_778] : memref<100000x64xf32, #tpu.memory_space<hbm>> -> memref<1x64xf32, #tpu.memory_space<hbm>>
      %dma_start3A_780 = tpu.memref_squeeze %dma_start3A_779 : memref<1x64xf32, #tpu.memory_space<hbm>> -> memref<64xf32, #tpu.memory_space<hbm>>
      tpu.enqueue_dma source(%dma_start3A_780 : memref<64xf32, #tpu.memory_space<hbm>>) target(%dma_start3A_777 : memref<64xf32, #tpu.memory_space<vmem>>) target_semaphore(%arg20 : memref<!tpu.dma_semaphore, #tpu.memory_space<semaphore_mem>>)
      %slice3A_781 = vector.extract_strided_slice %get3A_318 {offsets = [14], sizes = [1], strides = [1]} : vector<16xi32> to vector<1xi32>
      %squeeze3A_782 = vector.extract %slice3A_781[0] : i32 from vector<1xi32>
      %add3A_783 = arith.constant 14 : i32
      %add3A_784 = arith.addi %mul3A_309, %add3A_783 : i32
      %dma_start3A_785 = arith.constant 0 : i32
      %dma_start3A_786 = tpu.memref_slice %arg15[%add3A_784, %dma_start3A_785] : memref<128x64xf32, #tpu.memory_space<vmem>> -> memref<1x64xf32, #tpu.memory_space<vmem>>
      %dma_start3A_787 = tpu.memref_squeeze %dma_start3A_786 : memref<1x64xf32, #tpu.memory_space<vmem>> -> memref<64xf32, #tpu.memory_space<vmem>>
      %dma_start3A_788 = arith.constant 0 : i32
      %dma_start3A_789 = tpu.memref_slice %arg5[%squeeze3A_782, %dma_start3A_788] : memref<100000x64xf32, #tpu.memory_space<hbm>> -> memref<1x64xf32, #tpu.memory_space<hbm>>
      %dma_start3A_790 = tpu.memref_squeeze %dma_start3A_789 : memref<1x64xf32, #tpu.memory_space<hbm>> -> memref<64xf32, #tpu.memory_space<hbm>>
      %dma_start3A_791 = arith.constant 0 : i32
      %dma_start3A_792 = tpu.memref_slice %arg15[%add3A_784, %dma_start3A_791] : memref<128x64xf32, #tpu.memory_space<vmem>> -> memref<1x64xf32, #tpu.memory_space<vmem>>
      %dma_start3A_793 = tpu.memref_squeeze %dma_start3A_792 : memref<1x64xf32, #tpu.memory_space<vmem>> -> memref<64xf32, #tpu.memory_space<vmem>>
      %dma_start3A_794 = arith.constant 0 : i32
      %dma_start3A_795 = tpu.memref_slice %arg5[%squeeze3A_782, %dma_start3A_794] : memref<100000x64xf32, #tpu.memory_space<hbm>> -> memref<1x64xf32, #tpu.memory_space<hbm>>
      %dma_start3A_796 = tpu.memref_squeeze %dma_start3A_795 : memref<1x64xf32, #tpu.memory_space<hbm>> -> memref<64xf32, #tpu.memory_space<hbm>>
      tpu.enqueue_dma source(%dma_start3A_796 : memref<64xf32, #tpu.memory_space<hbm>>) target(%dma_start3A_793 : memref<64xf32, #tpu.memory_space<vmem>>) target_semaphore(%arg22 : memref<!tpu.dma_semaphore, #tpu.memory_space<semaphore_mem>>)
      %slice3A_797 = vector.extract_strided_slice %get3A_313 {offsets = [15], sizes = [1], strides = [1]} : vector<16xi32> to vector<1xi32>
      %squeeze3A_798 = vector.extract %slice3A_797[0] : i32 from vector<1xi32>
      %add3A_799 = arith.constant 15 : i32
      %add3A_800 = arith.addi %mul3A_309, %add3A_799 : i32
      %dma_start3A_801 = arith.constant 0 : i32
      %dma_start3A_802 = tpu.memref_slice %arg13[%add3A_800, %dma_start3A_801] : memref<128x64xf32, #tpu.memory_space<vmem>> -> memref<1x64xf32, #tpu.memory_space<vmem>>
      %dma_start3A_803 = tpu.memref_squeeze %dma_start3A_802 : memref<1x64xf32, #tpu.memory_space<vmem>> -> memref<64xf32, #tpu.memory_space<vmem>>
      %dma_start3A_804 = arith.constant 0 : i32
      %dma_start3A_805 = tpu.memref_slice %arg4[%squeeze3A_798, %dma_start3A_804] : memref<100000x64xf32, #tpu.memory_space<hbm>> -> memref<1x64xf32, #tpu.memory_space<hbm>>
      %dma_start3A_806 = tpu.memref_squeeze %dma_start3A_805 : memref<1x64xf32, #tpu.memory_space<hbm>> -> memref<64xf32, #tpu.memory_space<hbm>>
      %dma_start3A_807 = arith.constant 0 : i32
      %dma_start3A_808 = tpu.memref_slice %arg13[%add3A_800, %dma_start3A_807] : memref<128x64xf32, #tpu.memory_space<vmem>> -> memref<1x64xf32, #tpu.memory_space<vmem>>
      %dma_start3A_809 = tpu.memref_squeeze %dma_start3A_808 : memref<1x64xf32, #tpu.memory_space<vmem>> -> memref<64xf32, #tpu.memory_space<vmem>>
      %dma_start3A_810 = arith.constant 0 : i32
      %dma_start3A_811 = tpu.memref_slice %arg4[%squeeze3A_798, %dma_start3A_810] : memref<100000x64xf32, #tpu.memory_space<hbm>> -> memref<1x64xf32, #tpu.memory_space<hbm>>
      %dma_start3A_812 = tpu.memref_squeeze %dma_start3A_811 : memref<1x64xf32, #tpu.memory_space<hbm>> -> memref<64xf32, #tpu.memory_space<hbm>>
      tpu.enqueue_dma source(%dma_start3A_812 : memref<64xf32, #tpu.memory_space<hbm>>) target(%dma_start3A_809 : memref<64xf32, #tpu.memory_space<vmem>>) target_semaphore(%arg20 : memref<!tpu.dma_semaphore, #tpu.memory_space<semaphore_mem>>)
      %slice3A_813 = vector.extract_strided_slice %get3A_318 {offsets = [15], sizes = [1], strides = [1]} : vector<16xi32> to vector<1xi32>
      %squeeze3A_814 = vector.extract %slice3A_813[0] : i32 from vector<1xi32>
      %add3A_815 = arith.constant 15 : i32
      %add3A_816 = arith.addi %mul3A_309, %add3A_815 : i32
      %dma_start3A_817 = arith.constant 0 : i32
      %dma_start3A_818 = tpu.memref_slice %arg15[%add3A_816, %dma_start3A_817] : memref<128x64xf32, #tpu.memory_space<vmem>> -> memref<1x64xf32, #tpu.memory_space<vmem>>
      %dma_start3A_819 = tpu.memref_squeeze %dma_start3A_818 : memref<1x64xf32, #tpu.memory_space<vmem>> -> memref<64xf32, #tpu.memory_space<vmem>>
      %dma_start3A_820 = arith.constant 0 : i32
      %dma_start3A_821 = tpu.memref_slice %arg5[%squeeze3A_814, %dma_start3A_820] : memref<100000x64xf32, #tpu.memory_space<hbm>> -> memref<1x64xf32, #tpu.memory_space<hbm>>
      %dma_start3A_822 = tpu.memref_squeeze %dma_start3A_821 : memref<1x64xf32, #tpu.memory_space<hbm>> -> memref<64xf32, #tpu.memory_space<hbm>>
      %dma_start3A_823 = arith.constant 0 : i32
      %dma_start3A_824 = tpu.memref_slice %arg15[%add3A_816, %dma_start3A_823] : memref<128x64xf32, #tpu.memory_space<vmem>> -> memref<1x64xf32, #tpu.memory_space<vmem>>
      %dma_start3A_825 = tpu.memref_squeeze %dma_start3A_824 : memref<1x64xf32, #tpu.memory_space<vmem>> -> memref<64xf32, #tpu.memory_space<vmem>>
      %dma_start3A_826 = arith.constant 0 : i32
      %dma_start3A_827 = tpu.memref_slice %arg5[%squeeze3A_814, %dma_start3A_826] : memref<100000x64xf32, #tpu.memory_space<hbm>> -> memref<1x64xf32, #tpu.memory_space<hbm>>
      %dma_start3A_828 = tpu.memref_squeeze %dma_start3A_827 : memref<1x64xf32, #tpu.memory_space<hbm>> -> memref<64xf32, #tpu.memory_space<hbm>>
      tpu.enqueue_dma source(%dma_start3A_828 : memref<64xf32, #tpu.memory_space<hbm>>) target(%dma_start3A_825 : memref<64xf32, #tpu.memory_space<vmem>>) target_semaphore(%arg22 : memref<!tpu.dma_semaphore, #tpu.memory_space<semaphore_mem>>)
      %scan3A_829 = arith.constant 0 : i32
      scf.yield %scan3A_829 : i32
    }
    %scan3A_87 = arith.constant 8 : i32
    %broadcast_in_dim3A = arith.constant 0.000000e+00 : f32
    %broadcast_in_dim3A_88 = vector.broadcast %broadcast_in_dim3A : f32 to vector<16xf32>
    %dma_wait3A = arith.constant 0 : i32
    %dma_wait3A_89 = arith.constant 0 : i32
    %dma_wait3A_90 = tpu.memref_slice %arg4[%dma_wait3A, %dma_wait3A_89] : memref<100000x64xf32, #tpu.memory_space<hbm>> -> memref<128x64xf32, #tpu.memory_space<hbm>>
    %dma_wait3A_91 = arith.constant 0 : i32
    %dma_wait3A_92 = arith.constant 0 : i32
    %dma_wait3A_93 = tpu.memref_slice %arg4[%dma_wait3A_91, %dma_wait3A_92] : memref<100000x64xf32, #tpu.memory_space<hbm>> -> memref<128x64xf32, #tpu.memory_space<hbm>>
    tpu.wait_dma2 semaphore(%arg20 : memref<!tpu.dma_semaphore, #tpu.memory_space<semaphore_mem>>) src(%dma_wait3A_93 : memref<128x64xf32, #tpu.memory_space<hbm>>) dst(%arg13 : memref<128x64xf32, #tpu.memory_space<vmem>>)
    %dma_wait3A_94 = arith.constant 0 : i32
    %dma_wait3A_95 = arith.constant 0 : i32
    %dma_wait3A_96 = tpu.memref_slice %arg5[%dma_wait3A_94, %dma_wait3A_95] : memref<100000x64xf32, #tpu.memory_space<hbm>> -> memref<128x64xf32, #tpu.memory_space<hbm>>
    %dma_wait3A_97 = arith.constant 0 : i32
    %dma_wait3A_98 = arith.constant 0 : i32
    %dma_wait3A_99 = tpu.memref_slice %arg5[%dma_wait3A_97, %dma_wait3A_98] : memref<100000x64xf32, #tpu.memory_space<hbm>> -> memref<128x64xf32, #tpu.memory_space<hbm>>
    tpu.wait_dma2 semaphore(%arg22 : memref<!tpu.dma_semaphore, #tpu.memory_space<semaphore_mem>>) src(%dma_wait3A_99 : memref<128x64xf32, #tpu.memory_space<hbm>>) dst(%arg15 : memref<128x64xf32, #tpu.memory_space<vmem>>)
    %scan3A_100 = arith.constant 0 : i32
    %scan3A_101 = arith.constant 0 : i32
    %scan3A_102 = arith.constant 8 : i32
    %scan3A_103 = arith.addi %scan3A_101, %scan3A_102 : i32
    %scan3A_104 = arith.constant 1 : i32
    %scan3A_105 = scf.for %scan3A_306 = %scan3A_101 to %scan3A_103 step %scan3A_104 iter_args(%scan3A_307 = %scan3A_100) -> (i32)  : i32 {
      %mul3A_308 = arith.constant 16 : i32
      %mul3A_309 = arith.muli %scan3A_306, %mul3A_308 : i32
      %get3A = arith.constant 1 : i32
      %get3A_310 = arith.index_cast %get3A : i32 to index
      %get3A_311 = arith.index_cast %mul3A_309 : i32 to index
      %get3A_312 = tpu.vector_load %arg11[%get3A_310, %get3A_311] {strides = array<i32>} : memref<4x128xi32, #tpu.memory_space<vmem>>, vector<1x16xi32>,
      %get3A_313 = vector.shape_cast %get3A_312 : vector<1x16xi32> to vector<16xi32>
      %get3A_314 = arith.constant 1 : i32
      %get3A_315 = arith.index_cast %get3A_314 : i32 to index
      %get3A_316 = arith.index_cast %mul3A_309 : i32 to index
      %get3A_317 = tpu.vector_load %arg12[%get3A_315, %get3A_316] {strides = array<i32>} : memref<4x128xi32, #tpu.memory_space<vmem>>, vector<1x16xi32>,
      %get3A_318 = vector.shape_cast %get3A_317 : vector<1x16xi32> to vector<16xi32>
      %slice3A = vector.extract_strided_slice %get3A_313 {offsets = [0], sizes = [1], strides = [1]} : vector<16xi32> to vector<1xi32>
      %squeeze3A = vector.extract %slice3A[0] : i32 from vector<1xi32>
      %add3A_319 = arith.constant 0 : i32
      %add3A_320 = arith.addi %mul3A_309, %add3A_319 : i32
      %dma_start3A_321 = arith.constant 0 : i32
      %dma_start3A_322 = tpu.memref_slice %arg14[%add3A_320, %dma_start3A_321] : memref<128x64xf32, #tpu.memory_space<vmem>> -> memref<1x64xf32, #tpu.memory_space<vmem>>
      %dma_start3A_323 = tpu.memref_squeeze %dma_start3A_322 : memref<1x64xf32, #tpu.memory_space<vmem>> -> memref<64xf32, #tpu.memory_space<vmem>>
      %dma_start3A_324 = arith.constant 0 : i32
      %dma_start3A_325 = tpu.memref_slice %arg4[%squeeze3A, %dma_start3A_324] : memref<100000x64xf32, #tpu.memory_space<hbm>> -> memref<1x64xf32, #tpu.memory_space<hbm>>
      %dma_start3A_326 = tpu.memref_squeeze %dma_start3A_325 : memref<1x64xf32, #tpu.memory_space<hbm>> -> memref<64xf32, #tpu.memory_space<hbm>>
      %dma_start3A_327 = arith.constant 0 : i32
      %dma_start3A_328 = tpu.memref_slice %arg14[%add3A_320, %dma_start3A_327] : memref<128x64xf32, #tpu.memory_space<vmem>> -> memref<1x64xf32, #tpu.memory_space<vmem>>
      %dma_start3A_329 = tpu.memref_squeeze %dma_start3A_328 : memref<1x64xf32, #tpu.memory_space<vmem>> -> memref<64xf32, #tpu.memory_space<vmem>>
      %dma_start3A_330 = arith.constant 0 : i32
      %dma_start3A_331 = tpu.memref_slice %arg4[%squeeze3A, %dma_start3A_330] : memref<100000x64xf32, #tpu.memory_space<hbm>> -> memref<1x64xf32, #tpu.memory_space<hbm>>
      %dma_start3A_332 = tpu.memref_squeeze %dma_start3A_331 : memref<1x64xf32, #tpu.memory_space<hbm>> -> memref<64xf32, #tpu.memory_space<hbm>>
      tpu.enqueue_dma source(%dma_start3A_332 : memref<64xf32, #tpu.memory_space<hbm>>) target(%dma_start3A_329 : memref<64xf32, #tpu.memory_space<vmem>>) target_semaphore(%arg21 : memref<!tpu.dma_semaphore, #tpu.memory_space<semaphore_mem>>)
      %slice3A_333 = vector.extract_strided_slice %get3A_318 {offsets = [0], sizes = [1], strides = [1]} : vector<16xi32> to vector<1xi32>
      %squeeze3A_334 = vector.extract %slice3A_333[0] : i32 from vector<1xi32>
      %add3A_335 = arith.constant 0 : i32
      %add3A_336 = arith.addi %mul3A_309, %add3A_335 : i32
      %dma_start3A_337 = arith.constant 0 : i32
      %dma_start3A_338 = tpu.memref_slice %arg16[%add3A_336, %dma_start3A_337] : memref<128x64xf32, #tpu.memory_space<vmem>> -> memref<1x64xf32, #tpu.memory_space<vmem>>
      %dma_start3A_339 = tpu.memref_squeeze %dma_start3A_338 : memref<1x64xf32, #tpu.memory_space<vmem>> -> memref<64xf32, #tpu.memory_space<vmem>>
      %dma_start3A_340 = arith.constant 0 : i32
      %dma_start3A_341 = tpu.memref_slice %arg5[%squeeze3A_334, %dma_start3A_340] : memref<100000x64xf32, #tpu.memory_space<hbm>> -> memref<1x64xf32, #tpu.memory_space<hbm>>
      %dma_start3A_342 = tpu.memref_squeeze %dma_start3A_341 : memref<1x64xf32, #tpu.memory_space<hbm>> -> memref<64xf32, #tpu.memory_space<hbm>>
      %dma_start3A_343 = arith.constant 0 : i32
      %dma_start3A_344 = tpu.memref_slice %arg16[%add3A_336, %dma_start3A_343] : memref<128x64xf32, #tpu.memory_space<vmem>> -> memref<1x64xf32, #tpu.memory_space<vmem>>
      %dma_start3A_345 = tpu.memref_squeeze %dma_start3A_344 : memref<1x64xf32, #tpu.memory_space<vmem>> -> memref<64xf32, #tpu.memory_space<vmem>>
      %dma_start3A_346 = arith.constant 0 : i32
      %dma_start3A_347 = tpu.memref_slice %arg5[%squeeze3A_334, %dma_start3A_346] : memref<100000x64xf32, #tpu.memory_space<hbm>> -> memref<1x64xf32, #tpu.memory_space<hbm>>
      %dma_start3A_348 = tpu.memref_squeeze %dma_start3A_347 : memref<1x64xf32, #tpu.memory_space<hbm>> -> memref<64xf32, #tpu.memory_space<hbm>>
      tpu.enqueue_dma source(%dma_start3A_348 : memref<64xf32, #tpu.memory_space<hbm>>) target(%dma_start3A_345 : memref<64xf32, #tpu.memory_space<vmem>>) target_semaphore(%arg23 : memref<!tpu.dma_semaphore, #tpu.memory_space<semaphore_mem>>)
      %slice3A_349 = vector.extract_strided_slice %get3A_313 {offsets = [1], sizes = [1], strides = [1]} : vector<16xi32> to vector<1xi32>
      %squeeze3A_350 = vector.extract %slice3A_349[0] : i32 from vector<1xi32>
      %add3A_351 = arith.constant 1 : i32
      %add3A_352 = arith.addi %mul3A_309, %add3A_351 : i32
      %dma_start3A_353 = arith.constant 0 : i32
      %dma_start3A_354 = tpu.memref_slice %arg14[%add3A_352, %dma_start3A_353] : memref<128x64xf32, #tpu.memory_space<vmem>> -> memref<1x64xf32, #tpu.memory_space<vmem>>
      %dma_start3A_355 = tpu.memref_squeeze %dma_start3A_354 : memref<1x64xf32, #tpu.memory_space<vmem>> -> memref<64xf32, #tpu.memory_space<vmem>>
      %dma_start3A_356 = arith.constant 0 : i32
      %dma_start3A_357 = tpu.memref_slice %arg4[%squeeze3A_350, %dma_start3A_356] : memref<100000x64xf32, #tpu.memory_space<hbm>> -> memref<1x64xf32, #tpu.memory_space<hbm>>
      %dma_start3A_358 = tpu.memref_squeeze %dma_start3A_357 : memref<1x64xf32, #tpu.memory_space<hbm>> -> memref<64xf32, #tpu.memory_space<hbm>>
      %dma_start3A_359 = arith.constant 0 : i32
      %dma_start3A_360 = tpu.memref_slice %arg14[%add3A_352, %dma_start3A_359] : memref<128x64xf32, #tpu.memory_space<vmem>> -> memref<1x64xf32, #tpu.memory_space<vmem>>
      %dma_start3A_361 = tpu.memref_squeeze %dma_start3A_360 : memref<1x64xf32, #tpu.memory_space<vmem>> -> memref<64xf32, #tpu.memory_space<vmem>>
      %dma_start3A_362 = arith.constant 0 : i32
      %dma_start3A_363 = tpu.memref_slice %arg4[%squeeze3A_350, %dma_start3A_362] : memref<100000x64xf32, #tpu.memory_space<hbm>> -> memref<1x64xf32, #tpu.memory_space<hbm>>
      %dma_start3A_364 = tpu.memref_squeeze %dma_start3A_363 : memref<1x64xf32, #tpu.memory_space<hbm>> -> memref<64xf32, #tpu.memory_space<hbm>>
      tpu.enqueue_dma source(%dma_start3A_364 : memref<64xf32, #tpu.memory_space<hbm>>) target(%dma_start3A_361 : memref<64xf32, #tpu.memory_space<vmem>>) target_semaphore(%arg21 : memref<!tpu.dma_semaphore, #tpu.memory_space<semaphore_mem>>)
      %slice3A_365 = vector.extract_strided_slice %get3A_318 {offsets = [1], sizes = [1], strides = [1]} : vector<16xi32> to vector<1xi32>
      %squeeze3A_366 = vector.extract %slice3A_365[0] : i32 from vector<1xi32>
      %add3A_367 = arith.constant 1 : i32
      %add3A_368 = arith.addi %mul3A_309, %add3A_367 : i32
      %dma_start3A_369 = arith.constant 0 : i32
      %dma_start3A_370 = tpu.memref_slice %arg16[%add3A_368, %dma_start3A_369] : memref<128x64xf32, #tpu.memory_space<vmem>> -> memref<1x64xf32, #tpu.memory_space<vmem>>
      %dma_start3A_371 = tpu.memref_squeeze %dma_start3A_370 : memref<1x64xf32, #tpu.memory_space<vmem>> -> memref<64xf32, #tpu.memory_space<vmem>>
      %dma_start3A_372 = arith.constant 0 : i32
      %dma_start3A_373 = tpu.memref_slice %arg5[%squeeze3A_366, %dma_start3A_372] : memref<100000x64xf32, #tpu.memory_space<hbm>> -> memref<1x64xf32, #tpu.memory_space<hbm>>
      %dma_start3A_374 = tpu.memref_squeeze %dma_start3A_373 : memref<1x64xf32, #tpu.memory_space<hbm>> -> memref<64xf32, #tpu.memory_space<hbm>>
      %dma_start3A_375 = arith.constant 0 : i32
      %dma_start3A_376 = tpu.memref_slice %arg16[%add3A_368, %dma_start3A_375] : memref<128x64xf32, #tpu.memory_space<vmem>> -> memref<1x64xf32, #tpu.memory_space<vmem>>
      %dma_start3A_377 = tpu.memref_squeeze %dma_start3A_376 : memref<1x64xf32, #tpu.memory_space<vmem>> -> memref<64xf32, #tpu.memory_space<vmem>>
      %dma_start3A_378 = arith.constant 0 : i32
      %dma_start3A_379 = tpu.memref_slice %arg5[%squeeze3A_366, %dma_start3A_378] : memref<100000x64xf32, #tpu.memory_space<hbm>> -> memref<1x64xf32, #tpu.memory_space<hbm>>
      %dma_start3A_380 = tpu.memref_squeeze %dma_start3A_379 : memref<1x64xf32, #tpu.memory_space<hbm>> -> memref<64xf32, #tpu.memory_space<hbm>>
      tpu.enqueue_dma source(%dma_start3A_380 : memref<64xf32, #tpu.memory_space<hbm>>) target(%dma_start3A_377 : memref<64xf32, #tpu.memory_space<vmem>>) target_semaphore(%arg23 : memref<!tpu.dma_semaphore, #tpu.memory_space<semaphore_mem>>)
      %slice3A_381 = vector.extract_strided_slice %get3A_313 {offsets = [2], sizes = [1], strides = [1]} : vector<16xi32> to vector<1xi32>
      %squeeze3A_382 = vector.extract %slice3A_381[0] : i32 from vector<1xi32>
      %add3A_383 = arith.constant 2 : i32
      %add3A_384 = arith.addi %mul3A_309, %add3A_383 : i32
      %dma_start3A_385 = arith.constant 0 : i32
      %dma_start3A_386 = tpu.memref_slice %arg14[%add3A_384, %dma_start3A_385] : memref<128x64xf32, #tpu.memory_space<vmem>> -> memref<1x64xf32, #tpu.memory_space<vmem>>
      %dma_start3A_387 = tpu.memref_squeeze %dma_start3A_386 : memref<1x64xf32, #tpu.memory_space<vmem>> -> memref<64xf32, #tpu.memory_space<vmem>>
      %dma_start3A_388 = arith.constant 0 : i32
      %dma_start3A_389 = tpu.memref_slice %arg4[%squeeze3A_382, %dma_start3A_388] : memref<100000x64xf32, #tpu.memory_space<hbm>> -> memref<1x64xf32, #tpu.memory_space<hbm>>
      %dma_start3A_390 = tpu.memref_squeeze %dma_start3A_389 : memref<1x64xf32, #tpu.memory_space<hbm>> -> memref<64xf32, #tpu.memory_space<hbm>>
      %dma_start3A_391 = arith.constant 0 : i32
      %dma_start3A_392 = tpu.memref_slice %arg14[%add3A_384, %dma_start3A_391] : memref<128x64xf32, #tpu.memory_space<vmem>> -> memref<1x64xf32, #tpu.memory_space<vmem>>
      %dma_start3A_393 = tpu.memref_squeeze %dma_start3A_392 : memref<1x64xf32, #tpu.memory_space<vmem>> -> memref<64xf32, #tpu.memory_space<vmem>>
      %dma_start3A_394 = arith.constant 0 : i32
      %dma_start3A_395 = tpu.memref_slice %arg4[%squeeze3A_382, %dma_start3A_394] : memref<100000x64xf32, #tpu.memory_space<hbm>> -> memref<1x64xf32, #tpu.memory_space<hbm>>
      %dma_start3A_396 = tpu.memref_squeeze %dma_start3A_395 : memref<1x64xf32, #tpu.memory_space<hbm>> -> memref<64xf32, #tpu.memory_space<hbm>>
      tpu.enqueue_dma source(%dma_start3A_396 : memref<64xf32, #tpu.memory_space<hbm>>) target(%dma_start3A_393 : memref<64xf32, #tpu.memory_space<vmem>>) target_semaphore(%arg21 : memref<!tpu.dma_semaphore, #tpu.memory_space<semaphore_mem>>)
      %slice3A_397 = vector.extract_strided_slice %get3A_318 {offsets = [2], sizes = [1], strides = [1]} : vector<16xi32> to vector<1xi32>
      %squeeze3A_398 = vector.extract %slice3A_397[0] : i32 from vector<1xi32>
      %add3A_399 = arith.constant 2 : i32
      %add3A_400 = arith.addi %mul3A_309, %add3A_399 : i32
      %dma_start3A_401 = arith.constant 0 : i32
      %dma_start3A_402 = tpu.memref_slice %arg16[%add3A_400, %dma_start3A_401] : memref<128x64xf32, #tpu.memory_space<vmem>> -> memref<1x64xf32, #tpu.memory_space<vmem>>
      %dma_start3A_403 = tpu.memref_squeeze %dma_start3A_402 : memref<1x64xf32, #tpu.memory_space<vmem>> -> memref<64xf32, #tpu.memory_space<vmem>>
      %dma_start3A_404 = arith.constant 0 : i32
      %dma_start3A_405 = tpu.memref_slice %arg5[%squeeze3A_398, %dma_start3A_404] : memref<100000x64xf32, #tpu.memory_space<hbm>> -> memref<1x64xf32, #tpu.memory_space<hbm>>
      %dma_start3A_406 = tpu.memref_squeeze %dma_start3A_405 : memref<1x64xf32, #tpu.memory_space<hbm>> -> memref<64xf32, #tpu.memory_space<hbm>>
      %dma_start3A_407 = arith.constant 0 : i32
      %dma_start3A_408 = tpu.memref_slice %arg16[%add3A_400, %dma_start3A_407] : memref<128x64xf32, #tpu.memory_space<vmem>> -> memref<1x64xf32, #tpu.memory_space<vmem>>
      %dma_start3A_409 = tpu.memref_squeeze %dma_start3A_408 : memref<1x64xf32, #tpu.memory_space<vmem>> -> memref<64xf32, #tpu.memory_space<vmem>>
      %dma_start3A_410 = arith.constant 0 : i32
      %dma_start3A_411 = tpu.memref_slice %arg5[%squeeze3A_398, %dma_start3A_410] : memref<100000x64xf32, #tpu.memory_space<hbm>> -> memref<1x64xf32, #tpu.memory_space<hbm>>
      %dma_start3A_412 = tpu.memref_squeeze %dma_start3A_411 : memref<1x64xf32, #tpu.memory_space<hbm>> -> memref<64xf32, #tpu.memory_space<hbm>>
      tpu.enqueue_dma source(%dma_start3A_412 : memref<64xf32, #tpu.memory_space<hbm>>) target(%dma_start3A_409 : memref<64xf32, #tpu.memory_space<vmem>>) target_semaphore(%arg23 : memref<!tpu.dma_semaphore, #tpu.memory_space<semaphore_mem>>)
      %slice3A_413 = vector.extract_strided_slice %get3A_313 {offsets = [3], sizes = [1], strides = [1]} : vector<16xi32> to vector<1xi32>
      %squeeze3A_414 = vector.extract %slice3A_413[0] : i32 from vector<1xi32>
      %add3A_415 = arith.constant 3 : i32
      %add3A_416 = arith.addi %mul3A_309, %add3A_415 : i32
      %dma_start3A_417 = arith.constant 0 : i32
      %dma_start3A_418 = tpu.memref_slice %arg14[%add3A_416, %dma_start3A_417] : memref<128x64xf32, #tpu.memory_space<vmem>> -> memref<1x64xf32, #tpu.memory_space<vmem>>
      %dma_start3A_419 = tpu.memref_squeeze %dma_start3A_418 : memref<1x64xf32, #tpu.memory_space<vmem>> -> memref<64xf32, #tpu.memory_space<vmem>>
      %dma_start3A_420 = arith.constant 0 : i32
      %dma_start3A_421 = tpu.memref_slice %arg4[%squeeze3A_414, %dma_start3A_420] : memref<100000x64xf32, #tpu.memory_space<hbm>> -> memref<1x64xf32, #tpu.memory_space<hbm>>
      %dma_start3A_422 = tpu.memref_squeeze %dma_start3A_421 : memref<1x64xf32, #tpu.memory_space<hbm>> -> memref<64xf32, #tpu.memory_space<hbm>>
      %dma_start3A_423 = arith.constant 0 : i32
      %dma_start3A_424 = tpu.memref_slice %arg14[%add3A_416, %dma_start3A_423] : memref<128x64xf32, #tpu.memory_space<vmem>> -> memref<1x64xf32, #tpu.memory_space<vmem>>
      %dma_start3A_425 = tpu.memref_squeeze %dma_start3A_424 : memref<1x64xf32, #tpu.memory_space<vmem>> -> memref<64xf32, #tpu.memory_space<vmem>>
      %dma_start3A_426 = arith.constant 0 : i32
      %dma_start3A_427 = tpu.memref_slice %arg4[%squeeze3A_414, %dma_start3A_426] : memref<100000x64xf32, #tpu.memory_space<hbm>> -> memref<1x64xf32, #tpu.memory_space<hbm>>
      %dma_start3A_428 = tpu.memref_squeeze %dma_start3A_427 : memref<1x64xf32, #tpu.memory_space<hbm>> -> memref<64xf32, #tpu.memory_space<hbm>>
      tpu.enqueue_dma source(%dma_start3A_428 : memref<64xf32, #tpu.memory_space<hbm>>) target(%dma_start3A_425 : memref<64xf32, #tpu.memory_space<vmem>>) target_semaphore(%arg21 : memref<!tpu.dma_semaphore, #tpu.memory_space<semaphore_mem>>)
      %slice3A_429 = vector.extract_strided_slice %get3A_318 {offsets = [3], sizes = [1], strides = [1]} : vector<16xi32> to vector<1xi32>
      %squeeze3A_430 = vector.extract %slice3A_429[0] : i32 from vector<1xi32>
      %add3A_431 = arith.constant 3 : i32
      %add3A_432 = arith.addi %mul3A_309, %add3A_431 : i32
      %dma_start3A_433 = arith.constant 0 : i32
      %dma_start3A_434 = tpu.memref_slice %arg16[%add3A_432, %dma_start3A_433] : memref<128x64xf32, #tpu.memory_space<vmem>> -> memref<1x64xf32, #tpu.memory_space<vmem>>
      %dma_start3A_435 = tpu.memref_squeeze %dma_start3A_434 : memref<1x64xf32, #tpu.memory_space<vmem>> -> memref<64xf32, #tpu.memory_space<vmem>>
      %dma_start3A_436 = arith.constant 0 : i32
      %dma_start3A_437 = tpu.memref_slice %arg5[%squeeze3A_430, %dma_start3A_436] : memref<100000x64xf32, #tpu.memory_space<hbm>> -> memref<1x64xf32, #tpu.memory_space<hbm>>
      %dma_start3A_438 = tpu.memref_squeeze %dma_start3A_437 : memref<1x64xf32, #tpu.memory_space<hbm>> -> memref<64xf32, #tpu.memory_space<hbm>>
      %dma_start3A_439 = arith.constant 0 : i32
      %dma_start3A_440 = tpu.memref_slice %arg16[%add3A_432, %dma_start3A_439] : memref<128x64xf32, #tpu.memory_space<vmem>> -> memref<1x64xf32, #tpu.memory_space<vmem>>
      %dma_start3A_441 = tpu.memref_squeeze %dma_start3A_440 : memref<1x64xf32, #tpu.memory_space<vmem>> -> memref<64xf32, #tpu.memory_space<vmem>>
      %dma_start3A_442 = arith.constant 0 : i32
      %dma_start3A_443 = tpu.memref_slice %arg5[%squeeze3A_430, %dma_start3A_442] : memref<100000x64xf32, #tpu.memory_space<hbm>> -> memref<1x64xf32, #tpu.memory_space<hbm>>
      %dma_start3A_444 = tpu.memref_squeeze %dma_start3A_443 : memref<1x64xf32, #tpu.memory_space<hbm>> -> memref<64xf32, #tpu.memory_space<hbm>>
      tpu.enqueue_dma source(%dma_start3A_444 : memref<64xf32, #tpu.memory_space<hbm>>) target(%dma_start3A_441 : memref<64xf32, #tpu.memory_space<vmem>>) target_semaphore(%arg23 : memref<!tpu.dma_semaphore, #tpu.memory_space<semaphore_mem>>)
      %slice3A_445 = vector.extract_strided_slice %get3A_313 {offsets = [4], sizes = [1], strides = [1]} : vector<16xi32> to vector<1xi32>
      %squeeze3A_446 = vector.extract %slice3A_445[0] : i32 from vector<1xi32>
      %add3A_447 = arith.constant 4 : i32
      %add3A_448 = arith.addi %mul3A_309, %add3A_447 : i32
      %dma_start3A_449 = arith.constant 0 : i32
      %dma_start3A_450 = tpu.memref_slice %arg14[%add3A_448, %dma_start3A_449] : memref<128x64xf32, #tpu.memory_space<vmem>> -> memref<1x64xf32, #tpu.memory_space<vmem>>
      %dma_start3A_451 = tpu.memref_squeeze %dma_start3A_450 : memref<1x64xf32, #tpu.memory_space<vmem>> -> memref<64xf32, #tpu.memory_space<vmem>>
      %dma_start3A_452 = arith.constant 0 : i32
      %dma_start3A_453 = tpu.memref_slice %arg4[%squeeze3A_446, %dma_start3A_452] : memref<100000x64xf32, #tpu.memory_space<hbm>> -> memref<1x64xf32, #tpu.memory_space<hbm>>
      %dma_start3A_454 = tpu.memref_squeeze %dma_start3A_453 : memref<1x64xf32, #tpu.memory_space<hbm>> -> memref<64xf32, #tpu.memory_space<hbm>>
      %dma_start3A_455 = arith.constant 0 : i32
      %dma_start3A_456 = tpu.memref_slice %arg14[%add3A_448, %dma_start3A_455] : memref<128x64xf32, #tpu.memory_space<vmem>> -> memref<1x64xf32, #tpu.memory_space<vmem>>
      %dma_start3A_457 = tpu.memref_squeeze %dma_start3A_456 : memref<1x64xf32, #tpu.memory_space<vmem>> -> memref<64xf32, #tpu.memory_space<vmem>>
      %dma_start3A_458 = arith.constant 0 : i32
      %dma_start3A_459 = tpu.memref_slice %arg4[%squeeze3A_446, %dma_start3A_458] : memref<100000x64xf32, #tpu.memory_space<hbm>> -> memref<1x64xf32, #tpu.memory_space<hbm>>
      %dma_start3A_460 = tpu.memref_squeeze %dma_start3A_459 : memref<1x64xf32, #tpu.memory_space<hbm>> -> memref<64xf32, #tpu.memory_space<hbm>>
      tpu.enqueue_dma source(%dma_start3A_460 : memref<64xf32, #tpu.memory_space<hbm>>) target(%dma_start3A_457 : memref<64xf32, #tpu.memory_space<vmem>>) target_semaphore(%arg21 : memref<!tpu.dma_semaphore, #tpu.memory_space<semaphore_mem>>)
      %slice3A_461 = vector.extract_strided_slice %get3A_318 {offsets = [4], sizes = [1], strides = [1]} : vector<16xi32> to vector<1xi32>
      %squeeze3A_462 = vector.extract %slice3A_461[0] : i32 from vector<1xi32>
      %add3A_463 = arith.constant 4 : i32
      %add3A_464 = arith.addi %mul3A_309, %add3A_463 : i32
      %dma_start3A_465 = arith.constant 0 : i32
      %dma_start3A_466 = tpu.memref_slice %arg16[%add3A_464, %dma_start3A_465] : memref<128x64xf32, #tpu.memory_space<vmem>> -> memref<1x64xf32, #tpu.memory_space<vmem>>
      %dma_start3A_467 = tpu.memref_squeeze %dma_start3A_466 : memref<1x64xf32, #tpu.memory_space<vmem>> -> memref<64xf32, #tpu.memory_space<vmem>>
      %dma_start3A_468 = arith.constant 0 : i32
      %dma_start3A_469 = tpu.memref_slice %arg5[%squeeze3A_462, %dma_start3A_468] : memref<100000x64xf32, #tpu.memory_space<hbm>> -> memref<1x64xf32, #tpu.memory_space<hbm>>
      %dma_start3A_470 = tpu.memref_squeeze %dma_start3A_469 : memref<1x64xf32, #tpu.memory_space<hbm>> -> memref<64xf32, #tpu.memory_space<hbm>>
      %dma_start3A_471 = arith.constant 0 : i32
      %dma_start3A_472 = tpu.memref_slice %arg16[%add3A_464, %dma_start3A_471] : memref<128x64xf32, #tpu.memory_space<vmem>> -> memref<1x64xf32, #tpu.memory_space<vmem>>
      %dma_start3A_473 = tpu.memref_squeeze %dma_start3A_472 : memref<1x64xf32, #tpu.memory_space<vmem>> -> memref<64xf32, #tpu.memory_space<vmem>>
      %dma_start3A_474 = arith.constant 0 : i32
      %dma_start3A_475 = tpu.memref_slice %arg5[%squeeze3A_462, %dma_start3A_474] : memref<100000x64xf32, #tpu.memory_space<hbm>> -> memref<1x64xf32, #tpu.memory_space<hbm>>
      %dma_start3A_476 = tpu.memref_squeeze %dma_start3A_475 : memref<1x64xf32, #tpu.memory_space<hbm>> -> memref<64xf32, #tpu.memory_space<hbm>>
      tpu.enqueue_dma source(%dma_start3A_476 : memref<64xf32, #tpu.memory_space<hbm>>) target(%dma_start3A_473 : memref<64xf32, #tpu.memory_space<vmem>>) target_semaphore(%arg23 : memref<!tpu.dma_semaphore, #tpu.memory_space<semaphore_mem>>)
      %slice3A_477 = vector.extract_strided_slice %get3A_313 {offsets = [5], sizes = [1], strides = [1]} : vector<16xi32> to vector<1xi32>
      %squeeze3A_478 = vector.extract %slice3A_477[0] : i32 from vector<1xi32>
      %add3A_479 = arith.constant 5 : i32
      %add3A_480 = arith.addi %mul3A_309, %add3A_479 : i32
      %dma_start3A_481 = arith.constant 0 : i32
      %dma_start3A_482 = tpu.memref_slice %arg14[%add3A_480, %dma_start3A_481] : memref<128x64xf32, #tpu.memory_space<vmem>> -> memref<1x64xf32, #tpu.memory_space<vmem>>
      %dma_start3A_483 = tpu.memref_squeeze %dma_start3A_482 : memref<1x64xf32, #tpu.memory_space<vmem>> -> memref<64xf32, #tpu.memory_space<vmem>>
      %dma_start3A_484 = arith.constant 0 : i32
      %dma_start3A_485 = tpu.memref_slice %arg4[%squeeze3A_478, %dma_start3A_484] : memref<100000x64xf32, #tpu.memory_space<hbm>> -> memref<1x64xf32, #tpu.memory_space<hbm>>
      %dma_start3A_486 = tpu.memref_squeeze %dma_start3A_485 : memref<1x64xf32, #tpu.memory_space<hbm>> -> memref<64xf32, #tpu.memory_space<hbm>>
      %dma_start3A_487 = arith.constant 0 : i32
      %dma_start3A_488 = tpu.memref_slice %arg14[%add3A_480, %dma_start3A_487] : memref<128x64xf32, #tpu.memory_space<vmem>> -> memref<1x64xf32, #tpu.memory_space<vmem>>
      %dma_start3A_489 = tpu.memref_squeeze %dma_start3A_488 : memref<1x64xf32, #tpu.memory_space<vmem>> -> memref<64xf32, #tpu.memory_space<vmem>>
      %dma_start3A_490 = arith.constant 0 : i32
      %dma_start3A_491 = tpu.memref_slice %arg4[%squeeze3A_478, %dma_start3A_490] : memref<100000x64xf32, #tpu.memory_space<hbm>> -> memref<1x64xf32, #tpu.memory_space<hbm>>
      %dma_start3A_492 = tpu.memref_squeeze %dma_start3A_491 : memref<1x64xf32, #tpu.memory_space<hbm>> -> memref<64xf32, #tpu.memory_space<hbm>>
      tpu.enqueue_dma source(%dma_start3A_492 : memref<64xf32, #tpu.memory_space<hbm>>) target(%dma_start3A_489 : memref<64xf32, #tpu.memory_space<vmem>>) target_semaphore(%arg21 : memref<!tpu.dma_semaphore, #tpu.memory_space<semaphore_mem>>)
      %slice3A_493 = vector.extract_strided_slice %get3A_318 {offsets = [5], sizes = [1], strides = [1]} : vector<16xi32> to vector<1xi32>
      %squeeze3A_494 = vector.extract %slice3A_493[0] : i32 from vector<1xi32>
      %add3A_495 = arith.constant 5 : i32
      %add3A_496 = arith.addi %mul3A_309, %add3A_495 : i32
      %dma_start3A_497 = arith.constant 0 : i32
      %dma_start3A_498 = tpu.memref_slice %arg16[%add3A_496, %dma_start3A_497] : memref<128x64xf32, #tpu.memory_space<vmem>> -> memref<1x64xf32, #tpu.memory_space<vmem>>
      %dma_start3A_499 = tpu.memref_squeeze %dma_start3A_498 : memref<1x64xf32, #tpu.memory_space<vmem>> -> memref<64xf32, #tpu.memory_space<vmem>>
      %dma_start3A_500 = arith.constant 0 : i32
      %dma_start3A_501 = tpu.memref_slice %arg5[%squeeze3A_494, %dma_start3A_500] : memref<100000x64xf32, #tpu.memory_space<hbm>> -> memref<1x64xf32, #tpu.memory_space<hbm>>
      %dma_start3A_502 = tpu.memref_squeeze %dma_start3A_501 : memref<1x64xf32, #tpu.memory_space<hbm>> -> memref<64xf32, #tpu.memory_space<hbm>>
      %dma_start3A_503 = arith.constant 0 : i32
      %dma_start3A_504 = tpu.memref_slice %arg16[%add3A_496, %dma_start3A_503] : memref<128x64xf32, #tpu.memory_space<vmem>> -> memref<1x64xf32, #tpu.memory_space<vmem>>
      %dma_start3A_505 = tpu.memref_squeeze %dma_start3A_504 : memref<1x64xf32, #tpu.memory_space<vmem>> -> memref<64xf32, #tpu.memory_space<vmem>>
      %dma_start3A_506 = arith.constant 0 : i32
      %dma_start3A_507 = tpu.memref_slice %arg5[%squeeze3A_494, %dma_start3A_506] : memref<100000x64xf32, #tpu.memory_space<hbm>> -> memref<1x64xf32, #tpu.memory_space<hbm>>
      %dma_start3A_508 = tpu.memref_squeeze %dma_start3A_507 : memref<1x64xf32, #tpu.memory_space<hbm>> -> memref<64xf32, #tpu.memory_space<hbm>>
      tpu.enqueue_dma source(%dma_start3A_508 : memref<64xf32, #tpu.memory_space<hbm>>) target(%dma_start3A_505 : memref<64xf32, #tpu.memory_space<vmem>>) target_semaphore(%arg23 : memref<!tpu.dma_semaphore, #tpu.memory_space<semaphore_mem>>)
      %slice3A_509 = vector.extract_strided_slice %get3A_313 {offsets = [6], sizes = [1], strides = [1]} : vector<16xi32> to vector<1xi32>
      %squeeze3A_510 = vector.extract %slice3A_509[0] : i32 from vector<1xi32>
      %add3A_511 = arith.constant 6 : i32
      %add3A_512 = arith.addi %mul3A_309, %add3A_511 : i32
      %dma_start3A_513 = arith.constant 0 : i32
      %dma_start3A_514 = tpu.memref_slice %arg14[%add3A_512, %dma_start3A_513] : memref<128x64xf32, #tpu.memory_space<vmem>> -> memref<1x64xf32, #tpu.memory_space<vmem>>
      %dma_start3A_515 = tpu.memref_squeeze %dma_start3A_514 : memref<1x64xf32, #tpu.memory_space<vmem>> -> memref<64xf32, #tpu.memory_space<vmem>>
      %dma_start3A_516 = arith.constant 0 : i32
      %dma_start3A_517 = tpu.memref_slice %arg4[%squeeze3A_510, %dma_start3A_516] : memref<100000x64xf32, #tpu.memory_space<hbm>> -> memref<1x64xf32, #tpu.memory_space<hbm>>
      %dma_start3A_518 = tpu.memref_squeeze %dma_start3A_517 : memref<1x64xf32, #tpu.memory_space<hbm>> -> memref<64xf32, #tpu.memory_space<hbm>>
      %dma_start3A_519 = arith.constant 0 : i32
      %dma_start3A_520 = tpu.memref_slice %arg14[%add3A_512, %dma_start3A_519] : memref<128x64xf32, #tpu.memory_space<vmem>> -> memref<1x64xf32, #tpu.memory_space<vmem>>
      %dma_start3A_521 = tpu.memref_squeeze %dma_start3A_520 : memref<1x64xf32, #tpu.memory_space<vmem>> -> memref<64xf32, #tpu.memory_space<vmem>>
      %dma_start3A_522 = arith.constant 0 : i32
      %dma_start3A_523 = tpu.memref_slice %arg4[%squeeze3A_510, %dma_start3A_522] : memref<100000x64xf32, #tpu.memory_space<hbm>> -> memref<1x64xf32, #tpu.memory_space<hbm>>
      %dma_start3A_524 = tpu.memref_squeeze %dma_start3A_523 : memref<1x64xf32, #tpu.memory_space<hbm>> -> memref<64xf32, #tpu.memory_space<hbm>>
      tpu.enqueue_dma source(%dma_start3A_524 : memref<64xf32, #tpu.memory_space<hbm>>) target(%dma_start3A_521 : memref<64xf32, #tpu.memory_space<vmem>>) target_semaphore(%arg21 : memref<!tpu.dma_semaphore, #tpu.memory_space<semaphore_mem>>)
      %slice3A_525 = vector.extract_strided_slice %get3A_318 {offsets = [6], sizes = [1], strides = [1]} : vector<16xi32> to vector<1xi32>
      %squeeze3A_526 = vector.extract %slice3A_525[0] : i32 from vector<1xi32>
      %add3A_527 = arith.constant 6 : i32
      %add3A_528 = arith.addi %mul3A_309, %add3A_527 : i32
      %dma_start3A_529 = arith.constant 0 : i32
      %dma_start3A_530 = tpu.memref_slice %arg16[%add3A_528, %dma_start3A_529] : memref<128x64xf32, #tpu.memory_space<vmem>> -> memref<1x64xf32, #tpu.memory_space<vmem>>
      %dma_start3A_531 = tpu.memref_squeeze %dma_start3A_530 : memref<1x64xf32, #tpu.memory_space<vmem>> -> memref<64xf32, #tpu.memory_space<vmem>>
      %dma_start3A_532 = arith.constant 0 : i32
      %dma_start3A_533 = tpu.memref_slice %arg5[%squeeze3A_526, %dma_start3A_532] : memref<100000x64xf32, #tpu.memory_space<hbm>> -> memref<1x64xf32, #tpu.memory_space<hbm>>
      %dma_start3A_534 = tpu.memref_squeeze %dma_start3A_533 : memref<1x64xf32, #tpu.memory_space<hbm>> -> memref<64xf32, #tpu.memory_space<hbm>>
      %dma_start3A_535 = arith.constant 0 : i32
      %dma_start3A_536 = tpu.memref_slice %arg16[%add3A_528, %dma_start3A_535] : memref<128x64xf32, #tpu.memory_space<vmem>> -> memref<1x64xf32, #tpu.memory_space<vmem>>
      %dma_start3A_537 = tpu.memref_squeeze %dma_start3A_536 : memref<1x64xf32, #tpu.memory_space<vmem>> -> memref<64xf32, #tpu.memory_space<vmem>>
      %dma_start3A_538 = arith.constant 0 : i32
      %dma_start3A_539 = tpu.memref_slice %arg5[%squeeze3A_526, %dma_start3A_538] : memref<100000x64xf32, #tpu.memory_space<hbm>> -> memref<1x64xf32, #tpu.memory_space<hbm>>
      %dma_start3A_540 = tpu.memref_squeeze %dma_start3A_539 : memref<1x64xf32, #tpu.memory_space<hbm>> -> memref<64xf32, #tpu.memory_space<hbm>>
      tpu.enqueue_dma source(%dma_start3A_540 : memref<64xf32, #tpu.memory_space<hbm>>) target(%dma_start3A_537 : memref<64xf32, #tpu.memory_space<vmem>>) target_semaphore(%arg23 : memref<!tpu.dma_semaphore, #tpu.memory_space<semaphore_mem>>)
      %slice3A_541 = vector.extract_strided_slice %get3A_313 {offsets = [7], sizes = [1], strides = [1]} : vector<16xi32> to vector<1xi32>
      %squeeze3A_542 = vector.extract %slice3A_541[0] : i32 from vector<1xi32>
      %add3A_543 = arith.constant 7 : i32
      %add3A_544 = arith.addi %mul3A_309, %add3A_543 : i32
      %dma_start3A_545 = arith.constant 0 : i32
      %dma_start3A_546 = tpu.memref_slice %arg14[%add3A_544, %dma_start3A_545] : memref<128x64xf32, #tpu.memory_space<vmem>> -> memref<1x64xf32, #tpu.memory_space<vmem>>
      %dma_start3A_547 = tpu.memref_squeeze %dma_start3A_546 : memref<1x64xf32, #tpu.memory_space<vmem>> -> memref<64xf32, #tpu.memory_space<vmem>>
      %dma_start3A_548 = arith.constant 0 : i32
      %dma_start3A_549 = tpu.memref_slice %arg4[%squeeze3A_542, %dma_start3A_548] : memref<100000x64xf32, #tpu.memory_space<hbm>> -> memref<1x64xf32, #tpu.memory_space<hbm>>
      %dma_start3A_550 = tpu.memref_squeeze %dma_start3A_549 : memref<1x64xf32, #tpu.memory_space<hbm>> -> memref<64xf32, #tpu.memory_space<hbm>>
      %dma_start3A_551 = arith.constant 0 : i32
      %dma_start3A_552 = tpu.memref_slice %arg14[%add3A_544, %dma_start3A_551] : memref<128x64xf32, #tpu.memory_space<vmem>> -> memref<1x64xf32, #tpu.memory_space<vmem>>
      %dma_start3A_553 = tpu.memref_squeeze %dma_start3A_552 : memref<1x64xf32, #tpu.memory_space<vmem>> -> memref<64xf32, #tpu.memory_space<vmem>>
      %dma_start3A_554 = arith.constant 0 : i32
      %dma_start3A_555 = tpu.memref_slice %arg4[%squeeze3A_542, %dma_start3A_554] : memref<100000x64xf32, #tpu.memory_space<hbm>> -> memref<1x64xf32, #tpu.memory_space<hbm>>
      %dma_start3A_556 = tpu.memref_squeeze %dma_start3A_555 : memref<1x64xf32, #tpu.memory_space<hbm>> -> memref<64xf32, #tpu.memory_space<hbm>>
      tpu.enqueue_dma source(%dma_start3A_556 : memref<64xf32, #tpu.memory_space<hbm>>) target(%dma_start3A_553 : memref<64xf32, #tpu.memory_space<vmem>>) target_semaphore(%arg21 : memref<!tpu.dma_semaphore, #tpu.memory_space<semaphore_mem>>)
      %slice3A_557 = vector.extract_strided_slice %get3A_318 {offsets = [7], sizes = [1], strides = [1]} : vector<16xi32> to vector<1xi32>
      %squeeze3A_558 = vector.extract %slice3A_557[0] : i32 from vector<1xi32>
      %add3A_559 = arith.constant 7 : i32
      %add3A_560 = arith.addi %mul3A_309, %add3A_559 : i32
      %dma_start3A_561 = arith.constant 0 : i32
      %dma_start3A_562 = tpu.memref_slice %arg16[%add3A_560, %dma_start3A_561] : memref<128x64xf32, #tpu.memory_space<vmem>> -> memref<1x64xf32, #tpu.memory_space<vmem>>
      %dma_start3A_563 = tpu.memref_squeeze %dma_start3A_562 : memref<1x64xf32, #tpu.memory_space<vmem>> -> memref<64xf32, #tpu.memory_space<vmem>>
      %dma_start3A_564 = arith.constant 0 : i32
      %dma_start3A_565 = tpu.memref_slice %arg5[%squeeze3A_558, %dma_start3A_564] : memref<100000x64xf32, #tpu.memory_space<hbm>> -> memref<1x64xf32, #tpu.memory_space<hbm>>
      %dma_start3A_566 = tpu.memref_squeeze %dma_start3A_565 : memref<1x64xf32, #tpu.memory_space<hbm>> -> memref<64xf32, #tpu.memory_space<hbm>>
      %dma_start3A_567 = arith.constant 0 : i32
      %dma_start3A_568 = tpu.memref_slice %arg16[%add3A_560, %dma_start3A_567] : memref<128x64xf32, #tpu.memory_space<vmem>> -> memref<1x64xf32, #tpu.memory_space<vmem>>
      %dma_start3A_569 = tpu.memref_squeeze %dma_start3A_568 : memref<1x64xf32, #tpu.memory_space<vmem>> -> memref<64xf32, #tpu.memory_space<vmem>>
      %dma_start3A_570 = arith.constant 0 : i32
      %dma_start3A_571 = tpu.memref_slice %arg5[%squeeze3A_558, %dma_start3A_570] : memref<100000x64xf32, #tpu.memory_space<hbm>> -> memref<1x64xf32, #tpu.memory_space<hbm>>
      %dma_start3A_572 = tpu.memref_squeeze %dma_start3A_571 : memref<1x64xf32, #tpu.memory_space<hbm>> -> memref<64xf32, #tpu.memory_space<hbm>>
      tpu.enqueue_dma source(%dma_start3A_572 : memref<64xf32, #tpu.memory_space<hbm>>) target(%dma_start3A_569 : memref<64xf32, #tpu.memory_space<vmem>>) target_semaphore(%arg23 : memref<!tpu.dma_semaphore, #tpu.memory_space<semaphore_mem>>)
      %slice3A_573 = vector.extract_strided_slice %get3A_313 {offsets = [8], sizes = [1], strides = [1]} : vector<16xi32> to vector<1xi32>
      %squeeze3A_574 = vector.extract %slice3A_573[0] : i32 from vector<1xi32>
      %add3A_575 = arith.constant 8 : i32
      %add3A_576 = arith.addi %mul3A_309, %add3A_575 : i32
      %dma_start3A_577 = arith.constant 0 : i32
      %dma_start3A_578 = tpu.memref_slice %arg14[%add3A_576, %dma_start3A_577] : memref<128x64xf32, #tpu.memory_space<vmem>> -> memref<1x64xf32, #tpu.memory_space<vmem>>
      %dma_start3A_579 = tpu.memref_squeeze %dma_start3A_578 : memref<1x64xf32, #tpu.memory_space<vmem>> -> memref<64xf32, #tpu.memory_space<vmem>>
      %dma_start3A_580 = arith.constant 0 : i32
      %dma_start3A_581 = tpu.memref_slice %arg4[%squeeze3A_574, %dma_start3A_580] : memref<100000x64xf32, #tpu.memory_space<hbm>> -> memref<1x64xf32, #tpu.memory_space<hbm>>
      %dma_start3A_582 = tpu.memref_squeeze %dma_start3A_581 : memref<1x64xf32, #tpu.memory_space<hbm>> -> memref<64xf32, #tpu.memory_space<hbm>>
      %dma_start3A_583 = arith.constant 0 : i32
      %dma_start3A_584 = tpu.memref_slice %arg14[%add3A_576, %dma_start3A_583] : memref<128x64xf32, #tpu.memory_space<vmem>> -> memref<1x64xf32, #tpu.memory_space<vmem>>
      %dma_start3A_585 = tpu.memref_squeeze %dma_start3A_584 : memref<1x64xf32, #tpu.memory_space<vmem>> -> memref<64xf32, #tpu.memory_space<vmem>>
      %dma_start3A_586 = arith.constant 0 : i32
      %dma_start3A_587 = tpu.memref_slice %arg4[%squeeze3A_574, %dma_start3A_586] : memref<100000x64xf32, #tpu.memory_space<hbm>> -> memref<1x64xf32, #tpu.memory_space<hbm>>
      %dma_start3A_588 = tpu.memref_squeeze %dma_start3A_587 : memref<1x64xf32, #tpu.memory_space<hbm>> -> memref<64xf32, #tpu.memory_space<hbm>>
      tpu.enqueue_dma source(%dma_start3A_588 : memref<64xf32, #tpu.memory_space<hbm>>) target(%dma_start3A_585 : memref<64xf32, #tpu.memory_space<vmem>>) target_semaphore(%arg21 : memref<!tpu.dma_semaphore, #tpu.memory_space<semaphore_mem>>)
      %slice3A_589 = vector.extract_strided_slice %get3A_318 {offsets = [8], sizes = [1], strides = [1]} : vector<16xi32> to vector<1xi32>
      %squeeze3A_590 = vector.extract %slice3A_589[0] : i32 from vector<1xi32>
      %add3A_591 = arith.constant 8 : i32
      %add3A_592 = arith.addi %mul3A_309, %add3A_591 : i32
      %dma_start3A_593 = arith.constant 0 : i32
      %dma_start3A_594 = tpu.memref_slice %arg16[%add3A_592, %dma_start3A_593] : memref<128x64xf32, #tpu.memory_space<vmem>> -> memref<1x64xf32, #tpu.memory_space<vmem>>
      %dma_start3A_595 = tpu.memref_squeeze %dma_start3A_594 : memref<1x64xf32, #tpu.memory_space<vmem>> -> memref<64xf32, #tpu.memory_space<vmem>>
      %dma_start3A_596 = arith.constant 0 : i32
      %dma_start3A_597 = tpu.memref_slice %arg5[%squeeze3A_590, %dma_start3A_596] : memref<100000x64xf32, #tpu.memory_space<hbm>> -> memref<1x64xf32, #tpu.memory_space<hbm>>
      %dma_start3A_598 = tpu.memref_squeeze %dma_start3A_597 : memref<1x64xf32, #tpu.memory_space<hbm>> -> memref<64xf32, #tpu.memory_space<hbm>>
      %dma_start3A_599 = arith.constant 0 : i32
      %dma_start3A_600 = tpu.memref_slice %arg16[%add3A_592, %dma_start3A_599] : memref<128x64xf32, #tpu.memory_space<vmem>> -> memref<1x64xf32, #tpu.memory_space<vmem>>
      %dma_start3A_601 = tpu.memref_squeeze %dma_start3A_600 : memref<1x64xf32, #tpu.memory_space<vmem>> -> memref<64xf32, #tpu.memory_space<vmem>>
      %dma_start3A_602 = arith.constant 0 : i32
      %dma_start3A_603 = tpu.memref_slice %arg5[%squeeze3A_590, %dma_start3A_602] : memref<100000x64xf32, #tpu.memory_space<hbm>> -> memref<1x64xf32, #tpu.memory_space<hbm>>
      %dma_start3A_604 = tpu.memref_squeeze %dma_start3A_603 : memref<1x64xf32, #tpu.memory_space<hbm>> -> memref<64xf32, #tpu.memory_space<hbm>>
      tpu.enqueue_dma source(%dma_start3A_604 : memref<64xf32, #tpu.memory_space<hbm>>) target(%dma_start3A_601 : memref<64xf32, #tpu.memory_space<vmem>>) target_semaphore(%arg23 : memref<!tpu.dma_semaphore, #tpu.memory_space<semaphore_mem>>)
      %slice3A_605 = vector.extract_strided_slice %get3A_313 {offsets = [9], sizes = [1], strides = [1]} : vector<16xi32> to vector<1xi32>
      %squeeze3A_606 = vector.extract %slice3A_605[0] : i32 from vector<1xi32>
      %add3A_607 = arith.constant 9 : i32
      %add3A_608 = arith.addi %mul3A_309, %add3A_607 : i32
      %dma_start3A_609 = arith.constant 0 : i32
      %dma_start3A_610 = tpu.memref_slice %arg14[%add3A_608, %dma_start3A_609] : memref<128x64xf32, #tpu.memory_space<vmem>> -> memref<1x64xf32, #tpu.memory_space<vmem>>
      %dma_start3A_611 = tpu.memref_squeeze %dma_start3A_610 : memref<1x64xf32, #tpu.memory_space<vmem>> -> memref<64xf32, #tpu.memory_space<vmem>>
      %dma_start3A_612 = arith.constant 0 : i32
      %dma_start3A_613 = tpu.memref_slice %arg4[%squeeze3A_606, %dma_start3A_612] : memref<100000x64xf32, #tpu.memory_space<hbm>> -> memref<1x64xf32, #tpu.memory_space<hbm>>
      %dma_start3A_614 = tpu.memref_squeeze %dma_start3A_613 : memref<1x64xf32, #tpu.memory_space<hbm>> -> memref<64xf32, #tpu.memory_space<hbm>>
      %dma_start3A_615 = arith.constant 0 : i32
      %dma_start3A_616 = tpu.memref_slice %arg14[%add3A_608, %dma_start3A_615] : memref<128x64xf32, #tpu.memory_space<vmem>> -> memref<1x64xf32, #tpu.memory_space<vmem>>
      %dma_start3A_617 = tpu.memref_squeeze %dma_start3A_616 : memref<1x64xf32, #tpu.memory_space<vmem>> -> memref<64xf32, #tpu.memory_space<vmem>>
      %dma_start3A_618 = arith.constant 0 : i32
      %dma_start3A_619 = tpu.memref_slice %arg4[%squeeze3A_606, %dma_start3A_618] : memref<100000x64xf32, #tpu.memory_space<hbm>> -> memref<1x64xf32, #tpu.memory_space<hbm>>
      %dma_start3A_620 = tpu.memref_squeeze %dma_start3A_619 : memref<1x64xf32, #tpu.memory_space<hbm>> -> memref<64xf32, #tpu.memory_space<hbm>>
      tpu.enqueue_dma source(%dma_start3A_620 : memref<64xf32, #tpu.memory_space<hbm>>) target(%dma_start3A_617 : memref<64xf32, #tpu.memory_space<vmem>>) target_semaphore(%arg21 : memref<!tpu.dma_semaphore, #tpu.memory_space<semaphore_mem>>)
      %slice3A_621 = vector.extract_strided_slice %get3A_318 {offsets = [9], sizes = [1], strides = [1]} : vector<16xi32> to vector<1xi32>
      %squeeze3A_622 = vector.extract %slice3A_621[0] : i32 from vector<1xi32>
      %add3A_623 = arith.constant 9 : i32
      %add3A_624 = arith.addi %mul3A_309, %add3A_623 : i32
      %dma_start3A_625 = arith.constant 0 : i32
      %dma_start3A_626 = tpu.memref_slice %arg16[%add3A_624, %dma_start3A_625] : memref<128x64xf32, #tpu.memory_space<vmem>> -> memref<1x64xf32, #tpu.memory_space<vmem>>
      %dma_start3A_627 = tpu.memref_squeeze %dma_start3A_626 : memref<1x64xf32, #tpu.memory_space<vmem>> -> memref<64xf32, #tpu.memory_space<vmem>>
      %dma_start3A_628 = arith.constant 0 : i32
      %dma_start3A_629 = tpu.memref_slice %arg5[%squeeze3A_622, %dma_start3A_628] : memref<100000x64xf32, #tpu.memory_space<hbm>> -> memref<1x64xf32, #tpu.memory_space<hbm>>
      %dma_start3A_630 = tpu.memref_squeeze %dma_start3A_629 : memref<1x64xf32, #tpu.memory_space<hbm>> -> memref<64xf32, #tpu.memory_space<hbm>>
      %dma_start3A_631 = arith.constant 0 : i32
      %dma_start3A_632 = tpu.memref_slice %arg16[%add3A_624, %dma_start3A_631] : memref<128x64xf32, #tpu.memory_space<vmem>> -> memref<1x64xf32, #tpu.memory_space<vmem>>
      %dma_start3A_633 = tpu.memref_squeeze %dma_start3A_632 : memref<1x64xf32, #tpu.memory_space<vmem>> -> memref<64xf32, #tpu.memory_space<vmem>>
      %dma_start3A_634 = arith.constant 0 : i32
      %dma_start3A_635 = tpu.memref_slice %arg5[%squeeze3A_622, %dma_start3A_634] : memref<100000x64xf32, #tpu.memory_space<hbm>> -> memref<1x64xf32, #tpu.memory_space<hbm>>
      %dma_start3A_636 = tpu.memref_squeeze %dma_start3A_635 : memref<1x64xf32, #tpu.memory_space<hbm>> -> memref<64xf32, #tpu.memory_space<hbm>>
      tpu.enqueue_dma source(%dma_start3A_636 : memref<64xf32, #tpu.memory_space<hbm>>) target(%dma_start3A_633 : memref<64xf32, #tpu.memory_space<vmem>>) target_semaphore(%arg23 : memref<!tpu.dma_semaphore, #tpu.memory_space<semaphore_mem>>)
      %slice3A_637 = vector.extract_strided_slice %get3A_313 {offsets = [10], sizes = [1], strides = [1]} : vector<16xi32> to vector<1xi32>
      %squeeze3A_638 = vector.extract %slice3A_637[0] : i32 from vector<1xi32>
      %add3A_639 = arith.constant 10 : i32
      %add3A_640 = arith.addi %mul3A_309, %add3A_639 : i32
      %dma_start3A_641 = arith.constant 0 : i32
      %dma_start3A_642 = tpu.memref_slice %arg14[%add3A_640, %dma_start3A_641] : memref<128x64xf32, #tpu.memory_space<vmem>> -> memref<1x64xf32, #tpu.memory_space<vmem>>
      %dma_start3A_643 = tpu.memref_squeeze %dma_start3A_642 : memref<1x64xf32, #tpu.memory_space<vmem>> -> memref<64xf32, #tpu.memory_space<vmem>>
      %dma_start3A_644 = arith.constant 0 : i32
      %dma_start3A_645 = tpu.memref_slice %arg4[%squeeze3A_638, %dma_start3A_644] : memref<100000x64xf32, #tpu.memory_space<hbm>> -> memref<1x64xf32, #tpu.memory_space<hbm>>
      %dma_start3A_646 = tpu.memref_squeeze %dma_start3A_645 : memref<1x64xf32, #tpu.memory_space<hbm>> -> memref<64xf32, #tpu.memory_space<hbm>>
      %dma_start3A_647 = arith.constant 0 : i32
      %dma_start3A_648 = tpu.memref_slice %arg14[%add3A_640, %dma_start3A_647] : memref<128x64xf32, #tpu.memory_space<vmem>> -> memref<1x64xf32, #tpu.memory_space<vmem>>
      %dma_start3A_649 = tpu.memref_squeeze %dma_start3A_648 : memref<1x64xf32, #tpu.memory_space<vmem>> -> memref<64xf32, #tpu.memory_space<vmem>>
      %dma_start3A_650 = arith.constant 0 : i32
      %dma_start3A_651 = tpu.memref_slice %arg4[%squeeze3A_638, %dma_start3A_650] : memref<100000x64xf32, #tpu.memory_space<hbm>> -> memref<1x64xf32, #tpu.memory_space<hbm>>
      %dma_start3A_652 = tpu.memref_squeeze %dma_start3A_651 : memref<1x64xf32, #tpu.memory_space<hbm>> -> memref<64xf32, #tpu.memory_space<hbm>>
      tpu.enqueue_dma source(%dma_start3A_652 : memref<64xf32, #tpu.memory_space<hbm>>) target(%dma_start3A_649 : memref<64xf32, #tpu.memory_space<vmem>>) target_semaphore(%arg21 : memref<!tpu.dma_semaphore, #tpu.memory_space<semaphore_mem>>)
      %slice3A_653 = vector.extract_strided_slice %get3A_318 {offsets = [10], sizes = [1], strides = [1]} : vector<16xi32> to vector<1xi32>
      %squeeze3A_654 = vector.extract %slice3A_653[0] : i32 from vector<1xi32>
      %add3A_655 = arith.constant 10 : i32
      %add3A_656 = arith.addi %mul3A_309, %add3A_655 : i32
      %dma_start3A_657 = arith.constant 0 : i32
      %dma_start3A_658 = tpu.memref_slice %arg16[%add3A_656, %dma_start3A_657] : memref<128x64xf32, #tpu.memory_space<vmem>> -> memref<1x64xf32, #tpu.memory_space<vmem>>
      %dma_start3A_659 = tpu.memref_squeeze %dma_start3A_658 : memref<1x64xf32, #tpu.memory_space<vmem>> -> memref<64xf32, #tpu.memory_space<vmem>>
      %dma_start3A_660 = arith.constant 0 : i32
      %dma_start3A_661 = tpu.memref_slice %arg5[%squeeze3A_654, %dma_start3A_660] : memref<100000x64xf32, #tpu.memory_space<hbm>> -> memref<1x64xf32, #tpu.memory_space<hbm>>
      %dma_start3A_662 = tpu.memref_squeeze %dma_start3A_661 : memref<1x64xf32, #tpu.memory_space<hbm>> -> memref<64xf32, #tpu.memory_space<hbm>>
      %dma_start3A_663 = arith.constant 0 : i32
      %dma_start3A_664 = tpu.memref_slice %arg16[%add3A_656, %dma_start3A_663] : memref<128x64xf32, #tpu.memory_space<vmem>> -> memref<1x64xf32, #tpu.memory_space<vmem>>
      %dma_start3A_665 = tpu.memref_squeeze %dma_start3A_664 : memref<1x64xf32, #tpu.memory_space<vmem>> -> memref<64xf32, #tpu.memory_space<vmem>>
      %dma_start3A_666 = arith.constant 0 : i32
      %dma_start3A_667 = tpu.memref_slice %arg5[%squeeze3A_654, %dma_start3A_666] : memref<100000x64xf32, #tpu.memory_space<hbm>> -> memref<1x64xf32, #tpu.memory_space<hbm>>
      %dma_start3A_668 = tpu.memref_squeeze %dma_start3A_667 : memref<1x64xf32, #tpu.memory_space<hbm>> -> memref<64xf32, #tpu.memory_space<hbm>>
      tpu.enqueue_dma source(%dma_start3A_668 : memref<64xf32, #tpu.memory_space<hbm>>) target(%dma_start3A_665 : memref<64xf32, #tpu.memory_space<vmem>>) target_semaphore(%arg23 : memref<!tpu.dma_semaphore, #tpu.memory_space<semaphore_mem>>)
      %slice3A_669 = vector.extract_strided_slice %get3A_313 {offsets = [11], sizes = [1], strides = [1]} : vector<16xi32> to vector<1xi32>
      %squeeze3A_670 = vector.extract %slice3A_669[0] : i32 from vector<1xi32>
      %add3A_671 = arith.constant 11 : i32
      %add3A_672 = arith.addi %mul3A_309, %add3A_671 : i32
      %dma_start3A_673 = arith.constant 0 : i32
      %dma_start3A_674 = tpu.memref_slice %arg14[%add3A_672, %dma_start3A_673] : memref<128x64xf32, #tpu.memory_space<vmem>> -> memref<1x64xf32, #tpu.memory_space<vmem>>
      %dma_start3A_675 = tpu.memref_squeeze %dma_start3A_674 : memref<1x64xf32, #tpu.memory_space<vmem>> -> memref<64xf32, #tpu.memory_space<vmem>>
      %dma_start3A_676 = arith.constant 0 : i32
      %dma_start3A_677 = tpu.memref_slice %arg4[%squeeze3A_670, %dma_start3A_676] : memref<100000x64xf32, #tpu.memory_space<hbm>> -> memref<1x64xf32, #tpu.memory_space<hbm>>
      %dma_start3A_678 = tpu.memref_squeeze %dma_start3A_677 : memref<1x64xf32, #tpu.memory_space<hbm>> -> memref<64xf32, #tpu.memory_space<hbm>>
      %dma_start3A_679 = arith.constant 0 : i32
      %dma_start3A_680 = tpu.memref_slice %arg14[%add3A_672, %dma_start3A_679] : memref<128x64xf32, #tpu.memory_space<vmem>> -> memref<1x64xf32, #tpu.memory_space<vmem>>
      %dma_start3A_681 = tpu.memref_squeeze %dma_start3A_680 : memref<1x64xf32, #tpu.memory_space<vmem>> -> memref<64xf32, #tpu.memory_space<vmem>>
      %dma_start3A_682 = arith.constant 0 : i32
      %dma_start3A_683 = tpu.memref_slice %arg4[%squeeze3A_670, %dma_start3A_682] : memref<100000x64xf32, #tpu.memory_space<hbm>> -> memref<1x64xf32, #tpu.memory_space<hbm>>
      %dma_start3A_684 = tpu.memref_squeeze %dma_start3A_683 : memref<1x64xf32, #tpu.memory_space<hbm>> -> memref<64xf32, #tpu.memory_space<hbm>>
      tpu.enqueue_dma source(%dma_start3A_684 : memref<64xf32, #tpu.memory_space<hbm>>) target(%dma_start3A_681 : memref<64xf32, #tpu.memory_space<vmem>>) target_semaphore(%arg21 : memref<!tpu.dma_semaphore, #tpu.memory_space<semaphore_mem>>)
      %slice3A_685 = vector.extract_strided_slice %get3A_318 {offsets = [11], sizes = [1], strides = [1]} : vector<16xi32> to vector<1xi32>
      %squeeze3A_686 = vector.extract %slice3A_685[0] : i32 from vector<1xi32>
      %add3A_687 = arith.constant 11 : i32
      %add3A_688 = arith.addi %mul3A_309, %add3A_687 : i32
      %dma_start3A_689 = arith.constant 0 : i32
      %dma_start3A_690 = tpu.memref_slice %arg16[%add3A_688, %dma_start3A_689] : memref<128x64xf32, #tpu.memory_space<vmem>> -> memref<1x64xf32, #tpu.memory_space<vmem>>
      %dma_start3A_691 = tpu.memref_squeeze %dma_start3A_690 : memref<1x64xf32, #tpu.memory_space<vmem>> -> memref<64xf32, #tpu.memory_space<vmem>>
      %dma_start3A_692 = arith.constant 0 : i32
      %dma_start3A_693 = tpu.memref_slice %arg5[%squeeze3A_686, %dma_start3A_692] : memref<100000x64xf32, #tpu.memory_space<hbm>> -> memref<1x64xf32, #tpu.memory_space<hbm>>
      %dma_start3A_694 = tpu.memref_squeeze %dma_start3A_693 : memref<1x64xf32, #tpu.memory_space<hbm>> -> memref<64xf32, #tpu.memory_space<hbm>>
      %dma_start3A_695 = arith.constant 0 : i32
      %dma_start3A_696 = tpu.memref_slice %arg16[%add3A_688, %dma_start3A_695] : memref<128x64xf32, #tpu.memory_space<vmem>> -> memref<1x64xf32, #tpu.memory_space<vmem>>
      %dma_start3A_697 = tpu.memref_squeeze %dma_start3A_696 : memref<1x64xf32, #tpu.memory_space<vmem>> -> memref<64xf32, #tpu.memory_space<vmem>>
      %dma_start3A_698 = arith.constant 0 : i32
      %dma_start3A_699 = tpu.memref_slice %arg5[%squeeze3A_686, %dma_start3A_698] : memref<100000x64xf32, #tpu.memory_space<hbm>> -> memref<1x64xf32, #tpu.memory_space<hbm>>
      %dma_start3A_700 = tpu.memref_squeeze %dma_start3A_699 : memref<1x64xf32, #tpu.memory_space<hbm>> -> memref<64xf32, #tpu.memory_space<hbm>>
      tpu.enqueue_dma source(%dma_start3A_700 : memref<64xf32, #tpu.memory_space<hbm>>) target(%dma_start3A_697 : memref<64xf32, #tpu.memory_space<vmem>>) target_semaphore(%arg23 : memref<!tpu.dma_semaphore, #tpu.memory_space<semaphore_mem>>)
      %slice3A_701 = vector.extract_strided_slice %get3A_313 {offsets = [12], sizes = [1], strides = [1]} : vector<16xi32> to vector<1xi32>
      %squeeze3A_702 = vector.extract %slice3A_701[0] : i32 from vector<1xi32>
      %add3A_703 = arith.constant 12 : i32
      %add3A_704 = arith.addi %mul3A_309, %add3A_703 : i32
      %dma_start3A_705 = arith.constant 0 : i32
      %dma_start3A_706 = tpu.memref_slice %arg14[%add3A_704, %dma_start3A_705] : memref<128x64xf32, #tpu.memory_space<vmem>> -> memref<1x64xf32, #tpu.memory_space<vmem>>
      %dma_start3A_707 = tpu.memref_squeeze %dma_start3A_706 : memref<1x64xf32, #tpu.memory_space<vmem>> -> memref<64xf32, #tpu.memory_space<vmem>>
      %dma_start3A_708 = arith.constant 0 : i32
      %dma_start3A_709 = tpu.memref_slice %arg4[%squeeze3A_702, %dma_start3A_708] : memref<100000x64xf32, #tpu.memory_space<hbm>> -> memref<1x64xf32, #tpu.memory_space<hbm>>
      %dma_start3A_710 = tpu.memref_squeeze %dma_start3A_709 : memref<1x64xf32, #tpu.memory_space<hbm>> -> memref<64xf32, #tpu.memory_space<hbm>>
      %dma_start3A_711 = arith.constant 0 : i32
      %dma_start3A_712 = tpu.memref_slice %arg14[%add3A_704, %dma_start3A_711] : memref<128x64xf32, #tpu.memory_space<vmem>> -> memref<1x64xf32, #tpu.memory_space<vmem>>
      %dma_start3A_713 = tpu.memref_squeeze %dma_start3A_712 : memref<1x64xf32, #tpu.memory_space<vmem>> -> memref<64xf32, #tpu.memory_space<vmem>>
      %dma_start3A_714 = arith.constant 0 : i32
      %dma_start3A_715 = tpu.memref_slice %arg4[%squeeze3A_702, %dma_start3A_714] : memref<100000x64xf32, #tpu.memory_space<hbm>> -> memref<1x64xf32, #tpu.memory_space<hbm>>
      %dma_start3A_716 = tpu.memref_squeeze %dma_start3A_715 : memref<1x64xf32, #tpu.memory_space<hbm>> -> memref<64xf32, #tpu.memory_space<hbm>>
      tpu.enqueue_dma source(%dma_start3A_716 : memref<64xf32, #tpu.memory_space<hbm>>) target(%dma_start3A_713 : memref<64xf32, #tpu.memory_space<vmem>>) target_semaphore(%arg21 : memref<!tpu.dma_semaphore, #tpu.memory_space<semaphore_mem>>)
      %slice3A_717 = vector.extract_strided_slice %get3A_318 {offsets = [12], sizes = [1], strides = [1]} : vector<16xi32> to vector<1xi32>
      %squeeze3A_718 = vector.extract %slice3A_717[0] : i32 from vector<1xi32>
      %add3A_719 = arith.constant 12 : i32
      %add3A_720 = arith.addi %mul3A_309, %add3A_719 : i32
      %dma_start3A_721 = arith.constant 0 : i32
      %dma_start3A_722 = tpu.memref_slice %arg16[%add3A_720, %dma_start3A_721] : memref<128x64xf32, #tpu.memory_space<vmem>> -> memref<1x64xf32, #tpu.memory_space<vmem>>
      %dma_start3A_723 = tpu.memref_squeeze %dma_start3A_722 : memref<1x64xf32, #tpu.memory_space<vmem>> -> memref<64xf32, #tpu.memory_space<vmem>>
      %dma_start3A_724 = arith.constant 0 : i32
      %dma_start3A_725 = tpu.memref_slice %arg5[%squeeze3A_718, %dma_start3A_724] : memref<100000x64xf32, #tpu.memory_space<hbm>> -> memref<1x64xf32, #tpu.memory_space<hbm>>
      %dma_start3A_726 = tpu.memref_squeeze %dma_start3A_725 : memref<1x64xf32, #tpu.memory_space<hbm>> -> memref<64xf32, #tpu.memory_space<hbm>>
      %dma_start3A_727 = arith.constant 0 : i32
      %dma_start3A_728 = tpu.memref_slice %arg16[%add3A_720, %dma_start3A_727] : memref<128x64xf32, #tpu.memory_space<vmem>> -> memref<1x64xf32, #tpu.memory_space<vmem>>
      %dma_start3A_729 = tpu.memref_squeeze %dma_start3A_728 : memref<1x64xf32, #tpu.memory_space<vmem>> -> memref<64xf32, #tpu.memory_space<vmem>>
      %dma_start3A_730 = arith.constant 0 : i32
      %dma_start3A_731 = tpu.memref_slice %arg5[%squeeze3A_718, %dma_start3A_730] : memref<100000x64xf32, #tpu.memory_space<hbm>> -> memref<1x64xf32, #tpu.memory_space<hbm>>
      %dma_start3A_732 = tpu.memref_squeeze %dma_start3A_731 : memref<1x64xf32, #tpu.memory_space<hbm>> -> memref<64xf32, #tpu.memory_space<hbm>>
      tpu.enqueue_dma source(%dma_start3A_732 : memref<64xf32, #tpu.memory_space<hbm>>) target(%dma_start3A_729 : memref<64xf32, #tpu.memory_space<vmem>>) target_semaphore(%arg23 : memref<!tpu.dma_semaphore, #tpu.memory_space<semaphore_mem>>)
      %slice3A_733 = vector.extract_strided_slice %get3A_313 {offsets = [13], sizes = [1], strides = [1]} : vector<16xi32> to vector<1xi32>
      %squeeze3A_734 = vector.extract %slice3A_733[0] : i32 from vector<1xi32>
      %add3A_735 = arith.constant 13 : i32
      %add3A_736 = arith.addi %mul3A_309, %add3A_735 : i32
      %dma_start3A_737 = arith.constant 0 : i32
      %dma_start3A_738 = tpu.memref_slice %arg14[%add3A_736, %dma_start3A_737] : memref<128x64xf32, #tpu.memory_space<vmem>> -> memref<1x64xf32, #tpu.memory_space<vmem>>
      %dma_start3A_739 = tpu.memref_squeeze %dma_start3A_738 : memref<1x64xf32, #tpu.memory_space<vmem>> -> memref<64xf32, #tpu.memory_space<vmem>>
      %dma_start3A_740 = arith.constant 0 : i32
      %dma_start3A_741 = tpu.memref_slice %arg4[%squeeze3A_734, %dma_start3A_740] : memref<100000x64xf32, #tpu.memory_space<hbm>> -> memref<1x64xf32, #tpu.memory_space<hbm>>
      %dma_start3A_742 = tpu.memref_squeeze %dma_start3A_741 : memref<1x64xf32, #tpu.memory_space<hbm>> -> memref<64xf32, #tpu.memory_space<hbm>>
      %dma_start3A_743 = arith.constant 0 : i32
      %dma_start3A_744 = tpu.memref_slice %arg14[%add3A_736, %dma_start3A_743] : memref<128x64xf32, #tpu.memory_space<vmem>> -> memref<1x64xf32, #tpu.memory_space<vmem>>
      %dma_start3A_745 = tpu.memref_squeeze %dma_start3A_744 : memref<1x64xf32, #tpu.memory_space<vmem>> -> memref<64xf32, #tpu.memory_space<vmem>>
      %dma_start3A_746 = arith.constant 0 : i32
      %dma_start3A_747 = tpu.memref_slice %arg4[%squeeze3A_734, %dma_start3A_746] : memref<100000x64xf32, #tpu.memory_space<hbm>> -> memref<1x64xf32, #tpu.memory_space<hbm>>
      %dma_start3A_748 = tpu.memref_squeeze %dma_start3A_747 : memref<1x64xf32, #tpu.memory_space<hbm>> -> memref<64xf32, #tpu.memory_space<hbm>>
      tpu.enqueue_dma source(%dma_start3A_748 : memref<64xf32, #tpu.memory_space<hbm>>) target(%dma_start3A_745 : memref<64xf32, #tpu.memory_space<vmem>>) target_semaphore(%arg21 : memref<!tpu.dma_semaphore, #tpu.memory_space<semaphore_mem>>)
      %slice3A_749 = vector.extract_strided_slice %get3A_318 {offsets = [13], sizes = [1], strides = [1]} : vector<16xi32> to vector<1xi32>
      %squeeze3A_750 = vector.extract %slice3A_749[0] : i32 from vector<1xi32>
      %add3A_751 = arith.constant 13 : i32
      %add3A_752 = arith.addi %mul3A_309, %add3A_751 : i32
      %dma_start3A_753 = arith.constant 0 : i32
      %dma_start3A_754 = tpu.memref_slice %arg16[%add3A_752, %dma_start3A_753] : memref<128x64xf32, #tpu.memory_space<vmem>> -> memref<1x64xf32, #tpu.memory_space<vmem>>
      %dma_start3A_755 = tpu.memref_squeeze %dma_start3A_754 : memref<1x64xf32, #tpu.memory_space<vmem>> -> memref<64xf32, #tpu.memory_space<vmem>>
      %dma_start3A_756 = arith.constant 0 : i32
      %dma_start3A_757 = tpu.memref_slice %arg5[%squeeze3A_750, %dma_start3A_756] : memref<100000x64xf32, #tpu.memory_space<hbm>> -> memref<1x64xf32, #tpu.memory_space<hbm>>
      %dma_start3A_758 = tpu.memref_squeeze %dma_start3A_757 : memref<1x64xf32, #tpu.memory_space<hbm>> -> memref<64xf32, #tpu.memory_space<hbm>>
      %dma_start3A_759 = arith.constant 0 : i32
      %dma_start3A_760 = tpu.memref_slice %arg16[%add3A_752, %dma_start3A_759] : memref<128x64xf32, #tpu.memory_space<vmem>> -> memref<1x64xf32, #tpu.memory_space<vmem>>
      %dma_start3A_761 = tpu.memref_squeeze %dma_start3A_760 : memref<1x64xf32, #tpu.memory_space<vmem>> -> memref<64xf32, #tpu.memory_space<vmem>>
      %dma_start3A_762 = arith.constant 0 : i32
      %dma_start3A_763 = tpu.memref_slice %arg5[%squeeze3A_750, %dma_start3A_762] : memref<100000x64xf32, #tpu.memory_space<hbm>> -> memref<1x64xf32, #tpu.memory_space<hbm>>
      %dma_start3A_764 = tpu.memref_squeeze %dma_start3A_763 : memref<1x64xf32, #tpu.memory_space<hbm>> -> memref<64xf32, #tpu.memory_space<hbm>>
      tpu.enqueue_dma source(%dma_start3A_764 : memref<64xf32, #tpu.memory_space<hbm>>) target(%dma_start3A_761 : memref<64xf32, #tpu.memory_space<vmem>>) target_semaphore(%arg23 : memref<!tpu.dma_semaphore, #tpu.memory_space<semaphore_mem>>)
      %slice3A_765 = vector.extract_strided_slice %get3A_313 {offsets = [14], sizes = [1], strides = [1]} : vector<16xi32> to vector<1xi32>
      %squeeze3A_766 = vector.extract %slice3A_765[0] : i32 from vector<1xi32>
      %add3A_767 = arith.constant 14 : i32
      %add3A_768 = arith.addi %mul3A_309, %add3A_767 : i32
      %dma_start3A_769 = arith.constant 0 : i32
      %dma_start3A_770 = tpu.memref_slice %arg14[%add3A_768, %dma_start3A_769] : memref<128x64xf32, #tpu.memory_space<vmem>> -> memref<1x64xf32, #tpu.memory_space<vmem>>
      %dma_start3A_771 = tpu.memref_squeeze %dma_start3A_770 : memref<1x64xf32, #tpu.memory_space<vmem>> -> memref<64xf32, #tpu.memory_space<vmem>>
      %dma_start3A_772 = arith.constant 0 : i32
      %dma_start3A_773 = tpu.memref_slice %arg4[%squeeze3A_766, %dma_start3A_772] : memref<100000x64xf32, #tpu.memory_space<hbm>> -> memref<1x64xf32, #tpu.memory_space<hbm>>
      %dma_start3A_774 = tpu.memref_squeeze %dma_start3A_773 : memref<1x64xf32, #tpu.memory_space<hbm>> -> memref<64xf32, #tpu.memory_space<hbm>>
      %dma_start3A_775 = arith.constant 0 : i32
      %dma_start3A_776 = tpu.memref_slice %arg14[%add3A_768, %dma_start3A_775] : memref<128x64xf32, #tpu.memory_space<vmem>> -> memref<1x64xf32, #tpu.memory_space<vmem>>
      %dma_start3A_777 = tpu.memref_squeeze %dma_start3A_776 : memref<1x64xf32, #tpu.memory_space<vmem>> -> memref<64xf32, #tpu.memory_space<vmem>>
      %dma_start3A_778 = arith.constant 0 : i32
      %dma_start3A_779 = tpu.memref_slice %arg4[%squeeze3A_766, %dma_start3A_778] : memref<100000x64xf32, #tpu.memory_space<hbm>> -> memref<1x64xf32, #tpu.memory_space<hbm>>
      %dma_start3A_780 = tpu.memref_squeeze %dma_start3A_779 : memref<1x64xf32, #tpu.memory_space<hbm>> -> memref<64xf32, #tpu.memory_space<hbm>>
      tpu.enqueue_dma source(%dma_start3A_780 : memref<64xf32, #tpu.memory_space<hbm>>) target(%dma_start3A_777 : memref<64xf32, #tpu.memory_space<vmem>>) target_semaphore(%arg21 : memref<!tpu.dma_semaphore, #tpu.memory_space<semaphore_mem>>)
      %slice3A_781 = vector.extract_strided_slice %get3A_318 {offsets = [14], sizes = [1], strides = [1]} : vector<16xi32> to vector<1xi32>
      %squeeze3A_782 = vector.extract %slice3A_781[0] : i32 from vector<1xi32>
      %add3A_783 = arith.constant 14 : i32
      %add3A_784 = arith.addi %mul3A_309, %add3A_783 : i32
      %dma_start3A_785 = arith.constant 0 : i32
      %dma_start3A_786 = tpu.memref_slice %arg16[%add3A_784, %dma_start3A_785] : memref<128x64xf32, #tpu.memory_space<vmem>> -> memref<1x64xf32, #tpu.memory_space<vmem>>
      %dma_start3A_787 = tpu.memref_squeeze %dma_start3A_786 : memref<1x64xf32, #tpu.memory_space<vmem>> -> memref<64xf32, #tpu.memory_space<vmem>>
      %dma_start3A_788 = arith.constant 0 : i32
      %dma_start3A_789 = tpu.memref_slice %arg5[%squeeze3A_782, %dma_start3A_788] : memref<100000x64xf32, #tpu.memory_space<hbm>> -> memref<1x64xf32, #tpu.memory_space<hbm>>
      %dma_start3A_790 = tpu.memref_squeeze %dma_start3A_789 : memref<1x64xf32, #tpu.memory_space<hbm>> -> memref<64xf32, #tpu.memory_space<hbm>>
      %dma_start3A_791 = arith.constant 0 : i32
      %dma_start3A_792 = tpu.memref_slice %arg16[%add3A_784, %dma_start3A_791] : memref<128x64xf32, #tpu.memory_space<vmem>> -> memref<1x64xf32, #tpu.memory_space<vmem>>
      %dma_start3A_793 = tpu.memref_squeeze %dma_start3A_792 : memref<1x64xf32, #tpu.memory_space<vmem>> -> memref<64xf32, #tpu.memory_space<vmem>>
      %dma_start3A_794 = arith.constant 0 : i32
      %dma_start3A_795 = tpu.memref_slice %arg5[%squeeze3A_782, %dma_start3A_794] : memref<100000x64xf32, #tpu.memory_space<hbm>> -> memref<1x64xf32, #tpu.memory_space<hbm>>
      %dma_start3A_796 = tpu.memref_squeeze %dma_start3A_795 : memref<1x64xf32, #tpu.memory_space<hbm>> -> memref<64xf32, #tpu.memory_space<hbm>>
      tpu.enqueue_dma source(%dma_start3A_796 : memref<64xf32, #tpu.memory_space<hbm>>) target(%dma_start3A_793 : memref<64xf32, #tpu.memory_space<vmem>>) target_semaphore(%arg23 : memref<!tpu.dma_semaphore, #tpu.memory_space<semaphore_mem>>)
      %slice3A_797 = vector.extract_strided_slice %get3A_313 {offsets = [15], sizes = [1], strides = [1]} : vector<16xi32> to vector<1xi32>
      %squeeze3A_798 = vector.extract %slice3A_797[0] : i32 from vector<1xi32>
      %add3A_799 = arith.constant 15 : i32
      %add3A_800 = arith.addi %mul3A_309, %add3A_799 : i32
      %dma_start3A_801 = arith.constant 0 : i32
      %dma_start3A_802 = tpu.memref_slice %arg14[%add3A_800, %dma_start3A_801] : memref<128x64xf32, #tpu.memory_space<vmem>> -> memref<1x64xf32, #tpu.memory_space<vmem>>
      %dma_start3A_803 = tpu.memref_squeeze %dma_start3A_802 : memref<1x64xf32, #tpu.memory_space<vmem>> -> memref<64xf32, #tpu.memory_space<vmem>>
      %dma_start3A_804 = arith.constant 0 : i32
      %dma_start3A_805 = tpu.memref_slice %arg4[%squeeze3A_798, %dma_start3A_804] : memref<100000x64xf32, #tpu.memory_space<hbm>> -> memref<1x64xf32, #tpu.memory_space<hbm>>
      %dma_start3A_806 = tpu.memref_squeeze %dma_start3A_805 : memref<1x64xf32, #tpu.memory_space<hbm>> -> memref<64xf32, #tpu.memory_space<hbm>>
      %dma_start3A_807 = arith.constant 0 : i32
      %dma_start3A_808 = tpu.memref_slice %arg14[%add3A_800, %dma_start3A_807] : memref<128x64xf32, #tpu.memory_space<vmem>> -> memref<1x64xf32, #tpu.memory_space<vmem>>
      %dma_start3A_809 = tpu.memref_squeeze %dma_start3A_808 : memref<1x64xf32, #tpu.memory_space<vmem>> -> memref<64xf32, #tpu.memory_space<vmem>>
      %dma_start3A_810 = arith.constant 0 : i32
      %dma_start3A_811 = tpu.memref_slice %arg4[%squeeze3A_798, %dma_start3A_810] : memref<100000x64xf32, #tpu.memory_space<hbm>> -> memref<1x64xf32, #tpu.memory_space<hbm>>
      %dma_start3A_812 = tpu.memref_squeeze %dma_start3A_811 : memref<1x64xf32, #tpu.memory_space<hbm>> -> memref<64xf32, #tpu.memory_space<hbm>>
      tpu.enqueue_dma source(%dma_start3A_812 : memref<64xf32, #tpu.memory_space<hbm>>) target(%dma_start3A_809 : memref<64xf32, #tpu.memory_space<vmem>>) target_semaphore(%arg21 : memref<!tpu.dma_semaphore, #tpu.memory_space<semaphore_mem>>)
      %slice3A_813 = vector.extract_strided_slice %get3A_318 {offsets = [15], sizes = [1], strides = [1]} : vector<16xi32> to vector<1xi32>
      %squeeze3A_814 = vector.extract %slice3A_813[0] : i32 from vector<1xi32>
      %add3A_815 = arith.constant 15 : i32
      %add3A_816 = arith.addi %mul3A_309, %add3A_815 : i32
      %dma_start3A_817 = arith.constant 0 : i32
      %dma_start3A_818 = tpu.memref_slice %arg16[%add3A_816, %dma_start3A_817] : memref<128x64xf32, #tpu.memory_space<vmem>> -> memref<1x64xf32, #tpu.memory_space<vmem>>
      %dma_start3A_819 = tpu.memref_squeeze %dma_start3A_818 : memref<1x64xf32, #tpu.memory_space<vmem>> -> memref<64xf32, #tpu.memory_space<vmem>>
      %dma_start3A_820 = arith.constant 0 : i32
      %dma_start3A_821 = tpu.memref_slice %arg5[%squeeze3A_814, %dma_start3A_820] : memref<100000x64xf32, #tpu.memory_space<hbm>> -> memref<1x64xf32, #tpu.memory_space<hbm>>
      %dma_start3A_822 = tpu.memref_squeeze %dma_start3A_821 : memref<1x64xf32, #tpu.memory_space<hbm>> -> memref<64xf32, #tpu.memory_space<hbm>>
      %dma_start3A_823 = arith.constant 0 : i32
      %dma_start3A_824 = tpu.memref_slice %arg16[%add3A_816, %dma_start3A_823] : memref<128x64xf32, #tpu.memory_space<vmem>> -> memref<1x64xf32, #tpu.memory_space<vmem>>
      %dma_start3A_825 = tpu.memref_squeeze %dma_start3A_824 : memref<1x64xf32, #tpu.memory_space<vmem>> -> memref<64xf32, #tpu.memory_space<vmem>>
      %dma_start3A_826 = arith.constant 0 : i32
      %dma_start3A_827 = tpu.memref_slice %arg5[%squeeze3A_814, %dma_start3A_826] : memref<100000x64xf32, #tpu.memory_space<hbm>> -> memref<1x64xf32, #tpu.memory_space<hbm>>
      %dma_start3A_828 = tpu.memref_squeeze %dma_start3A_827 : memref<1x64xf32, #tpu.memory_space<hbm>> -> memref<64xf32, #tpu.memory_space<hbm>>
      tpu.enqueue_dma source(%dma_start3A_828 : memref<64xf32, #tpu.memory_space<hbm>>) target(%dma_start3A_825 : memref<64xf32, #tpu.memory_space<vmem>>) target_semaphore(%arg23 : memref<!tpu.dma_semaphore, #tpu.memory_space<semaphore_mem>>)
      %scan3A_829 = arith.constant 0 : i32
      scf.yield %scan3A_829 : i32
    }
    %scan3A_106 = arith.constant 8 : i32
    %scan3A_107 = arith.constant 0 : i32
    %scan3A_108 = arith.constant 128 : i32
    %scan3A_109 = arith.addi %scan3A_107, %scan3A_108 : i32
    %scan3A_110 = arith.constant 1 : i32
    %scan3A_111 = scf.for %scan3A_306 = %scan3A_107 to %scan3A_109 step %scan3A_110 iter_args(%scan3A_307 = %broadcast_in_dim3A_88) -> (vector<16xf32>)  : i32 {
      %get3A = arith.index_cast %scan3A_306 : i32 to index
      %get3A_308 = arith.constant 0 : index
      %get3A_309 = tpu.vector_load %arg13[%get3A, %get3A_308] {strides = array<i32>} : memref<128x64xf32, #tpu.memory_space<vmem>>, vector<1x16xf32>,
      %get3A_310 = vector.shape_cast %get3A_309 : vector<1x16xf32> to vector<16xf32>
      %get3A_311 = arith.index_cast %scan3A_306 : i32 to index
      %get3A_312 = arith.constant 0 : index
      %get3A_313 = tpu.vector_load %arg15[%get3A_311, %get3A_312] {strides = array<i32>} : memref<128x64xf32, #tpu.memory_space<vmem>>, vector<1x16xf32>,
      %get3A_314 = vector.shape_cast %get3A_313 : vector<1x16xf32> to vector<16xf32>
      %mul3A_315 = arith.mulf %get3A_310, %get3A_314 : vector<16xf32>
      %add3A_316 = arith.addf %scan3A_307, %mul3A_315 : vector<16xf32>
      %get3A_317 = arith.index_cast %scan3A_306 : i32 to index
      %get3A_318 = arith.constant 16 : index
      %get3A_319 = tpu.vector_load %arg13[%get3A_317, %get3A_318] {strides = array<i32>} : memref<128x64xf32, #tpu.memory_space<vmem>>, vector<1x16xf32>,
      %get3A_320 = vector.shape_cast %get3A_319 : vector<1x16xf32> to vector<16xf32>
      %get3A_321 = arith.index_cast %scan3A_306 : i32 to index
      %get3A_322 = arith.constant 16 : index
      %get3A_323 = tpu.vector_load %arg15[%get3A_321, %get3A_322] {strides = array<i32>} : memref<128x64xf32, #tpu.memory_space<vmem>>, vector<1x16xf32>,
      %get3A_324 = vector.shape_cast %get3A_323 : vector<1x16xf32> to vector<16xf32>
      %mul3A_325 = arith.mulf %get3A_320, %get3A_324 : vector<16xf32>
      %add3A_326 = arith.addf %add3A_316, %mul3A_325 : vector<16xf32>
      %get3A_327 = arith.index_cast %scan3A_306 : i32 to index
      %get3A_328 = arith.constant 32 : index
      %get3A_329 = tpu.vector_load %arg13[%get3A_327, %get3A_328] {strides = array<i32>} : memref<128x64xf32, #tpu.memory_space<vmem>>, vector<1x16xf32>,
      %get3A_330 = vector.shape_cast %get3A_329 : vector<1x16xf32> to vector<16xf32>
      %get3A_331 = arith.index_cast %scan3A_306 : i32 to index
      %get3A_332 = arith.constant 32 : index
      %get3A_333 = tpu.vector_load %arg15[%get3A_331, %get3A_332] {strides = array<i32>} : memref<128x64xf32, #tpu.memory_space<vmem>>, vector<1x16xf32>,
      %get3A_334 = vector.shape_cast %get3A_333 : vector<1x16xf32> to vector<16xf32>
      %mul3A_335 = arith.mulf %get3A_330, %get3A_334 : vector<16xf32>
      %add3A_336 = arith.addf %add3A_326, %mul3A_335 : vector<16xf32>
      %get3A_337 = arith.index_cast %scan3A_306 : i32 to index
      %get3A_338 = arith.constant 48 : index
      %get3A_339 = tpu.vector_load %arg13[%get3A_337, %get3A_338] {strides = array<i32>} : memref<128x64xf32, #tpu.memory_space<vmem>>, vector<1x16xf32>,
      %get3A_340 = vector.shape_cast %get3A_339 : vector<1x16xf32> to vector<16xf32>
      %get3A_341 = arith.index_cast %scan3A_306 : i32 to index
      %get3A_342 = arith.constant 48 : index
      %get3A_343 = tpu.vector_load %arg15[%get3A_341, %get3A_342] {strides = array<i32>} : memref<128x64xf32, #tpu.memory_space<vmem>>, vector<1x16xf32>,
      %get3A_344 = vector.shape_cast %get3A_343 : vector<1x16xf32> to vector<16xf32>
      %mul3A_345 = arith.mulf %get3A_340, %get3A_344 : vector<16xf32>
      %add3A_346 = arith.addf %add3A_336, %mul3A_345 : vector<16xf32>
      scf.yield %add3A_346 : vector<16xf32>
    }
    %scan3A_112 = arith.constant 128 : i32
    %dma_wait3A_113 = arith.constant 0 : i32
    %dma_wait3A_114 = arith.constant 0 : i32
    %dma_wait3A_115 = tpu.memref_slice %arg4[%dma_wait3A_113, %dma_wait3A_114] : memref<100000x64xf32, #tpu.memory_space<hbm>> -> memref<128x64xf32, #tpu.memory_space<hbm>>
    %dma_wait3A_116 = arith.constant 0 : i32
    %dma_wait3A_117 = arith.constant 0 : i32
    %dma_wait3A_118 = tpu.memref_slice %arg4[%dma_wait3A_116, %dma_wait3A_117] : memref<100000x64xf32, #tpu.memory_space<hbm>> -> memref<128x64xf32, #tpu.memory_space<hbm>>
    tpu.wait_dma2 semaphore(%arg21 : memref<!tpu.dma_semaphore, #tpu.memory_space<semaphore_mem>>) src(%dma_wait3A_118 : memref<128x64xf32, #tpu.memory_space<hbm>>) dst(%arg14 : memref<128x64xf32, #tpu.memory_space<vmem>>)
    %dma_wait3A_119 = arith.constant 0 : i32
    %dma_wait3A_120 = arith.constant 0 : i32
    %dma_wait3A_121 = tpu.memref_slice %arg5[%dma_wait3A_119, %dma_wait3A_120] : memref<100000x64xf32, #tpu.memory_space<hbm>> -> memref<128x64xf32, #tpu.memory_space<hbm>>
    %dma_wait3A_122 = arith.constant 0 : i32
    %dma_wait3A_123 = arith.constant 0 : i32
    %dma_wait3A_124 = tpu.memref_slice %arg5[%dma_wait3A_122, %dma_wait3A_123] : memref<100000x64xf32, #tpu.memory_space<hbm>> -> memref<128x64xf32, #tpu.memory_space<hbm>>
    tpu.wait_dma2 semaphore(%arg23 : memref<!tpu.dma_semaphore, #tpu.memory_space<semaphore_mem>>) src(%dma_wait3A_124 : memref<128x64xf32, #tpu.memory_space<hbm>>) dst(%arg16 : memref<128x64xf32, #tpu.memory_space<vmem>>)
    %scan3A_125 = arith.constant 0 : i32
    %scan3A_126 = arith.constant 0 : i32
    %scan3A_127 = arith.constant 8 : i32
    %scan3A_128 = arith.addi %scan3A_126, %scan3A_127 : i32
    %scan3A_129 = arith.constant 1 : i32
    %scan3A_130 = scf.for %scan3A_306 = %scan3A_126 to %scan3A_128 step %scan3A_129 iter_args(%scan3A_307 = %scan3A_125) -> (i32)  : i32 {
      %mul3A_308 = arith.constant 16 : i32
      %mul3A_309 = arith.muli %scan3A_306, %mul3A_308 : i32
      %get3A = arith.constant 2 : i32
      %get3A_310 = arith.index_cast %get3A : i32 to index
      %get3A_311 = arith.index_cast %mul3A_309 : i32 to index
      %get3A_312 = tpu.vector_load %arg11[%get3A_310, %get3A_311] {strides = array<i32>} : memref<4x128xi32, #tpu.memory_space<vmem>>, vector<1x16xi32>,
      %get3A_313 = vector.shape_cast %get3A_312 : vector<1x16xi32> to vector<16xi32>
      %get3A_314 = arith.constant 2 : i32
      %get3A_315 = arith.index_cast %get3A_314 : i32 to index
      %get3A_316 = arith.index_cast %mul3A_309 : i32 to index
      %get3A_317 = tpu.vector_load %arg12[%get3A_315, %get3A_316] {strides = array<i32>} : memref<4x128xi32, #tpu.memory_space<vmem>>, vector<1x16xi32>,
      %get3A_318 = vector.shape_cast %get3A_317 : vector<1x16xi32> to vector<16xi32>
      %slice3A = vector.extract_strided_slice %get3A_313 {offsets = [0], sizes = [1], strides = [1]} : vector<16xi32> to vector<1xi32>
      %squeeze3A = vector.extract %slice3A[0] : i32 from vector<1xi32>
      %add3A_319 = arith.constant 0 : i32
      %add3A_320 = arith.addi %mul3A_309, %add3A_319 : i32
      %dma_start3A_321 = arith.constant 0 : i32
      %dma_start3A_322 = tpu.memref_slice %arg13[%add3A_320, %dma_start3A_321] : memref<128x64xf32, #tpu.memory_space<vmem>> -> memref<1x64xf32, #tpu.memory_space<vmem>>
      %dma_start3A_323 = tpu.memref_squeeze %dma_start3A_322 : memref<1x64xf32, #tpu.memory_space<vmem>> -> memref<64xf32, #tpu.memory_space<vmem>>
      %dma_start3A_324 = arith.constant 0 : i32
      %dma_start3A_325 = tpu.memref_slice %arg4[%squeeze3A, %dma_start3A_324] : memref<100000x64xf32, #tpu.memory_space<hbm>> -> memref<1x64xf32, #tpu.memory_space<hbm>>
      %dma_start3A_326 = tpu.memref_squeeze %dma_start3A_325 : memref<1x64xf32, #tpu.memory_space<hbm>> -> memref<64xf32, #tpu.memory_space<hbm>>
      %dma_start3A_327 = arith.constant 0 : i32
      %dma_start3A_328 = tpu.memref_slice %arg13[%add3A_320, %dma_start3A_327] : memref<128x64xf32, #tpu.memory_space<vmem>> -> memref<1x64xf32, #tpu.memory_space<vmem>>
      %dma_start3A_329 = tpu.memref_squeeze %dma_start3A_328 : memref<1x64xf32, #tpu.memory_space<vmem>> -> memref<64xf32, #tpu.memory_space<vmem>>
      %dma_start3A_330 = arith.constant 0 : i32
      %dma_start3A_331 = tpu.memref_slice %arg4[%squeeze3A, %dma_start3A_330] : memref<100000x64xf32, #tpu.memory_space<hbm>> -> memref<1x64xf32, #tpu.memory_space<hbm>>
      %dma_start3A_332 = tpu.memref_squeeze %dma_start3A_331 : memref<1x64xf32, #tpu.memory_space<hbm>> -> memref<64xf32, #tpu.memory_space<hbm>>
      tpu.enqueue_dma source(%dma_start3A_332 : memref<64xf32, #tpu.memory_space<hbm>>) target(%dma_start3A_329 : memref<64xf32, #tpu.memory_space<vmem>>) target_semaphore(%arg20 : memref<!tpu.dma_semaphore, #tpu.memory_space<semaphore_mem>>)
      %slice3A_333 = vector.extract_strided_slice %get3A_318 {offsets = [0], sizes = [1], strides = [1]} : vector<16xi32> to vector<1xi32>
      %squeeze3A_334 = vector.extract %slice3A_333[0] : i32 from vector<1xi32>
      %add3A_335 = arith.constant 0 : i32
      %add3A_336 = arith.addi %mul3A_309, %add3A_335 : i32
      %dma_start3A_337 = arith.constant 0 : i32
      %dma_start3A_338 = tpu.memref_slice %arg15[%add3A_336, %dma_start3A_337] : memref<128x64xf32, #tpu.memory_space<vmem>> -> memref<1x64xf32, #tpu.memory_space<vmem>>
      %dma_start3A_339 = tpu.memref_squeeze %dma_start3A_338 : memref<1x64xf32, #tpu.memory_space<vmem>> -> memref<64xf32, #tpu.memory_space<vmem>>
      %dma_start3A_340 = arith.constant 0 : i32
      %dma_start3A_341 = tpu.memref_slice %arg5[%squeeze3A_334, %dma_start3A_340] : memref<100000x64xf32, #tpu.memory_space<hbm>> -> memref<1x64xf32, #tpu.memory_space<hbm>>
      %dma_start3A_342 = tpu.memref_squeeze %dma_start3A_341 : memref<1x64xf32, #tpu.memory_space<hbm>> -> memref<64xf32, #tpu.memory_space<hbm>>
      %dma_start3A_343 = arith.constant 0 : i32
      %dma_start3A_344 = tpu.memref_slice %arg15[%add3A_336, %dma_start3A_343] : memref<128x64xf32, #tpu.memory_space<vmem>> -> memref<1x64xf32, #tpu.memory_space<vmem>>
      %dma_start3A_345 = tpu.memref_squeeze %dma_start3A_344 : memref<1x64xf32, #tpu.memory_space<vmem>> -> memref<64xf32, #tpu.memory_space<vmem>>
      %dma_start3A_346 = arith.constant 0 : i32
      %dma_start3A_347 = tpu.memref_slice %arg5[%squeeze3A_334, %dma_start3A_346] : memref<100000x64xf32, #tpu.memory_space<hbm>> -> memref<1x64xf32, #tpu.memory_space<hbm>>
      %dma_start3A_348 = tpu.memref_squeeze %dma_start3A_347 : memref<1x64xf32, #tpu.memory_space<hbm>> -> memref<64xf32, #tpu.memory_space<hbm>>
      tpu.enqueue_dma source(%dma_start3A_348 : memref<64xf32, #tpu.memory_space<hbm>>) target(%dma_start3A_345 : memref<64xf32, #tpu.memory_space<vmem>>) target_semaphore(%arg22 : memref<!tpu.dma_semaphore, #tpu.memory_space<semaphore_mem>>)
      %slice3A_349 = vector.extract_strided_slice %get3A_313 {offsets = [1], sizes = [1], strides = [1]} : vector<16xi32> to vector<1xi32>
      %squeeze3A_350 = vector.extract %slice3A_349[0] : i32 from vector<1xi32>
      %add3A_351 = arith.constant 1 : i32
      %add3A_352 = arith.addi %mul3A_309, %add3A_351 : i32
      %dma_start3A_353 = arith.constant 0 : i32
      %dma_start3A_354 = tpu.memref_slice %arg13[%add3A_352, %dma_start3A_353] : memref<128x64xf32, #tpu.memory_space<vmem>> -> memref<1x64xf32, #tpu.memory_space<vmem>>
      %dma_start3A_355 = tpu.memref_squeeze %dma_start3A_354 : memref<1x64xf32, #tpu.memory_space<vmem>> -> memref<64xf32, #tpu.memory_space<vmem>>
      %dma_start3A_356 = arith.constant 0 : i32
      %dma_start3A_357 = tpu.memref_slice %arg4[%squeeze3A_350, %dma_start3A_356] : memref<100000x64xf32, #tpu.memory_space<hbm>> -> memref<1x64xf32, #tpu.memory_space<hbm>>
      %dma_start3A_358 = tpu.memref_squeeze %dma_start3A_357 : memref<1x64xf32, #tpu.memory_space<hbm>> -> memref<64xf32, #tpu.memory_space<hbm>>
      %dma_start3A_359 = arith.constant 0 : i32
      %dma_start3A_360 = tpu.memref_slice %arg13[%add3A_352, %dma_start3A_359] : memref<128x64xf32, #tpu.memory_space<vmem>> -> memref<1x64xf32, #tpu.memory_space<vmem>>
      %dma_start3A_361 = tpu.memref_squeeze %dma_start3A_360 : memref<1x64xf32, #tpu.memory_space<vmem>> -> memref<64xf32, #tpu.memory_space<vmem>>
      %dma_start3A_362 = arith.constant 0 : i32
      %dma_start3A_363 = tpu.memref_slice %arg4[%squeeze3A_350, %dma_start3A_362] : memref<100000x64xf32, #tpu.memory_space<hbm>> -> memref<1x64xf32, #tpu.memory_space<hbm>>
      %dma_start3A_364 = tpu.memref_squeeze %dma_start3A_363 : memref<1x64xf32, #tpu.memory_space<hbm>> -> memref<64xf32, #tpu.memory_space<hbm>>
      tpu.enqueue_dma source(%dma_start3A_364 : memref<64xf32, #tpu.memory_space<hbm>>) target(%dma_start3A_361 : memref<64xf32, #tpu.memory_space<vmem>>) target_semaphore(%arg20 : memref<!tpu.dma_semaphore, #tpu.memory_space<semaphore_mem>>)
      %slice3A_365 = vector.extract_strided_slice %get3A_318 {offsets = [1], sizes = [1], strides = [1]} : vector<16xi32> to vector<1xi32>
      %squeeze3A_366 = vector.extract %slice3A_365[0] : i32 from vector<1xi32>
      %add3A_367 = arith.constant 1 : i32
      %add3A_368 = arith.addi %mul3A_309, %add3A_367 : i32
      %dma_start3A_369 = arith.constant 0 : i32
      %dma_start3A_370 = tpu.memref_slice %arg15[%add3A_368, %dma_start3A_369] : memref<128x64xf32, #tpu.memory_space<vmem>> -> memref<1x64xf32, #tpu.memory_space<vmem>>
      %dma_start3A_371 = tpu.memref_squeeze %dma_start3A_370 : memref<1x64xf32, #tpu.memory_space<vmem>> -> memref<64xf32, #tpu.memory_space<vmem>>
      %dma_start3A_372 = arith.constant 0 : i32
      %dma_start3A_373 = tpu.memref_slice %arg5[%squeeze3A_366, %dma_start3A_372] : memref<100000x64xf32, #tpu.memory_space<hbm>> -> memref<1x64xf32, #tpu.memory_space<hbm>>
      %dma_start3A_374 = tpu.memref_squeeze %dma_start3A_373 : memref<1x64xf32, #tpu.memory_space<hbm>> -> memref<64xf32, #tpu.memory_space<hbm>>
      %dma_start3A_375 = arith.constant 0 : i32
      %dma_start3A_376 = tpu.memref_slice %arg15[%add3A_368, %dma_start3A_375] : memref<128x64xf32, #tpu.memory_space<vmem>> -> memref<1x64xf32, #tpu.memory_space<vmem>>
      %dma_start3A_377 = tpu.memref_squeeze %dma_start3A_376 : memref<1x64xf32, #tpu.memory_space<vmem>> -> memref<64xf32, #tpu.memory_space<vmem>>
      %dma_start3A_378 = arith.constant 0 : i32
      %dma_start3A_379 = tpu.memref_slice %arg5[%squeeze3A_366, %dma_start3A_378] : memref<100000x64xf32, #tpu.memory_space<hbm>> -> memref<1x64xf32, #tpu.memory_space<hbm>>
      %dma_start3A_380 = tpu.memref_squeeze %dma_start3A_379 : memref<1x64xf32, #tpu.memory_space<hbm>> -> memref<64xf32, #tpu.memory_space<hbm>>
      tpu.enqueue_dma source(%dma_start3A_380 : memref<64xf32, #tpu.memory_space<hbm>>) target(%dma_start3A_377 : memref<64xf32, #tpu.memory_space<vmem>>) target_semaphore(%arg22 : memref<!tpu.dma_semaphore, #tpu.memory_space<semaphore_mem>>)
      %slice3A_381 = vector.extract_strided_slice %get3A_313 {offsets = [2], sizes = [1], strides = [1]} : vector<16xi32> to vector<1xi32>
      %squeeze3A_382 = vector.extract %slice3A_381[0] : i32 from vector<1xi32>
      %add3A_383 = arith.constant 2 : i32
      %add3A_384 = arith.addi %mul3A_309, %add3A_383 : i32
      %dma_start3A_385 = arith.constant 0 : i32
      %dma_start3A_386 = tpu.memref_slice %arg13[%add3A_384, %dma_start3A_385] : memref<128x64xf32, #tpu.memory_space<vmem>> -> memref<1x64xf32, #tpu.memory_space<vmem>>
      %dma_start3A_387 = tpu.memref_squeeze %dma_start3A_386 : memref<1x64xf32, #tpu.memory_space<vmem>> -> memref<64xf32, #tpu.memory_space<vmem>>
      %dma_start3A_388 = arith.constant 0 : i32
      %dma_start3A_389 = tpu.memref_slice %arg4[%squeeze3A_382, %dma_start3A_388] : memref<100000x64xf32, #tpu.memory_space<hbm>> -> memref<1x64xf32, #tpu.memory_space<hbm>>
      %dma_start3A_390 = tpu.memref_squeeze %dma_start3A_389 : memref<1x64xf32, #tpu.memory_space<hbm>> -> memref<64xf32, #tpu.memory_space<hbm>>
      %dma_start3A_391 = arith.constant 0 : i32
      %dma_start3A_392 = tpu.memref_slice %arg13[%add3A_384, %dma_start3A_391] : memref<128x64xf32, #tpu.memory_space<vmem>> -> memref<1x64xf32, #tpu.memory_space<vmem>>
      %dma_start3A_393 = tpu.memref_squeeze %dma_start3A_392 : memref<1x64xf32, #tpu.memory_space<vmem>> -> memref<64xf32, #tpu.memory_space<vmem>>
      %dma_start3A_394 = arith.constant 0 : i32
      %dma_start3A_395 = tpu.memref_slice %arg4[%squeeze3A_382, %dma_start3A_394] : memref<100000x64xf32, #tpu.memory_space<hbm>> -> memref<1x64xf32, #tpu.memory_space<hbm>>
      %dma_start3A_396 = tpu.memref_squeeze %dma_start3A_395 : memref<1x64xf32, #tpu.memory_space<hbm>> -> memref<64xf32, #tpu.memory_space<hbm>>
      tpu.enqueue_dma source(%dma_start3A_396 : memref<64xf32, #tpu.memory_space<hbm>>) target(%dma_start3A_393 : memref<64xf32, #tpu.memory_space<vmem>>) target_semaphore(%arg20 : memref<!tpu.dma_semaphore, #tpu.memory_space<semaphore_mem>>)
      %slice3A_397 = vector.extract_strided_slice %get3A_318 {offsets = [2], sizes = [1], strides = [1]} : vector<16xi32> to vector<1xi32>
      %squeeze3A_398 = vector.extract %slice3A_397[0] : i32 from vector<1xi32>
      %add3A_399 = arith.constant 2 : i32
      %add3A_400 = arith.addi %mul3A_309, %add3A_399 : i32
      %dma_start3A_401 = arith.constant 0 : i32
      %dma_start3A_402 = tpu.memref_slice %arg15[%add3A_400, %dma_start3A_401] : memref<128x64xf32, #tpu.memory_space<vmem>> -> memref<1x64xf32, #tpu.memory_space<vmem>>
      %dma_start3A_403 = tpu.memref_squeeze %dma_start3A_402 : memref<1x64xf32, #tpu.memory_space<vmem>> -> memref<64xf32, #tpu.memory_space<vmem>>
      %dma_start3A_404 = arith.constant 0 : i32
      %dma_start3A_405 = tpu.memref_slice %arg5[%squeeze3A_398, %dma_start3A_404] : memref<100000x64xf32, #tpu.memory_space<hbm>> -> memref<1x64xf32, #tpu.memory_space<hbm>>
      %dma_start3A_406 = tpu.memref_squeeze %dma_start3A_405 : memref<1x64xf32, #tpu.memory_space<hbm>> -> memref<64xf32, #tpu.memory_space<hbm>>
      %dma_start3A_407 = arith.constant 0 : i32
      %dma_start3A_408 = tpu.memref_slice %arg15[%add3A_400, %dma_start3A_407] : memref<128x64xf32, #tpu.memory_space<vmem>> -> memref<1x64xf32, #tpu.memory_space<vmem>>
      %dma_start3A_409 = tpu.memref_squeeze %dma_start3A_408 : memref<1x64xf32, #tpu.memory_space<vmem>> -> memref<64xf32, #tpu.memory_space<vmem>>
      %dma_start3A_410 = arith.constant 0 : i32
      %dma_start3A_411 = tpu.memref_slice %arg5[%squeeze3A_398, %dma_start3A_410] : memref<100000x64xf32, #tpu.memory_space<hbm>> -> memref<1x64xf32, #tpu.memory_space<hbm>>
      %dma_start3A_412 = tpu.memref_squeeze %dma_start3A_411 : memref<1x64xf32, #tpu.memory_space<hbm>> -> memref<64xf32, #tpu.memory_space<hbm>>
      tpu.enqueue_dma source(%dma_start3A_412 : memref<64xf32, #tpu.memory_space<hbm>>) target(%dma_start3A_409 : memref<64xf32, #tpu.memory_space<vmem>>) target_semaphore(%arg22 : memref<!tpu.dma_semaphore, #tpu.memory_space<semaphore_mem>>)
      %slice3A_413 = vector.extract_strided_slice %get3A_313 {offsets = [3], sizes = [1], strides = [1]} : vector<16xi32> to vector<1xi32>
      %squeeze3A_414 = vector.extract %slice3A_413[0] : i32 from vector<1xi32>
      %add3A_415 = arith.constant 3 : i32
      %add3A_416 = arith.addi %mul3A_309, %add3A_415 : i32
      %dma_start3A_417 = arith.constant 0 : i32
      %dma_start3A_418 = tpu.memref_slice %arg13[%add3A_416, %dma_start3A_417] : memref<128x64xf32, #tpu.memory_space<vmem>> -> memref<1x64xf32, #tpu.memory_space<vmem>>
      %dma_start3A_419 = tpu.memref_squeeze %dma_start3A_418 : memref<1x64xf32, #tpu.memory_space<vmem>> -> memref<64xf32, #tpu.memory_space<vmem>>
      %dma_start3A_420 = arith.constant 0 : i32
      %dma_start3A_421 = tpu.memref_slice %arg4[%squeeze3A_414, %dma_start3A_420] : memref<100000x64xf32, #tpu.memory_space<hbm>> -> memref<1x64xf32, #tpu.memory_space<hbm>>
      %dma_start3A_422 = tpu.memref_squeeze %dma_start3A_421 : memref<1x64xf32, #tpu.memory_space<hbm>> -> memref<64xf32, #tpu.memory_space<hbm>>
      %dma_start3A_423 = arith.constant 0 : i32
      %dma_start3A_424 = tpu.memref_slice %arg13[%add3A_416, %dma_start3A_423] : memref<128x64xf32, #tpu.memory_space<vmem>> -> memref<1x64xf32, #tpu.memory_space<vmem>>
      %dma_start3A_425 = tpu.memref_squeeze %dma_start3A_424 : memref<1x64xf32, #tpu.memory_space<vmem>> -> memref<64xf32, #tpu.memory_space<vmem>>
      %dma_start3A_426 = arith.constant 0 : i32
      %dma_start3A_427 = tpu.memref_slice %arg4[%squeeze3A_414, %dma_start3A_426] : memref<100000x64xf32, #tpu.memory_space<hbm>> -> memref<1x64xf32, #tpu.memory_space<hbm>>
      %dma_start3A_428 = tpu.memref_squeeze %dma_start3A_427 : memref<1x64xf32, #tpu.memory_space<hbm>> -> memref<64xf32, #tpu.memory_space<hbm>>
      tpu.enqueue_dma source(%dma_start3A_428 : memref<64xf32, #tpu.memory_space<hbm>>) target(%dma_start3A_425 : memref<64xf32, #tpu.memory_space<vmem>>) target_semaphore(%arg20 : memref<!tpu.dma_semaphore, #tpu.memory_space<semaphore_mem>>)
      %slice3A_429 = vector.extract_strided_slice %get3A_318 {offsets = [3], sizes = [1], strides = [1]} : vector<16xi32> to vector<1xi32>
      %squeeze3A_430 = vector.extract %slice3A_429[0] : i32 from vector<1xi32>
      %add3A_431 = arith.constant 3 : i32
      %add3A_432 = arith.addi %mul3A_309, %add3A_431 : i32
      %dma_start3A_433 = arith.constant 0 : i32
      %dma_start3A_434 = tpu.memref_slice %arg15[%add3A_432, %dma_start3A_433] : memref<128x64xf32, #tpu.memory_space<vmem>> -> memref<1x64xf32, #tpu.memory_space<vmem>>
      %dma_start3A_435 = tpu.memref_squeeze %dma_start3A_434 : memref<1x64xf32, #tpu.memory_space<vmem>> -> memref<64xf32, #tpu.memory_space<vmem>>
      %dma_start3A_436 = arith.constant 0 : i32
      %dma_start3A_437 = tpu.memref_slice %arg5[%squeeze3A_430, %dma_start3A_436] : memref<100000x64xf32, #tpu.memory_space<hbm>> -> memref<1x64xf32, #tpu.memory_space<hbm>>
      %dma_start3A_438 = tpu.memref_squeeze %dma_start3A_437 : memref<1x64xf32, #tpu.memory_space<hbm>> -> memref<64xf32, #tpu.memory_space<hbm>>
      %dma_start3A_439 = arith.constant 0 : i32
      %dma_start3A_440 = tpu.memref_slice %arg15[%add3A_432, %dma_start3A_439] : memref<128x64xf32, #tpu.memory_space<vmem>> -> memref<1x64xf32, #tpu.memory_space<vmem>>
      %dma_start3A_441 = tpu.memref_squeeze %dma_start3A_440 : memref<1x64xf32, #tpu.memory_space<vmem>> -> memref<64xf32, #tpu.memory_space<vmem>>
      %dma_start3A_442 = arith.constant 0 : i32
      %dma_start3A_443 = tpu.memref_slice %arg5[%squeeze3A_430, %dma_start3A_442] : memref<100000x64xf32, #tpu.memory_space<hbm>> -> memref<1x64xf32, #tpu.memory_space<hbm>>
      %dma_start3A_444 = tpu.memref_squeeze %dma_start3A_443 : memref<1x64xf32, #tpu.memory_space<hbm>> -> memref<64xf32, #tpu.memory_space<hbm>>
      tpu.enqueue_dma source(%dma_start3A_444 : memref<64xf32, #tpu.memory_space<hbm>>) target(%dma_start3A_441 : memref<64xf32, #tpu.memory_space<vmem>>) target_semaphore(%arg22 : memref<!tpu.dma_semaphore, #tpu.memory_space<semaphore_mem>>)
      %slice3A_445 = vector.extract_strided_slice %get3A_313 {offsets = [4], sizes = [1], strides = [1]} : vector<16xi32> to vector<1xi32>
      %squeeze3A_446 = vector.extract %slice3A_445[0] : i32 from vector<1xi32>
      %add3A_447 = arith.constant 4 : i32
      %add3A_448 = arith.addi %mul3A_309, %add3A_447 : i32
      %dma_start3A_449 = arith.constant 0 : i32
      %dma_start3A_450 = tpu.memref_slice %arg13[%add3A_448, %dma_start3A_449] : memref<128x64xf32, #tpu.memory_space<vmem>> -> memref<1x64xf32, #tpu.memory_space<vmem>>
      %dma_start3A_451 = tpu.memref_squeeze %dma_start3A_450 : memref<1x64xf32, #tpu.memory_space<vmem>> -> memref<64xf32, #tpu.memory_space<vmem>>
      %dma_start3A_452 = arith.constant 0 : i32
      %dma_start3A_453 = tpu.memref_slice %arg4[%squeeze3A_446, %dma_start3A_452] : memref<100000x64xf32, #tpu.memory_space<hbm>> -> memref<1x64xf32, #tpu.memory_space<hbm>>
      %dma_start3A_454 = tpu.memref_squeeze %dma_start3A_453 : memref<1x64xf32, #tpu.memory_space<hbm>> -> memref<64xf32, #tpu.memory_space<hbm>>
      %dma_start3A_455 = arith.constant 0 : i32
      %dma_start3A_456 = tpu.memref_slice %arg13[%add3A_448, %dma_start3A_455] : memref<128x64xf32, #tpu.memory_space<vmem>> -> memref<1x64xf32, #tpu.memory_space<vmem>>
      %dma_start3A_457 = tpu.memref_squeeze %dma_start3A_456 : memref<1x64xf32, #tpu.memory_space<vmem>> -> memref<64xf32, #tpu.memory_space<vmem>>
      %dma_start3A_458 = arith.constant 0 : i32
      %dma_start3A_459 = tpu.memref_slice %arg4[%squeeze3A_446, %dma_start3A_458] : memref<100000x64xf32, #tpu.memory_space<hbm>> -> memref<1x64xf32, #tpu.memory_space<hbm>>
      %dma_start3A_460 = tpu.memref_squeeze %dma_start3A_459 : memref<1x64xf32, #tpu.memory_space<hbm>> -> memref<64xf32, #tpu.memory_space<hbm>>
      tpu.enqueue_dma source(%dma_start3A_460 : memref<64xf32, #tpu.memory_space<hbm>>) target(%dma_start3A_457 : memref<64xf32, #tpu.memory_space<vmem>>) target_semaphore(%arg20 : memref<!tpu.dma_semaphore, #tpu.memory_space<semaphore_mem>>)
      %slice3A_461 = vector.extract_strided_slice %get3A_318 {offsets = [4], sizes = [1], strides = [1]} : vector<16xi32> to vector<1xi32>
      %squeeze3A_462 = vector.extract %slice3A_461[0] : i32 from vector<1xi32>
      %add3A_463 = arith.constant 4 : i32
      %add3A_464 = arith.addi %mul3A_309, %add3A_463 : i32
      %dma_start3A_465 = arith.constant 0 : i32
      %dma_start3A_466 = tpu.memref_slice %arg15[%add3A_464, %dma_start3A_465] : memref<128x64xf32, #tpu.memory_space<vmem>> -> memref<1x64xf32, #tpu.memory_space<vmem>>
      %dma_start3A_467 = tpu.memref_squeeze %dma_start3A_466 : memref<1x64xf32, #tpu.memory_space<vmem>> -> memref<64xf32, #tpu.memory_space<vmem>>
      %dma_start3A_468 = arith.constant 0 : i32
      %dma_start3A_469 = tpu.memref_slice %arg5[%squeeze3A_462, %dma_start3A_468] : memref<100000x64xf32, #tpu.memory_space<hbm>> -> memref<1x64xf32, #tpu.memory_space<hbm>>
      %dma_start3A_470 = tpu.memref_squeeze %dma_start3A_469 : memref<1x64xf32, #tpu.memory_space<hbm>> -> memref<64xf32, #tpu.memory_space<hbm>>
      %dma_start3A_471 = arith.constant 0 : i32
      %dma_start3A_472 = tpu.memref_slice %arg15[%add3A_464, %dma_start3A_471] : memref<128x64xf32, #tpu.memory_space<vmem>> -> memref<1x64xf32, #tpu.memory_space<vmem>>
      %dma_start3A_473 = tpu.memref_squeeze %dma_start3A_472 : memref<1x64xf32, #tpu.memory_space<vmem>> -> memref<64xf32, #tpu.memory_space<vmem>>
      %dma_start3A_474 = arith.constant 0 : i32
      %dma_start3A_475 = tpu.memref_slice %arg5[%squeeze3A_462, %dma_start3A_474] : memref<100000x64xf32, #tpu.memory_space<hbm>> -> memref<1x64xf32, #tpu.memory_space<hbm>>
      %dma_start3A_476 = tpu.memref_squeeze %dma_start3A_475 : memref<1x64xf32, #tpu.memory_space<hbm>> -> memref<64xf32, #tpu.memory_space<hbm>>
      tpu.enqueue_dma source(%dma_start3A_476 : memref<64xf32, #tpu.memory_space<hbm>>) target(%dma_start3A_473 : memref<64xf32, #tpu.memory_space<vmem>>) target_semaphore(%arg22 : memref<!tpu.dma_semaphore, #tpu.memory_space<semaphore_mem>>)
      %slice3A_477 = vector.extract_strided_slice %get3A_313 {offsets = [5], sizes = [1], strides = [1]} : vector<16xi32> to vector<1xi32>
      %squeeze3A_478 = vector.extract %slice3A_477[0] : i32 from vector<1xi32>
      %add3A_479 = arith.constant 5 : i32
      %add3A_480 = arith.addi %mul3A_309, %add3A_479 : i32
      %dma_start3A_481 = arith.constant 0 : i32
      %dma_start3A_482 = tpu.memref_slice %arg13[%add3A_480, %dma_start3A_481] : memref<128x64xf32, #tpu.memory_space<vmem>> -> memref<1x64xf32, #tpu.memory_space<vmem>>
      %dma_start3A_483 = tpu.memref_squeeze %dma_start3A_482 : memref<1x64xf32, #tpu.memory_space<vmem>> -> memref<64xf32, #tpu.memory_space<vmem>>
      %dma_start3A_484 = arith.constant 0 : i32
      %dma_start3A_485 = tpu.memref_slice %arg4[%squeeze3A_478, %dma_start3A_484] : memref<100000x64xf32, #tpu.memory_space<hbm>> -> memref<1x64xf32, #tpu.memory_space<hbm>>
      %dma_start3A_486 = tpu.memref_squeeze %dma_start3A_485 : memref<1x64xf32, #tpu.memory_space<hbm>> -> memref<64xf32, #tpu.memory_space<hbm>>
      %dma_start3A_487 = arith.constant 0 : i32
      %dma_start3A_488 = tpu.memref_slice %arg13[%add3A_480, %dma_start3A_487] : memref<128x64xf32, #tpu.memory_space<vmem>> -> memref<1x64xf32, #tpu.memory_space<vmem>>
      %dma_start3A_489 = tpu.memref_squeeze %dma_start3A_488 : memref<1x64xf32, #tpu.memory_space<vmem>> -> memref<64xf32, #tpu.memory_space<vmem>>
      %dma_start3A_490 = arith.constant 0 : i32
      %dma_start3A_491 = tpu.memref_slice %arg4[%squeeze3A_478, %dma_start3A_490] : memref<100000x64xf32, #tpu.memory_space<hbm>> -> memref<1x64xf32, #tpu.memory_space<hbm>>
      %dma_start3A_492 = tpu.memref_squeeze %dma_start3A_491 : memref<1x64xf32, #tpu.memory_space<hbm>> -> memref<64xf32, #tpu.memory_space<hbm>>
      tpu.enqueue_dma source(%dma_start3A_492 : memref<64xf32, #tpu.memory_space<hbm>>) target(%dma_start3A_489 : memref<64xf32, #tpu.memory_space<vmem>>) target_semaphore(%arg20 : memref<!tpu.dma_semaphore, #tpu.memory_space<semaphore_mem>>)
      %slice3A_493 = vector.extract_strided_slice %get3A_318 {offsets = [5], sizes = [1], strides = [1]} : vector<16xi32> to vector<1xi32>
      %squeeze3A_494 = vector.extract %slice3A_493[0] : i32 from vector<1xi32>
      %add3A_495 = arith.constant 5 : i32
      %add3A_496 = arith.addi %mul3A_309, %add3A_495 : i32
      %dma_start3A_497 = arith.constant 0 : i32
      %dma_start3A_498 = tpu.memref_slice %arg15[%add3A_496, %dma_start3A_497] : memref<128x64xf32, #tpu.memory_space<vmem>> -> memref<1x64xf32, #tpu.memory_space<vmem>>
      %dma_start3A_499 = tpu.memref_squeeze %dma_start3A_498 : memref<1x64xf32, #tpu.memory_space<vmem>> -> memref<64xf32, #tpu.memory_space<vmem>>
      %dma_start3A_500 = arith.constant 0 : i32
      %dma_start3A_501 = tpu.memref_slice %arg5[%squeeze3A_494, %dma_start3A_500] : memref<100000x64xf32, #tpu.memory_space<hbm>> -> memref<1x64xf32, #tpu.memory_space<hbm>>
      %dma_start3A_502 = tpu.memref_squeeze %dma_start3A_501 : memref<1x64xf32, #tpu.memory_space<hbm>> -> memref<64xf32, #tpu.memory_space<hbm>>
      %dma_start3A_503 = arith.constant 0 : i32
      %dma_start3A_504 = tpu.memref_slice %arg15[%add3A_496, %dma_start3A_503] : memref<128x64xf32, #tpu.memory_space<vmem>> -> memref<1x64xf32, #tpu.memory_space<vmem>>
      %dma_start3A_505 = tpu.memref_squeeze %dma_start3A_504 : memref<1x64xf32, #tpu.memory_space<vmem>> -> memref<64xf32, #tpu.memory_space<vmem>>
      %dma_start3A_506 = arith.constant 0 : i32
      %dma_start3A_507 = tpu.memref_slice %arg5[%squeeze3A_494, %dma_start3A_506] : memref<100000x64xf32, #tpu.memory_space<hbm>> -> memref<1x64xf32, #tpu.memory_space<hbm>>
      %dma_start3A_508 = tpu.memref_squeeze %dma_start3A_507 : memref<1x64xf32, #tpu.memory_space<hbm>> -> memref<64xf32, #tpu.memory_space<hbm>>
      tpu.enqueue_dma source(%dma_start3A_508 : memref<64xf32, #tpu.memory_space<hbm>>) target(%dma_start3A_505 : memref<64xf32, #tpu.memory_space<vmem>>) target_semaphore(%arg22 : memref<!tpu.dma_semaphore, #tpu.memory_space<semaphore_mem>>)
      %slice3A_509 = vector.extract_strided_slice %get3A_313 {offsets = [6], sizes = [1], strides = [1]} : vector<16xi32> to vector<1xi32>
      %squeeze3A_510 = vector.extract %slice3A_509[0] : i32 from vector<1xi32>
      %add3A_511 = arith.constant 6 : i32
      %add3A_512 = arith.addi %mul3A_309, %add3A_511 : i32
      %dma_start3A_513 = arith.constant 0 : i32
      %dma_start3A_514 = tpu.memref_slice %arg13[%add3A_512, %dma_start3A_513] : memref<128x64xf32, #tpu.memory_space<vmem>> -> memref<1x64xf32, #tpu.memory_space<vmem>>
      %dma_start3A_515 = tpu.memref_squeeze %dma_start3A_514 : memref<1x64xf32, #tpu.memory_space<vmem>> -> memref<64xf32, #tpu.memory_space<vmem>>
      %dma_start3A_516 = arith.constant 0 : i32
      %dma_start3A_517 = tpu.memref_slice %arg4[%squeeze3A_510, %dma_start3A_516] : memref<100000x64xf32, #tpu.memory_space<hbm>> -> memref<1x64xf32, #tpu.memory_space<hbm>>
      %dma_start3A_518 = tpu.memref_squeeze %dma_start3A_517 : memref<1x64xf32, #tpu.memory_space<hbm>> -> memref<64xf32, #tpu.memory_space<hbm>>
      %dma_start3A_519 = arith.constant 0 : i32
      %dma_start3A_520 = tpu.memref_slice %arg13[%add3A_512, %dma_start3A_519] : memref<128x64xf32, #tpu.memory_space<vmem>> -> memref<1x64xf32, #tpu.memory_space<vmem>>
      %dma_start3A_521 = tpu.memref_squeeze %dma_start3A_520 : memref<1x64xf32, #tpu.memory_space<vmem>> -> memref<64xf32, #tpu.memory_space<vmem>>
      %dma_start3A_522 = arith.constant 0 : i32
      %dma_start3A_523 = tpu.memref_slice %arg4[%squeeze3A_510, %dma_start3A_522] : memref<100000x64xf32, #tpu.memory_space<hbm>> -> memref<1x64xf32, #tpu.memory_space<hbm>>
      %dma_start3A_524 = tpu.memref_squeeze %dma_start3A_523 : memref<1x64xf32, #tpu.memory_space<hbm>> -> memref<64xf32, #tpu.memory_space<hbm>>
      tpu.enqueue_dma source(%dma_start3A_524 : memref<64xf32, #tpu.memory_space<hbm>>) target(%dma_start3A_521 : memref<64xf32, #tpu.memory_space<vmem>>) target_semaphore(%arg20 : memref<!tpu.dma_semaphore, #tpu.memory_space<semaphore_mem>>)
      %slice3A_525 = vector.extract_strided_slice %get3A_318 {offsets = [6], sizes = [1], strides = [1]} : vector<16xi32> to vector<1xi32>
      %squeeze3A_526 = vector.extract %slice3A_525[0] : i32 from vector<1xi32>
      %add3A_527 = arith.constant 6 : i32
      %add3A_528 = arith.addi %mul3A_309, %add3A_527 : i32
      %dma_start3A_529 = arith.constant 0 : i32
      %dma_start3A_530 = tpu.memref_slice %arg15[%add3A_528, %dma_start3A_529] : memref<128x64xf32, #tpu.memory_space<vmem>> -> memref<1x64xf32, #tpu.memory_space<vmem>>
      %dma_start3A_531 = tpu.memref_squeeze %dma_start3A_530 : memref<1x64xf32, #tpu.memory_space<vmem>> -> memref<64xf32, #tpu.memory_space<vmem>>
      %dma_start3A_532 = arith.constant 0 : i32
      %dma_start3A_533 = tpu.memref_slice %arg5[%squeeze3A_526, %dma_start3A_532] : memref<100000x64xf32, #tpu.memory_space<hbm>> -> memref<1x64xf32, #tpu.memory_space<hbm>>
      %dma_start3A_534 = tpu.memref_squeeze %dma_start3A_533 : memref<1x64xf32, #tpu.memory_space<hbm>> -> memref<64xf32, #tpu.memory_space<hbm>>
      %dma_start3A_535 = arith.constant 0 : i32
      %dma_start3A_536 = tpu.memref_slice %arg15[%add3A_528, %dma_start3A_535] : memref<128x64xf32, #tpu.memory_space<vmem>> -> memref<1x64xf32, #tpu.memory_space<vmem>>
      %dma_start3A_537 = tpu.memref_squeeze %dma_start3A_536 : memref<1x64xf32, #tpu.memory_space<vmem>> -> memref<64xf32, #tpu.memory_space<vmem>>
      %dma_start3A_538 = arith.constant 0 : i32
      %dma_start3A_539 = tpu.memref_slice %arg5[%squeeze3A_526, %dma_start3A_538] : memref<100000x64xf32, #tpu.memory_space<hbm>> -> memref<1x64xf32, #tpu.memory_space<hbm>>
      %dma_start3A_540 = tpu.memref_squeeze %dma_start3A_539 : memref<1x64xf32, #tpu.memory_space<hbm>> -> memref<64xf32, #tpu.memory_space<hbm>>
      tpu.enqueue_dma source(%dma_start3A_540 : memref<64xf32, #tpu.memory_space<hbm>>) target(%dma_start3A_537 : memref<64xf32, #tpu.memory_space<vmem>>) target_semaphore(%arg22 : memref<!tpu.dma_semaphore, #tpu.memory_space<semaphore_mem>>)
      %slice3A_541 = vector.extract_strided_slice %get3A_313 {offsets = [7], sizes = [1], strides = [1]} : vector<16xi32> to vector<1xi32>
      %squeeze3A_542 = vector.extract %slice3A_541[0] : i32 from vector<1xi32>
      %add3A_543 = arith.constant 7 : i32
      %add3A_544 = arith.addi %mul3A_309, %add3A_543 : i32
      %dma_start3A_545 = arith.constant 0 : i32
      %dma_start3A_546 = tpu.memref_slice %arg13[%add3A_544, %dma_start3A_545] : memref<128x64xf32, #tpu.memory_space<vmem>> -> memref<1x64xf32, #tpu.memory_space<vmem>>
      %dma_start3A_547 = tpu.memref_squeeze %dma_start3A_546 : memref<1x64xf32, #tpu.memory_space<vmem>> -> memref<64xf32, #tpu.memory_space<vmem>>
      %dma_start3A_548 = arith.constant 0 : i32
      %dma_start3A_549 = tpu.memref_slice %arg4[%squeeze3A_542, %dma_start3A_548] : memref<100000x64xf32, #tpu.memory_space<hbm>> -> memref<1x64xf32, #tpu.memory_space<hbm>>
      %dma_start3A_550 = tpu.memref_squeeze %dma_start3A_549 : memref<1x64xf32, #tpu.memory_space<hbm>> -> memref<64xf32, #tpu.memory_space<hbm>>
      %dma_start3A_551 = arith.constant 0 : i32
      %dma_start3A_552 = tpu.memref_slice %arg13[%add3A_544, %dma_start3A_551] : memref<128x64xf32, #tpu.memory_space<vmem>> -> memref<1x64xf32, #tpu.memory_space<vmem>>
      %dma_start3A_553 = tpu.memref_squeeze %dma_start3A_552 : memref<1x64xf32, #tpu.memory_space<vmem>> -> memref<64xf32, #tpu.memory_space<vmem>>
      %dma_start3A_554 = arith.constant 0 : i32
      %dma_start3A_555 = tpu.memref_slice %arg4[%squeeze3A_542, %dma_start3A_554] : memref<100000x64xf32, #tpu.memory_space<hbm>> -> memref<1x64xf32, #tpu.memory_space<hbm>>
      %dma_start3A_556 = tpu.memref_squeeze %dma_start3A_555 : memref<1x64xf32, #tpu.memory_space<hbm>> -> memref<64xf32, #tpu.memory_space<hbm>>
      tpu.enqueue_dma source(%dma_start3A_556 : memref<64xf32, #tpu.memory_space<hbm>>) target(%dma_start3A_553 : memref<64xf32, #tpu.memory_space<vmem>>) target_semaphore(%arg20 : memref<!tpu.dma_semaphore, #tpu.memory_space<semaphore_mem>>)
      %slice3A_557 = vector.extract_strided_slice %get3A_318 {offsets = [7], sizes = [1], strides = [1]} : vector<16xi32> to vector<1xi32>
      %squeeze3A_558 = vector.extract %slice3A_557[0] : i32 from vector<1xi32>
      %add3A_559 = arith.constant 7 : i32
      %add3A_560 = arith.addi %mul3A_309, %add3A_559 : i32
      %dma_start3A_561 = arith.constant 0 : i32
      %dma_start3A_562 = tpu.memref_slice %arg15[%add3A_560, %dma_start3A_561] : memref<128x64xf32, #tpu.memory_space<vmem>> -> memref<1x64xf32, #tpu.memory_space<vmem>>
      %dma_start3A_563 = tpu.memref_squeeze %dma_start3A_562 : memref<1x64xf32, #tpu.memory_space<vmem>> -> memref<64xf32, #tpu.memory_space<vmem>>
      %dma_start3A_564 = arith.constant 0 : i32
      %dma_start3A_565 = tpu.memref_slice %arg5[%squeeze3A_558, %dma_start3A_564] : memref<100000x64xf32, #tpu.memory_space<hbm>> -> memref<1x64xf32, #tpu.memory_space<hbm>>
      %dma_start3A_566 = tpu.memref_squeeze %dma_start3A_565 : memref<1x64xf32, #tpu.memory_space<hbm>> -> memref<64xf32, #tpu.memory_space<hbm>>
      %dma_start3A_567 = arith.constant 0 : i32
      %dma_start3A_568 = tpu.memref_slice %arg15[%add3A_560, %dma_start3A_567] : memref<128x64xf32, #tpu.memory_space<vmem>> -> memref<1x64xf32, #tpu.memory_space<vmem>>
      %dma_start3A_569 = tpu.memref_squeeze %dma_start3A_568 : memref<1x64xf32, #tpu.memory_space<vmem>> -> memref<64xf32, #tpu.memory_space<vmem>>
      %dma_start3A_570 = arith.constant 0 : i32
      %dma_start3A_571 = tpu.memref_slice %arg5[%squeeze3A_558, %dma_start3A_570] : memref<100000x64xf32, #tpu.memory_space<hbm>> -> memref<1x64xf32, #tpu.memory_space<hbm>>
      %dma_start3A_572 = tpu.memref_squeeze %dma_start3A_571 : memref<1x64xf32, #tpu.memory_space<hbm>> -> memref<64xf32, #tpu.memory_space<hbm>>
      tpu.enqueue_dma source(%dma_start3A_572 : memref<64xf32, #tpu.memory_space<hbm>>) target(%dma_start3A_569 : memref<64xf32, #tpu.memory_space<vmem>>) target_semaphore(%arg22 : memref<!tpu.dma_semaphore, #tpu.memory_space<semaphore_mem>>)
      %slice3A_573 = vector.extract_strided_slice %get3A_313 {offsets = [8], sizes = [1], strides = [1]} : vector<16xi32> to vector<1xi32>
      %squeeze3A_574 = vector.extract %slice3A_573[0] : i32 from vector<1xi32>
      %add3A_575 = arith.constant 8 : i32
      %add3A_576 = arith.addi %mul3A_309, %add3A_575 : i32
      %dma_start3A_577 = arith.constant 0 : i32
      %dma_start3A_578 = tpu.memref_slice %arg13[%add3A_576, %dma_start3A_577] : memref<128x64xf32, #tpu.memory_space<vmem>> -> memref<1x64xf32, #tpu.memory_space<vmem>>
      %dma_start3A_579 = tpu.memref_squeeze %dma_start3A_578 : memref<1x64xf32, #tpu.memory_space<vmem>> -> memref<64xf32, #tpu.memory_space<vmem>>
      %dma_start3A_580 = arith.constant 0 : i32
      %dma_start3A_581 = tpu.memref_slice %arg4[%squeeze3A_574, %dma_start3A_580] : memref<100000x64xf32, #tpu.memory_space<hbm>> -> memref<1x64xf32, #tpu.memory_space<hbm>>
      %dma_start3A_582 = tpu.memref_squeeze %dma_start3A_581 : memref<1x64xf32, #tpu.memory_space<hbm>> -> memref<64xf32, #tpu.memory_space<hbm>>
      %dma_start3A_583 = arith.constant 0 : i32
      %dma_start3A_584 = tpu.memref_slice %arg13[%add3A_576, %dma_start3A_583] : memref<128x64xf32, #tpu.memory_space<vmem>> -> memref<1x64xf32, #tpu.memory_space<vmem>>
      %dma_start3A_585 = tpu.memref_squeeze %dma_start3A_584 : memref<1x64xf32, #tpu.memory_space<vmem>> -> memref<64xf32, #tpu.memory_space<vmem>>
      %dma_start3A_586 = arith.constant 0 : i32
      %dma_start3A_587 = tpu.memref_slice %arg4[%squeeze3A_574, %dma_start3A_586] : memref<100000x64xf32, #tpu.memory_space<hbm>> -> memref<1x64xf32, #tpu.memory_space<hbm>>
      %dma_start3A_588 = tpu.memref_squeeze %dma_start3A_587 : memref<1x64xf32, #tpu.memory_space<hbm>> -> memref<64xf32, #tpu.memory_space<hbm>>
      tpu.enqueue_dma source(%dma_start3A_588 : memref<64xf32, #tpu.memory_space<hbm>>) target(%dma_start3A_585 : memref<64xf32, #tpu.memory_space<vmem>>) target_semaphore(%arg20 : memref<!tpu.dma_semaphore, #tpu.memory_space<semaphore_mem>>)
      %slice3A_589 = vector.extract_strided_slice %get3A_318 {offsets = [8], sizes = [1], strides = [1]} : vector<16xi32> to vector<1xi32>
      %squeeze3A_590 = vector.extract %slice3A_589[0] : i32 from vector<1xi32>
      %add3A_591 = arith.constant 8 : i32
      %add3A_592 = arith.addi %mul3A_309, %add3A_591 : i32
      %dma_start3A_593 = arith.constant 0 : i32
      %dma_start3A_594 = tpu.memref_slice %arg15[%add3A_592, %dma_start3A_593] : memref<128x64xf32, #tpu.memory_space<vmem>> -> memref<1x64xf32, #tpu.memory_space<vmem>>
      %dma_start3A_595 = tpu.memref_squeeze %dma_start3A_594 : memref<1x64xf32, #tpu.memory_space<vmem>> -> memref<64xf32, #tpu.memory_space<vmem>>
      %dma_start3A_596 = arith.constant 0 : i32
      %dma_start3A_597 = tpu.memref_slice %arg5[%squeeze3A_590, %dma_start3A_596] : memref<100000x64xf32, #tpu.memory_space<hbm>> -> memref<1x64xf32, #tpu.memory_space<hbm>>
      %dma_start3A_598 = tpu.memref_squeeze %dma_start3A_597 : memref<1x64xf32, #tpu.memory_space<hbm>> -> memref<64xf32, #tpu.memory_space<hbm>>
      %dma_start3A_599 = arith.constant 0 : i32
      %dma_start3A_600 = tpu.memref_slice %arg15[%add3A_592, %dma_start3A_599] : memref<128x64xf32, #tpu.memory_space<vmem>> -> memref<1x64xf32, #tpu.memory_space<vmem>>
      %dma_start3A_601 = tpu.memref_squeeze %dma_start3A_600 : memref<1x64xf32, #tpu.memory_space<vmem>> -> memref<64xf32, #tpu.memory_space<vmem>>
      %dma_start3A_602 = arith.constant 0 : i32
      %dma_start3A_603 = tpu.memref_slice %arg5[%squeeze3A_590, %dma_start3A_602] : memref<100000x64xf32, #tpu.memory_space<hbm>> -> memref<1x64xf32, #tpu.memory_space<hbm>>
      %dma_start3A_604 = tpu.memref_squeeze %dma_start3A_603 : memref<1x64xf32, #tpu.memory_space<hbm>> -> memref<64xf32, #tpu.memory_space<hbm>>
      tpu.enqueue_dma source(%dma_start3A_604 : memref<64xf32, #tpu.memory_space<hbm>>) target(%dma_start3A_601 : memref<64xf32, #tpu.memory_space<vmem>>) target_semaphore(%arg22 : memref<!tpu.dma_semaphore, #tpu.memory_space<semaphore_mem>>)
      %slice3A_605 = vector.extract_strided_slice %get3A_313 {offsets = [9], sizes = [1], strides = [1]} : vector<16xi32> to vector<1xi32>
      %squeeze3A_606 = vector.extract %slice3A_605[0] : i32 from vector<1xi32>
      %add3A_607 = arith.constant 9 : i32
      %add3A_608 = arith.addi %mul3A_309, %add3A_607 : i32
      %dma_start3A_609 = arith.constant 0 : i32
      %dma_start3A_610 = tpu.memref_slice %arg13[%add3A_608, %dma_start3A_609] : memref<128x64xf32, #tpu.memory_space<vmem>> -> memref<1x64xf32, #tpu.memory_space<vmem>>
      %dma_start3A_611 = tpu.memref_squeeze %dma_start3A_610 : memref<1x64xf32, #tpu.memory_space<vmem>> -> memref<64xf32, #tpu.memory_space<vmem>>
      %dma_start3A_612 = arith.constant 0 : i32
      %dma_start3A_613 = tpu.memref_slice %arg4[%squeeze3A_606, %dma_start3A_612] : memref<100000x64xf32, #tpu.memory_space<hbm>> -> memref<1x64xf32, #tpu.memory_space<hbm>>
      %dma_start3A_614 = tpu.memref_squeeze %dma_start3A_613 : memref<1x64xf32, #tpu.memory_space<hbm>> -> memref<64xf32, #tpu.memory_space<hbm>>
      %dma_start3A_615 = arith.constant 0 : i32
      %dma_start3A_616 = tpu.memref_slice %arg13[%add3A_608, %dma_start3A_615] : memref<128x64xf32, #tpu.memory_space<vmem>> -> memref<1x64xf32, #tpu.memory_space<vmem>>
      %dma_start3A_617 = tpu.memref_squeeze %dma_start3A_616 : memref<1x64xf32, #tpu.memory_space<vmem>> -> memref<64xf32, #tpu.memory_space<vmem>>
      %dma_start3A_618 = arith.constant 0 : i32
      %dma_start3A_619 = tpu.memref_slice %arg4[%squeeze3A_606, %dma_start3A_618] : memref<100000x64xf32, #tpu.memory_space<hbm>> -> memref<1x64xf32, #tpu.memory_space<hbm>>
      %dma_start3A_620 = tpu.memref_squeeze %dma_start3A_619 : memref<1x64xf32, #tpu.memory_space<hbm>> -> memref<64xf32, #tpu.memory_space<hbm>>
      tpu.enqueue_dma source(%dma_start3A_620 : memref<64xf32, #tpu.memory_space<hbm>>) target(%dma_start3A_617 : memref<64xf32, #tpu.memory_space<vmem>>) target_semaphore(%arg20 : memref<!tpu.dma_semaphore, #tpu.memory_space<semaphore_mem>>)
      %slice3A_621 = vector.extract_strided_slice %get3A_318 {offsets = [9], sizes = [1], strides = [1]} : vector<16xi32> to vector<1xi32>
      %squeeze3A_622 = vector.extract %slice3A_621[0] : i32 from vector<1xi32>
      %add3A_623 = arith.constant 9 : i32
      %add3A_624 = arith.addi %mul3A_309, %add3A_623 : i32
      %dma_start3A_625 = arith.constant 0 : i32
      %dma_start3A_626 = tpu.memref_slice %arg15[%add3A_624, %dma_start3A_625] : memref<128x64xf32, #tpu.memory_space<vmem>> -> memref<1x64xf32, #tpu.memory_space<vmem>>
      %dma_start3A_627 = tpu.memref_squeeze %dma_start3A_626 : memref<1x64xf32, #tpu.memory_space<vmem>> -> memref<64xf32, #tpu.memory_space<vmem>>
      %dma_start3A_628 = arith.constant 0 : i32
      %dma_start3A_629 = tpu.memref_slice %arg5[%squeeze3A_622, %dma_start3A_628] : memref<100000x64xf32, #tpu.memory_space<hbm>> -> memref<1x64xf32, #tpu.memory_space<hbm>>
      %dma_start3A_630 = tpu.memref_squeeze %dma_start3A_629 : memref<1x64xf32, #tpu.memory_space<hbm>> -> memref<64xf32, #tpu.memory_space<hbm>>
      %dma_start3A_631 = arith.constant 0 : i32
      %dma_start3A_632 = tpu.memref_slice %arg15[%add3A_624, %dma_start3A_631] : memref<128x64xf32, #tpu.memory_space<vmem>> -> memref<1x64xf32, #tpu.memory_space<vmem>>
      %dma_start3A_633 = tpu.memref_squeeze %dma_start3A_632 : memref<1x64xf32, #tpu.memory_space<vmem>> -> memref<64xf32, #tpu.memory_space<vmem>>
      %dma_start3A_634 = arith.constant 0 : i32
      %dma_start3A_635 = tpu.memref_slice %arg5[%squeeze3A_622, %dma_start3A_634] : memref<100000x64xf32, #tpu.memory_space<hbm>> -> memref<1x64xf32, #tpu.memory_space<hbm>>
      %dma_start3A_636 = tpu.memref_squeeze %dma_start3A_635 : memref<1x64xf32, #tpu.memory_space<hbm>> -> memref<64xf32, #tpu.memory_space<hbm>>
      tpu.enqueue_dma source(%dma_start3A_636 : memref<64xf32, #tpu.memory_space<hbm>>) target(%dma_start3A_633 : memref<64xf32, #tpu.memory_space<vmem>>) target_semaphore(%arg22 : memref<!tpu.dma_semaphore, #tpu.memory_space<semaphore_mem>>)
      %slice3A_637 = vector.extract_strided_slice %get3A_313 {offsets = [10], sizes = [1], strides = [1]} : vector<16xi32> to vector<1xi32>
      %squeeze3A_638 = vector.extract %slice3A_637[0] : i32 from vector<1xi32>
      %add3A_639 = arith.constant 10 : i32
      %add3A_640 = arith.addi %mul3A_309, %add3A_639 : i32
      %dma_start3A_641 = arith.constant 0 : i32
      %dma_start3A_642 = tpu.memref_slice %arg13[%add3A_640, %dma_start3A_641] : memref<128x64xf32, #tpu.memory_space<vmem>> -> memref<1x64xf32, #tpu.memory_space<vmem>>
      %dma_start3A_643 = tpu.memref_squeeze %dma_start3A_642 : memref<1x64xf32, #tpu.memory_space<vmem>> -> memref<64xf32, #tpu.memory_space<vmem>>
      %dma_start3A_644 = arith.constant 0 : i32
      %dma_start3A_645 = tpu.memref_slice %arg4[%squeeze3A_638, %dma_start3A_644] : memref<100000x64xf32, #tpu.memory_space<hbm>> -> memref<1x64xf32, #tpu.memory_space<hbm>>
      %dma_start3A_646 = tpu.memref_squeeze %dma_start3A_645 : memref<1x64xf32, #tpu.memory_space<hbm>> -> memref<64xf32, #tpu.memory_space<hbm>>
      %dma_start3A_647 = arith.constant 0 : i32
      %dma_start3A_648 = tpu.memref_slice %arg13[%add3A_640, %dma_start3A_647] : memref<128x64xf32, #tpu.memory_space<vmem>> -> memref<1x64xf32, #tpu.memory_space<vmem>>
      %dma_start3A_649 = tpu.memref_squeeze %dma_start3A_648 : memref<1x64xf32, #tpu.memory_space<vmem>> -> memref<64xf32, #tpu.memory_space<vmem>>
      %dma_start3A_650 = arith.constant 0 : i32
      %dma_start3A_651 = tpu.memref_slice %arg4[%squeeze3A_638, %dma_start3A_650] : memref<100000x64xf32, #tpu.memory_space<hbm>> -> memref<1x64xf32, #tpu.memory_space<hbm>>
      %dma_start3A_652 = tpu.memref_squeeze %dma_start3A_651 : memref<1x64xf32, #tpu.memory_space<hbm>> -> memref<64xf32, #tpu.memory_space<hbm>>
      tpu.enqueue_dma source(%dma_start3A_652 : memref<64xf32, #tpu.memory_space<hbm>>) target(%dma_start3A_649 : memref<64xf32, #tpu.memory_space<vmem>>) target_semaphore(%arg20 : memref<!tpu.dma_semaphore, #tpu.memory_space<semaphore_mem>>)
      %slice3A_653 = vector.extract_strided_slice %get3A_318 {offsets = [10], sizes = [1], strides = [1]} : vector<16xi32> to vector<1xi32>
      %squeeze3A_654 = vector.extract %slice3A_653[0] : i32 from vector<1xi32>
      %add3A_655 = arith.constant 10 : i32
      %add3A_656 = arith.addi %mul3A_309, %add3A_655 : i32
      %dma_start3A_657 = arith.constant 0 : i32
      %dma_start3A_658 = tpu.memref_slice %arg15[%add3A_656, %dma_start3A_657] : memref<128x64xf32, #tpu.memory_space<vmem>> -> memref<1x64xf32, #tpu.memory_space<vmem>>
      %dma_start3A_659 = tpu.memref_squeeze %dma_start3A_658 : memref<1x64xf32, #tpu.memory_space<vmem>> -> memref<64xf32, #tpu.memory_space<vmem>>
      %dma_start3A_660 = arith.constant 0 : i32
      %dma_start3A_661 = tpu.memref_slice %arg5[%squeeze3A_654, %dma_start3A_660] : memref<100000x64xf32, #tpu.memory_space<hbm>> -> memref<1x64xf32, #tpu.memory_space<hbm>>
      %dma_start3A_662 = tpu.memref_squeeze %dma_start3A_661 : memref<1x64xf32, #tpu.memory_space<hbm>> -> memref<64xf32, #tpu.memory_space<hbm>>
      %dma_start3A_663 = arith.constant 0 : i32
      %dma_start3A_664 = tpu.memref_slice %arg15[%add3A_656, %dma_start3A_663] : memref<128x64xf32, #tpu.memory_space<vmem>> -> memref<1x64xf32, #tpu.memory_space<vmem>>
      %dma_start3A_665 = tpu.memref_squeeze %dma_start3A_664 : memref<1x64xf32, #tpu.memory_space<vmem>> -> memref<64xf32, #tpu.memory_space<vmem>>
      %dma_start3A_666 = arith.constant 0 : i32
      %dma_start3A_667 = tpu.memref_slice %arg5[%squeeze3A_654, %dma_start3A_666] : memref<100000x64xf32, #tpu.memory_space<hbm>> -> memref<1x64xf32, #tpu.memory_space<hbm>>
      %dma_start3A_668 = tpu.memref_squeeze %dma_start3A_667 : memref<1x64xf32, #tpu.memory_space<hbm>> -> memref<64xf32, #tpu.memory_space<hbm>>
      tpu.enqueue_dma source(%dma_start3A_668 : memref<64xf32, #tpu.memory_space<hbm>>) target(%dma_start3A_665 : memref<64xf32, #tpu.memory_space<vmem>>) target_semaphore(%arg22 : memref<!tpu.dma_semaphore, #tpu.memory_space<semaphore_mem>>)
      %slice3A_669 = vector.extract_strided_slice %get3A_313 {offsets = [11], sizes = [1], strides = [1]} : vector<16xi32> to vector<1xi32>
      %squeeze3A_670 = vector.extract %slice3A_669[0] : i32 from vector<1xi32>
      %add3A_671 = arith.constant 11 : i32
      %add3A_672 = arith.addi %mul3A_309, %add3A_671 : i32
      %dma_start3A_673 = arith.constant 0 : i32
      %dma_start3A_674 = tpu.memref_slice %arg13[%add3A_672, %dma_start3A_673] : memref<128x64xf32, #tpu.memory_space<vmem>> -> memref<1x64xf32, #tpu.memory_space<vmem>>
      %dma_start3A_675 = tpu.memref_squeeze %dma_start3A_674 : memref<1x64xf32, #tpu.memory_space<vmem>> -> memref<64xf32, #tpu.memory_space<vmem>>
      %dma_start3A_676 = arith.constant 0 : i32
      %dma_start3A_677 = tpu.memref_slice %arg4[%squeeze3A_670, %dma_start3A_676] : memref<100000x64xf32, #tpu.memory_space<hbm>> -> memref<1x64xf32, #tpu.memory_space<hbm>>
      %dma_start3A_678 = tpu.memref_squeeze %dma_start3A_677 : memref<1x64xf32, #tpu.memory_space<hbm>> -> memref<64xf32, #tpu.memory_space<hbm>>
      %dma_start3A_679 = arith.constant 0 : i32
      %dma_start3A_680 = tpu.memref_slice %arg13[%add3A_672, %dma_start3A_679] : memref<128x64xf32, #tpu.memory_space<vmem>> -> memref<1x64xf32, #tpu.memory_space<vmem>>
      %dma_start3A_681 = tpu.memref_squeeze %dma_start3A_680 : memref<1x64xf32, #tpu.memory_space<vmem>> -> memref<64xf32, #tpu.memory_space<vmem>>
      %dma_start3A_682 = arith.constant 0 : i32
      %dma_start3A_683 = tpu.memref_slice %arg4[%squeeze3A_670, %dma_start3A_682] : memref<100000x64xf32, #tpu.memory_space<hbm>> -> memref<1x64xf32, #tpu.memory_space<hbm>>
      %dma_start3A_684 = tpu.memref_squeeze %dma_start3A_683 : memref<1x64xf32, #tpu.memory_space<hbm>> -> memref<64xf32, #tpu.memory_space<hbm>>
      tpu.enqueue_dma source(%dma_start3A_684 : memref<64xf32, #tpu.memory_space<hbm>>) target(%dma_start3A_681 : memref<64xf32, #tpu.memory_space<vmem>>) target_semaphore(%arg20 : memref<!tpu.dma_semaphore, #tpu.memory_space<semaphore_mem>>)
      %slice3A_685 = vector.extract_strided_slice %get3A_318 {offsets = [11], sizes = [1], strides = [1]} : vector<16xi32> to vector<1xi32>
      %squeeze3A_686 = vector.extract %slice3A_685[0] : i32 from vector<1xi32>
      %add3A_687 = arith.constant 11 : i32
      %add3A_688 = arith.addi %mul3A_309, %add3A_687 : i32
      %dma_start3A_689 = arith.constant 0 : i32
      %dma_start3A_690 = tpu.memref_slice %arg15[%add3A_688, %dma_start3A_689] : memref<128x64xf32, #tpu.memory_space<vmem>> -> memref<1x64xf32, #tpu.memory_space<vmem>>
      %dma_start3A_691 = tpu.memref_squeeze %dma_start3A_690 : memref<1x64xf32, #tpu.memory_space<vmem>> -> memref<64xf32, #tpu.memory_space<vmem>>
      %dma_start3A_692 = arith.constant 0 : i32
      %dma_start3A_693 = tpu.memref_slice %arg5[%squeeze3A_686, %dma_start3A_692] : memref<100000x64xf32, #tpu.memory_space<hbm>> -> memref<1x64xf32, #tpu.memory_space<hbm>>
      %dma_start3A_694 = tpu.memref_squeeze %dma_start3A_693 : memref<1x64xf32, #tpu.memory_space<hbm>> -> memref<64xf32, #tpu.memory_space<hbm>>
      %dma_start3A_695 = arith.constant 0 : i32
      %dma_start3A_696 = tpu.memref_slice %arg15[%add3A_688, %dma_start3A_695] : memref<128x64xf32, #tpu.memory_space<vmem>> -> memref<1x64xf32, #tpu.memory_space<vmem>>
      %dma_start3A_697 = tpu.memref_squeeze %dma_start3A_696 : memref<1x64xf32, #tpu.memory_space<vmem>> -> memref<64xf32, #tpu.memory_space<vmem>>
      %dma_start3A_698 = arith.constant 0 : i32
      %dma_start3A_699 = tpu.memref_slice %arg5[%squeeze3A_686, %dma_start3A_698] : memref<100000x64xf32, #tpu.memory_space<hbm>> -> memref<1x64xf32, #tpu.memory_space<hbm>>
      %dma_start3A_700 = tpu.memref_squeeze %dma_start3A_699 : memref<1x64xf32, #tpu.memory_space<hbm>> -> memref<64xf32, #tpu.memory_space<hbm>>
      tpu.enqueue_dma source(%dma_start3A_700 : memref<64xf32, #tpu.memory_space<hbm>>) target(%dma_start3A_697 : memref<64xf32, #tpu.memory_space<vmem>>) target_semaphore(%arg22 : memref<!tpu.dma_semaphore, #tpu.memory_space<semaphore_mem>>)
      %slice3A_701 = vector.extract_strided_slice %get3A_313 {offsets = [12], sizes = [1], strides = [1]} : vector<16xi32> to vector<1xi32>
      %squeeze3A_702 = vector.extract %slice3A_701[0] : i32 from vector<1xi32>
      %add3A_703 = arith.constant 12 : i32
      %add3A_704 = arith.addi %mul3A_309, %add3A_703 : i32
      %dma_start3A_705 = arith.constant 0 : i32
      %dma_start3A_706 = tpu.memref_slice %arg13[%add3A_704, %dma_start3A_705] : memref<128x64xf32, #tpu.memory_space<vmem>> -> memref<1x64xf32, #tpu.memory_space<vmem>>
      %dma_start3A_707 = tpu.memref_squeeze %dma_start3A_706 : memref<1x64xf32, #tpu.memory_space<vmem>> -> memref<64xf32, #tpu.memory_space<vmem>>
      %dma_start3A_708 = arith.constant 0 : i32
      %dma_start3A_709 = tpu.memref_slice %arg4[%squeeze3A_702, %dma_start3A_708] : memref<100000x64xf32, #tpu.memory_space<hbm>> -> memref<1x64xf32, #tpu.memory_space<hbm>>
      %dma_start3A_710 = tpu.memref_squeeze %dma_start3A_709 : memref<1x64xf32, #tpu.memory_space<hbm>> -> memref<64xf32, #tpu.memory_space<hbm>>
      %dma_start3A_711 = arith.constant 0 : i32
      %dma_start3A_712 = tpu.memref_slice %arg13[%add3A_704, %dma_start3A_711] : memref<128x64xf32, #tpu.memory_space<vmem>> -> memref<1x64xf32, #tpu.memory_space<vmem>>
      %dma_start3A_713 = tpu.memref_squeeze %dma_start3A_712 : memref<1x64xf32, #tpu.memory_space<vmem>> -> memref<64xf32, #tpu.memory_space<vmem>>
      %dma_start3A_714 = arith.constant 0 : i32
      %dma_start3A_715 = tpu.memref_slice %arg4[%squeeze3A_702, %dma_start3A_714] : memref<100000x64xf32, #tpu.memory_space<hbm>> -> memref<1x64xf32, #tpu.memory_space<hbm>>
      %dma_start3A_716 = tpu.memref_squeeze %dma_start3A_715 : memref<1x64xf32, #tpu.memory_space<hbm>> -> memref<64xf32, #tpu.memory_space<hbm>>
      tpu.enqueue_dma source(%dma_start3A_716 : memref<64xf32, #tpu.memory_space<hbm>>) target(%dma_start3A_713 : memref<64xf32, #tpu.memory_space<vmem>>) target_semaphore(%arg20 : memref<!tpu.dma_semaphore, #tpu.memory_space<semaphore_mem>>)
      %slice3A_717 = vector.extract_strided_slice %get3A_318 {offsets = [12], sizes = [1], strides = [1]} : vector<16xi32> to vector<1xi32>
      %squeeze3A_718 = vector.extract %slice3A_717[0] : i32 from vector<1xi32>
      %add3A_719 = arith.constant 12 : i32
      %add3A_720 = arith.addi %mul3A_309, %add3A_719 : i32
      %dma_start3A_721 = arith.constant 0 : i32
      %dma_start3A_722 = tpu.memref_slice %arg15[%add3A_720, %dma_start3A_721] : memref<128x64xf32, #tpu.memory_space<vmem>> -> memref<1x64xf32, #tpu.memory_space<vmem>>
      %dma_start3A_723 = tpu.memref_squeeze %dma_start3A_722 : memref<1x64xf32, #tpu.memory_space<vmem>> -> memref<64xf32, #tpu.memory_space<vmem>>
      %dma_start3A_724 = arith.constant 0 : i32
      %dma_start3A_725 = tpu.memref_slice %arg5[%squeeze3A_718, %dma_start3A_724] : memref<100000x64xf32, #tpu.memory_space<hbm>> -> memref<1x64xf32, #tpu.memory_space<hbm>>
      %dma_start3A_726 = tpu.memref_squeeze %dma_start3A_725 : memref<1x64xf32, #tpu.memory_space<hbm>> -> memref<64xf32, #tpu.memory_space<hbm>>
      %dma_start3A_727 = arith.constant 0 : i32
      %dma_start3A_728 = tpu.memref_slice %arg15[%add3A_720, %dma_start3A_727] : memref<128x64xf32, #tpu.memory_space<vmem>> -> memref<1x64xf32, #tpu.memory_space<vmem>>
      %dma_start3A_729 = tpu.memref_squeeze %dma_start3A_728 : memref<1x64xf32, #tpu.memory_space<vmem>> -> memref<64xf32, #tpu.memory_space<vmem>>
      %dma_start3A_730 = arith.constant 0 : i32
      %dma_start3A_731 = tpu.memref_slice %arg5[%squeeze3A_718, %dma_start3A_730] : memref<100000x64xf32, #tpu.memory_space<hbm>> -> memref<1x64xf32, #tpu.memory_space<hbm>>
      %dma_start3A_732 = tpu.memref_squeeze %dma_start3A_731 : memref<1x64xf32, #tpu.memory_space<hbm>> -> memref<64xf32, #tpu.memory_space<hbm>>
      tpu.enqueue_dma source(%dma_start3A_732 : memref<64xf32, #tpu.memory_space<hbm>>) target(%dma_start3A_729 : memref<64xf32, #tpu.memory_space<vmem>>) target_semaphore(%arg22 : memref<!tpu.dma_semaphore, #tpu.memory_space<semaphore_mem>>)
      %slice3A_733 = vector.extract_strided_slice %get3A_313 {offsets = [13], sizes = [1], strides = [1]} : vector<16xi32> to vector<1xi32>
      %squeeze3A_734 = vector.extract %slice3A_733[0] : i32 from vector<1xi32>
      %add3A_735 = arith.constant 13 : i32
      %add3A_736 = arith.addi %mul3A_309, %add3A_735 : i32
      %dma_start3A_737 = arith.constant 0 : i32
      %dma_start3A_738 = tpu.memref_slice %arg13[%add3A_736, %dma_start3A_737] : memref<128x64xf32, #tpu.memory_space<vmem>> -> memref<1x64xf32, #tpu.memory_space<vmem>>
      %dma_start3A_739 = tpu.memref_squeeze %dma_start3A_738 : memref<1x64xf32, #tpu.memory_space<vmem>> -> memref<64xf32, #tpu.memory_space<vmem>>
      %dma_start3A_740 = arith.constant 0 : i32
      %dma_start3A_741 = tpu.memref_slice %arg4[%squeeze3A_734, %dma_start3A_740] : memref<100000x64xf32, #tpu.memory_space<hbm>> -> memref<1x64xf32, #tpu.memory_space<hbm>>
      %dma_start3A_742 = tpu.memref_squeeze %dma_start3A_741 : memref<1x64xf32, #tpu.memory_space<hbm>> -> memref<64xf32, #tpu.memory_space<hbm>>
      %dma_start3A_743 = arith.constant 0 : i32
      %dma_start3A_744 = tpu.memref_slice %arg13[%add3A_736, %dma_start3A_743] : memref<128x64xf32, #tpu.memory_space<vmem>> -> memref<1x64xf32, #tpu.memory_space<vmem>>
      %dma_start3A_745 = tpu.memref_squeeze %dma_start3A_744 : memref<1x64xf32, #tpu.memory_space<vmem>> -> memref<64xf32, #tpu.memory_space<vmem>>
      %dma_start3A_746 = arith.constant 0 : i32
      %dma_start3A_747 = tpu.memref_slice %arg4[%squeeze3A_734, %dma_start3A_746] : memref<100000x64xf32, #tpu.memory_space<hbm>> -> memref<1x64xf32, #tpu.memory_space<hbm>>
      %dma_start3A_748 = tpu.memref_squeeze %dma_start3A_747 : memref<1x64xf32, #tpu.memory_space<hbm>> -> memref<64xf32, #tpu.memory_space<hbm>>
      tpu.enqueue_dma source(%dma_start3A_748 : memref<64xf32, #tpu.memory_space<hbm>>) target(%dma_start3A_745 : memref<64xf32, #tpu.memory_space<vmem>>) target_semaphore(%arg20 : memref<!tpu.dma_semaphore, #tpu.memory_space<semaphore_mem>>)
      %slice3A_749 = vector.extract_strided_slice %get3A_318 {offsets = [13], sizes = [1], strides = [1]} : vector<16xi32> to vector<1xi32>
      %squeeze3A_750 = vector.extract %slice3A_749[0] : i32 from vector<1xi32>
      %add3A_751 = arith.constant 13 : i32
      %add3A_752 = arith.addi %mul3A_309, %add3A_751 : i32
      %dma_start3A_753 = arith.constant 0 : i32
      %dma_start3A_754 = tpu.memref_slice %arg15[%add3A_752, %dma_start3A_753] : memref<128x64xf32, #tpu.memory_space<vmem>> -> memref<1x64xf32, #tpu.memory_space<vmem>>
      %dma_start3A_755 = tpu.memref_squeeze %dma_start3A_754 : memref<1x64xf32, #tpu.memory_space<vmem>> -> memref<64xf32, #tpu.memory_space<vmem>>
      %dma_start3A_756 = arith.constant 0 : i32
      %dma_start3A_757 = tpu.memref_slice %arg5[%squeeze3A_750, %dma_start3A_756] : memref<100000x64xf32, #tpu.memory_space<hbm>> -> memref<1x64xf32, #tpu.memory_space<hbm>>
      %dma_start3A_758 = tpu.memref_squeeze %dma_start3A_757 : memref<1x64xf32, #tpu.memory_space<hbm>> -> memref<64xf32, #tpu.memory_space<hbm>>
      %dma_start3A_759 = arith.constant 0 : i32
      %dma_start3A_760 = tpu.memref_slice %arg15[%add3A_752, %dma_start3A_759] : memref<128x64xf32, #tpu.memory_space<vmem>> -> memref<1x64xf32, #tpu.memory_space<vmem>>
      %dma_start3A_761 = tpu.memref_squeeze %dma_start3A_760 : memref<1x64xf32, #tpu.memory_space<vmem>> -> memref<64xf32, #tpu.memory_space<vmem>>
      %dma_start3A_762 = arith.constant 0 : i32
      %dma_start3A_763 = tpu.memref_slice %arg5[%squeeze3A_750, %dma_start3A_762] : memref<100000x64xf32, #tpu.memory_space<hbm>> -> memref<1x64xf32, #tpu.memory_space<hbm>>
      %dma_start3A_764 = tpu.memref_squeeze %dma_start3A_763 : memref<1x64xf32, #tpu.memory_space<hbm>> -> memref<64xf32, #tpu.memory_space<hbm>>
      tpu.enqueue_dma source(%dma_start3A_764 : memref<64xf32, #tpu.memory_space<hbm>>) target(%dma_start3A_761 : memref<64xf32, #tpu.memory_space<vmem>>) target_semaphore(%arg22 : memref<!tpu.dma_semaphore, #tpu.memory_space<semaphore_mem>>)
      %slice3A_765 = vector.extract_strided_slice %get3A_313 {offsets = [14], sizes = [1], strides = [1]} : vector<16xi32> to vector<1xi32>
      %squeeze3A_766 = vector.extract %slice3A_765[0] : i32 from vector<1xi32>
      %add3A_767 = arith.constant 14 : i32
      %add3A_768 = arith.addi %mul3A_309, %add3A_767 : i32
      %dma_start3A_769 = arith.constant 0 : i32
      %dma_start3A_770 = tpu.memref_slice %arg13[%add3A_768, %dma_start3A_769] : memref<128x64xf32, #tpu.memory_space<vmem>> -> memref<1x64xf32, #tpu.memory_space<vmem>>
      %dma_start3A_771 = tpu.memref_squeeze %dma_start3A_770 : memref<1x64xf32, #tpu.memory_space<vmem>> -> memref<64xf32, #tpu.memory_space<vmem>>
      %dma_start3A_772 = arith.constant 0 : i32
      %dma_start3A_773 = tpu.memref_slice %arg4[%squeeze3A_766, %dma_start3A_772] : memref<100000x64xf32, #tpu.memory_space<hbm>> -> memref<1x64xf32, #tpu.memory_space<hbm>>
      %dma_start3A_774 = tpu.memref_squeeze %dma_start3A_773 : memref<1x64xf32, #tpu.memory_space<hbm>> -> memref<64xf32, #tpu.memory_space<hbm>>
      %dma_start3A_775 = arith.constant 0 : i32
      %dma_start3A_776 = tpu.memref_slice %arg13[%add3A_768, %dma_start3A_775] : memref<128x64xf32, #tpu.memory_space<vmem>> -> memref<1x64xf32, #tpu.memory_space<vmem>>
      %dma_start3A_777 = tpu.memref_squeeze %dma_start3A_776 : memref<1x64xf32, #tpu.memory_space<vmem>> -> memref<64xf32, #tpu.memory_space<vmem>>
      %dma_start3A_778 = arith.constant 0 : i32
      %dma_start3A_779 = tpu.memref_slice %arg4[%squeeze3A_766, %dma_start3A_778] : memref<100000x64xf32, #tpu.memory_space<hbm>> -> memref<1x64xf32, #tpu.memory_space<hbm>>
      %dma_start3A_780 = tpu.memref_squeeze %dma_start3A_779 : memref<1x64xf32, #tpu.memory_space<hbm>> -> memref<64xf32, #tpu.memory_space<hbm>>
      tpu.enqueue_dma source(%dma_start3A_780 : memref<64xf32, #tpu.memory_space<hbm>>) target(%dma_start3A_777 : memref<64xf32, #tpu.memory_space<vmem>>) target_semaphore(%arg20 : memref<!tpu.dma_semaphore, #tpu.memory_space<semaphore_mem>>)
      %slice3A_781 = vector.extract_strided_slice %get3A_318 {offsets = [14], sizes = [1], strides = [1]} : vector<16xi32> to vector<1xi32>
      %squeeze3A_782 = vector.extract %slice3A_781[0] : i32 from vector<1xi32>
      %add3A_783 = arith.constant 14 : i32
      %add3A_784 = arith.addi %mul3A_309, %add3A_783 : i32
      %dma_start3A_785 = arith.constant 0 : i32
      %dma_start3A_786 = tpu.memref_slice %arg15[%add3A_784, %dma_start3A_785] : memref<128x64xf32, #tpu.memory_space<vmem>> -> memref<1x64xf32, #tpu.memory_space<vmem>>
      %dma_start3A_787 = tpu.memref_squeeze %dma_start3A_786 : memref<1x64xf32, #tpu.memory_space<vmem>> -> memref<64xf32, #tpu.memory_space<vmem>>
      %dma_start3A_788 = arith.constant 0 : i32
      %dma_start3A_789 = tpu.memref_slice %arg5[%squeeze3A_782, %dma_start3A_788] : memref<100000x64xf32, #tpu.memory_space<hbm>> -> memref<1x64xf32, #tpu.memory_space<hbm>>
      %dma_start3A_790 = tpu.memref_squeeze %dma_start3A_789 : memref<1x64xf32, #tpu.memory_space<hbm>> -> memref<64xf32, #tpu.memory_space<hbm>>
      %dma_start3A_791 = arith.constant 0 : i32
      %dma_start3A_792 = tpu.memref_slice %arg15[%add3A_784, %dma_start3A_791] : memref<128x64xf32, #tpu.memory_space<vmem>> -> memref<1x64xf32, #tpu.memory_space<vmem>>
      %dma_start3A_793 = tpu.memref_squeeze %dma_start3A_792 : memref<1x64xf32, #tpu.memory_space<vmem>> -> memref<64xf32, #tpu.memory_space<vmem>>
      %dma_start3A_794 = arith.constant 0 : i32
      %dma_start3A_795 = tpu.memref_slice %arg5[%squeeze3A_782, %dma_start3A_794] : memref<100000x64xf32, #tpu.memory_space<hbm>> -> memref<1x64xf32, #tpu.memory_space<hbm>>
      %dma_start3A_796 = tpu.memref_squeeze %dma_start3A_795 : memref<1x64xf32, #tpu.memory_space<hbm>> -> memref<64xf32, #tpu.memory_space<hbm>>
      tpu.enqueue_dma source(%dma_start3A_796 : memref<64xf32, #tpu.memory_space<hbm>>) target(%dma_start3A_793 : memref<64xf32, #tpu.memory_space<vmem>>) target_semaphore(%arg22 : memref<!tpu.dma_semaphore, #tpu.memory_space<semaphore_mem>>)
      %slice3A_797 = vector.extract_strided_slice %get3A_313 {offsets = [15], sizes = [1], strides = [1]} : vector<16xi32> to vector<1xi32>
      %squeeze3A_798 = vector.extract %slice3A_797[0] : i32 from vector<1xi32>
      %add3A_799 = arith.constant 15 : i32
      %add3A_800 = arith.addi %mul3A_309, %add3A_799 : i32
      %dma_start3A_801 = arith.constant 0 : i32
      %dma_start3A_802 = tpu.memref_slice %arg13[%add3A_800, %dma_start3A_801] : memref<128x64xf32, #tpu.memory_space<vmem>> -> memref<1x64xf32, #tpu.memory_space<vmem>>
      %dma_start3A_803 = tpu.memref_squeeze %dma_start3A_802 : memref<1x64xf32, #tpu.memory_space<vmem>> -> memref<64xf32, #tpu.memory_space<vmem>>
      %dma_start3A_804 = arith.constant 0 : i32
      %dma_start3A_805 = tpu.memref_slice %arg4[%squeeze3A_798, %dma_start3A_804] : memref<100000x64xf32, #tpu.memory_space<hbm>> -> memref<1x64xf32, #tpu.memory_space<hbm>>
      %dma_start3A_806 = tpu.memref_squeeze %dma_start3A_805 : memref<1x64xf32, #tpu.memory_space<hbm>> -> memref<64xf32, #tpu.memory_space<hbm>>
      %dma_start3A_807 = arith.constant 0 : i32
      %dma_start3A_808 = tpu.memref_slice %arg13[%add3A_800, %dma_start3A_807] : memref<128x64xf32, #tpu.memory_space<vmem>> -> memref<1x64xf32, #tpu.memory_space<vmem>>
      %dma_start3A_809 = tpu.memref_squeeze %dma_start3A_808 : memref<1x64xf32, #tpu.memory_space<vmem>> -> memref<64xf32, #tpu.memory_space<vmem>>
      %dma_start3A_810 = arith.constant 0 : i32
      %dma_start3A_811 = tpu.memref_slice %arg4[%squeeze3A_798, %dma_start3A_810] : memref<100000x64xf32, #tpu.memory_space<hbm>> -> memref<1x64xf32, #tpu.memory_space<hbm>>
      %dma_start3A_812 = tpu.memref_squeeze %dma_start3A_811 : memref<1x64xf32, #tpu.memory_space<hbm>> -> memref<64xf32, #tpu.memory_space<hbm>>
      tpu.enqueue_dma source(%dma_start3A_812 : memref<64xf32, #tpu.memory_space<hbm>>) target(%dma_start3A_809 : memref<64xf32, #tpu.memory_space<vmem>>) target_semaphore(%arg20 : memref<!tpu.dma_semaphore, #tpu.memory_space<semaphore_mem>>)
      %slice3A_813 = vector.extract_strided_slice %get3A_318 {offsets = [15], sizes = [1], strides = [1]} : vector<16xi32> to vector<1xi32>
      %squeeze3A_814 = vector.extract %slice3A_813[0] : i32 from vector<1xi32>
      %add3A_815 = arith.constant 15 : i32
      %add3A_816 = arith.addi %mul3A_309, %add3A_815 : i32
      %dma_start3A_817 = arith.constant 0 : i32
      %dma_start3A_818 = tpu.memref_slice %arg15[%add3A_816, %dma_start3A_817] : memref<128x64xf32, #tpu.memory_space<vmem>> -> memref<1x64xf32, #tpu.memory_space<vmem>>
      %dma_start3A_819 = tpu.memref_squeeze %dma_start3A_818 : memref<1x64xf32, #tpu.memory_space<vmem>> -> memref<64xf32, #tpu.memory_space<vmem>>
      %dma_start3A_820 = arith.constant 0 : i32
      %dma_start3A_821 = tpu.memref_slice %arg5[%squeeze3A_814, %dma_start3A_820] : memref<100000x64xf32, #tpu.memory_space<hbm>> -> memref<1x64xf32, #tpu.memory_space<hbm>>
      %dma_start3A_822 = tpu.memref_squeeze %dma_start3A_821 : memref<1x64xf32, #tpu.memory_space<hbm>> -> memref<64xf32, #tpu.memory_space<hbm>>
      %dma_start3A_823 = arith.constant 0 : i32
      %dma_start3A_824 = tpu.memref_slice %arg15[%add3A_816, %dma_start3A_823] : memref<128x64xf32, #tpu.memory_space<vmem>> -> memref<1x64xf32, #tpu.memory_space<vmem>>
      %dma_start3A_825 = tpu.memref_squeeze %dma_start3A_824 : memref<1x64xf32, #tpu.memory_space<vmem>> -> memref<64xf32, #tpu.memory_space<vmem>>
      %dma_start3A_826 = arith.constant 0 : i32
      %dma_start3A_827 = tpu.memref_slice %arg5[%squeeze3A_814, %dma_start3A_826] : memref<100000x64xf32, #tpu.memory_space<hbm>> -> memref<1x64xf32, #tpu.memory_space<hbm>>
      %dma_start3A_828 = tpu.memref_squeeze %dma_start3A_827 : memref<1x64xf32, #tpu.memory_space<hbm>> -> memref<64xf32, #tpu.memory_space<hbm>>
      tpu.enqueue_dma source(%dma_start3A_828 : memref<64xf32, #tpu.memory_space<hbm>>) target(%dma_start3A_825 : memref<64xf32, #tpu.memory_space<vmem>>) target_semaphore(%arg22 : memref<!tpu.dma_semaphore, #tpu.memory_space<semaphore_mem>>)
      %scan3A_829 = arith.constant 0 : i32
      scf.yield %scan3A_829 : i32
    }
    %scan3A_131 = arith.constant 8 : i32
    %scan3A_132 = arith.constant 0 : i32
    %scan3A_133 = arith.constant 128 : i32
    %scan3A_134 = arith.addi %scan3A_132, %scan3A_133 : i32
    %scan3A_135 = arith.constant 1 : i32
    %scan3A_136 = scf.for %scan3A_306 = %scan3A_132 to %scan3A_134 step %scan3A_135 iter_args(%scan3A_307 = %scan3A_111) -> (vector<16xf32>)  : i32 {
      %get3A = arith.index_cast %scan3A_306 : i32 to index
      %get3A_308 = arith.constant 0 : index
      %get3A_309 = tpu.vector_load %arg14[%get3A, %get3A_308] {strides = array<i32>} : memref<128x64xf32, #tpu.memory_space<vmem>>, vector<1x16xf32>,
      %get3A_310 = vector.shape_cast %get3A_309 : vector<1x16xf32> to vector<16xf32>
      %get3A_311 = arith.index_cast %scan3A_306 : i32 to index
      %get3A_312 = arith.constant 0 : index
      %get3A_313 = tpu.vector_load %arg16[%get3A_311, %get3A_312] {strides = array<i32>} : memref<128x64xf32, #tpu.memory_space<vmem>>, vector<1x16xf32>,
      %get3A_314 = vector.shape_cast %get3A_313 : vector<1x16xf32> to vector<16xf32>
      %mul3A_315 = arith.mulf %get3A_310, %get3A_314 : vector<16xf32>
      %add3A_316 = arith.addf %scan3A_307, %mul3A_315 : vector<16xf32>
      %get3A_317 = arith.index_cast %scan3A_306 : i32 to index
      %get3A_318 = arith.constant 16 : index
      %get3A_319 = tpu.vector_load %arg14[%get3A_317, %get3A_318] {strides = array<i32>} : memref<128x64xf32, #tpu.memory_space<vmem>>, vector<1x16xf32>,
      %get3A_320 = vector.shape_cast %get3A_319 : vector<1x16xf32> to vector<16xf32>
      %get3A_321 = arith.index_cast %scan3A_306 : i32 to index
      %get3A_322 = arith.constant 16 : index
      %get3A_323 = tpu.vector_load %arg16[%get3A_321, %get3A_322] {strides = array<i32>} : memref<128x64xf32, #tpu.memory_space<vmem>>, vector<1x16xf32>,
      %get3A_324 = vector.shape_cast %get3A_323 : vector<1x16xf32> to vector<16xf32>
      %mul3A_325 = arith.mulf %get3A_320, %get3A_324 : vector<16xf32>
      %add3A_326 = arith.addf %add3A_316, %mul3A_325 : vector<16xf32>
      %get3A_327 = arith.index_cast %scan3A_306 : i32 to index
      %get3A_328 = arith.constant 32 : index
      %get3A_329 = tpu.vector_load %arg14[%get3A_327, %get3A_328] {strides = array<i32>} : memref<128x64xf32, #tpu.memory_space<vmem>>, vector<1x16xf32>,
      %get3A_330 = vector.shape_cast %get3A_329 : vector<1x16xf32> to vector<16xf32>
      %get3A_331 = arith.index_cast %scan3A_306 : i32 to index
      %get3A_332 = arith.constant 32 : index
      %get3A_333 = tpu.vector_load %arg16[%get3A_331, %get3A_332] {strides = array<i32>} : memref<128x64xf32, #tpu.memory_space<vmem>>, vector<1x16xf32>,
      %get3A_334 = vector.shape_cast %get3A_333 : vector<1x16xf32> to vector<16xf32>
      %mul3A_335 = arith.mulf %get3A_330, %get3A_334 : vector<16xf32>
      %add3A_336 = arith.addf %add3A_326, %mul3A_335 : vector<16xf32>
      %get3A_337 = arith.index_cast %scan3A_306 : i32 to index
      %get3A_338 = arith.constant 48 : index
      %get3A_339 = tpu.vector_load %arg14[%get3A_337, %get3A_338] {strides = array<i32>} : memref<128x64xf32, #tpu.memory_space<vmem>>, vector<1x16xf32>,
      %get3A_340 = vector.shape_cast %get3A_339 : vector<1x16xf32> to vector<16xf32>
      %get3A_341 = arith.index_cast %scan3A_306 : i32 to index
      %get3A_342 = arith.constant 48 : index
      %get3A_343 = tpu.vector_load %arg16[%get3A_341, %get3A_342] {strides = array<i32>} : memref<128x64xf32, #tpu.memory_space<vmem>>, vector<1x16xf32>,
      %get3A_344 = vector.shape_cast %get3A_343 : vector<1x16xf32> to vector<16xf32>
      %mul3A_345 = arith.mulf %get3A_340, %get3A_344 : vector<16xf32>
      %add3A_346 = arith.addf %add3A_336, %mul3A_345 : vector<16xf32>
      scf.yield %add3A_346 : vector<16xf32>
    }
    %scan3A_137 = arith.constant 128 : i32
    %dma_wait3A_138 = arith.constant 0 : i32
    %dma_wait3A_139 = arith.constant 0 : i32
    %dma_wait3A_140 = tpu.memref_slice %arg4[%dma_wait3A_138, %dma_wait3A_139] : memref<100000x64xf32, #tpu.memory_space<hbm>> -> memref<128x64xf32, #tpu.memory_space<hbm>>
    %dma_wait3A_141 = arith.constant 0 : i32
    %dma_wait3A_142 = arith.constant 0 : i32
    %dma_wait3A_143 = tpu.memref_slice %arg4[%dma_wait3A_141, %dma_wait3A_142] : memref<100000x64xf32, #tpu.memory_space<hbm>> -> memref<128x64xf32, #tpu.memory_space<hbm>>
    tpu.wait_dma2 semaphore(%arg20 : memref<!tpu.dma_semaphore, #tpu.memory_space<semaphore_mem>>) src(%dma_wait3A_143 : memref<128x64xf32, #tpu.memory_space<hbm>>) dst(%arg13 : memref<128x64xf32, #tpu.memory_space<vmem>>)
    %dma_wait3A_144 = arith.constant 0 : i32
    %dma_wait3A_145 = arith.constant 0 : i32
    %dma_wait3A_146 = tpu.memref_slice %arg5[%dma_wait3A_144, %dma_wait3A_145] : memref<100000x64xf32, #tpu.memory_space<hbm>> -> memref<128x64xf32, #tpu.memory_space<hbm>>
    %dma_wait3A_147 = arith.constant 0 : i32
    %dma_wait3A_148 = arith.constant 0 : i32
    %dma_wait3A_149 = tpu.memref_slice %arg5[%dma_wait3A_147, %dma_wait3A_148] : memref<100000x64xf32, #tpu.memory_space<hbm>> -> memref<128x64xf32, #tpu.memory_space<hbm>>
    tpu.wait_dma2 semaphore(%arg22 : memref<!tpu.dma_semaphore, #tpu.memory_space<semaphore_mem>>) src(%dma_wait3A_149 : memref<128x64xf32, #tpu.memory_space<hbm>>) dst(%arg15 : memref<128x64xf32, #tpu.memory_space<vmem>>)
    %scan3A_150 = arith.constant 0 : i32
    %scan3A_151 = arith.constant 0 : i32
    %scan3A_152 = arith.constant 8 : i32
    %scan3A_153 = arith.addi %scan3A_151, %scan3A_152 : i32
    %scan3A_154 = arith.constant 1 : i32
    %scan3A_155 = scf.for %scan3A_306 = %scan3A_151 to %scan3A_153 step %scan3A_154 iter_args(%scan3A_307 = %scan3A_150) -> (i32)  : i32 {
      %mul3A_308 = arith.constant 16 : i32
      %mul3A_309 = arith.muli %scan3A_306, %mul3A_308 : i32
      %get3A = arith.constant 3 : i32
      %get3A_310 = arith.index_cast %get3A : i32 to index
      %get3A_311 = arith.index_cast %mul3A_309 : i32 to index
      %get3A_312 = tpu.vector_load %arg11[%get3A_310, %get3A_311] {strides = array<i32>} : memref<4x128xi32, #tpu.memory_space<vmem>>, vector<1x16xi32>,
      %get3A_313 = vector.shape_cast %get3A_312 : vector<1x16xi32> to vector<16xi32>
      %get3A_314 = arith.constant 3 : i32
      %get3A_315 = arith.index_cast %get3A_314 : i32 to index
      %get3A_316 = arith.index_cast %mul3A_309 : i32 to index
      %get3A_317 = tpu.vector_load %arg12[%get3A_315, %get3A_316] {strides = array<i32>} : memref<4x128xi32, #tpu.memory_space<vmem>>, vector<1x16xi32>,
      %get3A_318 = vector.shape_cast %get3A_317 : vector<1x16xi32> to vector<16xi32>
      %slice3A = vector.extract_strided_slice %get3A_313 {offsets = [0], sizes = [1], strides = [1]} : vector<16xi32> to vector<1xi32>
      %squeeze3A = vector.extract %slice3A[0] : i32 from vector<1xi32>
      %add3A_319 = arith.constant 0 : i32
      %add3A_320 = arith.addi %mul3A_309, %add3A_319 : i32
      %dma_start3A_321 = arith.constant 0 : i32
      %dma_start3A_322 = tpu.memref_slice %arg14[%add3A_320, %dma_start3A_321] : memref<128x64xf32, #tpu.memory_space<vmem>> -> memref<1x64xf32, #tpu.memory_space<vmem>>
      %dma_start3A_323 = tpu.memref_squeeze %dma_start3A_322 : memref<1x64xf32, #tpu.memory_space<vmem>> -> memref<64xf32, #tpu.memory_space<vmem>>
      %dma_start3A_324 = arith.constant 0 : i32
      %dma_start3A_325 = tpu.memref_slice %arg4[%squeeze3A, %dma_start3A_324] : memref<100000x64xf32, #tpu.memory_space<hbm>> -> memref<1x64xf32, #tpu.memory_space<hbm>>
      %dma_start3A_326 = tpu.memref_squeeze %dma_start3A_325 : memref<1x64xf32, #tpu.memory_space<hbm>> -> memref<64xf32, #tpu.memory_space<hbm>>
      %dma_start3A_327 = arith.constant 0 : i32
      %dma_start3A_328 = tpu.memref_slice %arg14[%add3A_320, %dma_start3A_327] : memref<128x64xf32, #tpu.memory_space<vmem>> -> memref<1x64xf32, #tpu.memory_space<vmem>>
      %dma_start3A_329 = tpu.memref_squeeze %dma_start3A_328 : memref<1x64xf32, #tpu.memory_space<vmem>> -> memref<64xf32, #tpu.memory_space<vmem>>
      %dma_start3A_330 = arith.constant 0 : i32
      %dma_start3A_331 = tpu.memref_slice %arg4[%squeeze3A, %dma_start3A_330] : memref<100000x64xf32, #tpu.memory_space<hbm>> -> memref<1x64xf32, #tpu.memory_space<hbm>>
      %dma_start3A_332 = tpu.memref_squeeze %dma_start3A_331 : memref<1x64xf32, #tpu.memory_space<hbm>> -> memref<64xf32, #tpu.memory_space<hbm>>
      tpu.enqueue_dma source(%dma_start3A_332 : memref<64xf32, #tpu.memory_space<hbm>>) target(%dma_start3A_329 : memref<64xf32, #tpu.memory_space<vmem>>) target_semaphore(%arg21 : memref<!tpu.dma_semaphore, #tpu.memory_space<semaphore_mem>>)
      %slice3A_333 = vector.extract_strided_slice %get3A_318 {offsets = [0], sizes = [1], strides = [1]} : vector<16xi32> to vector<1xi32>
      %squeeze3A_334 = vector.extract %slice3A_333[0] : i32 from vector<1xi32>
      %add3A_335 = arith.constant 0 : i32
      %add3A_336 = arith.addi %mul3A_309, %add3A_335 : i32
      %dma_start3A_337 = arith.constant 0 : i32
      %dma_start3A_338 = tpu.memref_slice %arg16[%add3A_336, %dma_start3A_337] : memref<128x64xf32, #tpu.memory_space<vmem>> -> memref<1x64xf32, #tpu.memory_space<vmem>>
      %dma_start3A_339 = tpu.memref_squeeze %dma_start3A_338 : memref<1x64xf32, #tpu.memory_space<vmem>> -> memref<64xf32, #tpu.memory_space<vmem>>
      %dma_start3A_340 = arith.constant 0 : i32
      %dma_start3A_341 = tpu.memref_slice %arg5[%squeeze3A_334, %dma_start3A_340] : memref<100000x64xf32, #tpu.memory_space<hbm>> -> memref<1x64xf32, #tpu.memory_space<hbm>>
      %dma_start3A_342 = tpu.memref_squeeze %dma_start3A_341 : memref<1x64xf32, #tpu.memory_space<hbm>> -> memref<64xf32, #tpu.memory_space<hbm>>
      %dma_start3A_343 = arith.constant 0 : i32
      %dma_start3A_344 = tpu.memref_slice %arg16[%add3A_336, %dma_start3A_343] : memref<128x64xf32, #tpu.memory_space<vmem>> -> memref<1x64xf32, #tpu.memory_space<vmem>>
      %dma_start3A_345 = tpu.memref_squeeze %dma_start3A_344 : memref<1x64xf32, #tpu.memory_space<vmem>> -> memref<64xf32, #tpu.memory_space<vmem>>
      %dma_start3A_346 = arith.constant 0 : i32
      %dma_start3A_347 = tpu.memref_slice %arg5[%squeeze3A_334, %dma_start3A_346] : memref<100000x64xf32, #tpu.memory_space<hbm>> -> memref<1x64xf32, #tpu.memory_space<hbm>>
      %dma_start3A_348 = tpu.memref_squeeze %dma_start3A_347 : memref<1x64xf32, #tpu.memory_space<hbm>> -> memref<64xf32, #tpu.memory_space<hbm>>
      tpu.enqueue_dma source(%dma_start3A_348 : memref<64xf32, #tpu.memory_space<hbm>>) target(%dma_start3A_345 : memref<64xf32, #tpu.memory_space<vmem>>) target_semaphore(%arg23 : memref<!tpu.dma_semaphore, #tpu.memory_space<semaphore_mem>>)
      %slice3A_349 = vector.extract_strided_slice %get3A_313 {offsets = [1], sizes = [1], strides = [1]} : vector<16xi32> to vector<1xi32>
      %squeeze3A_350 = vector.extract %slice3A_349[0] : i32 from vector<1xi32>
      %add3A_351 = arith.constant 1 : i32
      %add3A_352 = arith.addi %mul3A_309, %add3A_351 : i32
      %dma_start3A_353 = arith.constant 0 : i32
      %dma_start3A_354 = tpu.memref_slice %arg14[%add3A_352, %dma_start3A_353] : memref<128x64xf32, #tpu.memory_space<vmem>> -> memref<1x64xf32, #tpu.memory_space<vmem>>
      %dma_start3A_355 = tpu.memref_squeeze %dma_start3A_354 : memref<1x64xf32, #tpu.memory_space<vmem>> -> memref<64xf32, #tpu.memory_space<vmem>>
      %dma_start3A_356 = arith.constant 0 : i32
      %dma_start3A_357 = tpu.memref_slice %arg4[%squeeze3A_350, %dma_start3A_356] : memref<100000x64xf32, #tpu.memory_space<hbm>> -> memref<1x64xf32, #tpu.memory_space<hbm>>
      %dma_start3A_358 = tpu.memref_squeeze %dma_start3A_357 : memref<1x64xf32, #tpu.memory_space<hbm>> -> memref<64xf32, #tpu.memory_space<hbm>>
      %dma_start3A_359 = arith.constant 0 : i32
      %dma_start3A_360 = tpu.memref_slice %arg14[%add3A_352, %dma_start3A_359] : memref<128x64xf32, #tpu.memory_space<vmem>> -> memref<1x64xf32, #tpu.memory_space<vmem>>
      %dma_start3A_361 = tpu.memref_squeeze %dma_start3A_360 : memref<1x64xf32, #tpu.memory_space<vmem>> -> memref<64xf32, #tpu.memory_space<vmem>>
      %dma_start3A_362 = arith.constant 0 : i32
      %dma_start3A_363 = tpu.memref_slice %arg4[%squeeze3A_350, %dma_start3A_362] : memref<100000x64xf32, #tpu.memory_space<hbm>> -> memref<1x64xf32, #tpu.memory_space<hbm>>
      %dma_start3A_364 = tpu.memref_squeeze %dma_start3A_363 : memref<1x64xf32, #tpu.memory_space<hbm>> -> memref<64xf32, #tpu.memory_space<hbm>>
      tpu.enqueue_dma source(%dma_start3A_364 : memref<64xf32, #tpu.memory_space<hbm>>) target(%dma_start3A_361 : memref<64xf32, #tpu.memory_space<vmem>>) target_semaphore(%arg21 : memref<!tpu.dma_semaphore, #tpu.memory_space<semaphore_mem>>)
      %slice3A_365 = vector.extract_strided_slice %get3A_318 {offsets = [1], sizes = [1], strides = [1]} : vector<16xi32> to vector<1xi32>
      %squeeze3A_366 = vector.extract %slice3A_365[0] : i32 from vector<1xi32>
      %add3A_367 = arith.constant 1 : i32
      %add3A_368 = arith.addi %mul3A_309, %add3A_367 : i32
      %dma_start3A_369 = arith.constant 0 : i32
      %dma_start3A_370 = tpu.memref_slice %arg16[%add3A_368, %dma_start3A_369] : memref<128x64xf32, #tpu.memory_space<vmem>> -> memref<1x64xf32, #tpu.memory_space<vmem>>
      %dma_start3A_371 = tpu.memref_squeeze %dma_start3A_370 : memref<1x64xf32, #tpu.memory_space<vmem>> -> memref<64xf32, #tpu.memory_space<vmem>>
      %dma_start3A_372 = arith.constant 0 : i32
      %dma_start3A_373 = tpu.memref_slice %arg5[%squeeze3A_366, %dma_start3A_372] : memref<100000x64xf32, #tpu.memory_space<hbm>> -> memref<1x64xf32, #tpu.memory_space<hbm>>
      %dma_start3A_374 = tpu.memref_squeeze %dma_start3A_373 : memref<1x64xf32, #tpu.memory_space<hbm>> -> memref<64xf32, #tpu.memory_space<hbm>>
      %dma_start3A_375 = arith.constant 0 : i32
      %dma_start3A_376 = tpu.memref_slice %arg16[%add3A_368, %dma_start3A_375] : memref<128x64xf32, #tpu.memory_space<vmem>> -> memref<1x64xf32, #tpu.memory_space<vmem>>
      %dma_start3A_377 = tpu.memref_squeeze %dma_start3A_376 : memref<1x64xf32, #tpu.memory_space<vmem>> -> memref<64xf32, #tpu.memory_space<vmem>>
      %dma_start3A_378 = arith.constant 0 : i32
      %dma_start3A_379 = tpu.memref_slice %arg5[%squeeze3A_366, %dma_start3A_378] : memref<100000x64xf32, #tpu.memory_space<hbm>> -> memref<1x64xf32, #tpu.memory_space<hbm>>
      %dma_start3A_380 = tpu.memref_squeeze %dma_start3A_379 : memref<1x64xf32, #tpu.memory_space<hbm>> -> memref<64xf32, #tpu.memory_space<hbm>>
      tpu.enqueue_dma source(%dma_start3A_380 : memref<64xf32, #tpu.memory_space<hbm>>) target(%dma_start3A_377 : memref<64xf32, #tpu.memory_space<vmem>>) target_semaphore(%arg23 : memref<!tpu.dma_semaphore, #tpu.memory_space<semaphore_mem>>)
      %slice3A_381 = vector.extract_strided_slice %get3A_313 {offsets = [2], sizes = [1], strides = [1]} : vector<16xi32> to vector<1xi32>
      %squeeze3A_382 = vector.extract %slice3A_381[0] : i32 from vector<1xi32>
      %add3A_383 = arith.constant 2 : i32
      %add3A_384 = arith.addi %mul3A_309, %add3A_383 : i32
      %dma_start3A_385 = arith.constant 0 : i32
      %dma_start3A_386 = tpu.memref_slice %arg14[%add3A_384, %dma_start3A_385] : memref<128x64xf32, #tpu.memory_space<vmem>> -> memref<1x64xf32, #tpu.memory_space<vmem>>
      %dma_start3A_387 = tpu.memref_squeeze %dma_start3A_386 : memref<1x64xf32, #tpu.memory_space<vmem>> -> memref<64xf32, #tpu.memory_space<vmem>>
      %dma_start3A_388 = arith.constant 0 : i32
      %dma_start3A_389 = tpu.memref_slice %arg4[%squeeze3A_382, %dma_start3A_388] : memref<100000x64xf32, #tpu.memory_space<hbm>> -> memref<1x64xf32, #tpu.memory_space<hbm>>
      %dma_start3A_390 = tpu.memref_squeeze %dma_start3A_389 : memref<1x64xf32, #tpu.memory_space<hbm>> -> memref<64xf32, #tpu.memory_space<hbm>>
      %dma_start3A_391 = arith.constant 0 : i32
      %dma_start3A_392 = tpu.memref_slice %arg14[%add3A_384, %dma_start3A_391] : memref<128x64xf32, #tpu.memory_space<vmem>> -> memref<1x64xf32, #tpu.memory_space<vmem>>
      %dma_start3A_393 = tpu.memref_squeeze %dma_start3A_392 : memref<1x64xf32, #tpu.memory_space<vmem>> -> memref<64xf32, #tpu.memory_space<vmem>>
      %dma_start3A_394 = arith.constant 0 : i32
      %dma_start3A_395 = tpu.memref_slice %arg4[%squeeze3A_382, %dma_start3A_394] : memref<100000x64xf32, #tpu.memory_space<hbm>> -> memref<1x64xf32, #tpu.memory_space<hbm>>
      %dma_start3A_396 = tpu.memref_squeeze %dma_start3A_395 : memref<1x64xf32, #tpu.memory_space<hbm>> -> memref<64xf32, #tpu.memory_space<hbm>>
      tpu.enqueue_dma source(%dma_start3A_396 : memref<64xf32, #tpu.memory_space<hbm>>) target(%dma_start3A_393 : memref<64xf32, #tpu.memory_space<vmem>>) target_semaphore(%arg21 : memref<!tpu.dma_semaphore, #tpu.memory_space<semaphore_mem>>)
      %slice3A_397 = vector.extract_strided_slice %get3A_318 {offsets = [2], sizes = [1], strides = [1]} : vector<16xi32> to vector<1xi32>
      %squeeze3A_398 = vector.extract %slice3A_397[0] : i32 from vector<1xi32>
      %add3A_399 = arith.constant 2 : i32
      %add3A_400 = arith.addi %mul3A_309, %add3A_399 : i32
      %dma_start3A_401 = arith.constant 0 : i32
      %dma_start3A_402 = tpu.memref_slice %arg16[%add3A_400, %dma_start3A_401] : memref<128x64xf32, #tpu.memory_space<vmem>> -> memref<1x64xf32, #tpu.memory_space<vmem>>
      %dma_start3A_403 = tpu.memref_squeeze %dma_start3A_402 : memref<1x64xf32, #tpu.memory_space<vmem>> -> memref<64xf32, #tpu.memory_space<vmem>>
      %dma_start3A_404 = arith.constant 0 : i32
      %dma_start3A_405 = tpu.memref_slice %arg5[%squeeze3A_398, %dma_start3A_404] : memref<100000x64xf32, #tpu.memory_space<hbm>> -> memref<1x64xf32, #tpu.memory_space<hbm>>
      %dma_start3A_406 = tpu.memref_squeeze %dma_start3A_405 : memref<1x64xf32, #tpu.memory_space<hbm>> -> memref<64xf32, #tpu.memory_space<hbm>>
      %dma_start3A_407 = arith.constant 0 : i32
      %dma_start3A_408 = tpu.memref_slice %arg16[%add3A_400, %dma_start3A_407] : memref<128x64xf32, #tpu.memory_space<vmem>> -> memref<1x64xf32, #tpu.memory_space<vmem>>
      %dma_start3A_409 = tpu.memref_squeeze %dma_start3A_408 : memref<1x64xf32, #tpu.memory_space<vmem>> -> memref<64xf32, #tpu.memory_space<vmem>>
      %dma_start3A_410 = arith.constant 0 : i32
      %dma_start3A_411 = tpu.memref_slice %arg5[%squeeze3A_398, %dma_start3A_410] : memref<100000x64xf32, #tpu.memory_space<hbm>> -> memref<1x64xf32, #tpu.memory_space<hbm>>
      %dma_start3A_412 = tpu.memref_squeeze %dma_start3A_411 : memref<1x64xf32, #tpu.memory_space<hbm>> -> memref<64xf32, #tpu.memory_space<hbm>>
      tpu.enqueue_dma source(%dma_start3A_412 : memref<64xf32, #tpu.memory_space<hbm>>) target(%dma_start3A_409 : memref<64xf32, #tpu.memory_space<vmem>>) target_semaphore(%arg23 : memref<!tpu.dma_semaphore, #tpu.memory_space<semaphore_mem>>)
      %slice3A_413 = vector.extract_strided_slice %get3A_313 {offsets = [3], sizes = [1], strides = [1]} : vector<16xi32> to vector<1xi32>
      %squeeze3A_414 = vector.extract %slice3A_413[0] : i32 from vector<1xi32>
      %add3A_415 = arith.constant 3 : i32
      %add3A_416 = arith.addi %mul3A_309, %add3A_415 : i32
      %dma_start3A_417 = arith.constant 0 : i32
      %dma_start3A_418 = tpu.memref_slice %arg14[%add3A_416, %dma_start3A_417] : memref<128x64xf32, #tpu.memory_space<vmem>> -> memref<1x64xf32, #tpu.memory_space<vmem>>
      %dma_start3A_419 = tpu.memref_squeeze %dma_start3A_418 : memref<1x64xf32, #tpu.memory_space<vmem>> -> memref<64xf32, #tpu.memory_space<vmem>>
      %dma_start3A_420 = arith.constant 0 : i32
      %dma_start3A_421 = tpu.memref_slice %arg4[%squeeze3A_414, %dma_start3A_420] : memref<100000x64xf32, #tpu.memory_space<hbm>> -> memref<1x64xf32, #tpu.memory_space<hbm>>
      %dma_start3A_422 = tpu.memref_squeeze %dma_start3A_421 : memref<1x64xf32, #tpu.memory_space<hbm>> -> memref<64xf32, #tpu.memory_space<hbm>>
      %dma_start3A_423 = arith.constant 0 : i32
      %dma_start3A_424 = tpu.memref_slice %arg14[%add3A_416, %dma_start3A_423] : memref<128x64xf32, #tpu.memory_space<vmem>> -> memref<1x64xf32, #tpu.memory_space<vmem>>
      %dma_start3A_425 = tpu.memref_squeeze %dma_start3A_424 : memref<1x64xf32, #tpu.memory_space<vmem>> -> memref<64xf32, #tpu.memory_space<vmem>>
      %dma_start3A_426 = arith.constant 0 : i32
      %dma_start3A_427 = tpu.memref_slice %arg4[%squeeze3A_414, %dma_start3A_426] : memref<100000x64xf32, #tpu.memory_space<hbm>> -> memref<1x64xf32, #tpu.memory_space<hbm>>
      %dma_start3A_428 = tpu.memref_squeeze %dma_start3A_427 : memref<1x64xf32, #tpu.memory_space<hbm>> -> memref<64xf32, #tpu.memory_space<hbm>>
      tpu.enqueue_dma source(%dma_start3A_428 : memref<64xf32, #tpu.memory_space<hbm>>) target(%dma_start3A_425 : memref<64xf32, #tpu.memory_space<vmem>>) target_semaphore(%arg21 : memref<!tpu.dma_semaphore, #tpu.memory_space<semaphore_mem>>)
      %slice3A_429 = vector.extract_strided_slice %get3A_318 {offsets = [3], sizes = [1], strides = [1]} : vector<16xi32> to vector<1xi32>
      %squeeze3A_430 = vector.extract %slice3A_429[0] : i32 from vector<1xi32>
      %add3A_431 = arith.constant 3 : i32
      %add3A_432 = arith.addi %mul3A_309, %add3A_431 : i32
      %dma_start3A_433 = arith.constant 0 : i32
      %dma_start3A_434 = tpu.memref_slice %arg16[%add3A_432, %dma_start3A_433] : memref<128x64xf32, #tpu.memory_space<vmem>> -> memref<1x64xf32, #tpu.memory_space<vmem>>
      %dma_start3A_435 = tpu.memref_squeeze %dma_start3A_434 : memref<1x64xf32, #tpu.memory_space<vmem>> -> memref<64xf32, #tpu.memory_space<vmem>>
      %dma_start3A_436 = arith.constant 0 : i32
      %dma_start3A_437 = tpu.memref_slice %arg5[%squeeze3A_430, %dma_start3A_436] : memref<100000x64xf32, #tpu.memory_space<hbm>> -> memref<1x64xf32, #tpu.memory_space<hbm>>
      %dma_start3A_438 = tpu.memref_squeeze %dma_start3A_437 : memref<1x64xf32, #tpu.memory_space<hbm>> -> memref<64xf32, #tpu.memory_space<hbm>>
      %dma_start3A_439 = arith.constant 0 : i32
      %dma_start3A_440 = tpu.memref_slice %arg16[%add3A_432, %dma_start3A_439] : memref<128x64xf32, #tpu.memory_space<vmem>> -> memref<1x64xf32, #tpu.memory_space<vmem>>
      %dma_start3A_441 = tpu.memref_squeeze %dma_start3A_440 : memref<1x64xf32, #tpu.memory_space<vmem>> -> memref<64xf32, #tpu.memory_space<vmem>>
      %dma_start3A_442 = arith.constant 0 : i32
      %dma_start3A_443 = tpu.memref_slice %arg5[%squeeze3A_430, %dma_start3A_442] : memref<100000x64xf32, #tpu.memory_space<hbm>> -> memref<1x64xf32, #tpu.memory_space<hbm>>
      %dma_start3A_444 = tpu.memref_squeeze %dma_start3A_443 : memref<1x64xf32, #tpu.memory_space<hbm>> -> memref<64xf32, #tpu.memory_space<hbm>>
      tpu.enqueue_dma source(%dma_start3A_444 : memref<64xf32, #tpu.memory_space<hbm>>) target(%dma_start3A_441 : memref<64xf32, #tpu.memory_space<vmem>>) target_semaphore(%arg23 : memref<!tpu.dma_semaphore, #tpu.memory_space<semaphore_mem>>)
      %slice3A_445 = vector.extract_strided_slice %get3A_313 {offsets = [4], sizes = [1], strides = [1]} : vector<16xi32> to vector<1xi32>
      %squeeze3A_446 = vector.extract %slice3A_445[0] : i32 from vector<1xi32>
      %add3A_447 = arith.constant 4 : i32
      %add3A_448 = arith.addi %mul3A_309, %add3A_447 : i32
      %dma_start3A_449 = arith.constant 0 : i32
      %dma_start3A_450 = tpu.memref_slice %arg14[%add3A_448, %dma_start3A_449] : memref<128x64xf32, #tpu.memory_space<vmem>> -> memref<1x64xf32, #tpu.memory_space<vmem>>
      %dma_start3A_451 = tpu.memref_squeeze %dma_start3A_450 : memref<1x64xf32, #tpu.memory_space<vmem>> -> memref<64xf32, #tpu.memory_space<vmem>>
      %dma_start3A_452 = arith.constant 0 : i32
      %dma_start3A_453 = tpu.memref_slice %arg4[%squeeze3A_446, %dma_start3A_452] : memref<100000x64xf32, #tpu.memory_space<hbm>> -> memref<1x64xf32, #tpu.memory_space<hbm>>
      %dma_start3A_454 = tpu.memref_squeeze %dma_start3A_453 : memref<1x64xf32, #tpu.memory_space<hbm>> -> memref<64xf32, #tpu.memory_space<hbm>>
      %dma_start3A_455 = arith.constant 0 : i32
      %dma_start3A_456 = tpu.memref_slice %arg14[%add3A_448, %dma_start3A_455] : memref<128x64xf32, #tpu.memory_space<vmem>> -> memref<1x64xf32, #tpu.memory_space<vmem>>
      %dma_start3A_457 = tpu.memref_squeeze %dma_start3A_456 : memref<1x64xf32, #tpu.memory_space<vmem>> -> memref<64xf32, #tpu.memory_space<vmem>>
      %dma_start3A_458 = arith.constant 0 : i32
      %dma_start3A_459 = tpu.memref_slice %arg4[%squeeze3A_446, %dma_start3A_458] : memref<100000x64xf32, #tpu.memory_space<hbm>> -> memref<1x64xf32, #tpu.memory_space<hbm>>
      %dma_start3A_460 = tpu.memref_squeeze %dma_start3A_459 : memref<1x64xf32, #tpu.memory_space<hbm>> -> memref<64xf32, #tpu.memory_space<hbm>>
      tpu.enqueue_dma source(%dma_start3A_460 : memref<64xf32, #tpu.memory_space<hbm>>) target(%dma_start3A_457 : memref<64xf32, #tpu.memory_space<vmem>>) target_semaphore(%arg21 : memref<!tpu.dma_semaphore, #tpu.memory_space<semaphore_mem>>)
      %slice3A_461 = vector.extract_strided_slice %get3A_318 {offsets = [4], sizes = [1], strides = [1]} : vector<16xi32> to vector<1xi32>
      %squeeze3A_462 = vector.extract %slice3A_461[0] : i32 from vector<1xi32>
      %add3A_463 = arith.constant 4 : i32
      %add3A_464 = arith.addi %mul3A_309, %add3A_463 : i32
      %dma_start3A_465 = arith.constant 0 : i32
      %dma_start3A_466 = tpu.memref_slice %arg16[%add3A_464, %dma_start3A_465] : memref<128x64xf32, #tpu.memory_space<vmem>> -> memref<1x64xf32, #tpu.memory_space<vmem>>
      %dma_start3A_467 = tpu.memref_squeeze %dma_start3A_466 : memref<1x64xf32, #tpu.memory_space<vmem>> -> memref<64xf32, #tpu.memory_space<vmem>>
      %dma_start3A_468 = arith.constant 0 : i32
      %dma_start3A_469 = tpu.memref_slice %arg5[%squeeze3A_462, %dma_start3A_468] : memref<100000x64xf32, #tpu.memory_space<hbm>> -> memref<1x64xf32, #tpu.memory_space<hbm>>
      %dma_start3A_470 = tpu.memref_squeeze %dma_start3A_469 : memref<1x64xf32, #tpu.memory_space<hbm>> -> memref<64xf32, #tpu.memory_space<hbm>>
      %dma_start3A_471 = arith.constant 0 : i32
      %dma_start3A_472 = tpu.memref_slice %arg16[%add3A_464, %dma_start3A_471] : memref<128x64xf32, #tpu.memory_space<vmem>> -> memref<1x64xf32, #tpu.memory_space<vmem>>
      %dma_start3A_473 = tpu.memref_squeeze %dma_start3A_472 : memref<1x64xf32, #tpu.memory_space<vmem>> -> memref<64xf32, #tpu.memory_space<vmem>>
      %dma_start3A_474 = arith.constant 0 : i32
      %dma_start3A_475 = tpu.memref_slice %arg5[%squeeze3A_462, %dma_start3A_474] : memref<100000x64xf32, #tpu.memory_space<hbm>> -> memref<1x64xf32, #tpu.memory_space<hbm>>
      %dma_start3A_476 = tpu.memref_squeeze %dma_start3A_475 : memref<1x64xf32, #tpu.memory_space<hbm>> -> memref<64xf32, #tpu.memory_space<hbm>>
      tpu.enqueue_dma source(%dma_start3A_476 : memref<64xf32, #tpu.memory_space<hbm>>) target(%dma_start3A_473 : memref<64xf32, #tpu.memory_space<vmem>>) target_semaphore(%arg23 : memref<!tpu.dma_semaphore, #tpu.memory_space<semaphore_mem>>)
      %slice3A_477 = vector.extract_strided_slice %get3A_313 {offsets = [5], sizes = [1], strides = [1]} : vector<16xi32> to vector<1xi32>
      %squeeze3A_478 = vector.extract %slice3A_477[0] : i32 from vector<1xi32>
      %add3A_479 = arith.constant 5 : i32
      %add3A_480 = arith.addi %mul3A_309, %add3A_479 : i32
      %dma_start3A_481 = arith.constant 0 : i32
      %dma_start3A_482 = tpu.memref_slice %arg14[%add3A_480, %dma_start3A_481] : memref<128x64xf32, #tpu.memory_space<vmem>> -> memref<1x64xf32, #tpu.memory_space<vmem>>
      %dma_start3A_483 = tpu.memref_squeeze %dma_start3A_482 : memref<1x64xf32, #tpu.memory_space<vmem>> -> memref<64xf32, #tpu.memory_space<vmem>>
      %dma_start3A_484 = arith.constant 0 : i32
      %dma_start3A_485 = tpu.memref_slice %arg4[%squeeze3A_478, %dma_start3A_484] : memref<100000x64xf32, #tpu.memory_space<hbm>> -> memref<1x64xf32, #tpu.memory_space<hbm>>
      %dma_start3A_486 = tpu.memref_squeeze %dma_start3A_485 : memref<1x64xf32, #tpu.memory_space<hbm>> -> memref<64xf32, #tpu.memory_space<hbm>>
      %dma_start3A_487 = arith.constant 0 : i32
      %dma_start3A_488 = tpu.memref_slice %arg14[%add3A_480, %dma_start3A_487] : memref<128x64xf32, #tpu.memory_space<vmem>> -> memref<1x64xf32, #tpu.memory_space<vmem>>
      %dma_start3A_489 = tpu.memref_squeeze %dma_start3A_488 : memref<1x64xf32, #tpu.memory_space<vmem>> -> memref<64xf32, #tpu.memory_space<vmem>>
      %dma_start3A_490 = arith.constant 0 : i32
      %dma_start3A_491 = tpu.memref_slice %arg4[%squeeze3A_478, %dma_start3A_490] : memref<100000x64xf32, #tpu.memory_space<hbm>> -> memref<1x64xf32, #tpu.memory_space<hbm>>
      %dma_start3A_492 = tpu.memref_squeeze %dma_start3A_491 : memref<1x64xf32, #tpu.memory_space<hbm>> -> memref<64xf32, #tpu.memory_space<hbm>>
      tpu.enqueue_dma source(%dma_start3A_492 : memref<64xf32, #tpu.memory_space<hbm>>) target(%dma_start3A_489 : memref<64xf32, #tpu.memory_space<vmem>>) target_semaphore(%arg21 : memref<!tpu.dma_semaphore, #tpu.memory_space<semaphore_mem>>)
      %slice3A_493 = vector.extract_strided_slice %get3A_318 {offsets = [5], sizes = [1], strides = [1]} : vector<16xi32> to vector<1xi32>
      %squeeze3A_494 = vector.extract %slice3A_493[0] : i32 from vector<1xi32>
      %add3A_495 = arith.constant 5 : i32
      %add3A_496 = arith.addi %mul3A_309, %add3A_495 : i32
      %dma_start3A_497 = arith.constant 0 : i32
      %dma_start3A_498 = tpu.memref_slice %arg16[%add3A_496, %dma_start3A_497] : memref<128x64xf32, #tpu.memory_space<vmem>> -> memref<1x64xf32, #tpu.memory_space<vmem>>
      %dma_start3A_499 = tpu.memref_squeeze %dma_start3A_498 : memref<1x64xf32, #tpu.memory_space<vmem>> -> memref<64xf32, #tpu.memory_space<vmem>>
      %dma_start3A_500 = arith.constant 0 : i32
      %dma_start3A_501 = tpu.memref_slice %arg5[%squeeze3A_494, %dma_start3A_500] : memref<100000x64xf32, #tpu.memory_space<hbm>> -> memref<1x64xf32, #tpu.memory_space<hbm>>
      %dma_start3A_502 = tpu.memref_squeeze %dma_start3A_501 : memref<1x64xf32, #tpu.memory_space<hbm>> -> memref<64xf32, #tpu.memory_space<hbm>>
      %dma_start3A_503 = arith.constant 0 : i32
      %dma_start3A_504 = tpu.memref_slice %arg16[%add3A_496, %dma_start3A_503] : memref<128x64xf32, #tpu.memory_space<vmem>> -> memref<1x64xf32, #tpu.memory_space<vmem>>
      %dma_start3A_505 = tpu.memref_squeeze %dma_start3A_504 : memref<1x64xf32, #tpu.memory_space<vmem>> -> memref<64xf32, #tpu.memory_space<vmem>>
      %dma_start3A_506 = arith.constant 0 : i32
      %dma_start3A_507 = tpu.memref_slice %arg5[%squeeze3A_494, %dma_start3A_506] : memref<100000x64xf32, #tpu.memory_space<hbm>> -> memref<1x64xf32, #tpu.memory_space<hbm>>
      %dma_start3A_508 = tpu.memref_squeeze %dma_start3A_507 : memref<1x64xf32, #tpu.memory_space<hbm>> -> memref<64xf32, #tpu.memory_space<hbm>>
      tpu.enqueue_dma source(%dma_start3A_508 : memref<64xf32, #tpu.memory_space<hbm>>) target(%dma_start3A_505 : memref<64xf32, #tpu.memory_space<vmem>>) target_semaphore(%arg23 : memref<!tpu.dma_semaphore, #tpu.memory_space<semaphore_mem>>)
      %slice3A_509 = vector.extract_strided_slice %get3A_313 {offsets = [6], sizes = [1], strides = [1]} : vector<16xi32> to vector<1xi32>
      %squeeze3A_510 = vector.extract %slice3A_509[0] : i32 from vector<1xi32>
      %add3A_511 = arith.constant 6 : i32
      %add3A_512 = arith.addi %mul3A_309, %add3A_511 : i32
      %dma_start3A_513 = arith.constant 0 : i32
      %dma_start3A_514 = tpu.memref_slice %arg14[%add3A_512, %dma_start3A_513] : memref<128x64xf32, #tpu.memory_space<vmem>> -> memref<1x64xf32, #tpu.memory_space<vmem>>
      %dma_start3A_515 = tpu.memref_squeeze %dma_start3A_514 : memref<1x64xf32, #tpu.memory_space<vmem>> -> memref<64xf32, #tpu.memory_space<vmem>>
      %dma_start3A_516 = arith.constant 0 : i32
      %dma_start3A_517 = tpu.memref_slice %arg4[%squeeze3A_510, %dma_start3A_516] : memref<100000x64xf32, #tpu.memory_space<hbm>> -> memref<1x64xf32, #tpu.memory_space<hbm>>
      %dma_start3A_518 = tpu.memref_squeeze %dma_start3A_517 : memref<1x64xf32, #tpu.memory_space<hbm>> -> memref<64xf32, #tpu.memory_space<hbm>>
      %dma_start3A_519 = arith.constant 0 : i32
      %dma_start3A_520 = tpu.memref_slice %arg14[%add3A_512, %dma_start3A_519] : memref<128x64xf32, #tpu.memory_space<vmem>> -> memref<1x64xf32, #tpu.memory_space<vmem>>
      %dma_start3A_521 = tpu.memref_squeeze %dma_start3A_520 : memref<1x64xf32, #tpu.memory_space<vmem>> -> memref<64xf32, #tpu.memory_space<vmem>>
      %dma_start3A_522 = arith.constant 0 : i32
      %dma_start3A_523 = tpu.memref_slice %arg4[%squeeze3A_510, %dma_start3A_522] : memref<100000x64xf32, #tpu.memory_space<hbm>> -> memref<1x64xf32, #tpu.memory_space<hbm>>
      %dma_start3A_524 = tpu.memref_squeeze %dma_start3A_523 : memref<1x64xf32, #tpu.memory_space<hbm>> -> memref<64xf32, #tpu.memory_space<hbm>>
      tpu.enqueue_dma source(%dma_start3A_524 : memref<64xf32, #tpu.memory_space<hbm>>) target(%dma_start3A_521 : memref<64xf32, #tpu.memory_space<vmem>>) target_semaphore(%arg21 : memref<!tpu.dma_semaphore, #tpu.memory_space<semaphore_mem>>)
      %slice3A_525 = vector.extract_strided_slice %get3A_318 {offsets = [6], sizes = [1], strides = [1]} : vector<16xi32> to vector<1xi32>
      %squeeze3A_526 = vector.extract %slice3A_525[0] : i32 from vector<1xi32>
      %add3A_527 = arith.constant 6 : i32
      %add3A_528 = arith.addi %mul3A_309, %add3A_527 : i32
      %dma_start3A_529 = arith.constant 0 : i32
      %dma_start3A_530 = tpu.memref_slice %arg16[%add3A_528, %dma_start3A_529] : memref<128x64xf32, #tpu.memory_space<vmem>> -> memref<1x64xf32, #tpu.memory_space<vmem>>
      %dma_start3A_531 = tpu.memref_squeeze %dma_start3A_530 : memref<1x64xf32, #tpu.memory_space<vmem>> -> memref<64xf32, #tpu.memory_space<vmem>>
      %dma_start3A_532 = arith.constant 0 : i32
      %dma_start3A_533 = tpu.memref_slice %arg5[%squeeze3A_526, %dma_start3A_532] : memref<100000x64xf32, #tpu.memory_space<hbm>> -> memref<1x64xf32, #tpu.memory_space<hbm>>
      %dma_start3A_534 = tpu.memref_squeeze %dma_start3A_533 : memref<1x64xf32, #tpu.memory_space<hbm>> -> memref<64xf32, #tpu.memory_space<hbm>>
      %dma_start3A_535 = arith.constant 0 : i32
      %dma_start3A_536 = tpu.memref_slice %arg16[%add3A_528, %dma_start3A_535] : memref<128x64xf32, #tpu.memory_space<vmem>> -> memref<1x64xf32, #tpu.memory_space<vmem>>
      %dma_start3A_537 = tpu.memref_squeeze %dma_start3A_536 : memref<1x64xf32, #tpu.memory_space<vmem>> -> memref<64xf32, #tpu.memory_space<vmem>>
      %dma_start3A_538 = arith.constant 0 : i32
      %dma_start3A_539 = tpu.memref_slice %arg5[%squeeze3A_526, %dma_start3A_538] : memref<100000x64xf32, #tpu.memory_space<hbm>> -> memref<1x64xf32, #tpu.memory_space<hbm>>
      %dma_start3A_540 = tpu.memref_squeeze %dma_start3A_539 : memref<1x64xf32, #tpu.memory_space<hbm>> -> memref<64xf32, #tpu.memory_space<hbm>>
      tpu.enqueue_dma source(%dma_start3A_540 : memref<64xf32, #tpu.memory_space<hbm>>) target(%dma_start3A_537 : memref<64xf32, #tpu.memory_space<vmem>>) target_semaphore(%arg23 : memref<!tpu.dma_semaphore, #tpu.memory_space<semaphore_mem>>)
      %slice3A_541 = vector.extract_strided_slice %get3A_313 {offsets = [7], sizes = [1], strides = [1]} : vector<16xi32> to vector<1xi32>
      %squeeze3A_542 = vector.extract %slice3A_541[0] : i32 from vector<1xi32>
      %add3A_543 = arith.constant 7 : i32
      %add3A_544 = arith.addi %mul3A_309, %add3A_543 : i32
      %dma_start3A_545 = arith.constant 0 : i32
      %dma_start3A_546 = tpu.memref_slice %arg14[%add3A_544, %dma_start3A_545] : memref<128x64xf32, #tpu.memory_space<vmem>> -> memref<1x64xf32, #tpu.memory_space<vmem>>
      %dma_start3A_547 = tpu.memref_squeeze %dma_start3A_546 : memref<1x64xf32, #tpu.memory_space<vmem>> -> memref<64xf32, #tpu.memory_space<vmem>>
      %dma_start3A_548 = arith.constant 0 : i32
      %dma_start3A_549 = tpu.memref_slice %arg4[%squeeze3A_542, %dma_start3A_548] : memref<100000x64xf32, #tpu.memory_space<hbm>> -> memref<1x64xf32, #tpu.memory_space<hbm>>
      %dma_start3A_550 = tpu.memref_squeeze %dma_start3A_549 : memref<1x64xf32, #tpu.memory_space<hbm>> -> memref<64xf32, #tpu.memory_space<hbm>>
      %dma_start3A_551 = arith.constant 0 : i32
      %dma_start3A_552 = tpu.memref_slice %arg14[%add3A_544, %dma_start3A_551] : memref<128x64xf32, #tpu.memory_space<vmem>> -> memref<1x64xf32, #tpu.memory_space<vmem>>
      %dma_start3A_553 = tpu.memref_squeeze %dma_start3A_552 : memref<1x64xf32, #tpu.memory_space<vmem>> -> memref<64xf32, #tpu.memory_space<vmem>>
      %dma_start3A_554 = arith.constant 0 : i32
      %dma_start3A_555 = tpu.memref_slice %arg4[%squeeze3A_542, %dma_start3A_554] : memref<100000x64xf32, #tpu.memory_space<hbm>> -> memref<1x64xf32, #tpu.memory_space<hbm>>
      %dma_start3A_556 = tpu.memref_squeeze %dma_start3A_555 : memref<1x64xf32, #tpu.memory_space<hbm>> -> memref<64xf32, #tpu.memory_space<hbm>>
      tpu.enqueue_dma source(%dma_start3A_556 : memref<64xf32, #tpu.memory_space<hbm>>) target(%dma_start3A_553 : memref<64xf32, #tpu.memory_space<vmem>>) target_semaphore(%arg21 : memref<!tpu.dma_semaphore, #tpu.memory_space<semaphore_mem>>)
      %slice3A_557 = vector.extract_strided_slice %get3A_318 {offsets = [7], sizes = [1], strides = [1]} : vector<16xi32> to vector<1xi32>
      %squeeze3A_558 = vector.extract %slice3A_557[0] : i32 from vector<1xi32>
      %add3A_559 = arith.constant 7 : i32
      %add3A_560 = arith.addi %mul3A_309, %add3A_559 : i32
      %dma_start3A_561 = arith.constant 0 : i32
      %dma_start3A_562 = tpu.memref_slice %arg16[%add3A_560, %dma_start3A_561] : memref<128x64xf32, #tpu.memory_space<vmem>> -> memref<1x64xf32, #tpu.memory_space<vmem>>
      %dma_start3A_563 = tpu.memref_squeeze %dma_start3A_562 : memref<1x64xf32, #tpu.memory_space<vmem>> -> memref<64xf32, #tpu.memory_space<vmem>>
      %dma_start3A_564 = arith.constant 0 : i32
      %dma_start3A_565 = tpu.memref_slice %arg5[%squeeze3A_558, %dma_start3A_564] : memref<100000x64xf32, #tpu.memory_space<hbm>> -> memref<1x64xf32, #tpu.memory_space<hbm>>
      %dma_start3A_566 = tpu.memref_squeeze %dma_start3A_565 : memref<1x64xf32, #tpu.memory_space<hbm>> -> memref<64xf32, #tpu.memory_space<hbm>>
      %dma_start3A_567 = arith.constant 0 : i32
      %dma_start3A_568 = tpu.memref_slice %arg16[%add3A_560, %dma_start3A_567] : memref<128x64xf32, #tpu.memory_space<vmem>> -> memref<1x64xf32, #tpu.memory_space<vmem>>
      %dma_start3A_569 = tpu.memref_squeeze %dma_start3A_568 : memref<1x64xf32, #tpu.memory_space<vmem>> -> memref<64xf32, #tpu.memory_space<vmem>>
      %dma_start3A_570 = arith.constant 0 : i32
      %dma_start3A_571 = tpu.memref_slice %arg5[%squeeze3A_558, %dma_start3A_570] : memref<100000x64xf32, #tpu.memory_space<hbm>> -> memref<1x64xf32, #tpu.memory_space<hbm>>
      %dma_start3A_572 = tpu.memref_squeeze %dma_start3A_571 : memref<1x64xf32, #tpu.memory_space<hbm>> -> memref<64xf32, #tpu.memory_space<hbm>>
      tpu.enqueue_dma source(%dma_start3A_572 : memref<64xf32, #tpu.memory_space<hbm>>) target(%dma_start3A_569 : memref<64xf32, #tpu.memory_space<vmem>>) target_semaphore(%arg23 : memref<!tpu.dma_semaphore, #tpu.memory_space<semaphore_mem>>)
      %slice3A_573 = vector.extract_strided_slice %get3A_313 {offsets = [8], sizes = [1], strides = [1]} : vector<16xi32> to vector<1xi32>
      %squeeze3A_574 = vector.extract %slice3A_573[0] : i32 from vector<1xi32>
      %add3A_575 = arith.constant 8 : i32
      %add3A_576 = arith.addi %mul3A_309, %add3A_575 : i32
      %dma_start3A_577 = arith.constant 0 : i32
      %dma_start3A_578 = tpu.memref_slice %arg14[%add3A_576, %dma_start3A_577] : memref<128x64xf32, #tpu.memory_space<vmem>> -> memref<1x64xf32, #tpu.memory_space<vmem>>
      %dma_start3A_579 = tpu.memref_squeeze %dma_start3A_578 : memref<1x64xf32, #tpu.memory_space<vmem>> -> memref<64xf32, #tpu.memory_space<vmem>>
      %dma_start3A_580 = arith.constant 0 : i32
      %dma_start3A_581 = tpu.memref_slice %arg4[%squeeze3A_574, %dma_start3A_580] : memref<100000x64xf32, #tpu.memory_space<hbm>> -> memref<1x64xf32, #tpu.memory_space<hbm>>
      %dma_start3A_582 = tpu.memref_squeeze %dma_start3A_581 : memref<1x64xf32, #tpu.memory_space<hbm>> -> memref<64xf32, #tpu.memory_space<hbm>>
      %dma_start3A_583 = arith.constant 0 : i32
      %dma_start3A_584 = tpu.memref_slice %arg14[%add3A_576, %dma_start3A_583] : memref<128x64xf32, #tpu.memory_space<vmem>> -> memref<1x64xf32, #tpu.memory_space<vmem>>
      %dma_start3A_585 = tpu.memref_squeeze %dma_start3A_584 : memref<1x64xf32, #tpu.memory_space<vmem>> -> memref<64xf32, #tpu.memory_space<vmem>>
      %dma_start3A_586 = arith.constant 0 : i32
      %dma_start3A_587 = tpu.memref_slice %arg4[%squeeze3A_574, %dma_start3A_586] : memref<100000x64xf32, #tpu.memory_space<hbm>> -> memref<1x64xf32, #tpu.memory_space<hbm>>
      %dma_start3A_588 = tpu.memref_squeeze %dma_start3A_587 : memref<1x64xf32, #tpu.memory_space<hbm>> -> memref<64xf32, #tpu.memory_space<hbm>>
      tpu.enqueue_dma source(%dma_start3A_588 : memref<64xf32, #tpu.memory_space<hbm>>) target(%dma_start3A_585 : memref<64xf32, #tpu.memory_space<vmem>>) target_semaphore(%arg21 : memref<!tpu.dma_semaphore, #tpu.memory_space<semaphore_mem>>)
      %slice3A_589 = vector.extract_strided_slice %get3A_318 {offsets = [8], sizes = [1], strides = [1]} : vector<16xi32> to vector<1xi32>
      %squeeze3A_590 = vector.extract %slice3A_589[0] : i32 from vector<1xi32>
      %add3A_591 = arith.constant 8 : i32
      %add3A_592 = arith.addi %mul3A_309, %add3A_591 : i32
      %dma_start3A_593 = arith.constant 0 : i32
      %dma_start3A_594 = tpu.memref_slice %arg16[%add3A_592, %dma_start3A_593] : memref<128x64xf32, #tpu.memory_space<vmem>> -> memref<1x64xf32, #tpu.memory_space<vmem>>
      %dma_start3A_595 = tpu.memref_squeeze %dma_start3A_594 : memref<1x64xf32, #tpu.memory_space<vmem>> -> memref<64xf32, #tpu.memory_space<vmem>>
      %dma_start3A_596 = arith.constant 0 : i32
      %dma_start3A_597 = tpu.memref_slice %arg5[%squeeze3A_590, %dma_start3A_596] : memref<100000x64xf32, #tpu.memory_space<hbm>> -> memref<1x64xf32, #tpu.memory_space<hbm>>
      %dma_start3A_598 = tpu.memref_squeeze %dma_start3A_597 : memref<1x64xf32, #tpu.memory_space<hbm>> -> memref<64xf32, #tpu.memory_space<hbm>>
      %dma_start3A_599 = arith.constant 0 : i32
      %dma_start3A_600 = tpu.memref_slice %arg16[%add3A_592, %dma_start3A_599] : memref<128x64xf32, #tpu.memory_space<vmem>> -> memref<1x64xf32, #tpu.memory_space<vmem>>
      %dma_start3A_601 = tpu.memref_squeeze %dma_start3A_600 : memref<1x64xf32, #tpu.memory_space<vmem>> -> memref<64xf32, #tpu.memory_space<vmem>>
      %dma_start3A_602 = arith.constant 0 : i32
      %dma_start3A_603 = tpu.memref_slice %arg5[%squeeze3A_590, %dma_start3A_602] : memref<100000x64xf32, #tpu.memory_space<hbm>> -> memref<1x64xf32, #tpu.memory_space<hbm>>
      %dma_start3A_604 = tpu.memref_squeeze %dma_start3A_603 : memref<1x64xf32, #tpu.memory_space<hbm>> -> memref<64xf32, #tpu.memory_space<hbm>>
      tpu.enqueue_dma source(%dma_start3A_604 : memref<64xf32, #tpu.memory_space<hbm>>) target(%dma_start3A_601 : memref<64xf32, #tpu.memory_space<vmem>>) target_semaphore(%arg23 : memref<!tpu.dma_semaphore, #tpu.memory_space<semaphore_mem>>)
      %slice3A_605 = vector.extract_strided_slice %get3A_313 {offsets = [9], sizes = [1], strides = [1]} : vector<16xi32> to vector<1xi32>
      %squeeze3A_606 = vector.extract %slice3A_605[0] : i32 from vector<1xi32>
      %add3A_607 = arith.constant 9 : i32
      %add3A_608 = arith.addi %mul3A_309, %add3A_607 : i32
      %dma_start3A_609 = arith.constant 0 : i32
      %dma_start3A_610 = tpu.memref_slice %arg14[%add3A_608, %dma_start3A_609] : memref<128x64xf32, #tpu.memory_space<vmem>> -> memref<1x64xf32, #tpu.memory_space<vmem>>
      %dma_start3A_611 = tpu.memref_squeeze %dma_start3A_610 : memref<1x64xf32, #tpu.memory_space<vmem>> -> memref<64xf32, #tpu.memory_space<vmem>>
      %dma_start3A_612 = arith.constant 0 : i32
      %dma_start3A_613 = tpu.memref_slice %arg4[%squeeze3A_606, %dma_start3A_612] : memref<100000x64xf32, #tpu.memory_space<hbm>> -> memref<1x64xf32, #tpu.memory_space<hbm>>
      %dma_start3A_614 = tpu.memref_squeeze %dma_start3A_613 : memref<1x64xf32, #tpu.memory_space<hbm>> -> memref<64xf32, #tpu.memory_space<hbm>>
      %dma_start3A_615 = arith.constant 0 : i32
      %dma_start3A_616 = tpu.memref_slice %arg14[%add3A_608, %dma_start3A_615] : memref<128x64xf32, #tpu.memory_space<vmem>> -> memref<1x64xf32, #tpu.memory_space<vmem>>
      %dma_start3A_617 = tpu.memref_squeeze %dma_start3A_616 : memref<1x64xf32, #tpu.memory_space<vmem>> -> memref<64xf32, #tpu.memory_space<vmem>>
      %dma_start3A_618 = arith.constant 0 : i32
      %dma_start3A_619 = tpu.memref_slice %arg4[%squeeze3A_606, %dma_start3A_618] : memref<100000x64xf32, #tpu.memory_space<hbm>> -> memref<1x64xf32, #tpu.memory_space<hbm>>
      %dma_start3A_620 = tpu.memref_squeeze %dma_start3A_619 : memref<1x64xf32, #tpu.memory_space<hbm>> -> memref<64xf32, #tpu.memory_space<hbm>>
      tpu.enqueue_dma source(%dma_start3A_620 : memref<64xf32, #tpu.memory_space<hbm>>) target(%dma_start3A_617 : memref<64xf32, #tpu.memory_space<vmem>>) target_semaphore(%arg21 : memref<!tpu.dma_semaphore, #tpu.memory_space<semaphore_mem>>)
      %slice3A_621 = vector.extract_strided_slice %get3A_318 {offsets = [9], sizes = [1], strides = [1]} : vector<16xi32> to vector<1xi32>
      %squeeze3A_622 = vector.extract %slice3A_621[0] : i32 from vector<1xi32>
      %add3A_623 = arith.constant 9 : i32
      %add3A_624 = arith.addi %mul3A_309, %add3A_623 : i32
      %dma_start3A_625 = arith.constant 0 : i32
      %dma_start3A_626 = tpu.memref_slice %arg16[%add3A_624, %dma_start3A_625] : memref<128x64xf32, #tpu.memory_space<vmem>> -> memref<1x64xf32, #tpu.memory_space<vmem>>
      %dma_start3A_627 = tpu.memref_squeeze %dma_start3A_626 : memref<1x64xf32, #tpu.memory_space<vmem>> -> memref<64xf32, #tpu.memory_space<vmem>>
      %dma_start3A_628 = arith.constant 0 : i32
      %dma_start3A_629 = tpu.memref_slice %arg5[%squeeze3A_622, %dma_start3A_628] : memref<100000x64xf32, #tpu.memory_space<hbm>> -> memref<1x64xf32, #tpu.memory_space<hbm>>
      %dma_start3A_630 = tpu.memref_squeeze %dma_start3A_629 : memref<1x64xf32, #tpu.memory_space<hbm>> -> memref<64xf32, #tpu.memory_space<hbm>>
      %dma_start3A_631 = arith.constant 0 : i32
      %dma_start3A_632 = tpu.memref_slice %arg16[%add3A_624, %dma_start3A_631] : memref<128x64xf32, #tpu.memory_space<vmem>> -> memref<1x64xf32, #tpu.memory_space<vmem>>
      %dma_start3A_633 = tpu.memref_squeeze %dma_start3A_632 : memref<1x64xf32, #tpu.memory_space<vmem>> -> memref<64xf32, #tpu.memory_space<vmem>>
      %dma_start3A_634 = arith.constant 0 : i32
      %dma_start3A_635 = tpu.memref_slice %arg5[%squeeze3A_622, %dma_start3A_634] : memref<100000x64xf32, #tpu.memory_space<hbm>> -> memref<1x64xf32, #tpu.memory_space<hbm>>
      %dma_start3A_636 = tpu.memref_squeeze %dma_start3A_635 : memref<1x64xf32, #tpu.memory_space<hbm>> -> memref<64xf32, #tpu.memory_space<hbm>>
      tpu.enqueue_dma source(%dma_start3A_636 : memref<64xf32, #tpu.memory_space<hbm>>) target(%dma_start3A_633 : memref<64xf32, #tpu.memory_space<vmem>>) target_semaphore(%arg23 : memref<!tpu.dma_semaphore, #tpu.memory_space<semaphore_mem>>)
      %slice3A_637 = vector.extract_strided_slice %get3A_313 {offsets = [10], sizes = [1], strides = [1]} : vector<16xi32> to vector<1xi32>
      %squeeze3A_638 = vector.extract %slice3A_637[0] : i32 from vector<1xi32>
      %add3A_639 = arith.constant 10 : i32
      %add3A_640 = arith.addi %mul3A_309, %add3A_639 : i32
      %dma_start3A_641 = arith.constant 0 : i32
      %dma_start3A_642 = tpu.memref_slice %arg14[%add3A_640, %dma_start3A_641] : memref<128x64xf32, #tpu.memory_space<vmem>> -> memref<1x64xf32, #tpu.memory_space<vmem>>
      %dma_start3A_643 = tpu.memref_squeeze %dma_start3A_642 : memref<1x64xf32, #tpu.memory_space<vmem>> -> memref<64xf32, #tpu.memory_space<vmem>>
      %dma_start3A_644 = arith.constant 0 : i32
      %dma_start3A_645 = tpu.memref_slice %arg4[%squeeze3A_638, %dma_start3A_644] : memref<100000x64xf32, #tpu.memory_space<hbm>> -> memref<1x64xf32, #tpu.memory_space<hbm>>
      %dma_start3A_646 = tpu.memref_squeeze %dma_start3A_645 : memref<1x64xf32, #tpu.memory_space<hbm>> -> memref<64xf32, #tpu.memory_space<hbm>>
      %dma_start3A_647 = arith.constant 0 : i32
      %dma_start3A_648 = tpu.memref_slice %arg14[%add3A_640, %dma_start3A_647] : memref<128x64xf32, #tpu.memory_space<vmem>> -> memref<1x64xf32, #tpu.memory_space<vmem>>
      %dma_start3A_649 = tpu.memref_squeeze %dma_start3A_648 : memref<1x64xf32, #tpu.memory_space<vmem>> -> memref<64xf32, #tpu.memory_space<vmem>>
      %dma_start3A_650 = arith.constant 0 : i32
      %dma_start3A_651 = tpu.memref_slice %arg4[%squeeze3A_638, %dma_start3A_650] : memref<100000x64xf32, #tpu.memory_space<hbm>> -> memref<1x64xf32, #tpu.memory_space<hbm>>
      %dma_start3A_652 = tpu.memref_squeeze %dma_start3A_651 : memref<1x64xf32, #tpu.memory_space<hbm>> -> memref<64xf32, #tpu.memory_space<hbm>>
      tpu.enqueue_dma source(%dma_start3A_652 : memref<64xf32, #tpu.memory_space<hbm>>) target(%dma_start3A_649 : memref<64xf32, #tpu.memory_space<vmem>>) target_semaphore(%arg21 : memref<!tpu.dma_semaphore, #tpu.memory_space<semaphore_mem>>)
      %slice3A_653 = vector.extract_strided_slice %get3A_318 {offsets = [10], sizes = [1], strides = [1]} : vector<16xi32> to vector<1xi32>
      %squeeze3A_654 = vector.extract %slice3A_653[0] : i32 from vector<1xi32>
      %add3A_655 = arith.constant 10 : i32
      %add3A_656 = arith.addi %mul3A_309, %add3A_655 : i32
      %dma_start3A_657 = arith.constant 0 : i32
      %dma_start3A_658 = tpu.memref_slice %arg16[%add3A_656, %dma_start3A_657] : memref<128x64xf32, #tpu.memory_space<vmem>> -> memref<1x64xf32, #tpu.memory_space<vmem>>
      %dma_start3A_659 = tpu.memref_squeeze %dma_start3A_658 : memref<1x64xf32, #tpu.memory_space<vmem>> -> memref<64xf32, #tpu.memory_space<vmem>>
      %dma_start3A_660 = arith.constant 0 : i32
      %dma_start3A_661 = tpu.memref_slice %arg5[%squeeze3A_654, %dma_start3A_660] : memref<100000x64xf32, #tpu.memory_space<hbm>> -> memref<1x64xf32, #tpu.memory_space<hbm>>
      %dma_start3A_662 = tpu.memref_squeeze %dma_start3A_661 : memref<1x64xf32, #tpu.memory_space<hbm>> -> memref<64xf32, #tpu.memory_space<hbm>>
      %dma_start3A_663 = arith.constant 0 : i32
      %dma_start3A_664 = tpu.memref_slice %arg16[%add3A_656, %dma_start3A_663] : memref<128x64xf32, #tpu.memory_space<vmem>> -> memref<1x64xf32, #tpu.memory_space<vmem>>
      %dma_start3A_665 = tpu.memref_squeeze %dma_start3A_664 : memref<1x64xf32, #tpu.memory_space<vmem>> -> memref<64xf32, #tpu.memory_space<vmem>>
      %dma_start3A_666 = arith.constant 0 : i32
      %dma_start3A_667 = tpu.memref_slice %arg5[%squeeze3A_654, %dma_start3A_666] : memref<100000x64xf32, #tpu.memory_space<hbm>> -> memref<1x64xf32, #tpu.memory_space<hbm>>
      %dma_start3A_668 = tpu.memref_squeeze %dma_start3A_667 : memref<1x64xf32, #tpu.memory_space<hbm>> -> memref<64xf32, #tpu.memory_space<hbm>>
      tpu.enqueue_dma source(%dma_start3A_668 : memref<64xf32, #tpu.memory_space<hbm>>) target(%dma_start3A_665 : memref<64xf32, #tpu.memory_space<vmem>>) target_semaphore(%arg23 : memref<!tpu.dma_semaphore, #tpu.memory_space<semaphore_mem>>)
      %slice3A_669 = vector.extract_strided_slice %get3A_313 {offsets = [11], sizes = [1], strides = [1]} : vector<16xi32> to vector<1xi32>
      %squeeze3A_670 = vector.extract %slice3A_669[0] : i32 from vector<1xi32>
      %add3A_671 = arith.constant 11 : i32
      %add3A_672 = arith.addi %mul3A_309, %add3A_671 : i32
      %dma_start3A_673 = arith.constant 0 : i32
      %dma_start3A_674 = tpu.memref_slice %arg14[%add3A_672, %dma_start3A_673] : memref<128x64xf32, #tpu.memory_space<vmem>> -> memref<1x64xf32, #tpu.memory_space<vmem>>
      %dma_start3A_675 = tpu.memref_squeeze %dma_start3A_674 : memref<1x64xf32, #tpu.memory_space<vmem>> -> memref<64xf32, #tpu.memory_space<vmem>>
      %dma_start3A_676 = arith.constant 0 : i32
      %dma_start3A_677 = tpu.memref_slice %arg4[%squeeze3A_670, %dma_start3A_676] : memref<100000x64xf32, #tpu.memory_space<hbm>> -> memref<1x64xf32, #tpu.memory_space<hbm>>
      %dma_start3A_678 = tpu.memref_squeeze %dma_start3A_677 : memref<1x64xf32, #tpu.memory_space<hbm>> -> memref<64xf32, #tpu.memory_space<hbm>>
      %dma_start3A_679 = arith.constant 0 : i32
      %dma_start3A_680 = tpu.memref_slice %arg14[%add3A_672, %dma_start3A_679] : memref<128x64xf32, #tpu.memory_space<vmem>> -> memref<1x64xf32, #tpu.memory_space<vmem>>
      %dma_start3A_681 = tpu.memref_squeeze %dma_start3A_680 : memref<1x64xf32, #tpu.memory_space<vmem>> -> memref<64xf32, #tpu.memory_space<vmem>>
      %dma_start3A_682 = arith.constant 0 : i32
      %dma_start3A_683 = tpu.memref_slice %arg4[%squeeze3A_670, %dma_start3A_682] : memref<100000x64xf32, #tpu.memory_space<hbm>> -> memref<1x64xf32, #tpu.memory_space<hbm>>
      %dma_start3A_684 = tpu.memref_squeeze %dma_start3A_683 : memref<1x64xf32, #tpu.memory_space<hbm>> -> memref<64xf32, #tpu.memory_space<hbm>>
      tpu.enqueue_dma source(%dma_start3A_684 : memref<64xf32, #tpu.memory_space<hbm>>) target(%dma_start3A_681 : memref<64xf32, #tpu.memory_space<vmem>>) target_semaphore(%arg21 : memref<!tpu.dma_semaphore, #tpu.memory_space<semaphore_mem>>)
      %slice3A_685 = vector.extract_strided_slice %get3A_318 {offsets = [11], sizes = [1], strides = [1]} : vector<16xi32> to vector<1xi32>
      %squeeze3A_686 = vector.extract %slice3A_685[0] : i32 from vector<1xi32>
      %add3A_687 = arith.constant 11 : i32
      %add3A_688 = arith.addi %mul3A_309, %add3A_687 : i32
      %dma_start3A_689 = arith.constant 0 : i32
      %dma_start3A_690 = tpu.memref_slice %arg16[%add3A_688, %dma_start3A_689] : memref<128x64xf32, #tpu.memory_space<vmem>> -> memref<1x64xf32, #tpu.memory_space<vmem>>
      %dma_start3A_691 = tpu.memref_squeeze %dma_start3A_690 : memref<1x64xf32, #tpu.memory_space<vmem>> -> memref<64xf32, #tpu.memory_space<vmem>>
      %dma_start3A_692 = arith.constant 0 : i32
      %dma_start3A_693 = tpu.memref_slice %arg5[%squeeze3A_686, %dma_start3A_692] : memref<100000x64xf32, #tpu.memory_space<hbm>> -> memref<1x64xf32, #tpu.memory_space<hbm>>
      %dma_start3A_694 = tpu.memref_squeeze %dma_start3A_693 : memref<1x64xf32, #tpu.memory_space<hbm>> -> memref<64xf32, #tpu.memory_space<hbm>>
      %dma_start3A_695 = arith.constant 0 : i32
      %dma_start3A_696 = tpu.memref_slice %arg16[%add3A_688, %dma_start3A_695] : memref<128x64xf32, #tpu.memory_space<vmem>> -> memref<1x64xf32, #tpu.memory_space<vmem>>
      %dma_start3A_697 = tpu.memref_squeeze %dma_start3A_696 : memref<1x64xf32, #tpu.memory_space<vmem>> -> memref<64xf32, #tpu.memory_space<vmem>>
      %dma_start3A_698 = arith.constant 0 : i32
      %dma_start3A_699 = tpu.memref_slice %arg5[%squeeze3A_686, %dma_start3A_698] : memref<100000x64xf32, #tpu.memory_space<hbm>> -> memref<1x64xf32, #tpu.memory_space<hbm>>
      %dma_start3A_700 = tpu.memref_squeeze %dma_start3A_699 : memref<1x64xf32, #tpu.memory_space<hbm>> -> memref<64xf32, #tpu.memory_space<hbm>>
      tpu.enqueue_dma source(%dma_start3A_700 : memref<64xf32, #tpu.memory_space<hbm>>) target(%dma_start3A_697 : memref<64xf32, #tpu.memory_space<vmem>>) target_semaphore(%arg23 : memref<!tpu.dma_semaphore, #tpu.memory_space<semaphore_mem>>)
      %slice3A_701 = vector.extract_strided_slice %get3A_313 {offsets = [12], sizes = [1], strides = [1]} : vector<16xi32> to vector<1xi32>
      %squeeze3A_702 = vector.extract %slice3A_701[0] : i32 from vector<1xi32>
      %add3A_703 = arith.constant 12 : i32
      %add3A_704 = arith.addi %mul3A_309, %add3A_703 : i32
      %dma_start3A_705 = arith.constant 0 : i32
      %dma_start3A_706 = tpu.memref_slice %arg14[%add3A_704, %dma_start3A_705] : memref<128x64xf32, #tpu.memory_space<vmem>> -> memref<1x64xf32, #tpu.memory_space<vmem>>
      %dma_start3A_707 = tpu.memref_squeeze %dma_start3A_706 : memref<1x64xf32, #tpu.memory_space<vmem>> -> memref<64xf32, #tpu.memory_space<vmem>>
      %dma_start3A_708 = arith.constant 0 : i32
      %dma_start3A_709 = tpu.memref_slice %arg4[%squeeze3A_702, %dma_start3A_708] : memref<100000x64xf32, #tpu.memory_space<hbm>> -> memref<1x64xf32, #tpu.memory_space<hbm>>
      %dma_start3A_710 = tpu.memref_squeeze %dma_start3A_709 : memref<1x64xf32, #tpu.memory_space<hbm>> -> memref<64xf32, #tpu.memory_space<hbm>>
      %dma_start3A_711 = arith.constant 0 : i32
      %dma_start3A_712 = tpu.memref_slice %arg14[%add3A_704, %dma_start3A_711] : memref<128x64xf32, #tpu.memory_space<vmem>> -> memref<1x64xf32, #tpu.memory_space<vmem>>
      %dma_start3A_713 = tpu.memref_squeeze %dma_start3A_712 : memref<1x64xf32, #tpu.memory_space<vmem>> -> memref<64xf32, #tpu.memory_space<vmem>>
      %dma_start3A_714 = arith.constant 0 : i32
      %dma_start3A_715 = tpu.memref_slice %arg4[%squeeze3A_702, %dma_start3A_714] : memref<100000x64xf32, #tpu.memory_space<hbm>> -> memref<1x64xf32, #tpu.memory_space<hbm>>
      %dma_start3A_716 = tpu.memref_squeeze %dma_start3A_715 : memref<1x64xf32, #tpu.memory_space<hbm>> -> memref<64xf32, #tpu.memory_space<hbm>>
      tpu.enqueue_dma source(%dma_start3A_716 : memref<64xf32, #tpu.memory_space<hbm>>) target(%dma_start3A_713 : memref<64xf32, #tpu.memory_space<vmem>>) target_semaphore(%arg21 : memref<!tpu.dma_semaphore, #tpu.memory_space<semaphore_mem>>)
      %slice3A_717 = vector.extract_strided_slice %get3A_318 {offsets = [12], sizes = [1], strides = [1]} : vector<16xi32> to vector<1xi32>
      %squeeze3A_718 = vector.extract %slice3A_717[0] : i32 from vector<1xi32>
      %add3A_719 = arith.constant 12 : i32
      %add3A_720 = arith.addi %mul3A_309, %add3A_719 : i32
      %dma_start3A_721 = arith.constant 0 : i32
      %dma_start3A_722 = tpu.memref_slice %arg16[%add3A_720, %dma_start3A_721] : memref<128x64xf32, #tpu.memory_space<vmem>> -> memref<1x64xf32, #tpu.memory_space<vmem>>
      %dma_start3A_723 = tpu.memref_squeeze %dma_start3A_722 : memref<1x64xf32, #tpu.memory_space<vmem>> -> memref<64xf32, #tpu.memory_space<vmem>>
      %dma_start3A_724 = arith.constant 0 : i32
      %dma_start3A_725 = tpu.memref_slice %arg5[%squeeze3A_718, %dma_start3A_724] : memref<100000x64xf32, #tpu.memory_space<hbm>> -> memref<1x64xf32, #tpu.memory_space<hbm>>
      %dma_start3A_726 = tpu.memref_squeeze %dma_start3A_725 : memref<1x64xf32, #tpu.memory_space<hbm>> -> memref<64xf32, #tpu.memory_space<hbm>>
      %dma_start3A_727 = arith.constant 0 : i32
      %dma_start3A_728 = tpu.memref_slice %arg16[%add3A_720, %dma_start3A_727] : memref<128x64xf32, #tpu.memory_space<vmem>> -> memref<1x64xf32, #tpu.memory_space<vmem>>
      %dma_start3A_729 = tpu.memref_squeeze %dma_start3A_728 : memref<1x64xf32, #tpu.memory_space<vmem>> -> memref<64xf32, #tpu.memory_space<vmem>>
      %dma_start3A_730 = arith.constant 0 : i32
      %dma_start3A_731 = tpu.memref_slice %arg5[%squeeze3A_718, %dma_start3A_730] : memref<100000x64xf32, #tpu.memory_space<hbm>> -> memref<1x64xf32, #tpu.memory_space<hbm>>
      %dma_start3A_732 = tpu.memref_squeeze %dma_start3A_731 : memref<1x64xf32, #tpu.memory_space<hbm>> -> memref<64xf32, #tpu.memory_space<hbm>>
      tpu.enqueue_dma source(%dma_start3A_732 : memref<64xf32, #tpu.memory_space<hbm>>) target(%dma_start3A_729 : memref<64xf32, #tpu.memory_space<vmem>>) target_semaphore(%arg23 : memref<!tpu.dma_semaphore, #tpu.memory_space<semaphore_mem>>)
      %slice3A_733 = vector.extract_strided_slice %get3A_313 {offsets = [13], sizes = [1], strides = [1]} : vector<16xi32> to vector<1xi32>
      %squeeze3A_734 = vector.extract %slice3A_733[0] : i32 from vector<1xi32>
      %add3A_735 = arith.constant 13 : i32
      %add3A_736 = arith.addi %mul3A_309, %add3A_735 : i32
      %dma_start3A_737 = arith.constant 0 : i32
      %dma_start3A_738 = tpu.memref_slice %arg14[%add3A_736, %dma_start3A_737] : memref<128x64xf32, #tpu.memory_space<vmem>> -> memref<1x64xf32, #tpu.memory_space<vmem>>
      %dma_start3A_739 = tpu.memref_squeeze %dma_start3A_738 : memref<1x64xf32, #tpu.memory_space<vmem>> -> memref<64xf32, #tpu.memory_space<vmem>>
      %dma_start3A_740 = arith.constant 0 : i32
      %dma_start3A_741 = tpu.memref_slice %arg4[%squeeze3A_734, %dma_start3A_740] : memref<100000x64xf32, #tpu.memory_space<hbm>> -> memref<1x64xf32, #tpu.memory_space<hbm>>
      %dma_start3A_742 = tpu.memref_squeeze %dma_start3A_741 : memref<1x64xf32, #tpu.memory_space<hbm>> -> memref<64xf32, #tpu.memory_space<hbm>>
      %dma_start3A_743 = arith.constant 0 : i32
      %dma_start3A_744 = tpu.memref_slice %arg14[%add3A_736, %dma_start3A_743] : memref<128x64xf32, #tpu.memory_space<vmem>> -> memref<1x64xf32, #tpu.memory_space<vmem>>
      %dma_start3A_745 = tpu.memref_squeeze %dma_start3A_744 : memref<1x64xf32, #tpu.memory_space<vmem>> -> memref<64xf32, #tpu.memory_space<vmem>>
      %dma_start3A_746 = arith.constant 0 : i32
      %dma_start3A_747 = tpu.memref_slice %arg4[%squeeze3A_734, %dma_start3A_746] : memref<100000x64xf32, #tpu.memory_space<hbm>> -> memref<1x64xf32, #tpu.memory_space<hbm>>
      %dma_start3A_748 = tpu.memref_squeeze %dma_start3A_747 : memref<1x64xf32, #tpu.memory_space<hbm>> -> memref<64xf32, #tpu.memory_space<hbm>>
      tpu.enqueue_dma source(%dma_start3A_748 : memref<64xf32, #tpu.memory_space<hbm>>) target(%dma_start3A_745 : memref<64xf32, #tpu.memory_space<vmem>>) target_semaphore(%arg21 : memref<!tpu.dma_semaphore, #tpu.memory_space<semaphore_mem>>)
      %slice3A_749 = vector.extract_strided_slice %get3A_318 {offsets = [13], sizes = [1], strides = [1]} : vector<16xi32> to vector<1xi32>
      %squeeze3A_750 = vector.extract %slice3A_749[0] : i32 from vector<1xi32>
      %add3A_751 = arith.constant 13 : i32
      %add3A_752 = arith.addi %mul3A_309, %add3A_751 : i32
      %dma_start3A_753 = arith.constant 0 : i32
      %dma_start3A_754 = tpu.memref_slice %arg16[%add3A_752, %dma_start3A_753] : memref<128x64xf32, #tpu.memory_space<vmem>> -> memref<1x64xf32, #tpu.memory_space<vmem>>
      %dma_start3A_755 = tpu.memref_squeeze %dma_start3A_754 : memref<1x64xf32, #tpu.memory_space<vmem>> -> memref<64xf32, #tpu.memory_space<vmem>>
      %dma_start3A_756 = arith.constant 0 : i32
      %dma_start3A_757 = tpu.memref_slice %arg5[%squeeze3A_750, %dma_start3A_756] : memref<100000x64xf32, #tpu.memory_space<hbm>> -> memref<1x64xf32, #tpu.memory_space<hbm>>
      %dma_start3A_758 = tpu.memref_squeeze %dma_start3A_757 : memref<1x64xf32, #tpu.memory_space<hbm>> -> memref<64xf32, #tpu.memory_space<hbm>>
      %dma_start3A_759 = arith.constant 0 : i32
      %dma_start3A_760 = tpu.memref_slice %arg16[%add3A_752, %dma_start3A_759] : memref<128x64xf32, #tpu.memory_space<vmem>> -> memref<1x64xf32, #tpu.memory_space<vmem>>
      %dma_start3A_761 = tpu.memref_squeeze %dma_start3A_760 : memref<1x64xf32, #tpu.memory_space<vmem>> -> memref<64xf32, #tpu.memory_space<vmem>>
      %dma_start3A_762 = arith.constant 0 : i32
      %dma_start3A_763 = tpu.memref_slice %arg5[%squeeze3A_750, %dma_start3A_762] : memref<100000x64xf32, #tpu.memory_space<hbm>> -> memref<1x64xf32, #tpu.memory_space<hbm>>
      %dma_start3A_764 = tpu.memref_squeeze %dma_start3A_763 : memref<1x64xf32, #tpu.memory_space<hbm>> -> memref<64xf32, #tpu.memory_space<hbm>>
      tpu.enqueue_dma source(%dma_start3A_764 : memref<64xf32, #tpu.memory_space<hbm>>) target(%dma_start3A_761 : memref<64xf32, #tpu.memory_space<vmem>>) target_semaphore(%arg23 : memref<!tpu.dma_semaphore, #tpu.memory_space<semaphore_mem>>)
      %slice3A_765 = vector.extract_strided_slice %get3A_313 {offsets = [14], sizes = [1], strides = [1]} : vector<16xi32> to vector<1xi32>
      %squeeze3A_766 = vector.extract %slice3A_765[0] : i32 from vector<1xi32>
      %add3A_767 = arith.constant 14 : i32
      %add3A_768 = arith.addi %mul3A_309, %add3A_767 : i32
      %dma_start3A_769 = arith.constant 0 : i32
      %dma_start3A_770 = tpu.memref_slice %arg14[%add3A_768, %dma_start3A_769] : memref<128x64xf32, #tpu.memory_space<vmem>> -> memref<1x64xf32, #tpu.memory_space<vmem>>
      %dma_start3A_771 = tpu.memref_squeeze %dma_start3A_770 : memref<1x64xf32, #tpu.memory_space<vmem>> -> memref<64xf32, #tpu.memory_space<vmem>>
      %dma_start3A_772 = arith.constant 0 : i32
      %dma_start3A_773 = tpu.memref_slice %arg4[%squeeze3A_766, %dma_start3A_772] : memref<100000x64xf32, #tpu.memory_space<hbm>> -> memref<1x64xf32, #tpu.memory_space<hbm>>
      %dma_start3A_774 = tpu.memref_squeeze %dma_start3A_773 : memref<1x64xf32, #tpu.memory_space<hbm>> -> memref<64xf32, #tpu.memory_space<hbm>>
      %dma_start3A_775 = arith.constant 0 : i32
      %dma_start3A_776 = tpu.memref_slice %arg14[%add3A_768, %dma_start3A_775] : memref<128x64xf32, #tpu.memory_space<vmem>> -> memref<1x64xf32, #tpu.memory_space<vmem>>
      %dma_start3A_777 = tpu.memref_squeeze %dma_start3A_776 : memref<1x64xf32, #tpu.memory_space<vmem>> -> memref<64xf32, #tpu.memory_space<vmem>>
      %dma_start3A_778 = arith.constant 0 : i32
      %dma_start3A_779 = tpu.memref_slice %arg4[%squeeze3A_766, %dma_start3A_778] : memref<100000x64xf32, #tpu.memory_space<hbm>> -> memref<1x64xf32, #tpu.memory_space<hbm>>
      %dma_start3A_780 = tpu.memref_squeeze %dma_start3A_779 : memref<1x64xf32, #tpu.memory_space<hbm>> -> memref<64xf32, #tpu.memory_space<hbm>>
      tpu.enqueue_dma source(%dma_start3A_780 : memref<64xf32, #tpu.memory_space<hbm>>) target(%dma_start3A_777 : memref<64xf32, #tpu.memory_space<vmem>>) target_semaphore(%arg21 : memref<!tpu.dma_semaphore, #tpu.memory_space<semaphore_mem>>)
      %slice3A_781 = vector.extract_strided_slice %get3A_318 {offsets = [14], sizes = [1], strides = [1]} : vector<16xi32> to vector<1xi32>
      %squeeze3A_782 = vector.extract %slice3A_781[0] : i32 from vector<1xi32>
      %add3A_783 = arith.constant 14 : i32
      %add3A_784 = arith.addi %mul3A_309, %add3A_783 : i32
      %dma_start3A_785 = arith.constant 0 : i32
      %dma_start3A_786 = tpu.memref_slice %arg16[%add3A_784, %dma_start3A_785] : memref<128x64xf32, #tpu.memory_space<vmem>> -> memref<1x64xf32, #tpu.memory_space<vmem>>
      %dma_start3A_787 = tpu.memref_squeeze %dma_start3A_786 : memref<1x64xf32, #tpu.memory_space<vmem>> -> memref<64xf32, #tpu.memory_space<vmem>>
      %dma_start3A_788 = arith.constant 0 : i32
      %dma_start3A_789 = tpu.memref_slice %arg5[%squeeze3A_782, %dma_start3A_788] : memref<100000x64xf32, #tpu.memory_space<hbm>> -> memref<1x64xf32, #tpu.memory_space<hbm>>
      %dma_start3A_790 = tpu.memref_squeeze %dma_start3A_789 : memref<1x64xf32, #tpu.memory_space<hbm>> -> memref<64xf32, #tpu.memory_space<hbm>>
      %dma_start3A_791 = arith.constant 0 : i32
      %dma_start3A_792 = tpu.memref_slice %arg16[%add3A_784, %dma_start3A_791] : memref<128x64xf32, #tpu.memory_space<vmem>> -> memref<1x64xf32, #tpu.memory_space<vmem>>
      %dma_start3A_793 = tpu.memref_squeeze %dma_start3A_792 : memref<1x64xf32, #tpu.memory_space<vmem>> -> memref<64xf32, #tpu.memory_space<vmem>>
      %dma_start3A_794 = arith.constant 0 : i32
      %dma_start3A_795 = tpu.memref_slice %arg5[%squeeze3A_782, %dma_start3A_794] : memref<100000x64xf32, #tpu.memory_space<hbm>> -> memref<1x64xf32, #tpu.memory_space<hbm>>
      %dma_start3A_796 = tpu.memref_squeeze %dma_start3A_795 : memref<1x64xf32, #tpu.memory_space<hbm>> -> memref<64xf32, #tpu.memory_space<hbm>>
      tpu.enqueue_dma source(%dma_start3A_796 : memref<64xf32, #tpu.memory_space<hbm>>) target(%dma_start3A_793 : memref<64xf32, #tpu.memory_space<vmem>>) target_semaphore(%arg23 : memref<!tpu.dma_semaphore, #tpu.memory_space<semaphore_mem>>)
      %slice3A_797 = vector.extract_strided_slice %get3A_313 {offsets = [15], sizes = [1], strides = [1]} : vector<16xi32> to vector<1xi32>
      %squeeze3A_798 = vector.extract %slice3A_797[0] : i32 from vector<1xi32>
      %add3A_799 = arith.constant 15 : i32
      %add3A_800 = arith.addi %mul3A_309, %add3A_799 : i32
      %dma_start3A_801 = arith.constant 0 : i32
      %dma_start3A_802 = tpu.memref_slice %arg14[%add3A_800, %dma_start3A_801] : memref<128x64xf32, #tpu.memory_space<vmem>> -> memref<1x64xf32, #tpu.memory_space<vmem>>
      %dma_start3A_803 = tpu.memref_squeeze %dma_start3A_802 : memref<1x64xf32, #tpu.memory_space<vmem>> -> memref<64xf32, #tpu.memory_space<vmem>>
      %dma_start3A_804 = arith.constant 0 : i32
      %dma_start3A_805 = tpu.memref_slice %arg4[%squeeze3A_798, %dma_start3A_804] : memref<100000x64xf32, #tpu.memory_space<hbm>> -> memref<1x64xf32, #tpu.memory_space<hbm>>
      %dma_start3A_806 = tpu.memref_squeeze %dma_start3A_805 : memref<1x64xf32, #tpu.memory_space<hbm>> -> memref<64xf32, #tpu.memory_space<hbm>>
      %dma_start3A_807 = arith.constant 0 : i32
      %dma_start3A_808 = tpu.memref_slice %arg14[%add3A_800, %dma_start3A_807] : memref<128x64xf32, #tpu.memory_space<vmem>> -> memref<1x64xf32, #tpu.memory_space<vmem>>
      %dma_start3A_809 = tpu.memref_squeeze %dma_start3A_808 : memref<1x64xf32, #tpu.memory_space<vmem>> -> memref<64xf32, #tpu.memory_space<vmem>>
      %dma_start3A_810 = arith.constant 0 : i32
      %dma_start3A_811 = tpu.memref_slice %arg4[%squeeze3A_798, %dma_start3A_810] : memref<100000x64xf32, #tpu.memory_space<hbm>> -> memref<1x64xf32, #tpu.memory_space<hbm>>
      %dma_start3A_812 = tpu.memref_squeeze %dma_start3A_811 : memref<1x64xf32, #tpu.memory_space<hbm>> -> memref<64xf32, #tpu.memory_space<hbm>>
      tpu.enqueue_dma source(%dma_start3A_812 : memref<64xf32, #tpu.memory_space<hbm>>) target(%dma_start3A_809 : memref<64xf32, #tpu.memory_space<vmem>>) target_semaphore(%arg21 : memref<!tpu.dma_semaphore, #tpu.memory_space<semaphore_mem>>)
      %slice3A_813 = vector.extract_strided_slice %get3A_318 {offsets = [15], sizes = [1], strides = [1]} : vector<16xi32> to vector<1xi32>
      %squeeze3A_814 = vector.extract %slice3A_813[0] : i32 from vector<1xi32>
      %add3A_815 = arith.constant 15 : i32
      %add3A_816 = arith.addi %mul3A_309, %add3A_815 : i32
      %dma_start3A_817 = arith.constant 0 : i32
      %dma_start3A_818 = tpu.memref_slice %arg16[%add3A_816, %dma_start3A_817] : memref<128x64xf32, #tpu.memory_space<vmem>> -> memref<1x64xf32, #tpu.memory_space<vmem>>
      %dma_start3A_819 = tpu.memref_squeeze %dma_start3A_818 : memref<1x64xf32, #tpu.memory_space<vmem>> -> memref<64xf32, #tpu.memory_space<vmem>>
      %dma_start3A_820 = arith.constant 0 : i32
      %dma_start3A_821 = tpu.memref_slice %arg5[%squeeze3A_814, %dma_start3A_820] : memref<100000x64xf32, #tpu.memory_space<hbm>> -> memref<1x64xf32, #tpu.memory_space<hbm>>
      %dma_start3A_822 = tpu.memref_squeeze %dma_start3A_821 : memref<1x64xf32, #tpu.memory_space<hbm>> -> memref<64xf32, #tpu.memory_space<hbm>>
      %dma_start3A_823 = arith.constant 0 : i32
      %dma_start3A_824 = tpu.memref_slice %arg16[%add3A_816, %dma_start3A_823] : memref<128x64xf32, #tpu.memory_space<vmem>> -> memref<1x64xf32, #tpu.memory_space<vmem>>
      %dma_start3A_825 = tpu.memref_squeeze %dma_start3A_824 : memref<1x64xf32, #tpu.memory_space<vmem>> -> memref<64xf32, #tpu.memory_space<vmem>>
      %dma_start3A_826 = arith.constant 0 : i32
      %dma_start3A_827 = tpu.memref_slice %arg5[%squeeze3A_814, %dma_start3A_826] : memref<100000x64xf32, #tpu.memory_space<hbm>> -> memref<1x64xf32, #tpu.memory_space<hbm>>
      %dma_start3A_828 = tpu.memref_squeeze %dma_start3A_827 : memref<1x64xf32, #tpu.memory_space<hbm>> -> memref<64xf32, #tpu.memory_space<hbm>>
      tpu.enqueue_dma source(%dma_start3A_828 : memref<64xf32, #tpu.memory_space<hbm>>) target(%dma_start3A_825 : memref<64xf32, #tpu.memory_space<vmem>>) target_semaphore(%arg23 : memref<!tpu.dma_semaphore, #tpu.memory_space<semaphore_mem>>)
      %scan3A_829 = arith.constant 0 : i32
      scf.yield %scan3A_829 : i32
    }
    %scan3A_156 = arith.constant 8 : i32
    %scan3A_157 = arith.constant 0 : i32
    %scan3A_158 = arith.constant 128 : i32
    %scan3A_159 = arith.addi %scan3A_157, %scan3A_158 : i32
    %scan3A_160 = arith.constant 1 : i32
    %scan3A_161 = scf.for %scan3A_306 = %scan3A_157 to %scan3A_159 step %scan3A_160 iter_args(%scan3A_307 = %scan3A_136) -> (vector<16xf32>)  : i32 {
      %get3A = arith.index_cast %scan3A_306 : i32 to index
      %get3A_308 = arith.constant 0 : index
      %get3A_309 = tpu.vector_load %arg13[%get3A, %get3A_308] {strides = array<i32>} : memref<128x64xf32, #tpu.memory_space<vmem>>, vector<1x16xf32>,
      %get3A_310 = vector.shape_cast %get3A_309 : vector<1x16xf32> to vector<16xf32>
      %get3A_311 = arith.index_cast %scan3A_306 : i32 to index
      %get3A_312 = arith.constant 0 : index
      %get3A_313 = tpu.vector_load %arg15[%get3A_311, %get3A_312] {strides = array<i32>} : memref<128x64xf32, #tpu.memory_space<vmem>>, vector<1x16xf32>,
      %get3A_314 = vector.shape_cast %get3A_313 : vector<1x16xf32> to vector<16xf32>
      %mul3A_315 = arith.mulf %get3A_310, %get3A_314 : vector<16xf32>
      %add3A_316 = arith.addf %scan3A_307, %mul3A_315 : vector<16xf32>
      %get3A_317 = arith.index_cast %scan3A_306 : i32 to index
      %get3A_318 = arith.constant 16 : index
      %get3A_319 = tpu.vector_load %arg13[%get3A_317, %get3A_318] {strides = array<i32>} : memref<128x64xf32, #tpu.memory_space<vmem>>, vector<1x16xf32>,
      %get3A_320 = vector.shape_cast %get3A_319 : vector<1x16xf32> to vector<16xf32>
      %get3A_321 = arith.index_cast %scan3A_306 : i32 to index
      %get3A_322 = arith.constant 16 : index
      %get3A_323 = tpu.vector_load %arg15[%get3A_321, %get3A_322] {strides = array<i32>} : memref<128x64xf32, #tpu.memory_space<vmem>>, vector<1x16xf32>,
      %get3A_324 = vector.shape_cast %get3A_323 : vector<1x16xf32> to vector<16xf32>
      %mul3A_325 = arith.mulf %get3A_320, %get3A_324 : vector<16xf32>
      %add3A_326 = arith.addf %add3A_316, %mul3A_325 : vector<16xf32>
      %get3A_327 = arith.index_cast %scan3A_306 : i32 to index
      %get3A_328 = arith.constant 32 : index
      %get3A_329 = tpu.vector_load %arg13[%get3A_327, %get3A_328] {strides = array<i32>} : memref<128x64xf32, #tpu.memory_space<vmem>>, vector<1x16xf32>,
      %get3A_330 = vector.shape_cast %get3A_329 : vector<1x16xf32> to vector<16xf32>
      %get3A_331 = arith.index_cast %scan3A_306 : i32 to index
      %get3A_332 = arith.constant 32 : index
      %get3A_333 = tpu.vector_load %arg15[%get3A_331, %get3A_332] {strides = array<i32>} : memref<128x64xf32, #tpu.memory_space<vmem>>, vector<1x16xf32>,
      %get3A_334 = vector.shape_cast %get3A_333 : vector<1x16xf32> to vector<16xf32>
      %mul3A_335 = arith.mulf %get3A_330, %get3A_334 : vector<16xf32>
      %add3A_336 = arith.addf %add3A_326, %mul3A_335 : vector<16xf32>
      %get3A_337 = arith.index_cast %scan3A_306 : i32 to index
      %get3A_338 = arith.constant 48 : index
      %get3A_339 = tpu.vector_load %arg13[%get3A_337, %get3A_338] {strides = array<i32>} : memref<128x64xf32, #tpu.memory_space<vmem>>, vector<1x16xf32>,
      %get3A_340 = vector.shape_cast %get3A_339 : vector<1x16xf32> to vector<16xf32>
      %get3A_341 = arith.index_cast %scan3A_306 : i32 to index
      %get3A_342 = arith.constant 48 : index
      %get3A_343 = tpu.vector_load %arg15[%get3A_341, %get3A_342] {strides = array<i32>} : memref<128x64xf32, #tpu.memory_space<vmem>>, vector<1x16xf32>,
      %get3A_344 = vector.shape_cast %get3A_343 : vector<1x16xf32> to vector<16xf32>
      %mul3A_345 = arith.mulf %get3A_340, %get3A_344 : vector<16xf32>
      %add3A_346 = arith.addf %add3A_336, %mul3A_345 : vector<16xf32>
      scf.yield %add3A_346 : vector<16xf32>
    }
    %scan3A_162 = arith.constant 128 : i32
    %dma_wait3A_163 = arith.constant 0 : i32
    %dma_wait3A_164 = arith.constant 0 : i32
    %dma_wait3A_165 = tpu.memref_slice %arg4[%dma_wait3A_163, %dma_wait3A_164] : memref<100000x64xf32, #tpu.memory_space<hbm>> -> memref<128x64xf32, #tpu.memory_space<hbm>>
    %dma_wait3A_166 = arith.constant 0 : i32
    %dma_wait3A_167 = arith.constant 0 : i32
    %dma_wait3A_168 = tpu.memref_slice %arg4[%dma_wait3A_166, %dma_wait3A_167] : memref<100000x64xf32, #tpu.memory_space<hbm>> -> memref<128x64xf32, #tpu.memory_space<hbm>>
    tpu.wait_dma2 semaphore(%arg21 : memref<!tpu.dma_semaphore, #tpu.memory_space<semaphore_mem>>) src(%dma_wait3A_168 : memref<128x64xf32, #tpu.memory_space<hbm>>) dst(%arg14 : memref<128x64xf32, #tpu.memory_space<vmem>>)
    %dma_wait3A_169 = arith.constant 0 : i32
    %dma_wait3A_170 = arith.constant 0 : i32
    %dma_wait3A_171 = tpu.memref_slice %arg5[%dma_wait3A_169, %dma_wait3A_170] : memref<100000x64xf32, #tpu.memory_space<hbm>> -> memref<128x64xf32, #tpu.memory_space<hbm>>
    %dma_wait3A_172 = arith.constant 0 : i32
    %dma_wait3A_173 = arith.constant 0 : i32
    %dma_wait3A_174 = tpu.memref_slice %arg5[%dma_wait3A_172, %dma_wait3A_173] : memref<100000x64xf32, #tpu.memory_space<hbm>> -> memref<128x64xf32, #tpu.memory_space<hbm>>
    tpu.wait_dma2 semaphore(%arg23 : memref<!tpu.dma_semaphore, #tpu.memory_space<semaphore_mem>>) src(%dma_wait3A_174 : memref<128x64xf32, #tpu.memory_space<hbm>>) dst(%arg16 : memref<128x64xf32, #tpu.memory_space<vmem>>)
    %scan3A_175 = arith.constant 0 : i32
    %scan3A_176 = arith.constant 128 : i32
    %scan3A_177 = arith.addi %scan3A_175, %scan3A_176 : i32
    %scan3A_178 = arith.constant 1 : i32
    %scan3A_179 = scf.for %scan3A_306 = %scan3A_175 to %scan3A_177 step %scan3A_178 iter_args(%scan3A_307 = %scan3A_161) -> (vector<16xf32>)  : i32 {
      %get3A = arith.index_cast %scan3A_306 : i32 to index
      %get3A_308 = arith.constant 0 : index
      %get3A_309 = tpu.vector_load %arg14[%get3A, %get3A_308] {strides = array<i32>} : memref<128x64xf32, #tpu.memory_space<vmem>>, vector<1x16xf32>,
      %get3A_310 = vector.shape_cast %get3A_309 : vector<1x16xf32> to vector<16xf32>
      %get3A_311 = arith.index_cast %scan3A_306 : i32 to index
      %get3A_312 = arith.constant 0 : index
      %get3A_313 = tpu.vector_load %arg16[%get3A_311, %get3A_312] {strides = array<i32>} : memref<128x64xf32, #tpu.memory_space<vmem>>, vector<1x16xf32>,
      %get3A_314 = vector.shape_cast %get3A_313 : vector<1x16xf32> to vector<16xf32>
      %mul3A_315 = arith.mulf %get3A_310, %get3A_314 : vector<16xf32>
      %add3A_316 = arith.addf %scan3A_307, %mul3A_315 : vector<16xf32>
      %get3A_317 = arith.index_cast %scan3A_306 : i32 to index
      %get3A_318 = arith.constant 16 : index
      %get3A_319 = tpu.vector_load %arg14[%get3A_317, %get3A_318] {strides = array<i32>} : memref<128x64xf32, #tpu.memory_space<vmem>>, vector<1x16xf32>,
      %get3A_320 = vector.shape_cast %get3A_319 : vector<1x16xf32> to vector<16xf32>
      %get3A_321 = arith.index_cast %scan3A_306 : i32 to index
      %get3A_322 = arith.constant 16 : index
      %get3A_323 = tpu.vector_load %arg16[%get3A_321, %get3A_322] {strides = array<i32>} : memref<128x64xf32, #tpu.memory_space<vmem>>, vector<1x16xf32>,
      %get3A_324 = vector.shape_cast %get3A_323 : vector<1x16xf32> to vector<16xf32>
      %mul3A_325 = arith.mulf %get3A_320, %get3A_324 : vector<16xf32>
      %add3A_326 = arith.addf %add3A_316, %mul3A_325 : vector<16xf32>
      %get3A_327 = arith.index_cast %scan3A_306 : i32 to index
      %get3A_328 = arith.constant 32 : index
      %get3A_329 = tpu.vector_load %arg14[%get3A_327, %get3A_328] {strides = array<i32>} : memref<128x64xf32, #tpu.memory_space<vmem>>, vector<1x16xf32>,
      %get3A_330 = vector.shape_cast %get3A_329 : vector<1x16xf32> to vector<16xf32>
      %get3A_331 = arith.index_cast %scan3A_306 : i32 to index
      %get3A_332 = arith.constant 32 : index
      %get3A_333 = tpu.vector_load %arg16[%get3A_331, %get3A_332] {strides = array<i32>} : memref<128x64xf32, #tpu.memory_space<vmem>>, vector<1x16xf32>,
      %get3A_334 = vector.shape_cast %get3A_333 : vector<1x16xf32> to vector<16xf32>
      %mul3A_335 = arith.mulf %get3A_330, %get3A_334 : vector<16xf32>
      %add3A_336 = arith.addf %add3A_326, %mul3A_335 : vector<16xf32>
      %get3A_337 = arith.index_cast %scan3A_306 : i32 to index
      %get3A_338 = arith.constant 48 : index
      %get3A_339 = tpu.vector_load %arg14[%get3A_337, %get3A_338] {strides = array<i32>} : memref<128x64xf32, #tpu.memory_space<vmem>>, vector<1x16xf32>,
      %get3A_340 = vector.shape_cast %get3A_339 : vector<1x16xf32> to vector<16xf32>
      %get3A_341 = arith.index_cast %scan3A_306 : i32 to index
      %get3A_342 = arith.constant 48 : index
      %get3A_343 = tpu.vector_load %arg16[%get3A_341, %get3A_342] {strides = array<i32>} : memref<128x64xf32, #tpu.memory_space<vmem>>, vector<1x16xf32>,
      %get3A_344 = vector.shape_cast %get3A_343 : vector<1x16xf32> to vector<16xf32>
      %mul3A_345 = arith.mulf %get3A_340, %get3A_344 : vector<16xf32>
      %add3A_346 = arith.addf %add3A_336, %mul3A_345 : vector<16xf32>
      scf.yield %add3A_346 : vector<16xf32>
    }
    %scan3A_180 = arith.constant 128 : i32
    %swap3A = arith.constant 0 : index
    %swap3A_181 = tpu.vector_load %arg19[%swap3A] {strides = array<i32>} : memref<128xf32, #tpu.memory_space<vmem>>, vector<16xf32>,
    %swap3A_182 = vector.shape_cast %swap3A_181 : vector<16xf32> to vector<16xf32>
    %swap3A_183 = vector.shape_cast %scan3A_179 : vector<16xf32> to vector<16xf32>
    tpu.vector_store %arg19[%swap3A], %swap3A_183 {strides = array<i32>} : memref<128xf32, #tpu.memory_space<vmem>>, vector<16xf32>,
    %broadcast_in_dim3A_184 = arith.constant 0.000000e+00 : f32
    %broadcast_in_dim3A_185 = vector.broadcast %broadcast_in_dim3A_184 : f32 to vector<16xf32>
    %swap3A_186 = arith.constant 16 : index
    %swap3A_187 = tpu.vector_load %arg19[%swap3A_186] {strides = array<i32>} : memref<128xf32, #tpu.memory_space<vmem>>, vector<16xf32>,
    %swap3A_188 = vector.shape_cast %swap3A_187 : vector<16xf32> to vector<16xf32>
    %swap3A_189 = vector.shape_cast %broadcast_in_dim3A_185 : vector<16xf32> to vector<16xf32>
    tpu.vector_store %arg19[%swap3A_186], %swap3A_189 {strides = array<i32>} : memref<128xf32, #tpu.memory_space<vmem>>, vector<16xf32>,
    %broadcast_in_dim3A_190 = arith.constant 0.000000e+00 : f32
    %broadcast_in_dim3A_191 = vector.broadcast %broadcast_in_dim3A_190 : f32 to vector<16xf32>
    %swap3A_192 = arith.constant 32 : index
    %swap3A_193 = tpu.vector_load %arg19[%swap3A_192] {strides = array<i32>} : memref<128xf32, #tpu.memory_space<vmem>>, vector<16xf32>,
    %swap3A_194 = vector.shape_cast %swap3A_193 : vector<16xf32> to vector<16xf32>
    %swap3A_195 = vector.shape_cast %broadcast_in_dim3A_191 : vector<16xf32> to vector<16xf32>
    tpu.vector_store %arg19[%swap3A_192], %swap3A_195 {strides = array<i32>} : memref<128xf32, #tpu.memory_space<vmem>>, vector<16xf32>,
    %broadcast_in_dim3A_196 = arith.constant 0.000000e+00 : f32
    %broadcast_in_dim3A_197 = vector.broadcast %broadcast_in_dim3A_196 : f32 to vector<16xf32>
    %swap3A_198 = arith.constant 48 : index
    %swap3A_199 = tpu.vector_load %arg19[%swap3A_198] {strides = array<i32>} : memref<128xf32, #tpu.memory_space<vmem>>, vector<16xf32>,
    %swap3A_200 = vector.shape_cast %swap3A_199 : vector<16xf32> to vector<16xf32>
    %swap3A_201 = vector.shape_cast %broadcast_in_dim3A_197 : vector<16xf32> to vector<16xf32>
    tpu.vector_store %arg19[%swap3A_198], %swap3A_201 {strides = array<i32>} : memref<128xf32, #tpu.memory_space<vmem>>, vector<16xf32>,
    %broadcast_in_dim3A_202 = arith.constant 0.000000e+00 : f32
    %broadcast_in_dim3A_203 = vector.broadcast %broadcast_in_dim3A_202 : f32 to vector<16xf32>
    %swap3A_204 = arith.constant 64 : index
    %swap3A_205 = tpu.vector_load %arg19[%swap3A_204] {strides = array<i32>} : memref<128xf32, #tpu.memory_space<vmem>>, vector<16xf32>,
    %swap3A_206 = vector.shape_cast %swap3A_205 : vector<16xf32> to vector<16xf32>
    %swap3A_207 = vector.shape_cast %broadcast_in_dim3A_203 : vector<16xf32> to vector<16xf32>
    tpu.vector_store %arg19[%swap3A_204], %swap3A_207 {strides = array<i32>} : memref<128xf32, #tpu.memory_space<vmem>>, vector<16xf32>,
    %broadcast_in_dim3A_208 = arith.constant 0.000000e+00 : f32
    %broadcast_in_dim3A_209 = vector.broadcast %broadcast_in_dim3A_208 : f32 to vector<16xf32>
    %swap3A_210 = arith.constant 80 : index
    %swap3A_211 = tpu.vector_load %arg19[%swap3A_210] {strides = array<i32>} : memref<128xf32, #tpu.memory_space<vmem>>, vector<16xf32>,
    %swap3A_212 = vector.shape_cast %swap3A_211 : vector<16xf32> to vector<16xf32>
    %swap3A_213 = vector.shape_cast %broadcast_in_dim3A_209 : vector<16xf32> to vector<16xf32>
    tpu.vector_store %arg19[%swap3A_210], %swap3A_213 {strides = array<i32>} : memref<128xf32, #tpu.memory_space<vmem>>, vector<16xf32>,
    %broadcast_in_dim3A_214 = arith.constant 0.000000e+00 : f32
    %broadcast_in_dim3A_215 = vector.broadcast %broadcast_in_dim3A_214 : f32 to vector<16xf32>
    %swap3A_216 = arith.constant 96 : index
    %swap3A_217 = tpu.vector_load %arg19[%swap3A_216] {strides = array<i32>} : memref<128xf32, #tpu.memory_space<vmem>>, vector<16xf32>,
    %swap3A_218 = vector.shape_cast %swap3A_217 : vector<16xf32> to vector<16xf32>
    %swap3A_219 = vector.shape_cast %broadcast_in_dim3A_215 : vector<16xf32> to vector<16xf32>
    tpu.vector_store %arg19[%swap3A_216], %swap3A_219 {strides = array<i32>} : memref<128xf32, #tpu.memory_space<vmem>>, vector<16xf32>,
    %broadcast_in_dim3A_220 = arith.constant 0.000000e+00 : f32
    %broadcast_in_dim3A_221 = vector.broadcast %broadcast_in_dim3A_220 : f32 to vector<16xf32>
    %swap3A_222 = arith.constant 112 : index
    %swap3A_223 = tpu.vector_load %arg19[%swap3A_222] {strides = array<i32>} : memref<128xf32, #tpu.memory_space<vmem>>, vector<16xf32>,
    %swap3A_224 = vector.shape_cast %swap3A_223 : vector<16xf32> to vector<16xf32>
    %swap3A_225 = vector.shape_cast %broadcast_in_dim3A_221 : vector<16xf32> to vector<16xf32>
    tpu.vector_store %arg19[%swap3A_222], %swap3A_225 {strides = array<i32>} : memref<128xf32, #tpu.memory_space<vmem>>, vector<16xf32>,
    %dma_wait3A_226 = arith.constant 0 : i32
    %dma_wait3A_227 = arith.constant 0 : i32
    %dma_wait3A_228 = arith.constant 0 : i32
    %dma_wait3A_229 = tpu.memref_slice %arg17[%dma_wait3A_227, %dma_wait3A_228] : memref<4x128xf32, #tpu.memory_space<vmem>> -> memref<1x128xf32, #tpu.memory_space<vmem>>
    %dma_wait3A_230 = tpu.memref_squeeze %dma_wait3A_229 : memref<1x128xf32, #tpu.memory_space<vmem>> -> memref<128xf32, #tpu.memory_space<vmem>>
    %dma_wait3A_231 = arith.constant 0 : i32
    %dma_wait3A_232 = tpu.memref_slice %arg11[%dma_wait3A_226, %dma_wait3A_231] : memref<4x128xi32, #tpu.memory_space<vmem>> -> memref<1x128xi32, #tpu.memory_space<vmem>>
    %dma_wait3A_233 = tpu.memref_squeeze %dma_wait3A_232 : memref<1x128xi32, #tpu.memory_space<vmem>> -> memref<128xi32, #tpu.memory_space<vmem>>
    %dma_wait3A_234 = arith.constant 0 : i32
    %dma_wait3A_235 = tpu.memref_slice %arg6[%dma_wait3A_234] : memref<100000xf32, #tpu.memory_space<hbm>> -> memref<100000xf32, #tpu.memory_space<hbm>>
    tpu.wait_indirect_dma semaphore(%arg24 : memref<!tpu.dma_semaphore, #tpu.memory_space<semaphore_mem>>) src(%dma_wait3A_235 : memref<100000xf32, #tpu.memory_space<hbm>>) dst(%dma_wait3A_230 : memref<128xf32, #tpu.memory_space<vmem>>)
    %dma_wait3A_236 = arith.constant 0 : i32
    %dma_wait3A_237 = arith.constant 0 : i32
    %dma_wait3A_238 = arith.constant 0 : i32
    %dma_wait3A_239 = tpu.memref_slice %arg18[%dma_wait3A_237, %dma_wait3A_238] : memref<4x128xf32, #tpu.memory_space<vmem>> -> memref<1x128xf32, #tpu.memory_space<vmem>>
    %dma_wait3A_240 = tpu.memref_squeeze %dma_wait3A_239 : memref<1x128xf32, #tpu.memory_space<vmem>> -> memref<128xf32, #tpu.memory_space<vmem>>
    %dma_wait3A_241 = arith.constant 0 : i32
    %dma_wait3A_242 = tpu.memref_slice %arg12[%dma_wait3A_236, %dma_wait3A_241] : memref<4x128xi32, #tpu.memory_space<vmem>> -> memref<1x128xi32, #tpu.memory_space<vmem>>
    %dma_wait3A_243 = tpu.memref_squeeze %dma_wait3A_242 : memref<1x128xi32, #tpu.memory_space<vmem>> -> memref<128xi32, #tpu.memory_space<vmem>>
    %dma_wait3A_244 = arith.constant 0 : i32
    %dma_wait3A_245 = tpu.memref_slice %arg7[%dma_wait3A_244] : memref<100000xf32, #tpu.memory_space<hbm>> -> memref<100000xf32, #tpu.memory_space<hbm>>
    tpu.wait_indirect_dma semaphore(%arg24 : memref<!tpu.dma_semaphore, #tpu.memory_space<semaphore_mem>>) src(%dma_wait3A_245 : memref<100000xf32, #tpu.memory_space<hbm>>) dst(%dma_wait3A_240 : memref<128xf32, #tpu.memory_space<vmem>>)
    %dma_wait3A_246 = arith.constant 1 : i32
    %dma_wait3A_247 = arith.constant 1 : i32
    %dma_wait3A_248 = arith.constant 0 : i32
    %dma_wait3A_249 = tpu.memref_slice %arg17[%dma_wait3A_247, %dma_wait3A_248] : memref<4x128xf32, #tpu.memory_space<vmem>> -> memref<1x128xf32, #tpu.memory_space<vmem>>
    %dma_wait3A_250 = tpu.memref_squeeze %dma_wait3A_249 : memref<1x128xf32, #tpu.memory_space<vmem>> -> memref<128xf32, #tpu.memory_space<vmem>>
    %dma_wait3A_251 = arith.constant 0 : i32
    %dma_wait3A_252 = tpu.memref_slice %arg11[%dma_wait3A_246, %dma_wait3A_251] : memref<4x128xi32, #tpu.memory_space<vmem>> -> memref<1x128xi32, #tpu.memory_space<vmem>>
    %dma_wait3A_253 = tpu.memref_squeeze %dma_wait3A_252 : memref<1x128xi32, #tpu.memory_space<vmem>> -> memref<128xi32, #tpu.memory_space<vmem>>
    %dma_wait3A_254 = arith.constant 0 : i32
    %dma_wait3A_255 = tpu.memref_slice %arg6[%dma_wait3A_254] : memref<100000xf32, #tpu.memory_space<hbm>> -> memref<100000xf32, #tpu.memory_space<hbm>>
    tpu.wait_indirect_dma semaphore(%arg24 : memref<!tpu.dma_semaphore, #tpu.memory_space<semaphore_mem>>) src(%dma_wait3A_255 : memref<100000xf32, #tpu.memory_space<hbm>>) dst(%dma_wait3A_250 : memref<128xf32, #tpu.memory_space<vmem>>)
    %dma_wait3A_256 = arith.constant 1 : i32
    %dma_wait3A_257 = arith.constant 1 : i32
    %dma_wait3A_258 = arith.constant 0 : i32
    %dma_wait3A_259 = tpu.memref_slice %arg18[%dma_wait3A_257, %dma_wait3A_258] : memref<4x128xf32, #tpu.memory_space<vmem>> -> memref<1x128xf32, #tpu.memory_space<vmem>>
    %dma_wait3A_260 = tpu.memref_squeeze %dma_wait3A_259 : memref<1x128xf32, #tpu.memory_space<vmem>> -> memref<128xf32, #tpu.memory_space<vmem>>
    %dma_wait3A_261 = arith.constant 0 : i32
    %dma_wait3A_262 = tpu.memref_slice %arg12[%dma_wait3A_256, %dma_wait3A_261] : memref<4x128xi32, #tpu.memory_space<vmem>> -> memref<1x128xi32, #tpu.memory_space<vmem>>
    %dma_wait3A_263 = tpu.memref_squeeze %dma_wait3A_262 : memref<1x128xi32, #tpu.memory_space<vmem>> -> memref<128xi32, #tpu.memory_space<vmem>>
    %dma_wait3A_264 = arith.constant 0 : i32
    %dma_wait3A_265 = tpu.memref_slice %arg7[%dma_wait3A_264] : memref<100000xf32, #tpu.memory_space<hbm>> -> memref<100000xf32, #tpu.memory_space<hbm>>
    tpu.wait_indirect_dma semaphore(%arg24 : memref<!tpu.dma_semaphore, #tpu.memory_space<semaphore_mem>>) src(%dma_wait3A_265 : memref<100000xf32, #tpu.memory_space<hbm>>) dst(%dma_wait3A_260 : memref<128xf32, #tpu.memory_space<vmem>>)
    %dma_wait3A_266 = arith.constant 2 : i32
    %dma_wait3A_267 = arith.constant 2 : i32
    %dma_wait3A_268 = arith.constant 0 : i32
    %dma_wait3A_269 = tpu.memref_slice %arg17[%dma_wait3A_267, %dma_wait3A_268] : memref<4x128xf32, #tpu.memory_space<vmem>> -> memref<1x128xf32, #tpu.memory_space<vmem>>
    %dma_wait3A_270 = tpu.memref_squeeze %dma_wait3A_269 : memref<1x128xf32, #tpu.memory_space<vmem>> -> memref<128xf32, #tpu.memory_space<vmem>>
    %dma_wait3A_271 = arith.constant 0 : i32
    %dma_wait3A_272 = tpu.memref_slice %arg11[%dma_wait3A_266, %dma_wait3A_271] : memref<4x128xi32, #tpu.memory_space<vmem>> -> memref<1x128xi32, #tpu.memory_space<vmem>>
    %dma_wait3A_273 = tpu.memref_squeeze %dma_wait3A_272 : memref<1x128xi32, #tpu.memory_space<vmem>> -> memref<128xi32, #tpu.memory_space<vmem>>
    %dma_wait3A_274 = arith.constant 0 : i32
    %dma_wait3A_275 = tpu.memref_slice %arg6[%dma_wait3A_274] : memref<100000xf32, #tpu.memory_space<hbm>> -> memref<100000xf32, #tpu.memory_space<hbm>>
    tpu.wait_indirect_dma semaphore(%arg24 : memref<!tpu.dma_semaphore, #tpu.memory_space<semaphore_mem>>) src(%dma_wait3A_275 : memref<100000xf32, #tpu.memory_space<hbm>>) dst(%dma_wait3A_270 : memref<128xf32, #tpu.memory_space<vmem>>)
    %dma_wait3A_276 = arith.constant 2 : i32
    %dma_wait3A_277 = arith.constant 2 : i32
    %dma_wait3A_278 = arith.constant 0 : i32
    %dma_wait3A_279 = tpu.memref_slice %arg18[%dma_wait3A_277, %dma_wait3A_278] : memref<4x128xf32, #tpu.memory_space<vmem>> -> memref<1x128xf32, #tpu.memory_space<vmem>>
    %dma_wait3A_280 = tpu.memref_squeeze %dma_wait3A_279 : memref<1x128xf32, #tpu.memory_space<vmem>> -> memref<128xf32, #tpu.memory_space<vmem>>
    %dma_wait3A_281 = arith.constant 0 : i32
    %dma_wait3A_282 = tpu.memref_slice %arg12[%dma_wait3A_276, %dma_wait3A_281] : memref<4x128xi32, #tpu.memory_space<vmem>> -> memref<1x128xi32, #tpu.memory_space<vmem>>
    %dma_wait3A_283 = tpu.memref_squeeze %dma_wait3A_282 : memref<1x128xi32, #tpu.memory_space<vmem>> -> memref<128xi32, #tpu.memory_space<vmem>>
    %dma_wait3A_284 = arith.constant 0 : i32
    %dma_wait3A_285 = tpu.memref_slice %arg7[%dma_wait3A_284] : memref<100000xf32, #tpu.memory_space<hbm>> -> memref<100000xf32, #tpu.memory_space<hbm>>
    tpu.wait_indirect_dma semaphore(%arg24 : memref<!tpu.dma_semaphore, #tpu.memory_space<semaphore_mem>>) src(%dma_wait3A_285 : memref<100000xf32, #tpu.memory_space<hbm>>) dst(%dma_wait3A_280 : memref<128xf32, #tpu.memory_space<vmem>>)
    %dma_wait3A_286 = arith.constant 3 : i32
    %dma_wait3A_287 = arith.constant 3 : i32
    %dma_wait3A_288 = arith.constant 0 : i32
    %dma_wait3A_289 = tpu.memref_slice %arg17[%dma_wait3A_287, %dma_wait3A_288] : memref<4x128xf32, #tpu.memory_space<vmem>> -> memref<1x128xf32, #tpu.memory_space<vmem>>
    %dma_wait3A_290 = tpu.memref_squeeze %dma_wait3A_289 : memref<1x128xf32, #tpu.memory_space<vmem>> -> memref<128xf32, #tpu.memory_space<vmem>>
    %dma_wait3A_291 = arith.constant 0 : i32
    %dma_wait3A_292 = tpu.memref_slice %arg11[%dma_wait3A_286, %dma_wait3A_291] : memref<4x128xi32, #tpu.memory_space<vmem>> -> memref<1x128xi32, #tpu.memory_space<vmem>>
    %dma_wait3A_293 = tpu.memref_squeeze %dma_wait3A_292 : memref<1x128xi32, #tpu.memory_space<vmem>> -> memref<128xi32, #tpu.memory_space<vmem>>
    %dma_wait3A_294 = arith.constant 0 : i32
    %dma_wait3A_295 = tpu.memref_slice %arg6[%dma_wait3A_294] : memref<100000xf32, #tpu.memory_space<hbm>> -> memref<100000xf32, #tpu.memory_space<hbm>>
    tpu.wait_indirect_dma semaphore(%arg24 : memref<!tpu.dma_semaphore, #tpu.memory_space<semaphore_mem>>) src(%dma_wait3A_295 : memref<100000xf32, #tpu.memory_space<hbm>>) dst(%dma_wait3A_290 : memref<128xf32, #tpu.memory_space<vmem>>)
    %dma_wait3A_296 = arith.constant 3 : i32
    %dma_wait3A_297 = arith.constant 3 : i32
    %dma_wait3A_298 = arith.constant 0 : i32
    %dma_wait3A_299 = tpu.memref_slice %arg18[%dma_wait3A_297, %dma_wait3A_298] : memref<4x128xf32, #tpu.memory_space<vmem>> -> memref<1x128xf32, #tpu.memory_space<vmem>>
    %dma_wait3A_300 = tpu.memref_squeeze %dma_wait3A_299 : memref<1x128xf32, #tpu.memory_space<vmem>> -> memref<128xf32, #tpu.memory_space<vmem>>
    %dma_wait3A_301 = arith.constant 0 : i32
    %dma_wait3A_302 = tpu.memref_slice %arg12[%dma_wait3A_296, %dma_wait3A_301] : memref<4x128xi32, #tpu.memory_space<vmem>> -> memref<1x128xi32, #tpu.memory_space<vmem>>
    %dma_wait3A_303 = tpu.memref_squeeze %dma_wait3A_302 : memref<1x128xi32, #tpu.memory_space<vmem>> -> memref<128xi32, #tpu.memory_space<vmem>>
    %dma_wait3A_304 = arith.constant 0 : i32
    %dma_wait3A_305 = tpu.memref_slice %arg7[%dma_wait3A_304] : memref<100000xf32, #tpu.memory_space<hbm>> -> memref<100000xf32, #tpu.memory_space<hbm>>
    tpu.wait_indirect_dma semaphore(%arg24 : memref<!tpu.dma_semaphore, #tpu.memory_space<semaphore_mem>>) src(%dma_wait3A_305 : memref<100000xf32, #tpu.memory_space<hbm>>) dst(%dma_wait3A_300 : memref<128xf32, #tpu.memory_space<vmem>>)
    "tpu.region"() ({
      %run_scoped3A = tpu.sem_alloc : memref<!tpu.dma_semaphore, #tpu.memory_space<semaphore_mem>>
      %dma_start3A_306 = arith.constant 0 : i32
      %dma_start3A_307 = tpu.memref_slice %arg8[%add3A, %dma_start3A_306] : memref<32x128xf32, #tpu.memory_space<hbm>> -> memref<1x128xf32, #tpu.memory_space<hbm>>
      %dma_start3A_308 = tpu.memref_squeeze %dma_start3A_307 : memref<1x128xf32, #tpu.memory_space<hbm>> -> memref<128xf32, #tpu.memory_space<hbm>>
      %dma_start3A_309 = arith.constant 0 : i32
      %dma_start3A_310 = tpu.memref_slice %arg8[%add3A, %dma_start3A_309] : memref<32x128xf32, #tpu.memory_space<hbm>> -> memref<1x128xf32, #tpu.memory_space<hbm>>
      %dma_start3A_311 = tpu.memref_squeeze %dma_start3A_310 : memref<1x128xf32, #tpu.memory_space<hbm>> -> memref<128xf32, #tpu.memory_space<hbm>>
      tpu.enqueue_dma source(%arg19 : memref<128xf32, #tpu.memory_space<vmem>>) target(%dma_start3A_311 : memref<128xf32, #tpu.memory_space<hbm>>) target_semaphore(%run_scoped3A : memref<!tpu.dma_semaphore, #tpu.memory_space<semaphore_mem>>)
      %dma_wait3A_312 = arith.constant 0 : i32
      %dma_wait3A_313 = tpu.memref_slice %arg8[%add3A, %dma_wait3A_312] : memref<32x128xf32, #tpu.memory_space<hbm>> -> memref<1x128xf32, #tpu.memory_space<hbm>>
      %dma_wait3A_314 = tpu.memref_squeeze %dma_wait3A_313 : memref<1x128xf32, #tpu.memory_space<hbm>> -> memref<128xf32, #tpu.memory_space<hbm>>
      %dma_wait3A_315 = arith.constant 0 : i32
      %dma_wait3A_316 = tpu.memref_slice %arg8[%add3A, %dma_wait3A_315] : memref<32x128xf32, #tpu.memory_space<hbm>> -> memref<1x128xf32, #tpu.memory_space<hbm>>
      %dma_wait3A_317 = tpu.memref_squeeze %dma_wait3A_316 : memref<1x128xf32, #tpu.memory_space<hbm>> -> memref<128xf32, #tpu.memory_space<hbm>>
      tpu.wait_dma2 semaphore(%run_scoped3A : memref<!tpu.dma_semaphore, #tpu.memory_space<semaphore_mem>>) src(%arg19 : memref<128xf32, #tpu.memory_space<vmem>>) dst(%dma_wait3A_317 : memref<128xf32, #tpu.memory_space<hbm>>)
      tpu.yield
    }) : () -> ()
    "tpu.region"() ({
      %run_scoped3A = tpu.sem_alloc : memref<!tpu.dma_semaphore, #tpu.memory_space<semaphore_mem>>
      %dma_start3A_306 = arith.constant 0 : i32
      %dma_start3A_307 = tpu.memref_slice %arg9[%mul3A_2, %dma_start3A_306] : memref<128x128xf32, #tpu.memory_space<hbm>> -> memref<4x128xf32, #tpu.memory_space<hbm>>
      %dma_start3A_308 = arith.constant 0 : i32
      %dma_start3A_309 = tpu.memref_slice %arg9[%mul3A_2, %dma_start3A_308] : memref<128x128xf32, #tpu.memory_space<hbm>> -> memref<4x128xf32, #tpu.memory_space<hbm>>
      tpu.enqueue_dma source(%arg17 : memref<4x128xf32, #tpu.memory_space<vmem>>) target(%dma_start3A_309 : memref<4x128xf32, #tpu.memory_space<hbm>>) target_semaphore(%run_scoped3A : memref<!tpu.dma_semaphore, #tpu.memory_space<semaphore_mem>>)
      %dma_wait3A_310 = arith.constant 0 : i32
      %dma_wait3A_311 = tpu.memref_slice %arg9[%mul3A_2, %dma_wait3A_310] : memref<128x128xf32, #tpu.memory_space<hbm>> -> memref<4x128xf32, #tpu.memory_space<hbm>>
      %dma_wait3A_312 = arith.constant 0 : i32
      %dma_wait3A_313 = tpu.memref_slice %arg9[%mul3A_2, %dma_wait3A_312] : memref<128x128xf32, #tpu.memory_space<hbm>> -> memref<4x128xf32, #tpu.memory_space<hbm>>
      tpu.wait_dma2 semaphore(%run_scoped3A : memref<!tpu.dma_semaphore, #tpu.memory_space<semaphore_mem>>) src(%arg17 : memref<4x128xf32, #tpu.memory_space<vmem>>) dst(%dma_wait3A_313 : memref<4x128xf32, #tpu.memory_space<hbm>>)
      tpu.yield
    }) : () -> ()
    "tpu.region"() ({
      %run_scoped3A = tpu.sem_alloc : memref<!tpu.dma_semaphore, #tpu.memory_space<semaphore_mem>>
      %dma_start3A_306 = arith.constant 0 : i32
      %dma_start3A_307 = tpu.memref_slice %arg10[%mul3A_2, %dma_start3A_306] : memref<128x128xf32, #tpu.memory_space<hbm>> -> memref<4x128xf32, #tpu.memory_space<hbm>>
      %dma_start3A_308 = arith.constant 0 : i32
      %dma_start3A_309 = tpu.memref_slice %arg10[%mul3A_2, %dma_start3A_308] : memref<128x128xf32, #tpu.memory_space<hbm>> -> memref<4x128xf32, #tpu.memory_space<hbm>>
      tpu.enqueue_dma source(%arg18 : memref<4x128xf32, #tpu.memory_space<vmem>>) target(%dma_start3A_309 : memref<4x128xf32, #tpu.memory_space<hbm>>) target_semaphore(%run_scoped3A : memref<!tpu.dma_semaphore, #tpu.memory_space<semaphore_mem>>)
      %dma_wait3A_310 = arith.constant 0 : i32
      %dma_wait3A_311 = tpu.memref_slice %arg10[%mul3A_2, %dma_wait3A_310] : memref<128x128xf32, #tpu.memory_space<hbm>> -> memref<4x128xf32, #tpu.memory_space<hbm>>
      %dma_wait3A_312 = arith.constant 0 : i32
      %dma_wait3A_313 = tpu.memref_slice %arg10[%mul3A_2, %dma_wait3A_312] : memref<128x128xf32, #tpu.memory_space<hbm>> -> memref<4x128xf32, #tpu.memory_space<hbm>>
      tpu.wait_dma2 semaphore(%run_scoped3A : memref<!tpu.dma_semaphore, #tpu.memory_space<semaphore_mem>>) src(%arg18 : memref<4x128xf32, #tpu.memory_space<vmem>>) dst(%dma_wait3A_313 : memref<4x128xf32, #tpu.memory_space<hbm>>)
      tpu.yield
    }) : () -> ()
    return
  }
}

module attributes {stable_mosaic.version = 14 : i64} {
  func.func @_tc_body(%arg0: memref<32x128xf32, #tpu.memory_space<vmem>>, %arg1: memref<128x128xf32, #tpu.memory_space<vmem>>, %arg2: memref<128x128xf32, #tpu.memory_space<vmem>>, %arg3: memref<128x128xf32, #tpu.memory_space<vmem>>) attributes {dimension_semantics = [], scalar_prefetch = 0 : i64, scratch_operands = 0 : i64, tpu.core_type = #tpu.core_type<tc>} {
    %get3A = arith.constant 0 : index
    %get3A_0 = arith.constant 0 : index
    %get3A_1 = vector.load %arg0[%get3A, %get3A_0] : memref<32x128xf32, #tpu.memory_space<vmem>>, vector<32x128xf32>
    %reduce_sum3A = vector.shape_cast %get3A_1 : vector<32x128xf32> to vector<1x32x128xf32>
    %reduce_sum3A_2 = arith.constant dense<0.000000e+00> : vector<1xf32>
    %reduce_sum3A_3 = vector.multi_reduction <add>, %reduce_sum3A, %reduce_sum3A_2 [1, 2] : vector<1x32x128xf32> to vector<1xf32>
    %reduce_sum3A_4 = vector.shape_cast %reduce_sum3A_3 : vector<1xf32> to vector<1x1x1xf32>
    %reduce_sum3A_5 = vector.extract %reduce_sum3A_4[0, 0, 0] : f32 from vector<1x1x1xf32>
    %get3A_6 = arith.constant 0 : index
    %get3A_7 = arith.constant 0 : index
    %get3A_8 = vector.load %arg1[%get3A_6, %get3A_7] : memref<128x128xf32, #tpu.memory_space<vmem>>, vector<128x128xf32>
    %get3A_9 = arith.constant 0 : index
    %get3A_10 = arith.constant 0 : index
    %get3A_11 = vector.load %arg2[%get3A_9, %get3A_10] : memref<128x128xf32, #tpu.memory_space<vmem>>, vector<128x128xf32>
    %add3A = arith.addf %get3A_8, %get3A_11 : vector<128x128xf32>
    %add3A_12 = vector.broadcast %reduce_sum3A_5 : f32 to vector<128x128xf32>
    %add3A_13 = arith.addf %add3A, %add3A_12 : vector<128x128xf32>
    %logistic3A = arith.negf %add3A_13 : vector<128x128xf32>
    %logistic3A_14 = math.exp %logistic3A : vector<128x128xf32>
    %logistic3A_15 = arith.constant 1.000000e+00 : f32
    %logistic3A_16 = vector.broadcast %logistic3A_15 : f32 to vector<128x128xf32>
    %logistic3A_17 = arith.addf %logistic3A_16, %logistic3A_14 : vector<128x128xf32>
    %logistic3A_18 = arith.divf %logistic3A_16, %logistic3A_17 : vector<128x128xf32>
    %swap3A = arith.constant 0 : index
    %swap3A_19 = arith.constant 0 : index
    %swap3A_20 = vector.load %arg3[%swap3A, %swap3A_19] : memref<128x128xf32, #tpu.memory_space<vmem>>, vector<128x128xf32>
    tpu.vector_store %arg3[%swap3A, %swap3A_19], %logistic3A_18 {strides = array<i32>} : memref<128x128xf32, #tpu.memory_space<vmem>>, vector<128x128xf32>,
    return
  }
}

</mosaic_0001>

<sc_bundles>
// kernel: kernel.4.cloned.1.call-start
scs
__scs_entry_jumppad:
0x0: {  	(pc) =	sbr.rel $0x88, $3  }
0x1: {  	(tag) =	ssettag $0x0;
	lr =	simm.s32 $0x1  }
0x2: {  	[smem:$0x3F9C] =	sst lr;
	_ =	strace $0xD0000000  }
0x3: {  	_ = 	snop  }
0x4: {  	_ = 	snop  }
0x5: {  	_ = 	snop  }
0x6: {  	_ = 	snop  }
0x7: {  	_ = 	snop  }
__scs_overlays_trampoline_lowered:
0x8: {  	[smem:$0x3FAB] =	sst s0  }
0x9: {  	[smem:$0x3FAC] =	sst s1  }
0xa: {  	[smem:$0x3FAD] =	sst s2  }
0xb: {  	[smem:$0x3FAE] =	sst s3  }
0xc: {  	[smem:$0x3FAF] =	sst s4  }
0xd: {  	[smem:$0x3FB0] =	sst s5  }
0xe: {  	[smem:$0x3FB1] =	sst s6  }
0xf: {  	[smem:$0x3FB2] =	sst s7  }
0x10: {  	[smem:$0x3FB3] =	sst s8  }
0x11: {  	[smem:$0x3FB4] =	sst s9;
	s0 =	simm.s32 @!p0 $0x0  }
0x12: {  	s1 =	sld [smem:$0x3F9A];
	s0 =	simm.s32 @p0 $0x1  }
0x13: {  	[smem:$0x3FB5] =	sst s0;
	s0 =	simm.s32 @!p1 $0x0  }
0x14: {  	s2 =	sld [smem:$0x3F99];
	s0 =	simm.s32 @p1 $0x1  }
0x15: {  	[smem:$0x3FB6] =	sst s0;
	s0 =	simm.s32 @!p2 $0x0  }
0x16: {  	s3 =	sld [smem:$0x3FDB];
	s0 =	simm.s32 @p2 $0x1  }
0x17: {  	s4 =	simm.s32 $0x1BF5;
	[smem:$0x3FB8] =	sst s0  }
0x18: {  	s0 =	sld [smem:$0x3F9B];
	_ =	swait.ge [sflag:s4], $0x0  }
0x19: {  	s7 =	sld [smem:$0x3F9C]  }
0x1a: {  	s8 =	sadd.s32 $0xFFFFE003, lr  }
0x1b: {  	s9 =	sadd.s32 $0xFFFFFEF7, lr;
	s5 =	simm.s32 $0xFFFFFFFF;
	p2 =	slt.u32 s8, $0xFFFFF086  }
0x1c: {  	p1 =	slt.u32 s9, $0xF7A;
	s5 =	simm.s32 @!p2 $0x0  }
0x1d: {  	s5 =	simm.s32 @p1 $0x1;
	p0 =	seq.s32 s7, s2  }
0x1e: {  	s7 =	smul.u32 @!p0 $0xF7A, s2;
	p2 =	seq.s32 @!p0 s5, $0x0  }
0x1f: {  	s9 =	smul.u32 $0xF7A, s1;
	s8 =	simm.s32 @!p0 $0x1BF5;
	p2 =	por !p2, p0  }
0x20: {  	[sflag:s8] =	ssyncset.s32 @!p0 $0xFFFFF086;
	s6 =	sadd.s32 @!p0 s3, s7;
	s7 =	simm.s32 @!p0 $0x108  }
0x21: {  	s3 =	sadd.s32 s3, s9;
	s6 =	sadd.s32 @!p0 $0x88, s6;
	s7 =	simm.s32 @p2 $0x1082  }
0x22: {  	[simem:s7], [sflag:s8] =	dma.local @!p0 [hbm:s6], $0xF7A  }
0x23: {  	s9 =	sor.u32 $0xD0000000, s2;
	s6 =	simm.s32 $0x108;
	_ =	swait.ge @!p0 [sflag:s8], $0x0  }
0x24: {  	s3 =	sadd.s32 $0x88, s3;
	s6 =	simm.s32 @!p1 $0x1082;
	[sflag:s4] =	ssyncset.s32 $0xFFFFF086  }
0x25: {  	[simem:s6], [sflag:s4] =	dma.local [hbm:s3], $0xF7A  }
0x26: {  	[smem:$0x3F9C] =	sst s1;
	(tag) =	ssettag s2;
	_ =	strace s9  }
0x27: {  	s1 =	sld [smem:$0x3FAC]  }
0x28: {  	s2 =	sld [smem:$0x3FAD]  }
0x29: {  	s4 =	sld [smem:$0x3FAF]  }
0x2a: {  	p0 =	seq.s32 s5, $0x0;
	s5 =	sld [smem:$0x3FB0]  }
0x2b: {  	s6 =	sld [smem:$0x3FB1]  }
0x2c: {  	s7 =	sld [smem:$0x3FB2]  }
0x2d: {  	s3 =	simm.s32 $0x108;
	s8 =	sld [smem:$0x3FB3]  }
0x2e: {  	s3 =	simm.s32 @!p0 $0x1082;
	s9 =	sld [smem:$0x3FB4]  }
0x2f: {  	lr =	sadd.s32 s0, s3;
	s0 =	sld [smem:$0x3FAB]  }
0x30: {  	s3 =	sld [smem:$0x3FAE]  }
0x31: {  	[smem:$0x3FB7] =	sst s10  }
0x32: {  	s10 =	sld [smem:$0x3FB5];
	_ =	sdelay $0x3  }
0x33: {  	p0 =	seq.s32 s10, $0x1;
	s10 =	sld [smem:$0x3FB7];
	_ =	sdelay $0x3  }
0x34: {  	[smem:$0x3FB7] =	sst s10  }
0x35: {  	s10 =	sld [smem:$0x3FB6];
	_ =	sdelay $0x3  }
0x36: {  	p1 =	seq.s32 s10, $0x1;
	s10 =	sld [smem:$0x3FB7];
	_ =	sdelay $0x3  }
0x37: {  	[smem:$0x3FB7] =	sst s10  }
0x38: {  	s10 =	sld [smem:$0x3FB8]  }
0x39: {  	_ = 	snop;
	(pc) =	sbr.ind lr, $3  }
0x3a: {  	_ = 	snop  }
0x3b: {  	_ = 	snop  }
0x3c: {  	p2 =	seq.s32 s10, $0x1;
	s10 =	sld [smem:$0x3FB7]  }
0x3d: {  	_ =	shalt  }
0x3e: {  	_ =	shalt  }
0x3f: {  	_ =	shalt  }
0x40: {  	_ =	shalt  }
0x41: {  	_ =	shalt  }
0x42: {  	_ =	shalt  }
0x43: {  	_ =	shalt  }
0x44: {  	_ =	shalt  }
0x45: {  	_ =	shalt  }
0x46: {  	_ =	shalt  }
0x47: {  	_ =	shalt  }
0x48: {  	_ =	shalt  }
0x49: {  	_ =	shalt  }
0x4a: {  	_ =	shalt  }
0x4b: {  	_ =	shalt  }
0x4c: {  	_ =	shalt  }
0x4d: {  	_ =	shalt  }
0x4e: {  	_ =	shalt  }
0x4f: {  	_ =	shalt  }
0x50: {  	_ =	shalt  }
0x51: {  	_ =	shalt  }
0x52: {  	_ =	shalt  }
0x53: {  	_ =	shalt  }
0x54: {  	_ =	shalt  }
0x55: {  	_ =	shalt  }
0x56: {  	_ =	shalt  }
0x57: {  	_ =	shalt  }
0x58: {  	_ =	shalt  }
0x59: {  	_ =	shalt  }
0x5a: {  	_ =	shalt  }
0x5b: {  	_ =	shalt  }
0x5c: {  	_ =	shalt  }
0x5d: {  	_ =	shalt  }
0x5e: {  	_ =	shalt  }
0x5f: {  	_ =	shalt  }
0x60: {  	_ =	shalt  }
0x61: {  	_ =	shalt  }
0x62: {  	_ =	shalt  }
0x63: {  	_ =	shalt  }
0x64: {  	_ =	shalt  }
0x65: {  	_ =	shalt  }
0x66: {  	_ =	shalt  }
0x67: {  	_ =	shalt  }
0x68: {  	_ =	shalt  }
0x69: {  	_ =	shalt  }
0x6a: {  	_ =	shalt  }
0x6b: {  	_ =	shalt  }
0x6c: {  	_ =	shalt  }
0x6d: {  	_ =	shalt  }
0x6e: {  	_ =	shalt  }
0x6f: {  	_ =	shalt  }
0x70: {  	_ =	shalt  }
0x71: {  	_ =	shalt  }
0x72: {  	_ =	shalt  }
0x73: {  	_ =	shalt  }
0x74: {  	_ =	shalt  }
0x75: {  	_ =	shalt  }
0x76: {  	_ =	shalt  }
0x77: {  	_ =	shalt  }
0x78: {  	_ =	shalt  }
0x79: {  	_ =	shalt  }
0x7a: {  	_ =	shalt  }
0x7b: {  	_ =	shalt  }
0x7c: {  	_ =	shalt  }
0x7d: {  	_ =	shalt  }
0x7e: {  	_ =	shalt  }
0x7f: {  	_ =	shalt  }
0x80: {  	_ =	shalt  }
0x81: {  	_ =	shalt  }
0x82: {  	_ =	shalt  }
0x83: {  	_ =	shalt  }
0x84: {  	_ =	shalt  }
0x85: {  	_ =	shalt  }
0x86: {  	_ =	shalt  }
0x87: {  	_ =	shalt  }
.Lfunc_end0:
.L_simem_size_0:
called_computation_lowered:
.L_overlay_start_0:
0x88: {  	s2 =	sld [smem:$0x3FD9]  }
0x89: {  	s3 =	sld [smem:$0x3FFE];
	_ =	sdelay $0x1  }
0x8a: {  	s1 =	srdreg.scid  }
0x8b: {  	s0 =	sand.u32 $0x1, s1  }
0x8c: {  	s17 =	sshll.u32 s0, $0xA;
	s2 =	sadd.s32 s3, s2  }
0x8d: {  	s2 =	sadd.s32 s2, s17  }
0x8e: {  	[smem:$0x3FC3] =	sst s2  }
0x8f: {  	_ = 	snop  }
0x90: {  	s2 =	sld [smem:$0x3FD0];
	(tm) =	ssettm $0x1  }
0x91: {  	s18 =	sld [smem:$0x3FFB];
	_ =	sdelay $0x3  }
0x92: {  	_ =	strace s18  }
0x93: {  	s3 =	sld [smem:$0x3FFC];
	_ =	sdelay $0x3  }
0x94: {  	_ =	strace s3  }
0x95: {  	s3 =	sld [smem:$0x3FFD];
	_ =	sdelay $0x3  }
0x96: {  	_ =	strace s3  }
0x97: {  	_ =	strace $0x8FFFFFFF  }
0x98: {  	s19 =	sld [smem:$0x3FDB];
	_ =	sdelay $0x1  }
0x99: {  	s4 =	simm.s32 $_scs_section_size  }
0x9a: {  	s5 =	simm.s32 $_size__tile_overlayer_lowered;
	s6 =	simm.s32 $_tile_overlayer_lowered  }
0x9b: {  	s22 =	simm.s32 $0x1BFF;
	s21 =	sshll.u32 s6, $0x1;
	s3 =	sadd.s32 s4, s19  }
0x9c: {  	s7 =	simm.s32 $0x0;
	s20 =	sshll.u32 s5, $0x1;
	s5 =	sadd.s32 s21, s3  }
0x9d: {  	[timem:s7], [sflag:s22] =	dma.local [hbm:s5], s20  }
0x9e: {  	_ =	swait.ge [sflag:s22], s20  }
0x9f: {  	s4 =	ssub.s32 $0x0, s20;
	[sflag:s22] =	ssyncset.done $0x0  }
0xa0: {  	[sflag:s22] =	ssyncadd.s32 s4;
	_ =	sdelay $0x1  }
0xa1: {  	s23 =	simm.s32 $0x1B8B  }
0xa2: {  	_ =	swait.ge [sflag:s23], $0x1  }
0xa3: {  	[sflag:s23] =	ssyncset.done $0x0  }
0xa4: {  	s25 =	simm.s32 $0x1B8E;
	s24 =	sld [smem:$0x3FFE];
	[sflag:s23] =	ssyncadd.s32 $0xFFFFFFFF  }
0xa5: {  	s26 =	simm.s32 $execute0_lowered;
	[smem:$0x3FD2] =	sst s25  }
0xa6: {  	s5 =	sshll.u32 s26, $0x1;
	_ =	strace $0x80000046;
	[dreg:$0x1] =	wrdreg $0xFFFFFFFF  }
0xa7: {  	s28 =	simm.s32 $_size_execute0_lowered;
	s3 =	sadd.s32 s3, s5;
	[dreg:$0x0] =	wrdreg $0x0  }
0xa8: {  	s5 =	sshll.u32 s28, $0x1;
	[dreg:$0x2] =	wrdreg s3  }
0xa9: {  	[dreg:$0x3] =	wrdreg s5  }
0xaa: {  	[dreg:$0x4] =	wrdreg $0xC0  }
0xab: {  	_ =	task [dreg:s7], $0x5FFFF  }
0xac: {  	[dreg:$0x1] =	wrdreg $0xFFFFFFFF  }
0xad: {  	[dreg:$0x0] =	wrdreg $0x60  }
0xae: {  	[dreg:$0x2] =	wrdreg s24  }
0xaf: {  	[dreg:$0x3] =	wrdreg s2  }
0xb0: {  	[dreg:$0x4] =	wrdreg $0x9  }
0xb1: {  	_ =	task.clear_ibuf [dreg:s7], $0x5FFFF;
	_ =	strace $0x90000046  }
0xb2: {  	s29 =	simm.s32 $0x9;
	_ =	strace $0x80000048  }
0xb3: {  	_ =	swait.ge [sflag:s29], $0x1  }
0xb4: {  	[sflag:s29] =	ssyncadd.s32 $0xFFFFFFFF  }
0xb5: {  	_ =	strace $0x90000048  }
0xb6: {  	_ =	sfence  }
0xb7: {  	s30 =	sld [smem:$0x0];
	_ =	sdelay $0x2  }
0xb8: {  	s31 =	sshll.u32 s1, $0xD;
	s1 =	sshrl.u32 s1, $0x2  }
0xb9: {  	s3 =	sand.u32 $0x4000, s31;
	s1 =	sadd.s32 s1, s30  }
0xba: {  	s0 =	sor.u32 s3, s0;
	s1 =	sshll.u32 s1, $0x11  }
0xbb: {  	s0 =	sor.u32 s1, s0  }
0xbc: {  	s0 =	sadd.s32 $0x8F2B, s0  }
0xbd: {  	[sflag:s0] =	ssyncadd.remote.s32 $0x1  }
0xbe: {  	_ =	sfence.sel $0xFFFF  }
0xbf: {  	[dreg:$0x0] =	wrdreg $0xFFFFFFFF;
	(pc) =	sbr.abs _section_cstart, $3  }
0xc0: {  	[dreg:$0x1] =	wrdreg $0xFFFFFFFF  }
0xc1: {  	_ =	task.clear_ibuf [dreg:s7], $0x2FFFF;
	_ =	strace $0x9FFFFFFF  }
0xc2: {  	(tm) =	ssettm $0x7FFFFFFF  }
0xc3: {  	_ =	shalt  }
tec
execute0_lowered:
.L_overlay_start_1:
0x0: {  	(tag) =	ssettag $0x1  }
0x1: {  	s0 =	rddreg [dreg:$0x0]  }
0x2: {  	s1 =	rddreg [dreg:$0x1]  }
0x3: {  	s13 =	simm.s32 $0x0;
	s24 =	srdreg.scid;
	s8 =	stileid.u32  }
0x4: {  	[smem:$0x7FF] =	sst s13;
	s2 =	sadd.s32 $0x8E00, s0;
	s3 =	sadd.s32 $0x18F800, s0  }
0x5: {  	s4 =	sadd.s32 $0x2A00, s0;
	s5 =	sadd.s32 $0x5C00, s0;
	s6 =	sshll.u32 s8, $0x7  }
0x6: {  	_ =	strace $0x80000047;
	[smem:$0x7F6] =	sst s4;
	s4 =	sand.u32 $0x1, s24  }
0x7: {  	s8 =	sshll.u32 s8, $0x5;
	[smem:$0x7F7] =	sst s5;
	s7 =	sshll.u32 s4, $0x6  }
0x8: {  	s25 =	sshll.u32 s4, $0x4;
	s4 =	ssub.s32 $0x2, s4;
	s6 =	sor.u32 s7, s6  }
0x9: {  	s5 =	sadd.s32 s25, s0;
	s0 =	sadd.s32 s6, s0;
	s1 =	sadd.s32 s1, s6  }
0xa: {  	s5 =	sadd.s32 s8, s5;
	s28 =	sadd.s32 $0x2200, s0;
	[smem:$0x7F9] =	sst s1  }
0xb: {  	s26 =	sshrl.u32 s4, $0x1;
	s29 =	sadd.s32 $0x317200, s5;
	[smem:$0x7F8] =	sst s28  }
0xc: {  	s7 =	simm.s32 $0x10600;
	s30 =	sadd.s32 $0x316200, s0;
	[smem:$0x7FA] =	sst s29  }
0xd: {  	s4 =	ssub.s32 s4, s26;
	s0 =	sadd.s32 $0x316A00, s0;
	[smem:$0x7FB] =	sst s30  }
0xe: {  	s6 =	simm.s32 $0x10400;
	s31 =	smax.u32 s4, $0x1;
	[smem:$0x7FC] =	sst s0  }
0xf: {  	v0 =	vimm.f32 $0.0e+00;
	s4 =	simm.s32 $0x6;
	s1 =	simm.s32 $0x0;
	[smem:$0x7FD] =	sst s31  }
.LBB2_1:
0x10: {  	s0 =	sld [smem:$0x7F8];
	_ =	sdelay $0x1  }
0x11: {  	[smem:$0x7F5] =	sst s1  }
0x12: {  	[tilespmem:s13], [sflag:$0x6] =	stream.linear.gather [hbm4b:s0+s13], $0x200, $0x38;
	[tilespmem:$0x10880] =	vst v63  }
0x13: {  	_ =	swait.ge [sflag:s4], $0x200  }
0x14: {  	s22 =	sld [smem:$0x7F9]  }
0x15: {  	[sflag:s4] =	ssyncset.done $0x0  }
0x16: {  	s21 =	simm.s32 $0x200;
	[sflag:s4] =	ssyncadd.s32 $0xFFFFFE00  }
0x17: {  	[tilespmem:s21], [sflag:$0x6] =	stream.linear.gather [hbm4b:s22+s13], $0x200, $0x38;
	[tilespmem:$0x10880] =	vst v63  }
0x18: {  	_ =	swait.ge [sflag:s4], $0x200  }
0x19: {  	s23 =	sld [smem:$0x7F6]  }
0x1a: {  	[sflag:s4] =	ssyncset.done $0x0  }
0x1b: {  	s5 =	simm.s32 $0x80;
	s24 =	sld [smem:$0x7F7];
	[sflag:s4] =	ssyncadd.s32 $0xFFFFFE00  }
0x1c: {  	[tilespmem:s6], [sflag:$0x5] =	stream.indirect.gather [hbm4b:s23+s5], $0x1, s13, s5, $0xb8;
	[tilespmem:$0x10880] =	vst v63  }
0x1d: {  	_ = 	snop  }
0x1e: {  	[tilespmem:s7], [sflag:$0x5] =	stream.indirect.gather [hbm4b:s24+s5], $0x1, s21, s5, $0xb8;
	[tilespmem:$0x10880] =	vst v63  }
0x1f: {  	s25 =	simm.s32 $0x10480  }
0x20: {  	[tilespmem:s25], [sflag:$0x5] =	stream.indirect.gather [hbm4b:s23+s5], $0x1, s5, s5, $0xb8;
	[tilespmem:$0x10880] =	vst v63  }
0x21: {  	s26 =	simm.s32 $0x280;
	s28 =	simm.s32 $0x10680  }
0x22: {  	[tilespmem:s28], [sflag:$0x5] =	stream.indirect.gather [hbm4b:s24+s5], $0x1, s26, s5, $0xb8;
	[tilespmem:$0x10880] =	vst v63  }
0x23: {  	s30 =	simm.s32 $0x100;
	s31 =	simm.s32 $0x10500  }
0x24: {  	[tilespmem:s31], [sflag:$0x5] =	stream.indirect.gather [hbm4b:s23+s5], $0x1, s30, s5, $0xb8;
	[tilespmem:$0x10880] =	vst v63  }
0x25: {  	s8 =	simm.s32 $0x300;
	s9 =	simm.s32 $0x10700  }
0x26: {  	[tilespmem:s9], [sflag:$0x5] =	stream.indirect.gather [hbm4b:s24+s5], $0x1, s8, s5, $0xb8;
	[tilespmem:$0x10880] =	vst v63  }
0x27: {  	s10 =	simm.s32 $0x180;
	s11 =	simm.s32 $0x10580  }
0x28: {  	[tilespmem:s11], [sflag:$0x5] =	stream.indirect.gather [hbm4b:s23+s5], $0x1, s10, s5, $0xb8;
	[tilespmem:$0x10880] =	vst v63  }
0x29: {  	s12 =	simm.s32 $0x380;
	s14 =	simm.s32 $0x10780  }
0x2a: {  	[tilespmem:s14], [sflag:$0x5] =	stream.indirect.gather [hbm4b:s24+s5], $0x1, s12, s5, $0xb8;
	[tilespmem:$0x10880] =	vst v63  }
0x2b: {  	v1 =	vld [tilespmem:s13+$0x0]  }
0x2c: {  	v3 =	vld [tilespmem:s21+$0x0];
	_ =	sdelay $0x3  }
0x2d: {  	v2 =	vshll.u32 v1, $0x4  }
0x2e: {  	v1 =	vshll.u32 v3, $0x4;
	(v2sf) =	vpush v2, $0x0  }
0x2f: {  	(v2sf) =	vpush v1, $0x0  }
0x30: {  	(v2sf) =	vpush v2, $0x1;
	_ =	sdelay $0x1  }
0x31: {  	(v2sf) =	vpush v1, $0x1  }
0x32: {  	(v2sf) =	vpush v2, $0x2;
	_ =	sdelay $0x3  }
0x33: {  	(v2sf) =	vpush v1, $0x2;
	_ =	sdelay $0x1  }
0x34: {  	s20 =	simm.s32 $0x2000;
	(v2sf) =	vpush v2, $0x3  }
0x35: {  	s19 =	simm.s32 $0x0;
	s15 =	simm.s32 $0x8400;
	s1 =	simm.s32 $0x680  }
0x36: {  	s16 =	simm.s32 $0x400;
	s29 =	simm.s32 $0x8B00;
	s0 =	simm.s32 $0x880  }
0x37: {  	s22 =	simm.s32 $0x480;
	s4 =	simm.s32 $0x8900;
	s6 =	simm.s32 $0x8580  }
0x38: {  	s25 =	simm.s32 $0x8480;
	s28 =	simm.s32 $0x500;
	s17 =	spop (v2sf);
	(v2sf) =	vpush v1, $0x3  }
0x39: {  	s8 =	simm.s32 $0x600;
	s7 =	sand.u32 $0x1FFFFFF0, s17;
	s10 =	spop (v2sf)  }
0x3a: {  	s7 =	sadd.s32 s2, s7;
	s18 =	sand.u32 $0x1FFFFFF0, s10;
	s21 =	spop (v2sf)  }
0x3b: {  	(v2sf) =	vpush v2, $0x4;
	[tilespmem:s16], [sflag:$0x1] =	stream.linear.gather [hbm4b:s7+s13], $0x80, $0x38;
	[tilespmem:$0x10880] =	vst v63  }
0x3c: {  	s12 =	simm.s32 $0x580;
	(v2sf) =	vpush v1, $0x4;
	s7 =	sadd.s32 s3, s18;
	s11 =	spop (v2sf)  }
0x3d: {  	s10 =	sand.u32 $0x1FFFFFF0, s21;
	s24 =	sand.u32 $0x1FFFFFF0, s11;
	s26 =	spop (v2sf)  }
0x3e: {  	(v2sf) =	vpush v2, $0x5;
	[tilespmem:s15], [sflag:$0x3] =	stream.linear.gather [hbm4b:s7+s13], $0x80, $0x38;
	[tilespmem:$0x10880] =	vst v63  }
0x3f: {  	s23 =	sadd.s32 s2, s10;
	(v2sf) =	vpush v1, $0x5;
	s10 =	sadd.s32 s3, s24;
	s7 =	sand.u32 $0x1FFFFFF0, s26  }
0x40: {  	[tilespmem:s22], [sflag:$0x1] =	stream.linear.gather [hbm4b:s23+s13], $0x80, $0x38;
	[tilespmem:$0x10880] =	vst v63  }
0x41: {  	(v2sf) =	vpush v2, $0x6;
	s30 =	spop (v2sf);
	s15 =	simm.s32 $0x8600;
	s24 =	simm.s32 $0x700  }
0x42: {  	[tilespmem:s25], [sflag:$0x3] =	stream.linear.gather [hbm4b:s10+s13], $0x80, $0x38;
	[tilespmem:$0x10880] =	vst v63  }
0x43: {  	s7 =	sadd.s32 s2, s7;
	s31 =	spop (v2sf);
	s10 =	sand.u32 $0x1FFFFFF0, s30  }
0x44: {  	[tilespmem:s28], [sflag:$0x1] =	stream.linear.gather [hbm4b:s7+s13], $0x80, $0x38;
	[tilespmem:$0x10880] =	vst v63  }
0x45: {  	(v2sf) =	vpush v1, $0x6;
	s9 =	sand.u32 $0x1FFFFFF0, s31;
	s10 =	sadd.s32 s3, s10;
	s7 =	simm.s32 $0x8500  }
0x46: {  	[tilespmem:s7], [sflag:$0x3] =	stream.linear.gather [hbm4b:s10+s13], $0x80, $0x38;
	[tilespmem:$0x10880] =	vst v63  }
0x47: {  	s22 =	simm.s32 $0x8680;
	s14 =	sadd.s32 s2, s9;
	s11 =	spop (v2sf)  }
0x48: {  	[tilespmem:s12], [sflag:$0x1] =	stream.linear.gather [hbm4b:s14+s13], $0x80, $0x38;
	[tilespmem:$0x10880] =	vst v63  }
0x49: {  	s10 =	simm.s32 $0x8A00;
	(v2sf) =	vpush v2, $0x7;
	s12 =	simm.s32 $0xA80;
	s5 =	sand.u32 $0x1FFFFFF0, s11  }
0x4a: {  	s16 =	spop (v2sf);
	s11 =	simm.s32 $0x8700;
	s5 =	sadd.s32 s3, s5  }
0x4b: {  	(v2sf) =	vpush v1, $0x7;
	s9 =	sand.u32 $0x1FFFFFF0, s16;
	s17 =	spop (v2sf);
	s16 =	simm.s32 $0x780  }
0x4c: {  	(v2sf) =	vpush v2, $0x8;
	[tilespmem:s6], [sflag:$0x3] =	stream.linear.gather [hbm4b:s5+s13], $0x80, $0x38;
	[tilespmem:$0x10880] =	vst v63  }
0x4d: {  	s18 =	sadd.s32 s2, s9;
	s21 =	sand.u32 $0x1FFFFFF0, s17;
	s23 =	spop (v2sf)  }
0x4e: {  	(v2sf) =	vpush v1, $0x8;
	s6 =	sadd.s32 s3, s21;
	s25 =	spop (v2sf);
	s21 =	simm.s32 $0x8780  }
0x4f: {  	(v2sf) =	vpush v2, $0x9;
	[tilespmem:s8], [sflag:$0x1] =	stream.linear.gather [hbm4b:s18+s13], $0x80, $0x38;
	[tilespmem:$0x10880] =	vst v63  }
0x50: {  	s8 =	sand.u32 $0x1FFFFFF0, s23;
	s7 =	sand.u32 $0x1FFFFFF0, s25;
	s26 =	spop (v2sf)  }
0x51: {  	(v2sf) =	vpush v1, $0x9;
	[tilespmem:s15], [sflag:$0x3] =	stream.linear.gather [hbm4b:s6+s13], $0x80, $0x38;
	[tilespmem:$0x10880] =	vst v63  }
0x52: {  	s23 =	simm.s32 $0x800;
	s8 =	sadd.s32 s2, s8;
	s28 =	sadd.s32 s3, s7  }
0x53: {  	(v2sf) =	vpush v2, $0xA;
	[tilespmem:s1], [sflag:$0x1] =	stream.linear.gather [hbm4b:s8+s13], $0x80, $0x38;
	[tilespmem:$0x10880] =	vst v63  }
0x54: {  	s30 =	sand.u32 $0x1FFFFFF0, s26;
	s26 =	simm.s32 $0x8A80;
	s31 =	spop (v2sf)  }
0x55: {  	(v2sf) =	vpush v1, $0xA;
	[tilespmem:s22], [sflag:$0x3] =	stream.linear.gather [hbm4b:s28+s13], $0x80, $0x38;
	[tilespmem:$0x10880] =	vst v63  }
0x56: {  	s7 =	simm.s32 $0x8880;
	s9 =	sadd.s32 s2, s30;
	s5 =	sand.u32 $0x1FFFFFF0, s31  }
0x57: {  	[tilespmem:s24], [sflag:$0x1] =	stream.linear.gather [hbm4b:s9+s13], $0x80, $0x38;
	[tilespmem:$0x10880] =	vst v63  }
0x58: {  	s5 =	sadd.s32 s3, s5;
	s1 =	simm.s32 $0x8980;
	s14 =	spop (v2sf)  }
0x59: {  	(v2sf) =	vpush v2, $0xB;
	[tilespmem:s11], [sflag:$0x3] =	stream.linear.gather [hbm4b:s5+s13], $0x80, $0x38;
	[tilespmem:$0x10880] =	vst v63  }
0x5a: {  	s28 =	simm.s32 $0x8800;
	s8 =	sand.u32 $0x1FFFFFF0, s14;
	s15 =	spop (v2sf)  }
0x5b: {  	s11 =	simm.s32 $0x900;
	(v2sf) =	vpush v1, $0xB;
	s17 =	sadd.s32 s2, s8;
	s22 =	spop (v2sf)  }
0x5c: {  	[tilespmem:s16], [sflag:$0x1] =	stream.linear.gather [hbm4b:s17+s13], $0x80, $0x38;
	[tilespmem:$0x10880] =	vst v63  }
0x5d: {  	s18 =	sand.u32 $0x1FFFFFF0, s15;
	s6 =	sand.u32 $0x1FFFFFF0, s22;
	s24 =	spop (v2sf)  }
0x5e: {  	s8 =	sadd.s32 s3, s18;
	s6 =	sadd.s32 s2, s6;
	s25 =	spop (v2sf)  }
0x5f: {  	(v2sf) =	vpush v2, $0xC;
	[tilespmem:s21], [sflag:$0x3] =	stream.linear.gather [hbm4b:s8+s13], $0x80, $0x38;
	[tilespmem:$0x10880] =	vst v63  }
0x60: {  	s8 =	sand.u32 $0x1FFFFFF0, s24;
	s31 =	sand.u32 $0x1FFFFFF0, s25;
	s9 =	spop (v2sf)  }
0x61: {  	(v2sf) =	vpush v1, $0xC;
	[tilespmem:s23], [sflag:$0x1] =	stream.linear.gather [hbm4b:s6+s13], $0x80, $0x38;
	[tilespmem:$0x10880] =	vst v63  }
0x62: {  	s24 =	simm.s32 $0x980;
	s30 =	sadd.s32 s3, s8;
	s14 =	spop (v2sf)  }
0x63: {  	[tilespmem:s28], [sflag:$0x3] =	stream.linear.gather [hbm4b:s30+s13], $0x80, $0x38;
	[tilespmem:$0x10880] =	vst v63  }
0x64: {  	s8 =	sadd.s32 s2, s31;
	s6 =	sand.u32 $0x1FFFFFF0, s9;
	s15 =	spop (v2sf)  }
0x65: {  	[tilespmem:s0], [sflag:$0x1] =	stream.linear.gather [hbm4b:s8+s13], $0x80, $0x38;
	[tilespmem:$0x10880] =	vst v63  }
0x66: {  	s6 =	sadd.s32 s3, s6;
	s17 =	sand.u32 $0x1FFFFFF0, s15;
	s8 =	sand.u32 $0x1FFFFFF0, s14  }
0x67: {  	[tilespmem:s7], [sflag:$0x3] =	stream.linear.gather [hbm4b:s6+s13], $0x80, $0x38;
	[tilespmem:$0x10880] =	vst v63  }
0x68: {  	s15 =	simm.s32 $0xA00;
	s16 =	sadd.s32 s2, s8;
	s18 =	spop (v2sf)  }
0x69: {  	[tilespmem:s11], [sflag:$0x1] =	stream.linear.gather [hbm4b:s16+s13], $0x80, $0x38;
	[tilespmem:$0x10880] =	vst v63  }
0x6a: {  	s21 =	sadd.s32 s3, s17;
	s22 =	sand.u32 $0x1FFFFFF0, s18;
	s23 =	spop (v2sf)  }
0x6b: {  	(v2sf) =	vpush v2, $0xD;
	[tilespmem:s4], [sflag:$0x3] =	stream.linear.gather [hbm4b:s21+s13], $0x80, $0x38;
	[tilespmem:$0x10880] =	vst v63  }
0x6c: {  	s17 =	simm.s32 $0xB00;
	(v2sf) =	vpush v1, $0xD;
	s25 =	sadd.s32 s2, s22;
	s28 =	sand.u32 $0x1FFFFFF0, s23  }
0x6d: {  	(v2sf) =	vpush v2, $0xE;
	[tilespmem:s24], [sflag:$0x1] =	stream.linear.gather [hbm4b:s25+s13], $0x80, $0x38;
	[tilespmem:$0x10880] =	vst v63  }
0x6e: {  	s30 =	sadd.s32 s3, s28;
	(v2sf) =	vpush v1, $0xE;
	s31 =	spop (v2sf);
	s24 =	simm.s32 $0x10  }
0x6f: {  	(v2sf) =	vpush v2, $0xF;
	[tilespmem:s1], [sflag:$0x3] =	stream.linear.gather [hbm4b:s30+s13], $0x80, $0x38;
	[tilespmem:$0x10880] =	vst v63  }
0x70: {  	s25 =	simm.s32 $0x210;
	s0 =	sand.u32 $0x1FFFFFF0, s31;
	(v2sf) =	vpush v1, $0xF;
	s1 =	spop (v2sf)  }
.LBB2_2:
0x71: {  	_ =	sdelay $0x4  }
0x72: {  	s0 =	sadd.s32 s2, s0;
	s1 =	sand.u32 $0x1FFFFFF0, s1  }
0x73: {  	[tilespmem:s15], [sflag:$0x1] =	stream.linear.gather [hbm4b:s0+s13], $0x80, $0x38;
	[tilespmem:$0x10880] =	vst v63  }
0x74: {  	s6 =	sadd.s32 s3, s1  }
0x75: {  	[tilespmem:s10], [sflag:$0x3] =	stream.linear.gather [hbm4b:s6+s13], $0x80, $0x38;
	[tilespmem:$0x10880] =	vst v63  }
0x76: {  	s4 =	spop (v2sf)  }
0x77: {  	s7 =	sand.u32 $0x1FFFFFF0, s4;
	s8 =	spop (v2sf)  }
0x78: {  	s9 =	sadd.s32 s2, s7;
	s10 =	sand.u32 $0x1FFFFFF0, s8;
	s11 =	spop (v2sf)  }
0x79: {  	[tilespmem:s12], [sflag:$0x1] =	stream.linear.gather [hbm4b:s9+s13], $0x80, $0x38;
	[tilespmem:$0x10880] =	vst v63  }
0x7a: {  	s12 =	sadd.s32 s3, s10;
	s14 =	sand.u32 $0x1FFFFFF0, s11;
	s15 =	spop (v2sf)  }
0x7b: {  	[tilespmem:s26], [sflag:$0x3] =	stream.linear.gather [hbm4b:s12+s13], $0x80, $0x38;
	[tilespmem:$0x10880] =	vst v63  }
0x7c: {  	s16 =	sadd.s32 s2, s14;
	s18 =	sand.u32 $0x1FFFFFF0, s15;
	s21 =	spop (v2sf)  }
0x7d: {  	[tilespmem:s17], [sflag:$0x1] =	stream.linear.gather [hbm4b:s16+s13], $0x80, $0x38;
	[tilespmem:$0x10880] =	vst v63  }
0x7e: {  	s22 =	sadd.s32 s3, s18;
	s23 =	sand.u32 $0x1FFFFFF0, s21;
	s26 =	spop (v2sf)  }
0x7f: {  	[tilespmem:s29], [sflag:$0x3] =	stream.linear.gather [hbm4b:s22+s13], $0x80, $0x38;
	[tilespmem:$0x10880] =	vst v63  }
0x80: {  	s28 =	sadd.s32 $0xB80, s19;
	s1 =	sadd.s32 s2, s23;
	s4 =	sand.u32 $0x1FFFFFF0, s26  }
0x81: {  	[tilespmem:s28], [sflag:$0x1] =	stream.linear.gather [hbm4b:s1+s13], $0x80, $0x38;
	[tilespmem:$0x10880] =	vst v63  }
0x82: {  	s30 =	sadd.s32 $0x8B80, s19;
	s31 =	sadd.s32 s3, s4  }
0x83: {  	[tilespmem:s30], [sflag:$0x3] =	stream.linear.gather [hbm4b:s31+s13], $0x80, $0x38;
	[tilespmem:$0x10880] =	vst v63  }
0x84: {  	v1 =	vld [tilespmem:s24+$0x0]  }
0x85: {  	v3 =	vld [tilespmem:s25+$0x0];
	_ =	sdelay $0x3  }
0x86: {  	v2 =	vshll.u32 v1, $0x4  }
0x87: {  	v1 =	vshll.u32 v3, $0x4;
	(v2sf) =	vpush v2, $0x0  }
0x88: {  	s4 =	smov.u32 s20;
	(v2sf) =	vpush v1, $0x0  }
0x89: {  	p0 =	sne.s32 s20, $0xE000;
	s11 =	simm.s32 $0x0;
	s19 =	sshra.s32 s4, $0x2;
	(v2sf) =	vpush v2, $0x1  }
0x8a: {  	s20 =	sadd.s32 $0x2000, s20;
	s0 =	sadd.s32 $0x680, s19;
	s5 =	sadd.s32 $0x880, s19  }
0x8b: {  	s7 =	sadd.s32 $0x400, s19;
	s14 =	sadd.s32 $0x600, s19;
	s6 =	sadd.s32 $0x8900, s19;
	(v2sf) =	vpush v1, $0x1  }
0x8c: {  	s4 =	sadd.s32 $0x580, s19;
	s21 =	sadd.s32 $0x500, s19;
	s18 =	sadd.s32 $0x8600, s19  }
0x8d: {  	s8 =	sadd.s32 $0xA80, s19;
	s16 =	sadd.s32 $0x8480, s19;
	[smem:$0x7F4] =	sst s0;
	(v2sf) =	vpush v2, $0x2  }
0x8e: {  	s26 =	sadd.s32 $0x8A80, s19;
	s12 =	sadd.s32 $0x8700, s19;
	[dreg:$0xb] =	wrdreg s5  }
0x8f: {  	s9 =	sadd.s32 $0x8880, s19;
	s10 =	sadd.s32 $0x900, s19;
	[dreg:$0x3] =	wrdreg s6;
	(v2sf) =	vpush v1, $0x2  }
0x90: {  	s15 =	sadd.s32 $0x8800, s19;
	s17 =	sadd.s32 $0x800, s19;
	[dreg:$0x1e] =	wrdreg s8  }
0x91: {  	s29 =	sadd.s32 $0x8B00, s19;
	s0 =	sadd.s32 $0x8A00, s19;
	[dreg:$0x13] =	wrdreg s9  }
0x92: {  	s6 =	sadd.s32 $0x8680, s19;
	s5 =	sadd.s32 $0x700, s19;
	[dreg:$0xf] =	wrdreg s10;
	(v2sf) =	vpush v2, $0x3  }
0x93: {  	s8 =	sadd.s32 $0x8980, s19;
	[dreg:$0x18] =	wrdreg s15;
	s15 =	sadd.s32 $0xA00, s19  }
0x94: {  	s9 =	sadd.s32 $0x480, s19;
	[dreg:$0x1f] =	wrdreg s17;
	s17 =	sadd.s32 $0xB00, s19;
	(v2sf) =	vpush v1, $0x3  }
0x95: {  	s28 =	sadd.s32 $0x8400, s19;
	s1 =	sadd.s32 $0x8500, s19;
	[dreg:$0x7] =	wrdreg s8  }
0x96: {  	s8 =	sadd.s32 $0x980, s19;
	s13 =	sadd.s32 $0x8580, s19;
	(v2sf) =	vpush v2, $0x4;
	s22 =	spop (v2sf)  }
0x97: {  	s31 =	sadd.s32 $0x780, s19;
	s23 =	sand.u32 $0x1FFFFFF0, s22;
	s22 =	spop (v2sf)  }
0x98: {  	(v2sf) =	vpush v1, $0x4;
	s10 =	sadd.s32 s2, s23;
	s22 =	sand.u32 $0x1FFFFFF0, s22;
	s23 =	spop (v2sf)  }
0x99: {  	[tilespmem:s7], [sflag:$0x1] =	stream.linear.gather [hbm4b:s10+s11], $0x80, $0x38;
	[tilespmem:$0x10880] =	vst v63  }
0x9a: {  	(v2sf) =	vpush v2, $0x5;
	s10 =	sadd.s32 s3, s22;
	s22 =	sand.u32 $0x1FFFFFF0, s23;
	s23 =	spop (v2sf)  }
0x9b: {  	[tilespmem:s28], [sflag:$0x3] =	stream.linear.gather [hbm4b:s10+s11], $0x80, $0x38;
	[tilespmem:$0x10880] =	vst v63  }
0x9c: {  	s23 =	sand.u32 $0x1FFFFFF0, s23;
	s10 =	sadd.s32 s2, s22;
	s28 =	spop (v2sf)  }
0x9d: {  	(v2sf) =	vpush v1, $0x5;
	[tilespmem:s9], [sflag:$0x1] =	stream.linear.gather [hbm4b:s10+s11], $0x80, $0x38;
	[tilespmem:$0x10880] =	vst v63  }
0x9e: {  	(v2sf) =	vpush v2, $0x6;
	s10 =	sadd.s32 s3, s23;
	s23 =	sand.u32 $0x1FFFFFF0, s28;
	s28 =	spop (v2sf)  }
0x9f: {  	s30 =	sadd.s32 $0x8780, s19;
	s22 =	sadd.s32 s2, s23;
	s23 =	sand.u32 $0x1FFFFFF0, s28  }
0xa0: {  	(v2sf) =	vpush v1, $0x6;
	[tilespmem:s16], [sflag:$0x3] =	stream.linear.gather [hbm4b:s10+s11], $0x80, $0x38;
	[tilespmem:$0x10880] =	vst v63  }
0xa1: {  	s24 =	sadd.s32 $0x10, s24;
	s28 =	spop (v2sf);
	s16 =	sadd.s32 s3, s23  }
0xa2: {  	(v2sf) =	vpush v2, $0x7;
	[tilespmem:s21], [sflag:$0x1] =	stream.linear.gather [hbm4b:s22+s11], $0x80, $0x38;
	[tilespmem:$0x10880] =	vst v63  }
0xa3: {  	s10 =	smov.u32 s0;
	s21 =	sand.u32 $0x1FFFFFF0, s28;
	s22 =	spop (v2sf)  }
0xa4: {  	(v2sf) =	vpush v1, $0x7;
	[tilespmem:s1], [sflag:$0x3] =	stream.linear.gather [hbm4b:s16+s11], $0x80, $0x38;
	[tilespmem:$0x10880] =	vst v63  }
0xa5: {  	s23 =	sadd.s32 s2, s21;
	s28 =	sand.u32 $0x1FFFFFF0, s22;
	s0 =	spop (v2sf)  }
0xa6: {  	(v2sf) =	vpush v2, $0x8;
	[tilespmem:s4], [sflag:$0x1] =	stream.linear.gather [hbm4b:s23+s11], $0x80, $0x38;
	[tilespmem:$0x10880] =	vst v63  }
0xa7: {  	s7 =	sand.u32 $0x1FFFFFF0, s0;
	s4 =	sadd.s32 s3, s28;
	s9 =	spop (v2sf)  }
0xa8: {  	[tilespmem:s13], [sflag:$0x3] =	stream.linear.gather [hbm4b:s4+s11], $0x80, $0x38;
	[tilespmem:$0x10880] =	vst v63  }
0xa9: {  	s25 =	sadd.s32 $0x10, s25;
	s16 =	sadd.s32 s2, s7;
	s22 =	spop (v2sf)  }
0xaa: {  	(v2sf) =	vpush v1, $0x8;
	s13 =	simm.s32 $0x0;
	s21 =	sand.u32 $0x1FFFFFF0, s9;
	s28 =	sand.u32 $0x1FFFFFF0, s22  }
0xab: {  	(v2sf) =	vpush v2, $0x9;
	[tilespmem:s14], [sflag:$0x1] =	stream.linear.gather [hbm4b:s16+s13], $0x80, $0x38;
	[tilespmem:$0x10880] =	vst v63  }
0xac: {  	s23 =	sadd.s32 s3, s21;
	s0 =	spop (v2sf);
	s9 =	sadd.s32 s2, s28  }
0xad: {  	(v2sf) =	vpush v1, $0x9;
	s11 =	sand.u32 $0x1FFFFFF0, s0;
	s16 =	sld [smem:$0x7F4];
	s14 =	spop (v2sf)  }
0xae: {  	[tilespmem:s18], [sflag:$0x3] =	stream.linear.gather [hbm4b:s23+s13], $0x80, $0x38;
	[tilespmem:$0x10880] =	vst v63  }
0xaf: {  	s18 =	sadd.s32 s3, s11;
	s21 =	sand.u32 $0x1FFFFFF0, s14;
	s22 =	spop (v2sf)  }
0xb0: {  	[tilespmem:s16], [sflag:$0x1] =	stream.linear.gather [hbm4b:s9+s13], $0x80, $0x38;
	[tilespmem:$0x10880] =	vst v63  }
0xb1: {  	(v2sf) =	vpush v2, $0xA;
	s23 =	sadd.s32 s2, s21;
	s28 =	sand.u32 $0x1FFFFFF0, s22;
	s0 =	spop (v2sf)  }
0xb2: {  	[tilespmem:s6], [sflag:$0x3] =	stream.linear.gather [hbm4b:s18+s13], $0x80, $0x38;
	[tilespmem:$0x10880] =	vst v63  }
0xb3: {  	(v2sf) =	vpush v1, $0xA;
	s7 =	sadd.s32 s3, s28;
	s9 =	sand.u32 $0x1FFFFFF0, s0;
	s11 =	spop (v2sf)  }
0xb4: {  	[tilespmem:s5], [sflag:$0x1] =	stream.linear.gather [hbm4b:s23+s13], $0x80, $0x38;
	[tilespmem:$0x10880] =	vst v63  }
0xb5: {  	(v2sf) =	vpush v2, $0xB;
	s14 =	sadd.s32 s2, s9;
	s6 =	rddreg [dreg:$0x1f];
	s18 =	spop (v2sf)  }
0xb6: {  	[tilespmem:s12], [sflag:$0x3] =	stream.linear.gather [hbm4b:s7+s13], $0x80, $0x38;
	[tilespmem:$0x10880] =	vst v63  }
0xb7: {  	s16 =	sand.u32 $0x1FFFFFF0, s11;
	s22 =	sand.u32 $0x1FFFFFF0, s18;
	s12 =	rddreg [dreg:$0x1e]  }
0xb8: {  	[tilespmem:s31], [sflag:$0x1] =	stream.linear.gather [hbm4b:s14+s13], $0x80, $0x38;
	[tilespmem:$0x10880] =	vst v63  }
0xb9: {  	(v2sf) =	vpush v1, $0xB;
	s28 =	sadd.s32 s2, s22;
	s22 =	rddreg [dreg:$0xb];
	s23 =	spop (v2sf)  }
0xba: {  	(v2sf) =	vpush v2, $0xC;
	s21 =	sadd.s32 s3, s16;
	s14 =	rddreg [dreg:$0x18];
	s31 =	spop (v2sf)  }
0xbb: {  	[tilespmem:s30], [sflag:$0x3] =	stream.linear.gather [hbm4b:s21+s13], $0x80, $0x38;
	[tilespmem:$0x10880] =	vst v63  }
0xbc: {  	(v2sf) =	vpush v1, $0xC;
	s30 =	sand.u32 $0x1FFFFFF0, s23;
	s9 =	sand.u32 $0x1FFFFFF0, s31;
	s11 =	spop (v2sf)  }
0xbd: {  	[tilespmem:s6], [sflag:$0x1] =	stream.linear.gather [hbm4b:s28+s13], $0x80, $0x38;
	[tilespmem:$0x10880] =	vst v63  }
0xbe: {  	s31 =	rddreg [dreg:$0x13];
	s7 =	sadd.s32 s3, s30;
	s16 =	sadd.s32 s2, s9  }
0xbf: {  	[tilespmem:s14], [sflag:$0x3] =	stream.linear.gather [hbm4b:s7+s13], $0x80, $0x38;
	[tilespmem:$0x10880] =	vst v63  }
0xc0: {  	s18 =	sand.u32 $0x1FFFFFF0, s11;
	s11 =	rddreg [dreg:$0xf];
	s21 =	spop (v2sf)  }
0xc1: {  	[tilespmem:s22], [sflag:$0x1] =	stream.linear.gather [hbm4b:s16+s13], $0x80, $0x38;
	[tilespmem:$0x10880] =	vst v63  }
0xc2: {  	s23 =	sadd.s32 s3, s18;
	s28 =	sand.u32 $0x1FFFFFF0, s21;
	s30 =	spop (v2sf)  }
0xc3: {  	[tilespmem:s31], [sflag:$0x3] =	stream.linear.gather [hbm4b:s23+s13], $0x80, $0x38;
	[tilespmem:$0x10880] =	vst v63  }
0xc4: {  	s6 =	sadd.s32 s2, s28;
	s7 =	sand.u32 $0x1FFFFFF0, s30;
	s9 =	spop (v2sf)  }
0xc5: {  	[tilespmem:s11], [sflag:$0x1] =	stream.linear.gather [hbm4b:s6+s13], $0x80, $0x38;
	[tilespmem:$0x10880] =	vst v63  }
0xc6: {  	s21 =	rddreg [dreg:$0x3];
	s14 =	sadd.s32 s3, s7;
	s16 =	sand.u32 $0x1FFFFFF0, s9  }
0xc7: {  	(v2sf) =	vpush v2, $0xD;
	[tilespmem:s21], [sflag:$0x3] =	stream.linear.gather [hbm4b:s14+s13], $0x80, $0x38;
	[tilespmem:$0x10880] =	vst v63  }
.Ltmp0:
0xc8: {  	(v2sf) =	vpush v1, $0xD;
	s22 =	sadd.s32 s2, s16;
	s18 =	spop (v2sf);
	(pc) =	sbr.rel @p0 .LBB2_2-.Ltmp0, $4  }
0xc9: {  	(v2sf) =	vpush v2, $0xE;
	s31 =	rddreg [dreg:$0x7];
	s23 =	sand.u32 $0x1FFFFFF0, s18;
	s28 =	spop (v2sf)  }
0xca: {  	(v2sf) =	vpush v1, $0xE;
	[tilespmem:s8], [sflag:$0x1] =	stream.linear.gather [hbm4b:s22+s13], $0x80, $0x38;
	[tilespmem:$0x10880] =	vst v63  }
0xcb: {  	(v2sf) =	vpush v2, $0xF;
	s30 =	sadd.s32 s3, s23;
	s0 =	sand.u32 $0x1FFFFFF0, s28;
	s1 =	spop (v2sf)  }
0xcc: {  	(v2sf) =	vpush v1, $0xF;
	[tilespmem:s31], [sflag:$0x3] =	stream.linear.gather [hbm4b:s30+s13], $0x80, $0x38;
	[tilespmem:$0x10880] =	vst v63  }
0xcd: {  	_ =	sdelay $0x4  }
0xce: {  	s0 =	sadd.s32 s2, s0;
	s1 =	sand.u32 $0x1FFFFFF0, s1  }
0xcf: {  	[tilespmem:s15], [sflag:$0x1] =	stream.linear.gather [hbm4b:s0+s13], $0x80, $0x38;
	[tilespmem:$0x10880] =	vst v63  }
0xd0: {  	s1 =	sadd.s32 s3, s1  }
0xd1: {  	[tilespmem:s10], [sflag:$0x3] =	stream.linear.gather [hbm4b:s1+s13], $0x80, $0x38;
	[tilespmem:$0x10880] =	vst v63  }
0xd2: {  	s4 =	spop (v2sf)  }
0xd3: {  	s4 =	sand.u32 $0x1FFFFFF0, s4;
	s5 =	spop (v2sf)  }
0xd4: {  	s6 =	sadd.s32 s2, s4;
	s7 =	sand.u32 $0x1FFFFFF0, s5;
	s8 =	spop (v2sf)  }
0xd5: {  	[tilespmem:s12], [sflag:$0x1] =	stream.linear.gather [hbm4b:s6+s13], $0x80, $0x38;
	[tilespmem:$0x10880] =	vst v63  }
0xd6: {  	s9 =	sadd.s32 s3, s7;
	s10 =	sand.u32 $0x1FFFFFF0, s8;
	s11 =	spop (v2sf)  }
0xd7: {  	[tilespmem:s26], [sflag:$0x3] =	stream.linear.gather [hbm4b:s9+s13], $0x80, $0x38;
	[tilespmem:$0x10880] =	vst v63  }
0xd8: {  	s12 =	sadd.s32 s2, s10;
	s14 =	sand.u32 $0x1FFFFFF0, s11;
	s15 =	spop (v2sf)  }
0xd9: {  	[tilespmem:s17], [sflag:$0x1] =	stream.linear.gather [hbm4b:s12+s13], $0x80, $0x38;
	[tilespmem:$0x10880] =	vst v63  }
0xda: {  	s16 =	sadd.s32 s3, s14;
	s18 =	spop (v2sf);
	s17 =	sand.u32 $0x1FFFFFF0, s15  }
0xdb: {  	[tilespmem:s29], [sflag:$0x3] =	stream.linear.gather [hbm4b:s16+s13], $0x80, $0x38;
	[tilespmem:$0x10880] =	vst v63  }
0xdc: {  	s20 =	sadd.s32 $0xB80, s19;
	s4 =	sand.u32 $0x1FFFFFF0, s18;
	s1 =	sadd.s32 s2, s17  }
0xdd: {  	[tilespmem:s20], [sflag:$0x1] =	stream.linear.gather [hbm4b:s1+s13], $0x80, $0x38;
	[tilespmem:$0x10880] =	vst v63  }
0xde: {  	s21 =	sadd.s32 $0x8B80, s19;
	s23 =	simm.s32 $0x1;
	s22 =	sadd.s32 s3, s4  }
0xdf: {  	[tilespmem:s21], [sflag:$0x3] =	stream.linear.gather [hbm4b:s22+s13], $0x80, $0x38;
	[tilespmem:$0x10880] =	vst v63  }
0xe0: {  	_ =	swait.ge [sflag:s23], $0x4000  }
0xe1: {  	[sflag:s23] =	ssyncset.done $0x0  }
0xe2: {  	s24 =	simm.s32 $0x3;
	[sflag:s23] =	ssyncadd.s32 $0xFFFFC000  }
0xe3: {  	_ =	swait.ge [sflag:s24], $0x4000  }
0xe4: {  	[sflag:s24] =	ssyncset.done $0x0  }
0xe5: {  	s25 =	simm.s32 $0x80;
	[sflag:s24] =	ssyncadd.s32 $0xFFFFC000  }
0xe6: {  	v1 =	vld [tilespmem:s25+$0x0]  }
0xe7: {  	s26 =	simm.s32 $0x280  }
0xe8: {  	v3 =	vld [tilespmem:s26+$0x0];
	_ =	sdelay $0x2  }
0xe9: {  	v2 =	vshll.u32 v1, $0x4  }
0xea: {  	(v2sf) =	vpush v2, $0x0  }
0xeb: {  	v1 =	vshll.u32 v3, $0x4  }
0xec: {  	(v2sf) =	vpush v1, $0x0;
	_ =	sdelay $0x1  }
0xed: {  	(v2sf) =	vpush v2, $0x1  }
0xee: {  	(v2sf) =	vpush v1, $0x1  }
0xef: {  	(v2sf) =	vpush v2, $0x2;
	_ =	sdelay $0x1  }
0xf0: {  	(v2sf) =	vpush v1, $0x2;
	_ =	sdelay $0x1  }
0xf1: {  	(v2sf) =	vpush v2, $0x3  }
0xf2: {  	s19 =	simm.s32 $0x0;
	s28 =	simm.s32 $0xCA80  }
0xf3: {  	s30 =	simm.s32 $0xCB00;
	s0 =	simm.s32 $0x4880;
	s5 =	simm.s32 $0xC400  }
0xf4: {  	s6 =	simm.s32 $0x4400;
	s8 =	simm.s32 $0x4600;
	s10 =	simm.s32 $0x4480  }
0xf5: {  	s4 =	simm.s32 $0x4680;
	s12 =	simm.s32 $0x4580;
	s15 =	simm.s32 $0xC480;
	(v2sf) =	vpush v1, $0x3  }
0xf6: {  	s17 =	simm.s32 $0x4500;
	s20 =	simm.s32 $0x0;
	s7 =	spop (v2sf)  }
0xf7: {  	s1 =	simm.s32 $0xC900;
	s21 =	simm.s32 $0x2000;
	s7 =	sand.u32 $0x1FFFFFF0, s7  }
0xf8: {  	s23 =	simm.s32 $0xC500;
	s9 =	spop (v2sf);
	s7 =	sadd.s32 s2, s7  }
0xf9: {  	(v2sf) =	vpush v2, $0x4;
	[tilespmem:s6], [sflag:$0x2] =	stream.linear.gather [hbm4b:s7+s19], $0x80, $0x38;
	[tilespmem:$0x10880] =	vst v63  }
0xfa: {  	(v2sf) =	vpush v1, $0x4;
	s29 =	sand.u32 $0x1FFFFFF0, s9;
	s31 =	spop (v2sf);
	s6 =	simm.s32 $0xC580  }
0xfb: {  	s7 =	sadd.s32 s3, s29;
	s9 =	sand.u32 $0x1FFFFFF0, s31;
	s11 =	spop (v2sf)  }
0xfc: {  	(v2sf) =	vpush v2, $0x5;
	s31 =	simm.s32 $0xC600;
	s13 =	sadd.s32 s2, s9;
	s16 =	spop (v2sf)  }
0xfd: {  	[tilespmem:s5], [sflag:$0x4] =	stream.linear.gather [hbm4b:s7+s19], $0x80, $0x38;
	[tilespmem:$0x10880] =	vst v63  }
0xfe: {  	s14 =	sand.u32 $0x1FFFFFF0, s11;
	(v2sf) =	vpush v1, $0x5;
	s11 =	simm.s32 $0xCA00;
	s18 =	spop (v2sf)  }
0xff: {  	[tilespmem:s10], [sflag:$0x2] =	stream.linear.gather [hbm4b:s13+s19], $0x80, $0x38;
	[tilespmem:$0x10880] =	vst v63  }
0x100: {  	s9 =	sadd.s32 s3, s14;
	(v2sf) =	vpush v2, $0x6;
	s7 =	sand.u32 $0x1FFFFFF0, s16;
	s22 =	spop (v2sf)  }
0x101: {  	[tilespmem:s15], [sflag:$0x4] =	stream.linear.gather [hbm4b:s9+s19], $0x80, $0x38;
	[tilespmem:$0x10880] =	vst v63  }
0x102: {  	s7 =	sadd.s32 s2, s7;
	(v2sf) =	vpush v1, $0x6;
	s25 =	sand.u32 $0x1FFFFFF0, s22;
	s9 =	sand.u32 $0x1FFFFFF0, s18  }
0x103: {  	[tilespmem:s17], [sflag:$0x2] =	stream.linear.gather [hbm4b:s7+s19], $0x80, $0x38;
	[tilespmem:$0x10880] =	vst v63  }
0x104: {  	s26 =	spop (v2sf);
	(v2sf) =	vpush v2, $0x7;
	s22 =	simm.s32 $0x4700;
	s24 =	sadd.s32 s3, s9  }
0x105: {  	[tilespmem:s23], [sflag:$0x4] =	stream.linear.gather [hbm4b:s24+s19], $0x80, $0x38;
	[tilespmem:$0x10880] =	vst v63  }
0x106: {  	s10 =	simm.s32 $0xC700;
	s29 =	sadd.s32 s2, s25;
	(v2sf) =	vpush v1, $0x7;
	s5 =	sand.u32 $0x1FFFFFF0, s26  }
0x107: {  	[tilespmem:s12], [sflag:$0x2] =	stream.linear.gather [hbm4b:s29+s19], $0x80, $0x38;
	[tilespmem:$0x10880] =	vst v63  }
0x108: {  	s5 =	sadd.s32 s3, s5;
	s17 =	simm.s32 $0xC680;
	s13 =	spop (v2sf)  }
0x109: {  	s12 =	simm.s32 $0x4A80;
	s9 =	sand.u32 $0x1FFFFFF0, s13;
	s14 =	spop (v2sf)  }
0x10a: {  	(v2sf) =	vpush v2, $0x8;
	[tilespmem:s6], [sflag:$0x4] =	stream.linear.gather [hbm4b:s5+s19], $0x80, $0x38;
	[tilespmem:$0x10880] =	vst v63  }
0x10b: {  	s15 =	sadd.s32 s2, s9;
	s16 =	sand.u32 $0x1FFFFFF0, s14;
	s18 =	spop (v2sf)  }
0x10c: {  	(v2sf) =	vpush v1, $0x8;
	[tilespmem:s8], [sflag:$0x2] =	stream.linear.gather [hbm4b:s15+s19], $0x80, $0x38;
	[tilespmem:$0x10880] =	vst v63  }
0x10d: {  	s6 =	sadd.s32 s3, s16;
	s23 =	sand.u32 $0x1FFFFFF0, s18;
	s24 =	spop (v2sf)  }
0x10e: {  	(v2sf) =	vpush v2, $0x9;
	s15 =	simm.s32 $0x4780;
	s18 =	simm.s32 $0xC780;
	s7 =	sadd.s32 s2, s23  }
0x10f: {  	(v2sf) =	vpush v1, $0x9;
	s8 =	sand.u32 $0x1FFFFFF0, s24;
	s25 =	spop (v2sf);
	s23 =	simm.s32 $0x4800  }
0x110: {  	[tilespmem:s31], [sflag:$0x4] =	stream.linear.gather [hbm4b:s6+s19], $0x80, $0x38;
	[tilespmem:$0x10880] =	vst v63  }
0x111: {  	(v2sf) =	vpush v2, $0xA;
	s26 =	sadd.s32 s3, s8;
	s29 =	sand.u32 $0x1FFFFFF0, s25;
	s31 =	spop (v2sf)  }
0x112: {  	(v2sf) =	vpush v1, $0xA;
	[tilespmem:s4], [sflag:$0x2] =	stream.linear.gather [hbm4b:s7+s19], $0x80, $0x38;
	[tilespmem:$0x10880] =	vst v63  }
0x113: {  	s8 =	simm.s32 $0xC880;
	s9 =	sadd.s32 s2, s29;
	s13 =	spop (v2sf)  }
0x114: {  	(v2sf) =	vpush v2, $0xB;
	[tilespmem:s17], [sflag:$0x4] =	stream.linear.gather [hbm4b:s26+s19], $0x80, $0x38;
	[tilespmem:$0x10880] =	vst v63  }
0x115: {  	s5 =	sand.u32 $0x1FFFFFF0, s31;
	s7 =	sand.u32 $0x1FFFFFF0, s13;
	s14 =	spop (v2sf)  }
0x116: {  	(v2sf) =	vpush v1, $0xB;
	[tilespmem:s22], [sflag:$0x2] =	stream.linear.gather [hbm4b:s9+s19], $0x80, $0x38;
	[tilespmem:$0x10880] =	vst v63  }
0x117: {  	s4 =	simm.s32 $0xC980;
	s5 =	sadd.s32 s3, s5;
	s16 =	sadd.s32 s2, s7  }
0x118: {  	[tilespmem:s10], [sflag:$0x4] =	stream.linear.gather [hbm4b:s5+s19], $0x80, $0x38;
	[tilespmem:$0x10880] =	vst v63  }
0x119: {  	s17 =	sand.u32 $0x1FFFFFF0, s14;
	s26 =	simm.s32 $0xC800;
	s22 =	spop (v2sf)  }
0x11a: {  	[tilespmem:s15], [sflag:$0x2] =	stream.linear.gather [hbm4b:s16+s19], $0x80, $0x38;
	[tilespmem:$0x10880] =	vst v63  }
0x11b: {  	s7 =	sadd.s32 s3, s17;
	s6 =	sand.u32 $0x1FFFFFF0, s22;
	s24 =	spop (v2sf)  }
0x11c: {  	(v2sf) =	vpush v2, $0xC;
	[tilespmem:s18], [sflag:$0x4] =	stream.linear.gather [hbm4b:s7+s19], $0x80, $0x38;
	[tilespmem:$0x10880] =	vst v63  }
0x11d: {  	s10 =	simm.s32 $0x4900;
	s6 =	sadd.s32 s2, s6;
	s25 =	spop (v2sf)  }
0x11e: {  	s7 =	sand.u32 $0x1FFFFFF0, s24;
	(v2sf) =	vpush v1, $0xC;
	s24 =	simm.s32 $0x4980;
	s9 =	spop (v2sf)  }
0x11f: {  	[tilespmem:s23], [sflag:$0x2] =	stream.linear.gather [hbm4b:s6+s19], $0x80, $0x38;
	[tilespmem:$0x10880] =	vst v63  }
0x120: {  	s29 =	sadd.s32 s3, s7;
	s31 =	sand.u32 $0x1FFFFFF0, s25;
	s13 =	spop (v2sf)  }
0x121: {  	s7 =	sadd.s32 s2, s31;
	s6 =	sand.u32 $0x1FFFFFF0, s9;
	s14 =	spop (v2sf)  }
0x122: {  	[tilespmem:s26], [sflag:$0x4] =	stream.linear.gather [hbm4b:s29+s19], $0x80, $0x38;
	[tilespmem:$0x10880] =	vst v63  }
0x123: {  	s6 =	sadd.s32 s3, s6;
	s16 =	sand.u32 $0x1FFFFFF0, s14;
	s17 =	spop (v2sf)  }
0x124: {  	[tilespmem:s0], [sflag:$0x2] =	stream.linear.gather [hbm4b:s7+s19], $0x80, $0x38;
	[tilespmem:$0x10880] =	vst v63  }
0x125: {  	s18 =	sadd.s32 s3, s16;
	s23 =	spop (v2sf);
	s7 =	sand.u32 $0x1FFFFFF0, s13  }
0x126: {  	[tilespmem:s8], [sflag:$0x4] =	stream.linear.gather [hbm4b:s6+s19], $0x80, $0x38;
	[tilespmem:$0x10880] =	vst v63  }
0x127: {  	s22 =	sand.u32 $0x1FFFFFF0, s17;
	s26 =	sand.u32 $0x1FFFFFF0, s23;
	s15 =	sadd.s32 s2, s7  }
0x128: {  	[tilespmem:s10], [sflag:$0x2] =	stream.linear.gather [hbm4b:s15+s19], $0x80, $0x38;
	[tilespmem:$0x10880] =	vst v63  }
0x129: {  	(v2sf) =	vpush v2, $0xD;
	s17 =	simm.s32 $0x4B00;
	s25 =	sadd.s32 s2, s22;
	s29 =	sadd.s32 s3, s26  }
0x12a: {  	(v2sf) =	vpush v1, $0xD;
	[tilespmem:s1], [sflag:$0x4] =	stream.linear.gather [hbm4b:s18+s19], $0x80, $0x38;
	[tilespmem:$0x10880] =	vst v63  }
0x12b: {  	(v2sf) =	vpush v2, $0xE;
	s26 =	simm.s32 $0x90;
	s15 =	simm.s32 $0x4A00;
	s31 =	spop (v2sf)  }
0x12c: {  	(v2sf) =	vpush v1, $0xE;
	[tilespmem:s24], [sflag:$0x2] =	stream.linear.gather [hbm4b:s25+s19], $0x80, $0x38;
	[tilespmem:$0x10880] =	vst v63  }
0x12d: {  	(v2sf) =	vpush v2, $0xF;
	s25 =	simm.s32 $0x290;
	s0 =	sand.u32 $0x1FFFFFF0, s31;
	s1 =	spop (v2sf)  }
0x12e: {  	(v2sf) =	vpush v1, $0xF;
	[tilespmem:s4], [sflag:$0x4] =	stream.linear.gather [hbm4b:s29+s19], $0x80, $0x38;
	[tilespmem:$0x10880] =	vst v63  }
.LBB2_4:
0x12f: {  	_ =	sdelay $0x4  }
0x130: {  	s0 =	sadd.s32 s2, s0;
	s1 =	sand.u32 $0x1FFFFFF0, s1  }
0x131: {  	[tilespmem:s15], [sflag:$0x2] =	stream.linear.gather [hbm4b:s0+s19], $0x80, $0x38;
	[tilespmem:$0x10880] =	vst v63  }
0x132: {  	s7 =	sadd.s32 s3, s1  }
0x133: {  	[tilespmem:s11], [sflag:$0x4] =	stream.linear.gather [hbm4b:s7+s19], $0x80, $0x38;
	[tilespmem:$0x10880] =	vst v63  }
0x134: {  	s4 =	spop (v2sf)  }
0x135: {  	s8 =	sand.u32 $0x1FFFFFF0, s4;
	s9 =	spop (v2sf)  }
0x136: {  	s10 =	sadd.s32 s2, s8;
	s11 =	sand.u32 $0x1FFFFFF0, s9;
	s13 =	spop (v2sf)  }
0x137: {  	[tilespmem:s12], [sflag:$0x2] =	stream.linear.gather [hbm4b:s10+s19], $0x80, $0x38;
	[tilespmem:$0x10880] =	vst v63  }
0x138: {  	s14 =	sadd.s32 s3, s11;
	s15 =	sand.u32 $0x1FFFFFF0, s13;
	s16 =	spop (v2sf)  }
0x139: {  	[tilespmem:s28], [sflag:$0x4] =	stream.linear.gather [hbm4b:s14+s19], $0x80, $0x38;
	[tilespmem:$0x10880] =	vst v63  }
0x13a: {  	s18 =	sadd.s32 s2, s15;
	s22 =	sand.u32 $0x1FFFFFF0, s16;
	s23 =	spop (v2sf)  }
0x13b: {  	[tilespmem:s17], [sflag:$0x2] =	stream.linear.gather [hbm4b:s18+s19], $0x80, $0x38;
	[tilespmem:$0x10880] =	vst v63  }
0x13c: {  	s24 =	sadd.s32 s3, s22;
	s29 =	sand.u32 $0x1FFFFFF0, s23;
	s31 =	spop (v2sf)  }
0x13d: {  	[tilespmem:s30], [sflag:$0x4] =	stream.linear.gather [hbm4b:s24+s19], $0x80, $0x38;
	[tilespmem:$0x10880] =	vst v63  }
0x13e: {  	s5 =	sadd.s32 $0x4B80, s20;
	s1 =	sadd.s32 s2, s29;
	s4 =	sand.u32 $0x1FFFFFF0, s31  }
0x13f: {  	[tilespmem:s5], [sflag:$0x2] =	stream.linear.gather [hbm4b:s1+s19], $0x80, $0x38;
	[tilespmem:$0x10880] =	vst v63  }
0x140: {  	s6 =	sadd.s32 $0xCB80, s20;
	s7 =	sadd.s32 s3, s4  }
0x141: {  	[tilespmem:s6], [sflag:$0x4] =	stream.linear.gather [hbm4b:s7+s19], $0x80, $0x38;
	[tilespmem:$0x10880] =	vst v63  }
0x142: {  	v1 =	vld [tilespmem:s26+$0x0];
	_ =	sdelay $0x1  }
0x143: {  	v3 =	vld [tilespmem:s25+$0x0];
	_ =	sdelay $0x2  }
0x144: {  	v2 =	vshll.u32 v1, $0x4  }
0x145: {  	(v2sf) =	vpush v2, $0x0  }
0x146: {  	s8 =	smov.u32 s21;
	v1 =	vshll.u32 v3, $0x4  }
0x147: {  	s20 =	sshra.s32 s8, $0x2;
	(v2sf) =	vpush v1, $0x0  }
0x148: {  	p0 =	sne.s32 s21, $0xE000;
	s21 =	sadd.s32 $0x2000, s21;
	s0 =	sadd.s32 $0x4680, s20;
	(v2sf) =	vpush v2, $0x1  }
0x149: {  	s9 =	sadd.s32 $0x4880, s20;
	s10 =	sadd.s32 $0xC900, s20;
	s16 =	sadd.s32 $0x4500, s20  }
0x14a: {  	s13 =	sadd.s32 $0xC600, s20;
	s12 =	sadd.s32 $0x4A80, s20;
	[smem:$0x7F2] =	sst s0;
	(v2sf) =	vpush v1, $0x1  }
0x14b: {  	s8 =	sadd.s32 $0xC480, s20;
	s11 =	sadd.s32 $0x4900, s20;
	[dreg:$0xc] =	wrdreg s9  }
0x14c: {  	s15 =	sadd.s32 $0xC800, s20;
	s9 =	sadd.s32 $0x4400, s20;
	[dreg:$0x4] =	wrdreg s10  }
0x14d: {  	s0 =	sadd.s32 $0xCA00, s20;
	s22 =	sadd.s32 $0xC500, s20;
	[dreg:$0x10] =	wrdreg s11;
	(v2sf) =	vpush v2, $0x2  }
0x14e: {  	s14 =	sadd.s32 $0xC680, s20;
	s10 =	sadd.s32 $0xC880, s20;
	[dreg:$0x19] =	wrdreg s15  }
0x14f: {  	s28 =	sadd.s32 $0xCA80, s20;
	s15 =	sadd.s32 $0x4A00, s20;
	[dreg:$0x14] =	wrdreg s10;
	(v2sf) =	vpush v1, $0x2  }
0x150: {  	s29 =	sadd.s32 $0x4780, s20;
	s10 =	sadd.s32 $0x4480, s20;
	s31 =	sadd.s32 $0xC780, s20  }
0x151: {  	s18 =	sadd.s32 $0x4600, s20;
	s4 =	sadd.s32 $0xC580, s20;
	s17 =	sadd.s32 $0x4800, s20;
	(v2sf) =	vpush v2, $0x3  }
0x152: {  	[smem:$0x7F3] =	sst s17;
	s17 =	sadd.s32 $0x4B00, s20;
	s5 =	sadd.s32 $0xC980, s20  }
0x153: {  	s30 =	sadd.s32 $0xCB00, s20;
	s1 =	sadd.s32 $0x4580, s20;
	[dreg:$0x8] =	wrdreg s5;
	(v2sf) =	vpush v1, $0x3  }
0x154: {  	s5 =	sadd.s32 $0xC700, s20;
	s7 =	sadd.s32 $0xC400, s20;
	s23 =	spop (v2sf)  }
0x155: {  	s6 =	sadd.s32 $0x4700, s20;
	(v2sf) =	vpush v2, $0x4;
	s11 =	sand.u32 $0x1FFFFFF0, s23;
	s23 =	sadd.s32 $0x4980, s20  }
0x156: {  	s25 =	sadd.s32 $0x10, s25;
	s24 =	spop (v2sf);
	[dreg:$0x17] =	wrdreg s23  }
0x157: {  	(v2sf) =	vpush v1, $0x4;
	s11 =	sadd.s32 s2, s11;
	s23 =	sand.u32 $0x1FFFFFF0, s24;
	s24 =	spop (v2sf)  }
0x158: {  	[tilespmem:s9], [sflag:$0x2] =	stream.linear.gather [hbm4b:s11+s19], $0x80, $0x38;
	[tilespmem:$0x10880] =	vst v63  }
0x159: {  	(v2sf) =	vpush v2, $0x5;
	s11 =	sadd.s32 s3, s23;
	s23 =	sand.u32 $0x1FFFFFF0, s24;
	s24 =	spop (v2sf)  }
0x15a: {  	(v2sf) =	vpush v1, $0x5;
	[tilespmem:s7], [sflag:$0x4] =	stream.linear.gather [hbm4b:s11+s19], $0x80, $0x38;
	[tilespmem:$0x10880] =	vst v63  }
0x15b: {  	s26 =	sadd.s32 $0x10, s26;
	s11 =	sadd.s32 s2, s23;
	s23 =	sand.u32 $0x1FFFFFF0, s24  }
0x15c: {  	s24 =	spop (v2sf);
	(v2sf) =	vpush v2, $0x6;
	s7 =	sld [smem:$0x7F3];
	s23 =	sadd.s32 s3, s23  }
0x15d: {  	[tilespmem:s10], [sflag:$0x2] =	stream.linear.gather [hbm4b:s11+s19], $0x80, $0x38;
	[tilespmem:$0x10880] =	vst v63  }
0x15e: {  	s24 =	sand.u32 $0x1FFFFFF0, s24;
	s11 =	smov.u32 s0;
	s0 =	spop (v2sf);
	(v2sf) =	vpush v1, $0x6  }
0x15f: {  	[tilespmem:s8], [sflag:$0x4] =	stream.linear.gather [hbm4b:s23+s19], $0x80, $0x38;
	[tilespmem:$0x10880] =	vst v63  }
0x160: {  	s23 =	sadd.s32 s2, s24;
	s24 =	sand.u32 $0x1FFFFFF0, s0;
	s0 =	spop (v2sf);
	(v2sf) =	vpush v2, $0x7  }
0x161: {  	[tilespmem:s16], [sflag:$0x2] =	stream.linear.gather [hbm4b:s23+s19], $0x80, $0x38;
	[tilespmem:$0x10880] =	vst v63  }
0x162: {  	s8 =	sadd.s32 s3, s24;
	s10 =	sand.u32 $0x1FFFFFF0, s0;
	s16 =	spop (v2sf);
	(v2sf) =	vpush v1, $0x7  }
0x163: {  	[tilespmem:s22], [sflag:$0x4] =	stream.linear.gather [hbm4b:s8+s19], $0x80, $0x38;
	[tilespmem:$0x10880] =	vst v63  }
0x164: {  	s23 =	sadd.s32 s2, s10;
	s24 =	sand.u32 $0x1FFFFFF0, s16;
	s0 =	spop (v2sf)  }
0x165: {  	[tilespmem:s1], [sflag:$0x2] =	stream.linear.gather [hbm4b:s23+s19], $0x80, $0x38;
	[tilespmem:$0x10880] =	vst v63  }
0x166: {  	(v2sf) =	vpush v2, $0x8;
	s10 =	sadd.s32 s3, s24;
	s16 =	sand.u32 $0x1FFFFFF0, s0;
	s22 =	spop (v2sf)  }
0x167: {  	[tilespmem:s4], [sflag:$0x4] =	stream.linear.gather [hbm4b:s10+s19], $0x80, $0x38;
	[tilespmem:$0x10880] =	vst v63  }
0x168: {  	s23 =	sadd.s32 s2, s16;
	(v2sf) =	vpush v1, $0x8;
	s24 =	sand.u32 $0x1FFFFFF0, s22;
	s0 =	spop (v2sf)  }
0x169: {  	(v2sf) =	vpush v2, $0x9;
	s22 =	sld [smem:$0x7F2];
	s8 =	sadd.s32 s3, s24;
	s10 =	spop (v2sf)  }
0x16a: {  	[tilespmem:s18], [sflag:$0x2] =	stream.linear.gather [hbm4b:s23+s19], $0x80, $0x38;
	[tilespmem:$0x10880] =	vst v63  }
0x16b: {  	s9 =	sand.u32 $0x1FFFFFF0, s0;
	(v2sf) =	vpush v1, $0x9;
	s16 =	sand.u32 $0x1FFFFFF0, s10;
	s18 =	spop (v2sf)  }
0x16c: {  	[tilespmem:s13], [sflag:$0x4] =	stream.linear.gather [hbm4b:s8+s19], $0x80, $0x38;
	[tilespmem:$0x10880] =	vst v63  }
0x16d: {  	s13 =	sadd.s32 s2, s9;
	s24 =	sand.u32 $0x1FFFFFF0, s18;
	s0 =	spop (v2sf)  }
0x16e: {  	[tilespmem:s22], [sflag:$0x2] =	stream.linear.gather [hbm4b:s13+s19], $0x80, $0x38;
	[tilespmem:$0x10880] =	vst v63  }
0x16f: {  	(v2sf) =	vpush v2, $0xA;
	s23 =	sadd.s32 s3, s16;
	s4 =	sadd.s32 s2, s24;
	s9 =	spop (v2sf)  }
0x170: {  	[tilespmem:s14], [sflag:$0x4] =	stream.linear.gather [hbm4b:s23+s19], $0x80, $0x38;
	[tilespmem:$0x10880] =	vst v63  }
0x171: {  	(v2sf) =	vpush v1, $0xA;
	s8 =	sand.u32 $0x1FFFFFF0, s0;
	s13 =	sand.u32 $0x1FFFFFF0, s9;
	s14 =	spop (v2sf)  }
0x172: {  	[tilespmem:s6], [sflag:$0x2] =	stream.linear.gather [hbm4b:s4+s19], $0x80, $0x38;
	[tilespmem:$0x10880] =	vst v63  }
0x173: {  	(v2sf) =	vpush v2, $0xB;
	s10 =	sadd.s32 s3, s8;
	s16 =	sadd.s32 s2, s13;
	s18 =	sand.u32 $0x1FFFFFF0, s14  }
0x174: {  	[tilespmem:s5], [sflag:$0x4] =	stream.linear.gather [hbm4b:s10+s19], $0x80, $0x38;
	[tilespmem:$0x10880] =	vst v63  }
0x175: {  	s13 =	rddreg [dreg:$0x19];
	s22 =	spop (v2sf);
	s23 =	sadd.s32 s3, s18  }
0x176: {  	[tilespmem:s29], [sflag:$0x2] =	stream.linear.gather [hbm4b:s16+s19], $0x80, $0x38;
	[tilespmem:$0x10880] =	vst v63  }
0x177: {  	(v2sf) =	vpush v1, $0xB;
	s24 =	sand.u32 $0x1FFFFFF0, s22;
	s22 =	rddreg [dreg:$0xc];
	s29 =	spop (v2sf)  }
0x178: {  	(v2sf) =	vpush v2, $0xC;
	s1 =	sadd.s32 s2, s24;
	s4 =	sand.u32 $0x1FFFFFF0, s29;
	s6 =	spop (v2sf)  }
0x179: {  	[tilespmem:s31], [sflag:$0x4] =	stream.linear.gather [hbm4b:s23+s19], $0x80, $0x38;
	[tilespmem:$0x10880] =	vst v63  }
0x17a: {  	(v2sf) =	vpush v1, $0xC;
	s8 =	sadd.s32 s3, s4;
	s9 =	sand.u32 $0x1FFFFFF0, s6;
	s10 =	spop (v2sf)  }
0x17b: {  	[tilespmem:s7], [sflag:$0x2] =	stream.linear.gather [hbm4b:s1+s19], $0x80, $0x38;
	[tilespmem:$0x10880] =	vst v63  }
0x17c: {  	s31 =	rddreg [dreg:$0x14];
	s14 =	sadd.s32 s2, s9;
	s16 =	sand.u32 $0x1FFFFFF0, s10  }
0x17d: {  	[tilespmem:s13], [sflag:$0x4] =	stream.linear.gather [hbm4b:s8+s19], $0x80, $0x38;
	[tilespmem:$0x10880] =	vst v63  }
0x17e: {  	s9 =	rddreg [dreg:$0x10];
	s18 =	spop (v2sf);
	s23 =	sadd.s32 s3, s16  }
0x17f: {  	[tilespmem:s22], [sflag:$0x2] =	stream.linear.gather [hbm4b:s14+s19], $0x80, $0x38;
	[tilespmem:$0x10880] =	vst v63  }
0x180: {  	s16 =	rddreg [dreg:$0x4];
	s24 =	sand.u32 $0x1FFFFFF0, s18;
	s29 =	spop (v2sf)  }
0x181: {  	[tilespmem:s31], [sflag:$0x4] =	stream.linear.gather [hbm4b:s23+s19], $0x80, $0x38;
	[tilespmem:$0x10880] =	vst v63  }
0x182: {  	s6 =	sadd.s32 s2, s24;
	s7 =	sand.u32 $0x1FFFFFF0, s29;
	s8 =	spop (v2sf)  }
0x183: {  	[tilespmem:s9], [sflag:$0x2] =	stream.linear.gather [hbm4b:s6+s19], $0x80, $0x38;
	[tilespmem:$0x10880] =	vst v63  }
0x184: {  	s24 =	rddreg [dreg:$0x17];
	s10 =	sadd.s32 s3, s7;
	s13 =	sand.u32 $0x1FFFFFF0, s8  }
0x185: {  	(v2sf) =	vpush v2, $0xD;
	[tilespmem:s16], [sflag:$0x4] =	stream.linear.gather [hbm4b:s10+s19], $0x80, $0x38;
	[tilespmem:$0x10880] =	vst v63  }
.Ltmp1:
0x186: {  	(v2sf) =	vpush v1, $0xD;
	s14 =	spop (v2sf);
	s18 =	sadd.s32 s2, s13;
	(pc) =	sbr.rel @p0 .LBB2_4-.Ltmp1, $4  }
0x187: {  	(v2sf) =	vpush v2, $0xE;
	s31 =	rddreg [dreg:$0x8];
	s22 =	sand.u32 $0x1FFFFFF0, s14;
	s23 =	spop (v2sf)  }
0x188: {  	(v2sf) =	vpush v1, $0xE;
	[tilespmem:s24], [sflag:$0x2] =	stream.linear.gather [hbm4b:s18+s19], $0x80, $0x38;
	[tilespmem:$0x10880] =	vst v63  }
0x189: {  	(v2sf) =	vpush v2, $0xF;
	s29 =	sadd.s32 s3, s22;
	s0 =	sand.u32 $0x1FFFFFF0, s23;
	s1 =	spop (v2sf)  }
0x18a: {  	(v2sf) =	vpush v1, $0xF;
	[tilespmem:s31], [sflag:$0x4] =	stream.linear.gather [hbm4b:s29+s19], $0x80, $0x38;
	[tilespmem:$0x10880] =	vst v63  }
0x18b: {  	_ =	sdelay $0x4  }
0x18c: {  	s0 =	sadd.s32 s2, s0;
	s1 =	sand.u32 $0x1FFFFFF0, s1  }
0x18d: {  	[tilespmem:s15], [sflag:$0x2] =	stream.linear.gather [hbm4b:s0+s19], $0x80, $0x38;
	[tilespmem:$0x10880] =	vst v63  }
0x18e: {  	s8 =	sadd.s32 s3, s1  }
0x18f: {  	[tilespmem:s11], [sflag:$0x4] =	stream.linear.gather [hbm4b:s8+s19], $0x80, $0x38;
	[tilespmem:$0x10880] =	vst v63  }
0x190: {  	s4 =	spop (v2sf)  }
0x191: {  	s9 =	sand.u32 $0x1FFFFFF0, s4;
	s10 =	spop (v2sf)  }
0x192: {  	s11 =	sadd.s32 s2, s9;
	s13 =	sand.u32 $0x1FFFFFF0, s10;
	s14 =	spop (v2sf)  }
0x193: {  	[tilespmem:s12], [sflag:$0x2] =	stream.linear.gather [hbm4b:s11+s19], $0x80, $0x38;
	[tilespmem:$0x10880] =	vst v63  }
0x194: {  	s15 =	sadd.s32 s3, s13;
	s16 =	sand.u32 $0x1FFFFFF0, s14;
	s18 =	spop (v2sf)  }
0x195: {  	[tilespmem:s28], [sflag:$0x4] =	stream.linear.gather [hbm4b:s15+s19], $0x80, $0x38;
	[tilespmem:$0x10880] =	vst v63  }
0x196: {  	s21 =	sadd.s32 s2, s16;
	s22 =	sand.u32 $0x1FFFFFF0, s18;
	s23 =	spop (v2sf)  }
0x197: {  	[tilespmem:s17], [sflag:$0x2] =	stream.linear.gather [hbm4b:s21+s19], $0x80, $0x38;
	[tilespmem:$0x10880] =	vst v63  }
0x198: {  	s24 =	sadd.s32 s3, s22;
	s25 =	sand.u32 $0x1FFFFFF0, s23;
	s26 =	spop (v2sf)  }
0x199: {  	[tilespmem:s30], [sflag:$0x4] =	stream.linear.gather [hbm4b:s24+s19], $0x80, $0x38;
	[tilespmem:$0x10880] =	vst v63  }
0x19a: {  	s28 =	sadd.s32 $0x4B80, s20;
	s1 =	sadd.s32 s2, s25;
	s4 =	sand.u32 $0x1FFFFFF0, s26  }
0x19b: {  	[tilespmem:s28], [sflag:$0x2] =	stream.linear.gather [hbm4b:s1+s19], $0x80, $0x38;
	[tilespmem:$0x10880] =	vst v63  }
0x19c: {  	s29 =	sadd.s32 $0xCB80, s20;
	s31 =	simm.s32 $0x0;
	s30 =	sadd.s32 s3, s4  }
0x19d: {  	[tilespmem:s29], [sflag:$0x4] =	stream.linear.gather [hbm4b:s30+s19], $0x80, $0x38;
	[tilespmem:$0x10880] =	vst v63  }
0x19e: {  	v1 =	vld [tilespmem:s31+$0x400]  }
0x19f: {  	v2 =	vld [tilespmem:s31+$0x8400]  }
0x1a0: {  	v6 =	vld [tilespmem:s31+$0x410]  }
0x1a1: {  	v7 =	vld [tilespmem:s31+$0x8410]  }
0x1a2: {  	v3 =	vld [tilespmem:s31+$0x420]  }
0x1a3: {  	v5 =	vld [tilespmem:s31+$0x8420]  }
0x1a4: {  	v4 =	vld [tilespmem:s31+$0x8430];
	v8 =	vmul.f32 v2, v1  }
0x1a5: {  	v9 =	vimm.f32 $0.0e+00;
	s0 =	simm.s32 $0x80;
	v1 =	vld [tilespmem:s31+$0x430]  }
0x1a6: {  	s1 =	simm.s32 $0x400;
	v2 =	vld [tilespmem:s0+$0x400];
	v16 =	vmul.f32 v7, v6;
	v15 =	vadd.f32 v8, v9  }
.LBB2_6:
0x1a7: {  	p0 =	sne.s32 s1, $0xFE00;
	v6 =	vld [tilespmem:s0+$0x8400]  }
0x1a8: {  	v7 =	vld [tilespmem:s0+$0x410];
	v8 =	vadd.f32 v16, v15;
	v5 =	vmul.f32 v5, v3  }
0x1a9: {  	v9 =	vld [tilespmem:s0+$0x8410]  }
.Ltmp2:
0x1aa: {  	v3 =	vld [tilespmem:s0+$0x420];
	v8 =	vadd.f32 v5, v8;
	v4 =	vmul.f32 v4, v1;
	(pc) =	sbr.rel @p0 .LBB2_6-.Ltmp2, $4  }
0x1ab: {  	v5 =	vld [tilespmem:s0+$0x8420]  }
0x1ac: {  	v6 =	vmul.f32 v6, v2;
	v1 =	vld [tilespmem:s0+$0x430];
	v8 =	vadd.f32 v4, v8  }
0x1ad: {  	v4 =	vld [tilespmem:s0+$0x8430];
	s0 =	sshra.s32 s1, $0x2  }
0x1ae: {  	s1 =	sadd.s32 $0x200, s1;
	v2 =	vld [tilespmem:s0+$0x400];
	v15 =	vadd.f32 v6, v8;
	v16 =	vmul.f32 v9, v7  }
0x1af: {  	v14 =	vld [tilespmem:s0+$0x8400]  }
0x1b0: {  	v12 =	vld [tilespmem:s0+$0x410]  }
0x1b1: {  	v13 =	vld [tilespmem:s0+$0x8410]  }
0x1b2: {  	v9 =	vld [tilespmem:s0+$0x420]  }
0x1b3: {  	v10 =	vld [tilespmem:s0+$0x8420]  }
0x1b4: {  	v6 =	vld [tilespmem:s0+$0x430];
	s7 =	simm.s32 $0x2  }
0x1b5: {  	v7 =	vld [tilespmem:s0+$0x8430];
	_ =	swait.ge [sflag:s7], $0x4000  }
0x1b6: {  	[sflag:s7] =	ssyncset.done $0x0  }
0x1b7: {  	s8 =	simm.s32 $0x4;
	[sflag:s7] =	ssyncadd.s32 $0xFFFFC000  }
0x1b8: {  	_ =	swait.ge [sflag:s8], $0x4000  }
0x1b9: {  	[sflag:s8] =	ssyncset.done $0x0  }
0x1ba: {  	s9 =	simm.s32 $0x100;
	[sflag:s8] =	ssyncadd.s32 $0xFFFFC000  }
0x1bb: {  	v8 =	vld [tilespmem:s9+$0x0]  }
0x1bc: {  	s10 =	simm.s32 $0x300  }
0x1bd: {  	v17 =	vld [tilespmem:s10+$0x0];
	_ =	sdelay $0x2  }
0x1be: {  	v11 =	vshll.u32 v8, $0x4  }
0x1bf: {  	(v2sf) =	vpush v11, $0x0  }
0x1c0: {  	v63 =	vshll.u32 v17, $0x4  }
0x1c1: {  	(v2sf) =	vpush v63, $0x0  }
0x1c2: {  	(v2sf) =	vpush v11, $0x1;
	_ =	sdelay $0x1  }
0x1c3: {  	(v2sf) =	vpush v63, $0x1;
	_ =	sdelay $0x1  }
0x1c4: {  	(v2sf) =	vpush v11, $0x2;
	_ =	sdelay $0x1  }
0x1c5: {  	(v2sf) =	vpush v63, $0x2;
	_ =	sdelay $0x1  }
0x1c6: {  	s19 =	simm.s32 $0x0;
	s21 =	simm.s32 $0x2000;
	(v2sf) =	vpush v11, $0x3  }
0x1c7: {  	s20 =	simm.s32 $0x0;
	s5 =	simm.s32 $0x8400;
	s1 =	simm.s32 $0x680  }
0x1c8: {  	s0 =	simm.s32 $0x880;
	s6 =	simm.s32 $0x400;
	s4 =	simm.s32 $0x8900  }
0x1c9: {  	s12 =	simm.s32 $0x580;
	s14 =	simm.s32 $0x480;
	s17 =	simm.s32 $0x8480  }
0x1ca: {  	s22 =	simm.s32 $0x500;
	s25 =	simm.s32 $0x8500;
	s7 =	spop (v2sf);
	(v2sf) =	vpush v63, $0x3  }
0x1cb: {  	s28 =	simm.s32 $0x8A00;
	s29 =	simm.s32 $0x8A80;
	s30 =	simm.s32 $0x8B00  }
0x1cc: {  	s8 =	simm.s32 $0x600;
	s7 =	sand.u32 $0x1FFFFFF0, s7;
	s9 =	spop (v2sf);
	(v2sf) =	vpush v11, $0x4  }
0x1cd: {  	s7 =	sadd.s32 s2, s7;
	s11 =	sand.u32 $0x1FFFFFF0, s9;
	s13 =	spop (v2sf)  }
0x1ce: {  	[tilespmem:s6], [sflag:$0x1] =	stream.linear.gather [hbm4b:s7+s19], $0x80, $0x38;
	[tilespmem:$0x10880] =	vst v63  }
0x1cf: {  	(v2sf) =	vpush v63, $0x4;
	s7 =	sadd.s32 s3, s11;
	s9 =	sand.u32 $0x1FFFFFF0, s13;
	s11 =	spop (v2sf)  }
0x1d0: {  	(v2sf) =	vpush v11, $0x5;
	[tilespmem:s5], [sflag:$0x3] =	stream.linear.gather [hbm4b:s7+s19], $0x80, $0x38;
	[tilespmem:$0x10880] =	vst v63  }
0x1d1: {  	s15 =	sadd.s32 s2, s9;
	s16 =	sand.u32 $0x1FFFFFF0, s11;
	s18 =	spop (v2sf);
	(v2sf) =	vpush v63, $0x5  }
0x1d2: {  	[tilespmem:s14], [sflag:$0x1] =	stream.linear.gather [hbm4b:s15+s19], $0x80, $0x38;
	[tilespmem:$0x10880] =	vst v63  }
0x1d3: {  	s9 =	sadd.s32 s3, s16;
	(v2sf) =	vpush v11, $0x6;
	s7 =	sand.u32 $0x1FFFFFF0, s18;
	s23 =	spop (v2sf)  }
0x1d4: {  	[tilespmem:s17], [sflag:$0x3] =	stream.linear.gather [hbm4b:s9+s19], $0x80, $0x38;
	[tilespmem:$0x10880] =	vst v63  }
0x1d5: {  	s7 =	sadd.s32 s2, s7;
	s24 =	spop (v2sf);
	(v2sf) =	vpush v63, $0x6;
	s9 =	sand.u32 $0x1FFFFFF0, s23  }
0x1d6: {  	[tilespmem:s22], [sflag:$0x1] =	stream.linear.gather [hbm4b:s7+s19], $0x80, $0x38;
	[tilespmem:$0x10880] =	vst v63  }
0x1d7: {  	s10 =	simm.s32 $0x8600;
	s11 =	sand.u32 $0x1FFFFFF0, s24;
	s26 =	sadd.s32 s3, s9  }
0x1d8: {  	[tilespmem:s25], [sflag:$0x3] =	stream.linear.gather [hbm4b:s26+s19], $0x80, $0x38;
	[tilespmem:$0x10880] =	vst v63  }
0x1d9: {  	s6 =	simm.s32 $0x8580;
	s9 =	sadd.s32 s2, s11;
	s31 =	spop (v2sf)  }
0x1da: {  	[tilespmem:s12], [sflag:$0x1] =	stream.linear.gather [hbm4b:s9+s19], $0x80, $0x38;
	[tilespmem:$0x10880] =	vst v63  }
0x1db: {  	s16 =	simm.s32 $0x8680;
	(v2sf) =	vpush v11, $0x7;
	s5 =	sand.u32 $0x1FFFFFF0, s31;
	s12 =	spop (v2sf)  }
0x1dc: {  	s18 =	simm.s32 $0x700;
	s5 =	sadd.s32 s3, s5;
	s9 =	sand.u32 $0x1FFFFFF0, s12  }
0x1dd: {  	(v2sf) =	vpush v63, $0x7;
	[tilespmem:s6], [sflag:$0x3] =	stream.linear.gather [hbm4b:s5+s19], $0x80, $0x38;
	[tilespmem:$0x10880] =	vst v63  }
0x1de: {  	s13 =	spop (v2sf);
	s12 =	simm.s32 $0xA80;
	(v2sf) =	vpush v11, $0x8;
	s14 =	sadd.s32 s2, s9  }
0x1df: {  	s15 =	sand.u32 $0x1FFFFFF0, s13;
	s17 =	spop (v2sf);
	s9 =	simm.s32 $0x8700  }
0x1e0: {  	(v2sf) =	vpush v63, $0x8;
	s13 =	simm.s32 $0x780;
	s6 =	sadd.s32 s3, s15;
	s23 =	spop (v2sf)  }
0x1e1: {  	(v2sf) =	vpush v11, $0x9;
	[tilespmem:s8], [sflag:$0x1] =	stream.linear.gather [hbm4b:s14+s19], $0x80, $0x38;
	[tilespmem:$0x10880] =	vst v63  }
0x1e2: {  	s22 =	sand.u32 $0x1FFFFFF0, s17;
	s8 =	sand.u32 $0x1FFFFFF0, s23;
	s24 =	spop (v2sf)  }
0x1e3: {  	(v2sf) =	vpush v63, $0x9;
	[tilespmem:s10], [sflag:$0x3] =	stream.linear.gather [hbm4b:s6+s19], $0x80, $0x38;
	[tilespmem:$0x10880] =	vst v63  }
0x1e4: {  	s7 =	sadd.s32 s2, s22;
	s25 =	sadd.s32 s3, s8;
	s31 =	spop (v2sf)  }
0x1e5: {  	(v2sf) =	vpush v11, $0xA;
	[tilespmem:s1], [sflag:$0x1] =	stream.linear.gather [hbm4b:s7+s19], $0x80, $0x38;
	[tilespmem:$0x10880] =	vst v63  }
0x1e6: {  	s26 =	sand.u32 $0x1FFFFFF0, s24;
	s24 =	simm.s32 $0x8800;
	s5 =	sand.u32 $0x1FFFFFF0, s31  }
0x1e7: {  	(v2sf) =	vpush v63, $0xA;
	[tilespmem:s16], [sflag:$0x3] =	stream.linear.gather [hbm4b:s25+s19], $0x80, $0x38;
	[tilespmem:$0x10880] =	vst v63  }
0x1e8: {  	s8 =	sadd.s32 s2, s26;
	s31 =	simm.s32 $0x8880;
	s5 =	sadd.s32 s3, s5  }
0x1e9: {  	[tilespmem:s18], [sflag:$0x1] =	stream.linear.gather [hbm4b:s8+s19], $0x80, $0x38;
	[tilespmem:$0x10880] =	vst v63  }
0x1ea: {  	s1 =	simm.s32 $0x8980;
	s16 =	simm.s32 $0x8780;
	s10 =	spop (v2sf)  }
0x1eb: {  	(v2sf) =	vpush v11, $0xB;
	[tilespmem:s9], [sflag:$0x3] =	stream.linear.gather [hbm4b:s5+s19], $0x80, $0x38;
	[tilespmem:$0x10880] =	vst v63  }
0x1ec: {  	s18 =	simm.s32 $0x800;
	s7 =	sand.u32 $0x1FFFFFF0, s10;
	s11 =	spop (v2sf)  }
0x1ed: {  	s9 =	simm.s32 $0x900;
	(v2sf) =	vpush v63, $0xB;
	s14 =	sadd.s32 s2, s7;
	s17 =	spop (v2sf)  }
0x1ee: {  	[tilespmem:s13], [sflag:$0x1] =	stream.linear.gather [hbm4b:s14+s19], $0x80, $0x38;
	[tilespmem:$0x10880] =	vst v63  }
0x1ef: {  	s15 =	sand.u32 $0x1FFFFFF0, s11;
	s6 =	sand.u32 $0x1FFFFFF0, s17;
	s22 =	spop (v2sf)  }
0x1f0: {  	s7 =	sadd.s32 s3, s15;
	s6 =	sadd.s32 s2, s6;
	s23 =	spop (v2sf)  }
0x1f1: {  	(v2sf) =	vpush v11, $0xC;
	[tilespmem:s16], [sflag:$0x3] =	stream.linear.gather [hbm4b:s7+s19], $0x80, $0x38;
	[tilespmem:$0x10880] =	vst v63  }
0x1f2: {  	s7 =	sand.u32 $0x1FFFFFF0, s22;
	s26 =	sand.u32 $0x1FFFFFF0, s23;
	s8 =	spop (v2sf)  }
0x1f3: {  	(v2sf) =	vpush v63, $0xC;
	[tilespmem:s18], [sflag:$0x1] =	stream.linear.gather [hbm4b:s6+s19], $0x80, $0x38;
	[tilespmem:$0x10880] =	vst v63  }
0x1f4: {  	s22 =	simm.s32 $0x980;
	s25 =	sadd.s32 s3, s7;
	s10 =	spop (v2sf)  }
0x1f5: {  	[tilespmem:s24], [sflag:$0x3] =	stream.linear.gather [hbm4b:s25+s19], $0x80, $0x38;
	[tilespmem:$0x10880] =	vst v63  }
0x1f6: {  	v15 =	vadd.f32 v16, v15;
	v3 =	vmul.f32 v5, v3;
	s7 =	sadd.s32 s2, s26;
	s6 =	sand.u32 $0x1FFFFFF0, s8;
	s11 =	spop (v2sf)  }
0x1f7: {  	[tilespmem:s0], [sflag:$0x1] =	stream.linear.gather [hbm4b:s7+s19], $0x80, $0x38;
	[tilespmem:$0x10880] =	vst v63  }
0x1f8: {  	v3 =	vadd.f32 v3, v15;
	v1 =	vmul.f32 v4, v1;
	s6 =	sadd.s32 s3, s6;
	s14 =	sand.u32 $0x1FFFFFF0, s11;
	s7 =	sand.u32 $0x1FFFFFF0, s10  }
0x1f9: {  	[tilespmem:s31], [sflag:$0x3] =	stream.linear.gather [hbm4b:s6+s19], $0x80, $0x38;
	[tilespmem:$0x10880] =	vst v63  }
0x1fa: {  	v2 =	vmul.f32 v14, v2;
	v1 =	vadd.f32 v1, v3;
	s16 =	sadd.s32 s3, s14;
	s13 =	sadd.s32 s2, s7;
	s15 =	spop (v2sf)  }
0x1fb: {  	[tilespmem:s9], [sflag:$0x1] =	stream.linear.gather [hbm4b:s13+s19], $0x80, $0x38;
	[tilespmem:$0x10880] =	vst v63  }
0x1fc: {  	v1 =	vadd.f32 v2, v1;
	v2 =	vmul.f32 v13, v12;
	s25 =	simm.s32 $0x310;
	s17 =	sand.u32 $0x1FFFFFF0, s15;
	s18 =	spop (v2sf)  }
0x1fd: {  	(v2sf) =	vpush v11, $0xD;
	[tilespmem:s4], [sflag:$0x3] =	stream.linear.gather [hbm4b:s16+s19], $0x80, $0x38;
	[tilespmem:$0x10880] =	vst v63  }
0x1fe: {  	v1 =	vadd.f32 v2, v1;
	v2 =	vmul.f32 v10, v9;
	(v2sf) =	vpush v63, $0xD;
	s15 =	simm.s32 $0xA00;
	s23 =	sadd.s32 s2, s17;
	s24 =	sand.u32 $0x1FFFFFF0, s18  }
0x1ff: {  	(v2sf) =	vpush v11, $0xE;
	[tilespmem:s22], [sflag:$0x1] =	stream.linear.gather [hbm4b:s23+s19], $0x80, $0x38;
	[tilespmem:$0x10880] =	vst v63  }
0x200: {  	v1 =	vadd.f32 v2, v1;
	v2 =	vmul.f32 v7, v6;
	s17 =	simm.s32 $0xB00;
	s26 =	sadd.s32 s3, s24;
	(v2sf) =	vpush v63, $0xE;
	s31 =	spop (v2sf)  }
0x201: {  	(v2sf) =	vpush v11, $0xF;
	[tilespmem:s1], [sflag:$0x3] =	stream.linear.gather [hbm4b:s26+s19], $0x80, $0x38;
	[tilespmem:$0x10880] =	vst v63  }
0x202: {  	v1 =	vadd.f32 v2, v1;
	s0 =	sand.u32 $0x1FFFFFF0, s31;
	(v2sf) =	vpush v63, $0xF;
	s26 =	simm.s32 $0x110;
	s1 =	spop (v2sf)  }
.LBB2_8:
0x203: {  	_ =	sdelay $0x4  }
0x204: {  	s0 =	sadd.s32 s2, s0;
	s1 =	sand.u32 $0x1FFFFFF0, s1  }
0x205: {  	[tilespmem:s15], [sflag:$0x1] =	stream.linear.gather [hbm4b:s0+s19], $0x80, $0x38;
	[tilespmem:$0x10880] =	vst v63  }
0x206: {  	s5 =	sadd.s32 s3, s1  }
0x207: {  	[tilespmem:s28], [sflag:$0x3] =	stream.linear.gather [hbm4b:s5+s19], $0x80, $0x38;
	[tilespmem:$0x10880] =	vst v63  }
0x208: {  	s4 =	spop (v2sf)  }
0x209: {  	s6 =	sand.u32 $0x1FFFFFF0, s4;
	s7 =	spop (v2sf)  }
0x20a: {  	s8 =	sadd.s32 s2, s6;
	s9 =	sand.u32 $0x1FFFFFF0, s7;
	s10 =	spop (v2sf)  }
0x20b: {  	[tilespmem:s12], [sflag:$0x1] =	stream.linear.gather [hbm4b:s8+s19], $0x80, $0x38;
	[tilespmem:$0x10880] =	vst v63  }
0x20c: {  	s11 =	sadd.s32 s3, s9;
	s12 =	sand.u32 $0x1FFFFFF0, s10;
	s13 =	spop (v2sf)  }
0x20d: {  	[tilespmem:s29], [sflag:$0x3] =	stream.linear.gather [hbm4b:s11+s19], $0x80, $0x38;
	[tilespmem:$0x10880] =	vst v63  }
0x20e: {  	s14 =	sadd.s32 s2, s12;
	s15 =	sand.u32 $0x1FFFFFF0, s13;
	s16 =	spop (v2sf)  }
0x20f: {  	[tilespmem:s17], [sflag:$0x1] =	stream.linear.gather [hbm4b:s14+s19], $0x80, $0x38;
	[tilespmem:$0x10880] =	vst v63  }
0x210: {  	s18 =	sand.u32 $0x1FFFFFF0, s16;
	s22 =	spop (v2sf);
	s17 =	sadd.s32 s3, s15  }
0x211: {  	[tilespmem:s30], [sflag:$0x3] =	stream.linear.gather [hbm4b:s17+s19], $0x80, $0x38;
	[tilespmem:$0x10880] =	vst v63  }
0x212: {  	s23 =	sadd.s32 $0xB80, s20;
	s1 =	sadd.s32 s2, s18;
	s4 =	sand.u32 $0x1FFFFFF0, s22  }
0x213: {  	[tilespmem:s23], [sflag:$0x1] =	stream.linear.gather [hbm4b:s1+s19], $0x80, $0x38;
	[tilespmem:$0x10880] =	vst v63  }
0x214: {  	s24 =	sadd.s32 $0x8B80, s20;
	s31 =	sadd.s32 s3, s4  }
0x215: {  	[tilespmem:s24], [sflag:$0x3] =	stream.linear.gather [hbm4b:s31+s19], $0x80, $0x38;
	[tilespmem:$0x10880] =	vst v63  }
0x216: {  	v2 =	vld [tilespmem:s26+$0x0]  }
0x217: {  	v4 =	vld [tilespmem:s25+$0x0];
	_ =	sdelay $0x3  }
0x218: {  	v3 =	vshll.u32 v2, $0x4  }
0x219: {  	v2 =	vshll.u32 v4, $0x4;
	(v2sf) =	vpush v3, $0x0  }
0x21a: {  	s4 =	smov.u32 s21;
	(v2sf) =	vpush v2, $0x0  }
0x21b: {  	p0 =	sne.s32 s21, $0xE000;
	s21 =	sadd.s32 $0x2000, s21;
	s20 =	sshra.s32 s4, $0x2;
	(v2sf) =	vpush v3, $0x1  }
0x21c: {  	s7 =	sadd.s32 $0x8400, s20;
	s0 =	sadd.s32 $0x680, s20;
	s5 =	sadd.s32 $0x880, s20  }
0x21d: {  	s9 =	sadd.s32 $0x400, s20;
	s18 =	sadd.s32 $0x600, s20;
	s6 =	sadd.s32 $0x8900, s20;
	(v2sf) =	vpush v2, $0x1  }
0x21e: {  	s4 =	sadd.s32 $0x8580, s20;
	s28 =	sadd.s32 $0x8A00, s20;
	s16 =	sadd.s32 $0x500, s20  }
0x21f: {  	s13 =	sadd.s32 $0x8600, s20;
	s8 =	sadd.s32 $0xA80, s20;
	[smem:$0x7F0] =	sst s0;
	(v2sf) =	vpush v3, $0x2  }
0x220: {  	s22 =	sadd.s32 $0x8500, s20;
	s14 =	sadd.s32 $0x8680, s20;
	[dreg:$0xd] =	wrdreg s5  }
0x221: {  	s10 =	sadd.s32 $0x8980, s20;
	s29 =	sadd.s32 $0x8A80, s20;
	[dreg:$0x5] =	wrdreg s6;
	(v2sf) =	vpush v2, $0x2  }
0x222: {  	s11 =	sadd.s32 $0x8880, s20;
	s12 =	sadd.s32 $0x900, s20;
	[dreg:$0x1c] =	wrdreg s8  }
0x223: {  	s15 =	sadd.s32 $0x8800, s20;
	s17 =	sadd.s32 $0x800, s20;
	[dreg:$0x9] =	wrdreg s10;
	(v2sf) =	vpush v3, $0x3  }
0x224: {  	s30 =	sadd.s32 $0x8B00, s20;
	s8 =	sadd.s32 $0x8480, s20;
	[dreg:$0x15] =	wrdreg s11  }
0x225: {  	s6 =	sadd.s32 $0x700, s20;
	s5 =	sadd.s32 $0x8700, s20;
	[dreg:$0x11] =	wrdreg s12;
	(v2sf) =	vpush v2, $0x3  }
0x226: {  	s12 =	sadd.s32 $0x780, s20;
	[dreg:$0x1a] =	wrdreg s15;
	s15 =	sadd.s32 $0xA00, s20  }
0x227: {  	s10 =	sadd.s32 $0x480, s20;
	[smem:$0x7F1] =	sst s17;
	s17 =	sadd.s32 $0xB00, s20;
	(v2sf) =	vpush v3, $0x4  }
0x228: {  	s1 =	sadd.s32 $0x580, s20;
	s31 =	sadd.s32 $0x8780, s20;
	s11 =	spop (v2sf)  }
0x229: {  	s25 =	sadd.s32 $0x10, s25;
	s23 =	sand.u32 $0x1FFFFFF0, s11;
	s24 =	spop (v2sf);
	(v2sf) =	vpush v2, $0x4  }
0x22a: {  	s23 =	sadd.s32 s2, s23;
	s24 =	sand.u32 $0x1FFFFFF0, s24;
	s0 =	spop (v2sf)  }
0x22b: {  	[tilespmem:s9], [sflag:$0x1] =	stream.linear.gather [hbm4b:s23+s19], $0x80, $0x38;
	[tilespmem:$0x10880] =	vst v63  }
0x22c: {  	(v2sf) =	vpush v3, $0x5;
	s23 =	sadd.s32 s3, s24;
	s0 =	sand.u32 $0x1FFFFFF0, s0;
	s24 =	spop (v2sf)  }
0x22d: {  	(v2sf) =	vpush v2, $0x5;
	[tilespmem:s7], [sflag:$0x3] =	stream.linear.gather [hbm4b:s23+s19], $0x80, $0x38;
	[tilespmem:$0x10880] =	vst v63  }
0x22e: {  	s0 =	sadd.s32 s2, s0;
	s23 =	sand.u32 $0x1FFFFFF0, s24;
	s24 =	spop (v2sf)  }
0x22f: {  	(v2sf) =	vpush v3, $0x6;
	[tilespmem:s10], [sflag:$0x1] =	stream.linear.gather [hbm4b:s0+s19], $0x80, $0x38;
	[tilespmem:$0x10880] =	vst v63  }
0x230: {  	s10 =	sadd.s32 s3, s23;
	s23 =	sand.u32 $0x1FFFFFF0, s24;
	s24 =	spop (v2sf)  }
0x231: {  	(v2sf) =	vpush v2, $0x6;
	[tilespmem:s8], [sflag:$0x3] =	stream.linear.gather [hbm4b:s10+s19], $0x80, $0x38;
	[tilespmem:$0x10880] =	vst v63  }
0x232: {  	s10 =	sadd.s32 s2, s23;
	s23 =	sand.u32 $0x1FFFFFF0, s24;
	s24 =	spop (v2sf)  }
0x233: {  	(v2sf) =	vpush v3, $0x7;
	[tilespmem:s16], [sflag:$0x1] =	stream.linear.gather [hbm4b:s10+s19], $0x80, $0x38;
	[tilespmem:$0x10880] =	vst v63  }
0x234: {  	s9 =	sadd.s32 s3, s23;
	s10 =	sand.u32 $0x1FFFFFF0, s24;
	s16 =	spop (v2sf)  }
0x235: {  	(v2sf) =	vpush v2, $0x7;
	[tilespmem:s22], [sflag:$0x3] =	stream.linear.gather [hbm4b:s9+s19], $0x80, $0x38;
	[tilespmem:$0x10880] =	vst v63  }
0x236: {  	s23 =	sand.u32 $0x1FFFFFF0, s16;
	s24 =	spop (v2sf);
	s22 =	sadd.s32 s2, s10  }
0x237: {  	(v2sf) =	vpush v3, $0x8;
	[tilespmem:s1], [sflag:$0x1] =	stream.linear.gather [hbm4b:s22+s19], $0x80, $0x38;
	[tilespmem:$0x10880] =	vst v63  }
0x238: {  	s26 =	sadd.s32 $0x10, s26;
	s1 =	sadd.s32 s3, s23;
	s8 =	spop (v2sf)  }
0x239: {  	[tilespmem:s4], [sflag:$0x3] =	stream.linear.gather [hbm4b:s1+s19], $0x80, $0x38;
	[tilespmem:$0x10880] =	vst v63  }
0x23a: {  	s11 =	sadd.s32 $0x980, s20;
	s7 =	sand.u32 $0x1FFFFFF0, s24;
	s10 =	sand.u32 $0x1FFFFFF0, s8  }
0x23b: {  	s9 =	sadd.s32 s2, s7;
	(v2sf) =	vpush v2, $0x8;
	s16 =	spop (v2sf);
	s22 =	sadd.s32 s3, s10  }
0x23c: {  	s23 =	sand.u32 $0x1FFFFFF0, s16;
	s24 =	spop (v2sf);
	s10 =	sld [smem:$0x7F0]  }
0x23d: {  	(v2sf) =	vpush v3, $0x9;
	[tilespmem:s18], [sflag:$0x1] =	stream.linear.gather [hbm4b:s9+s19], $0x80, $0x38;
	[tilespmem:$0x10880] =	vst v63  }
0x23e: {  	s7 =	sadd.s32 s2, s23;
	s8 =	sand.u32 $0x1FFFFFF0, s24;
	s9 =	spop (v2sf)  }
0x23f: {  	[tilespmem:s13], [sflag:$0x3] =	stream.linear.gather [hbm4b:s22+s19], $0x80, $0x38;
	[tilespmem:$0x10880] =	vst v63  }
0x240: {  	(v2sf) =	vpush v2, $0x9;
	s13 =	sadd.s32 s3, s8;
	s16 =	sand.u32 $0x1FFFFFF0, s9;
	s18 =	spop (v2sf)  }
0x241: {  	[tilespmem:s10], [sflag:$0x1] =	stream.linear.gather [hbm4b:s7+s19], $0x80, $0x38;
	[tilespmem:$0x10880] =	vst v63  }
0x242: {  	(v2sf) =	vpush v3, $0xA;
	s22 =	sadd.s32 s2, s16;
	s23 =	sand.u32 $0x1FFFFFF0, s18;
	s24 =	spop (v2sf)  }
0x243: {  	[tilespmem:s14], [sflag:$0x3] =	stream.linear.gather [hbm4b:s13+s19], $0x80, $0x38;
	[tilespmem:$0x10880] =	vst v63  }
0x244: {  	(v2sf) =	vpush v2, $0xA;
	s7 =	sadd.s32 s3, s23;
	s8 =	sand.u32 $0x1FFFFFF0, s24;
	s9 =	spop (v2sf)  }
0x245: {  	[tilespmem:s6], [sflag:$0x1] =	stream.linear.gather [hbm4b:s22+s19], $0x80, $0x38;
	[tilespmem:$0x10880] =	vst v63  }
0x246: {  	(v2sf) =	vpush v3, $0xB;
	s10 =	sadd.s32 s2, s8;
	s13 =	sand.u32 $0x1FFFFFF0, s9;
	s14 =	spop (v2sf)  }
0x247: {  	[tilespmem:s5], [sflag:$0x3] =	stream.linear.gather [hbm4b:s7+s19], $0x80, $0x38;
	[tilespmem:$0x10880] =	vst v63  }
0x248: {  	s6 =	sld [smem:$0x7F1];
	s16 =	sadd.s32 s3, s13;
	s18 =	sand.u32 $0x1FFFFFF0, s14  }
0x249: {  	[tilespmem:s12], [sflag:$0x1] =	stream.linear.gather [hbm4b:s10+s19], $0x80, $0x38;
	[tilespmem:$0x10880] =	vst v63  }
0x24a: {  	(v2sf) =	vpush v2, $0xB;
	s23 =	sadd.s32 s2, s18;
	s18 =	rddreg [dreg:$0xd];
	s22 =	spop (v2sf)  }
0x24b: {  	(v2sf) =	vpush v3, $0xC;
	[tilespmem:s31], [sflag:$0x3] =	stream.linear.gather [hbm4b:s16+s19], $0x80, $0x38;
	[tilespmem:$0x10880] =	vst v63  }
0x24c: {  	s12 =	rddreg [dreg:$0x1c];
	s24 =	sand.u32 $0x1FFFFFF0, s22;
	s31 =	spop (v2sf)  }
0x24d: {  	(v2sf) =	vpush v2, $0xC;
	s10 =	rddreg [dreg:$0x1a];
	s7 =	sadd.s32 s3, s24;
	s8 =	sand.u32 $0x1FFFFFF0, s31  }
0x24e: {  	[tilespmem:s6], [sflag:$0x1] =	stream.linear.gather [hbm4b:s23+s19], $0x80, $0x38;
	[tilespmem:$0x10880] =	vst v63  }
0x24f: {  	s9 =	spop (v2sf);
	s31 =	rddreg [dreg:$0x15];
	s13 =	sadd.s32 s2, s8  }
0x250: {  	[tilespmem:s10], [sflag:$0x3] =	stream.linear.gather [hbm4b:s7+s19], $0x80, $0x38;
	[tilespmem:$0x10880] =	vst v63  }
0x251: {  	s14 =	sand.u32 $0x1FFFFFF0, s9;
	s16 =	spop (v2sf);
	s9 =	rddreg [dreg:$0x11]  }
0x252: {  	[tilespmem:s18], [sflag:$0x1] =	stream.linear.gather [hbm4b:s13+s19], $0x80, $0x38;
	[tilespmem:$0x10880] =	vst v63  }
0x253: {  	s22 =	sadd.s32 s3, s14;
	s23 =	sand.u32 $0x1FFFFFF0, s16;
	s24 =	spop (v2sf)  }
0x254: {  	[tilespmem:s31], [sflag:$0x3] =	stream.linear.gather [hbm4b:s22+s19], $0x80, $0x38;
	[tilespmem:$0x10880] =	vst v63  }
0x255: {  	s6 =	sadd.s32 s2, s23;
	s7 =	sand.u32 $0x1FFFFFF0, s24;
	s8 =	spop (v2sf)  }
0x256: {  	[tilespmem:s9], [sflag:$0x1] =	stream.linear.gather [hbm4b:s6+s19], $0x80, $0x38;
	[tilespmem:$0x10880] =	vst v63  }
0x257: {  	s16 =	rddreg [dreg:$0x5];
	s10 =	sadd.s32 s3, s7;
	s13 =	sand.u32 $0x1FFFFFF0, s8  }
0x258: {  	(v2sf) =	vpush v3, $0xD;
	[tilespmem:s16], [sflag:$0x3] =	stream.linear.gather [hbm4b:s10+s19], $0x80, $0x38;
	[tilespmem:$0x10880] =	vst v63  }
.Ltmp3:
0x259: {  	(v2sf) =	vpush v2, $0xD;
	s14 =	spop (v2sf);
	s18 =	sadd.s32 s2, s13;
	(pc) =	sbr.rel @p0 .LBB2_8-.Ltmp3, $4  }
0x25a: {  	(v2sf) =	vpush v3, $0xE;
	s31 =	rddreg [dreg:$0x9];
	s22 =	sand.u32 $0x1FFFFFF0, s14;
	s23 =	spop (v2sf)  }
0x25b: {  	(v2sf) =	vpush v2, $0xE;
	[tilespmem:s11], [sflag:$0x1] =	stream.linear.gather [hbm4b:s18+s19], $0x80, $0x38;
	[tilespmem:$0x10880] =	vst v63  }
0x25c: {  	(v2sf) =	vpush v3, $0xF;
	s24 =	sadd.s32 s3, s22;
	s0 =	sand.u32 $0x1FFFFFF0, s23;
	s1 =	spop (v2sf)  }
0x25d: {  	(v2sf) =	vpush v2, $0xF;
	[tilespmem:s31], [sflag:$0x3] =	stream.linear.gather [hbm4b:s24+s19], $0x80, $0x38;
	[tilespmem:$0x10880] =	vst v63  }
0x25e: {  	_ =	sdelay $0x4  }
0x25f: {  	s0 =	sadd.s32 s2, s0;
	s1 =	sand.u32 $0x1FFFFFF0, s1  }
0x260: {  	[tilespmem:s15], [sflag:$0x1] =	stream.linear.gather [hbm4b:s0+s19], $0x80, $0x38;
	[tilespmem:$0x10880] =	vst v63  }
0x261: {  	s8 =	sadd.s32 s3, s1  }
0x262: {  	[tilespmem:s28], [sflag:$0x3] =	stream.linear.gather [hbm4b:s8+s19], $0x80, $0x38;
	[tilespmem:$0x10880] =	vst v63  }
0x263: {  	s4 =	spop (v2sf)  }
0x264: {  	s9 =	sand.u32 $0x1FFFFFF0, s4;
	s10 =	spop (v2sf)  }
0x265: {  	s11 =	sadd.s32 s2, s9;
	s13 =	sand.u32 $0x1FFFFFF0, s10;
	s14 =	spop (v2sf)  }
0x266: {  	[tilespmem:s12], [sflag:$0x1] =	stream.linear.gather [hbm4b:s11+s19], $0x80, $0x38;
	[tilespmem:$0x10880] =	vst v63  }
0x267: {  	s15 =	sadd.s32 s3, s13;
	s16 =	sand.u32 $0x1FFFFFF0, s14;
	s18 =	spop (v2sf)  }
0x268: {  	[tilespmem:s29], [sflag:$0x3] =	stream.linear.gather [hbm4b:s15+s19], $0x80, $0x38;
	[tilespmem:$0x10880] =	vst v63  }
0x269: {  	s21 =	sadd.s32 s2, s16;
	s22 =	sand.u32 $0x1FFFFFF0, s18;
	s23 =	spop (v2sf)  }
0x26a: {  	[tilespmem:s17], [sflag:$0x1] =	stream.linear.gather [hbm4b:s21+s19], $0x80, $0x38;
	[tilespmem:$0x10880] =	vst v63  }
0x26b: {  	s24 =	sadd.s32 s3, s22;
	s25 =	sand.u32 $0x1FFFFFF0, s23;
	s26 =	spop (v2sf)  }
0x26c: {  	[tilespmem:s30], [sflag:$0x3] =	stream.linear.gather [hbm4b:s24+s19], $0x80, $0x38;
	[tilespmem:$0x10880] =	vst v63  }
0x26d: {  	s28 =	sadd.s32 $0xB80, s20;
	s1 =	sadd.s32 s2, s25;
	s4 =	sand.u32 $0x1FFFFFF0, s26  }
0x26e: {  	[tilespmem:s28], [sflag:$0x1] =	stream.linear.gather [hbm4b:s1+s19], $0x80, $0x38;
	[tilespmem:$0x10880] =	vst v63  }
0x26f: {  	s31 =	simm.s32 $0x0;
	s29 =	sadd.s32 $0x8B80, s20;
	s30 =	sadd.s32 s3, s4  }
0x270: {  	[tilespmem:s29], [sflag:$0x3] =	stream.linear.gather [hbm4b:s30+s19], $0x80, $0x38;
	[tilespmem:$0x10880] =	vst v63  }
0x271: {  	v2 =	vld [tilespmem:s31+$0x4400]  }
0x272: {  	v3 =	vld [tilespmem:s31+$0xC400]  }
0x273: {  	v7 =	vld [tilespmem:s31+$0x4410]  }
0x274: {  	v8 =	vld [tilespmem:s31+$0xC410]  }
0x275: {  	v4 =	vld [tilespmem:s31+$0x4420]  }
0x276: {  	v6 =	vld [tilespmem:s31+$0xC420]  }
0x277: {  	v5 =	vld [tilespmem:s31+$0xC430];
	v9 =	vmul.f32 v3, v2  }
0x278: {  	s0 =	simm.s32 $0x80;
	v2 =	vld [tilespmem:s31+$0x4430]  }
0x279: {  	s1 =	simm.s32 $0x400;
	v3 =	vld [tilespmem:s0+$0x4400];
	v16 =	vmul.f32 v8, v7;
	v15 =	vadd.f32 v9, v1  }
.LBB2_10:
0x27a: {  	p0 =	sne.s32 s1, $0xFE00;
	v1 =	vld [tilespmem:s0+$0xC400]  }
0x27b: {  	v7 =	vld [tilespmem:s0+$0x4410];
	v8 =	vadd.f32 v16, v15;
	v6 =	vmul.f32 v6, v4  }
0x27c: {  	v9 =	vld [tilespmem:s0+$0xC410]  }
.Ltmp4:
0x27d: {  	v4 =	vld [tilespmem:s0+$0x4420];
	v8 =	vadd.f32 v6, v8;
	v5 =	vmul.f32 v5, v2;
	(pc) =	sbr.rel @p0 .LBB2_10-.Ltmp4, $4  }
0x27e: {  	v6 =	vld [tilespmem:s0+$0xC420]  }
0x27f: {  	v1 =	vmul.f32 v1, v3;
	v2 =	vld [tilespmem:s0+$0x4430];
	v8 =	vadd.f32 v5, v8  }
0x280: {  	v5 =	vld [tilespmem:s0+$0xC430];
	s0 =	sshra.s32 s1, $0x2  }
0x281: {  	s1 =	sadd.s32 $0x200, s1;
	v3 =	vld [tilespmem:s0+$0x4400];
	v15 =	vadd.f32 v1, v8;
	v16 =	vmul.f32 v9, v7  }
0x282: {  	v14 =	vld [tilespmem:s0+$0xC400]  }
0x283: {  	v12 =	vld [tilespmem:s0+$0x4410]  }
0x284: {  	v13 =	vld [tilespmem:s0+$0xC410]  }
0x285: {  	v9 =	vld [tilespmem:s0+$0x4420]  }
0x286: {  	v10 =	vld [tilespmem:s0+$0xC420]  }
0x287: {  	v1 =	vld [tilespmem:s0+$0x4430];
	s7 =	simm.s32 $0x1  }
0x288: {  	v7 =	vld [tilespmem:s0+$0xC430];
	_ =	swait.ge [sflag:s7], $0x4000  }
0x289: {  	[sflag:s7] =	ssyncset.done $0x0  }
0x28a: {  	s8 =	simm.s32 $0x3;
	[sflag:s7] =	ssyncadd.s32 $0xFFFFC000  }
0x28b: {  	_ =	swait.ge [sflag:s8], $0x4000  }
0x28c: {  	[sflag:s8] =	ssyncset.done $0x0  }
0x28d: {  	s9 =	simm.s32 $0x180;
	[sflag:s8] =	ssyncadd.s32 $0xFFFFC000  }
0x28e: {  	v8 =	vld [tilespmem:s9+$0x0]  }
0x28f: {  	s10 =	simm.s32 $0x380  }
0x290: {  	v17 =	vld [tilespmem:s10+$0x0];
	_ =	sdelay $0x2  }
0x291: {  	v11 =	vshll.u32 v8, $0x4  }
0x292: {  	(v2sf) =	vpush v11, $0x0  }
0x293: {  	v63 =	vshll.u32 v17, $0x4  }
0x294: {  	(v2sf) =	vpush v63, $0x0  }
0x295: {  	(v2sf) =	vpush v11, $0x1;
	_ =	sdelay $0x1  }
0x296: {  	(v2sf) =	vpush v63, $0x1;
	_ =	sdelay $0x1  }
0x297: {  	(v2sf) =	vpush v11, $0x2;
	_ =	sdelay $0x1  }
0x298: {  	(v2sf) =	vpush v63, $0x2;
	_ =	sdelay $0x1  }
0x299: {  	s19 =	simm.s32 $0x0;
	s21 =	simm.s32 $0x2000;
	(v2sf) =	vpush v11, $0x3  }
0x29a: {  	s20 =	simm.s32 $0x0;
	s5 =	simm.s32 $0xC400;
	s1 =	simm.s32 $0x4680  }
0x29b: {  	s0 =	simm.s32 $0x4880;
	s6 =	simm.s32 $0x4400;
	s4 =	simm.s32 $0xC900  }
0x29c: {  	s12 =	simm.s32 $0x4580;
	s14 =	simm.s32 $0x4480;
	s17 =	simm.s32 $0xC480  }
0x29d: {  	s22 =	simm.s32 $0x4500;
	s25 =	simm.s32 $0xC500;
	s7 =	spop (v2sf);
	(v2sf) =	vpush v63, $0x3  }
0x29e: {  	s28 =	simm.s32 $0xCA00;
	s29 =	simm.s32 $0xCA80;
	s30 =	simm.s32 $0xCB00  }
0x29f: {  	s8 =	simm.s32 $0x4600;
	s7 =	sand.u32 $0x1FFFFFF0, s7;
	s9 =	spop (v2sf);
	(v2sf) =	vpush v11, $0x4  }
0x2a0: {  	s7 =	sadd.s32 s2, s7;
	s11 =	sand.u32 $0x1FFFFFF0, s9;
	s13 =	spop (v2sf)  }
0x2a1: {  	[tilespmem:s6], [sflag:$0x2] =	stream.linear.gather [hbm4b:s7+s19], $0x80, $0x38;
	[tilespmem:$0x10880] =	vst v63  }
0x2a2: {  	(v2sf) =	vpush v63, $0x4;
	s7 =	sadd.s32 s3, s11;
	s9 =	sand.u32 $0x1FFFFFF0, s13;
	s11 =	spop (v2sf)  }
0x2a3: {  	(v2sf) =	vpush v11, $0x5;
	[tilespmem:s5], [sflag:$0x4] =	stream.linear.gather [hbm4b:s7+s19], $0x80, $0x38;
	[tilespmem:$0x10880] =	vst v63  }
0x2a4: {  	s15 =	sadd.s32 s2, s9;
	s16 =	sand.u32 $0x1FFFFFF0, s11;
	s18 =	spop (v2sf);
	(v2sf) =	vpush v63, $0x5  }
0x2a5: {  	[tilespmem:s14], [sflag:$0x2] =	stream.linear.gather [hbm4b:s15+s19], $0x80, $0x38;
	[tilespmem:$0x10880] =	vst v63  }
0x2a6: {  	s9 =	sadd.s32 s3, s16;
	(v2sf) =	vpush v11, $0x6;
	s7 =	sand.u32 $0x1FFFFFF0, s18;
	s23 =	spop (v2sf)  }
0x2a7: {  	[tilespmem:s17], [sflag:$0x4] =	stream.linear.gather [hbm4b:s9+s19], $0x80, $0x38;
	[tilespmem:$0x10880] =	vst v63  }
0x2a8: {  	s7 =	sadd.s32 s2, s7;
	s24 =	spop (v2sf);
	(v2sf) =	vpush v63, $0x6;
	s9 =	sand.u32 $0x1FFFFFF0, s23  }
0x2a9: {  	[tilespmem:s22], [sflag:$0x2] =	stream.linear.gather [hbm4b:s7+s19], $0x80, $0x38;
	[tilespmem:$0x10880] =	vst v63  }
0x2aa: {  	s10 =	simm.s32 $0xC600;
	s11 =	sand.u32 $0x1FFFFFF0, s24;
	s26 =	sadd.s32 s3, s9  }
0x2ab: {  	[tilespmem:s25], [sflag:$0x4] =	stream.linear.gather [hbm4b:s26+s19], $0x80, $0x38;
	[tilespmem:$0x10880] =	vst v63  }
0x2ac: {  	s6 =	simm.s32 $0xC580;
	s9 =	sadd.s32 s2, s11;
	s31 =	spop (v2sf)  }
0x2ad: {  	[tilespmem:s12], [sflag:$0x2] =	stream.linear.gather [hbm4b:s9+s19], $0x80, $0x38;
	[tilespmem:$0x10880] =	vst v63  }
0x2ae: {  	s16 =	simm.s32 $0xC680;
	(v2sf) =	vpush v11, $0x7;
	s5 =	sand.u32 $0x1FFFFFF0, s31;
	s12 =	spop (v2sf)  }
0x2af: {  	s18 =	simm.s32 $0x4700;
	s5 =	sadd.s32 s3, s5;
	s9 =	sand.u32 $0x1FFFFFF0, s12  }
0x2b0: {  	(v2sf) =	vpush v63, $0x7;
	[tilespmem:s6], [sflag:$0x4] =	stream.linear.gather [hbm4b:s5+s19], $0x80, $0x38;
	[tilespmem:$0x10880] =	vst v63  }
0x2b1: {  	s13 =	spop (v2sf);
	s12 =	simm.s32 $0x4A80;
	(v2sf) =	vpush v11, $0x8;
	s14 =	sadd.s32 s2, s9  }
0x2b2: {  	s15 =	sand.u32 $0x1FFFFFF0, s13;
	s17 =	spop (v2sf);
	s9 =	simm.s32 $0xC700  }
0x2b3: {  	(v2sf) =	vpush v63, $0x8;
	s13 =	simm.s32 $0x4780;
	s6 =	sadd.s32 s3, s15;
	s23 =	spop (v2sf)  }
0x2b4: {  	(v2sf) =	vpush v11, $0x9;
	[tilespmem:s8], [sflag:$0x2] =	stream.linear.gather [hbm4b:s14+s19], $0x80, $0x38;
	[tilespmem:$0x10880] =	vst v63  }
0x2b5: {  	s22 =	sand.u32 $0x1FFFFFF0, s17;
	s8 =	sand.u32 $0x1FFFFFF0, s23;
	s24 =	spop (v2sf)  }
0x2b6: {  	(v2sf) =	vpush v63, $0x9;
	[tilespmem:s10], [sflag:$0x4] =	stream.linear.gather [hbm4b:s6+s19], $0x80, $0x38;
	[tilespmem:$0x10880] =	vst v63  }
0x2b7: {  	s7 =	sadd.s32 s2, s22;
	s25 =	sadd.s32 s3, s8;
	s31 =	spop (v2sf)  }
0x2b8: {  	(v2sf) =	vpush v11, $0xA;
	[tilespmem:s1], [sflag:$0x2] =	stream.linear.gather [hbm4b:s7+s19], $0x80, $0x38;
	[tilespmem:$0x10880] =	vst v63  }
0x2b9: {  	s26 =	sand.u32 $0x1FFFFFF0, s24;
	s24 =	simm.s32 $0xC800;
	s5 =	sand.u32 $0x1FFFFFF0, s31  }
0x2ba: {  	(v2sf) =	vpush v63, $0xA;
	[tilespmem:s16], [sflag:$0x4] =	stream.linear.gather [hbm4b:s25+s19], $0x80, $0x38;
	[tilespmem:$0x10880] =	vst v63  }
0x2bb: {  	s8 =	sadd.s32 s2, s26;
	s31 =	simm.s32 $0xC880;
	s5 =	sadd.s32 s3, s5  }
0x2bc: {  	[tilespmem:s18], [sflag:$0x2] =	stream.linear.gather [hbm4b:s8+s19], $0x80, $0x38;
	[tilespmem:$0x10880] =	vst v63  }
0x2bd: {  	s1 =	simm.s32 $0xC980;
	s16 =	simm.s32 $0xC780;
	s10 =	spop (v2sf)  }
0x2be: {  	(v2sf) =	vpush v11, $0xB;
	[tilespmem:s9], [sflag:$0x4] =	stream.linear.gather [hbm4b:s5+s19], $0x80, $0x38;
	[tilespmem:$0x10880] =	vst v63  }
0x2bf: {  	s18 =	simm.s32 $0x4800;
	s7 =	sand.u32 $0x1FFFFFF0, s10;
	s11 =	spop (v2sf)  }
0x2c0: {  	s9 =	simm.s32 $0x4900;
	(v2sf) =	vpush v63, $0xB;
	s14 =	sadd.s32 s2, s7;
	s17 =	spop (v2sf)  }
0x2c1: {  	[tilespmem:s13], [sflag:$0x2] =	stream.linear.gather [hbm4b:s14+s19], $0x80, $0x38;
	[tilespmem:$0x10880] =	vst v63  }
0x2c2: {  	s15 =	sand.u32 $0x1FFFFFF0, s11;
	s6 =	sand.u32 $0x1FFFFFF0, s17;
	s22 =	spop (v2sf)  }
0x2c3: {  	s7 =	sadd.s32 s3, s15;
	s6 =	sadd.s32 s2, s6;
	s23 =	spop (v2sf)  }
0x2c4: {  	(v2sf) =	vpush v11, $0xC;
	[tilespmem:s16], [sflag:$0x4] =	stream.linear.gather [hbm4b:s7+s19], $0x80, $0x38;
	[tilespmem:$0x10880] =	vst v63  }
0x2c5: {  	s7 =	sand.u32 $0x1FFFFFF0, s22;
	s26 =	sand.u32 $0x1FFFFFF0, s23;
	s8 =	spop (v2sf)  }
0x2c6: {  	(v2sf) =	vpush v63, $0xC;
	[tilespmem:s18], [sflag:$0x2] =	stream.linear.gather [hbm4b:s6+s19], $0x80, $0x38;
	[tilespmem:$0x10880] =	vst v63  }
0x2c7: {  	s22 =	simm.s32 $0x4980;
	s25 =	sadd.s32 s3, s7;
	s10 =	spop (v2sf)  }
0x2c8: {  	[tilespmem:s24], [sflag:$0x4] =	stream.linear.gather [hbm4b:s25+s19], $0x80, $0x38;
	[tilespmem:$0x10880] =	vst v63  }
0x2c9: {  	v15 =	vadd.f32 v16, v15;
	v4 =	vmul.f32 v6, v4;
	s7 =	sadd.s32 s2, s26;
	s6 =	sand.u32 $0x1FFFFFF0, s8;
	s11 =	spop (v2sf)  }
0x2ca: {  	[tilespmem:s0], [sflag:$0x2] =	stream.linear.gather [hbm4b:s7+s19], $0x80, $0x38;
	[tilespmem:$0x10880] =	vst v63  }
0x2cb: {  	v4 =	vadd.f32 v4, v15;
	v2 =	vmul.f32 v5, v2;
	s6 =	sadd.s32 s3, s6;
	s14 =	sand.u32 $0x1FFFFFF0, s11;
	s7 =	sand.u32 $0x1FFFFFF0, s10  }
0x2cc: {  	[tilespmem:s31], [sflag:$0x4] =	stream.linear.gather [hbm4b:s6+s19], $0x80, $0x38;
	[tilespmem:$0x10880] =	vst v63  }
0x2cd: {  	v3 =	vmul.f32 v14, v3;
	v2 =	vadd.f32 v2, v4;
	s16 =	sadd.s32 s3, s14;
	s13 =	sadd.s32 s2, s7;
	s15 =	spop (v2sf)  }
0x2ce: {  	[tilespmem:s9], [sflag:$0x2] =	stream.linear.gather [hbm4b:s13+s19], $0x80, $0x38;
	[tilespmem:$0x10880] =	vst v63  }
0x2cf: {  	v2 =	vadd.f32 v3, v2;
	v3 =	vmul.f32 v13, v12;
	s25 =	simm.s32 $0x390;
	s17 =	sand.u32 $0x1FFFFFF0, s15;
	s18 =	spop (v2sf)  }
0x2d0: {  	(v2sf) =	vpush v11, $0xD;
	[tilespmem:s4], [sflag:$0x4] =	stream.linear.gather [hbm4b:s16+s19], $0x80, $0x38;
	[tilespmem:$0x10880] =	vst v63  }
0x2d1: {  	v2 =	vadd.f32 v3, v2;
	v3 =	vmul.f32 v10, v9;
	(v2sf) =	vpush v63, $0xD;
	s15 =	simm.s32 $0x4A00;
	s23 =	sadd.s32 s2, s17;
	s24 =	sand.u32 $0x1FFFFFF0, s18  }
0x2d2: {  	(v2sf) =	vpush v11, $0xE;
	[tilespmem:s22], [sflag:$0x2] =	stream.linear.gather [hbm4b:s23+s19], $0x80, $0x38;
	[tilespmem:$0x10880] =	vst v63  }
0x2d3: {  	v1 =	vmul.f32 v7, v1;
	v2 =	vadd.f32 v3, v2;
	s17 =	simm.s32 $0x4B00;
	s26 =	sadd.s32 s3, s24;
	(v2sf) =	vpush v63, $0xE;
	s31 =	spop (v2sf)  }
0x2d4: {  	(v2sf) =	vpush v11, $0xF;
	[tilespmem:s1], [sflag:$0x4] =	stream.linear.gather [hbm4b:s26+s19], $0x80, $0x38;
	[tilespmem:$0x10880] =	vst v63  }
0x2d5: {  	v1 =	vadd.f32 v1, v2;
	s0 =	sand.u32 $0x1FFFFFF0, s31;
	(v2sf) =	vpush v63, $0xF;
	s26 =	simm.s32 $0x190;
	s1 =	spop (v2sf)  }
.LBB2_12:
0x2d6: {  	_ =	sdelay $0x4  }
0x2d7: {  	s0 =	sadd.s32 s2, s0;
	s1 =	sand.u32 $0x1FFFFFF0, s1  }
0x2d8: {  	[tilespmem:s15], [sflag:$0x2] =	stream.linear.gather [hbm4b:s0+s19], $0x80, $0x38;
	[tilespmem:$0x10880] =	vst v63  }
0x2d9: {  	s5 =	sadd.s32 s3, s1  }
0x2da: {  	[tilespmem:s28], [sflag:$0x4] =	stream.linear.gather [hbm4b:s5+s19], $0x80, $0x38;
	[tilespmem:$0x10880] =	vst v63  }
0x2db: {  	s4 =	spop (v2sf)  }
0x2dc: {  	s6 =	sand.u32 $0x1FFFFFF0, s4;
	s7 =	spop (v2sf)  }
0x2dd: {  	s8 =	sadd.s32 s2, s6;
	s9 =	sand.u32 $0x1FFFFFF0, s7;
	s10 =	spop (v2sf)  }
0x2de: {  	[tilespmem:s12], [sflag:$0x2] =	stream.linear.gather [hbm4b:s8+s19], $0x80, $0x38;
	[tilespmem:$0x10880] =	vst v63  }
0x2df: {  	s11 =	sadd.s32 s3, s9;
	s12 =	sand.u32 $0x1FFFFFF0, s10;
	s13 =	spop (v2sf)  }
0x2e0: {  	[tilespmem:s29], [sflag:$0x4] =	stream.linear.gather [hbm4b:s11+s19], $0x80, $0x38;
	[tilespmem:$0x10880] =	vst v63  }
0x2e1: {  	s14 =	sadd.s32 s2, s12;
	s15 =	sand.u32 $0x1FFFFFF0, s13;
	s16 =	spop (v2sf)  }
0x2e2: {  	[tilespmem:s17], [sflag:$0x2] =	stream.linear.gather [hbm4b:s14+s19], $0x80, $0x38;
	[tilespmem:$0x10880] =	vst v63  }
0x2e3: {  	s18 =	sand.u32 $0x1FFFFFF0, s16;
	s22 =	spop (v2sf);
	s17 =	sadd.s32 s3, s15  }
0x2e4: {  	[tilespmem:s30], [sflag:$0x4] =	stream.linear.gather [hbm4b:s17+s19], $0x80, $0x38;
	[tilespmem:$0x10880] =	vst v63  }
0x2e5: {  	s23 =	sadd.s32 $0x4B80, s20;
	s1 =	sadd.s32 s2, s18;
	s4 =	sand.u32 $0x1FFFFFF0, s22  }
0x2e6: {  	[tilespmem:s23], [sflag:$0x2] =	stream.linear.gather [hbm4b:s1+s19], $0x80, $0x38;
	[tilespmem:$0x10880] =	vst v63  }
0x2e7: {  	s24 =	sadd.s32 $0xCB80, s20;
	s31 =	sadd.s32 s3, s4  }
0x2e8: {  	[tilespmem:s24], [sflag:$0x4] =	stream.linear.gather [hbm4b:s31+s19], $0x80, $0x38;
	[tilespmem:$0x10880] =	vst v63  }
0x2e9: {  	v2 =	vld [tilespmem:s26+$0x0]  }
0x2ea: {  	v4 =	vld [tilespmem:s25+$0x0];
	_ =	sdelay $0x3  }
0x2eb: {  	v3 =	vshll.u32 v2, $0x4  }
0x2ec: {  	v2 =	vshll.u32 v4, $0x4;
	(v2sf) =	vpush v3, $0x0  }
0x2ed: {  	s4 =	smov.u32 s21;
	(v2sf) =	vpush v2, $0x0  }
0x2ee: {  	p0 =	sne.s32 s21, $0xE000;
	s21 =	sadd.s32 $0x2000, s21;
	s20 =	sshra.s32 s4, $0x2;
	(v2sf) =	vpush v3, $0x1  }
0x2ef: {  	s7 =	sadd.s32 $0xC400, s20;
	s0 =	sadd.s32 $0x4680, s20;
	s5 =	sadd.s32 $0x4880, s20  }
0x2f0: {  	s9 =	sadd.s32 $0x4400, s20;
	s18 =	sadd.s32 $0x4600, s20;
	s6 =	sadd.s32 $0xC900, s20;
	(v2sf) =	vpush v2, $0x1  }
0x2f1: {  	s4 =	sadd.s32 $0xC580, s20;
	s28 =	sadd.s32 $0xCA00, s20;
	s16 =	sadd.s32 $0x4500, s20  }
0x2f2: {  	s13 =	sadd.s32 $0xC600, s20;
	s8 =	sadd.s32 $0x4A80, s20;
	[smem:$0x7EE] =	sst s0;
	(v2sf) =	vpush v3, $0x2  }
0x2f3: {  	s22 =	sadd.s32 $0xC500, s20;
	s14 =	sadd.s32 $0xC680, s20;
	[dreg:$0xe] =	wrdreg s5  }
0x2f4: {  	s10 =	sadd.s32 $0xC980, s20;
	s29 =	sadd.s32 $0xCA80, s20;
	[dreg:$0x6] =	wrdreg s6;
	(v2sf) =	vpush v2, $0x2  }
0x2f5: {  	s11 =	sadd.s32 $0xC880, s20;
	s12 =	sadd.s32 $0x4900, s20;
	[dreg:$0x1d] =	wrdreg s8  }
0x2f6: {  	s15 =	sadd.s32 $0xC800, s20;
	s17 =	sadd.s32 $0x4800, s20;
	[dreg:$0xa] =	wrdreg s10;
	(v2sf) =	vpush v3, $0x3  }
0x2f7: {  	s30 =	sadd.s32 $0xCB00, s20;
	s8 =	sadd.s32 $0xC480, s20;
	[dreg:$0x16] =	wrdreg s11  }
0x2f8: {  	s6 =	sadd.s32 $0x4700, s20;
	s5 =	sadd.s32 $0xC700, s20;
	[dreg:$0x12] =	wrdreg s12;
	(v2sf) =	vpush v2, $0x3  }
0x2f9: {  	s12 =	sadd.s32 $0x4780, s20;
	[dreg:$0x1b] =	wrdreg s15;
	s15 =	sadd.s32 $0x4A00, s20  }
0x2fa: {  	s10 =	sadd.s32 $0x4480, s20;
	[smem:$0x7EF] =	sst s17;
	s17 =	sadd.s32 $0x4B00, s20;
	(v2sf) =	vpush v3, $0x4  }
0x2fb: {  	s1 =	sadd.s32 $0x4580, s20;
	s31 =	sadd.s32 $0xC780, s20;
	s11 =	spop (v2sf)  }
0x2fc: {  	s25 =	sadd.s32 $0x10, s25;
	s23 =	sand.u32 $0x1FFFFFF0, s11;
	s24 =	spop (v2sf);
	(v2sf) =	vpush v2, $0x4  }
0x2fd: {  	s23 =	sadd.s32 s2, s23;
	s24 =	sand.u32 $0x1FFFFFF0, s24;
	s0 =	spop (v2sf)  }
0x2fe: {  	[tilespmem:s9], [sflag:$0x2] =	stream.linear.gather [hbm4b:s23+s19], $0x80, $0x38;
	[tilespmem:$0x10880] =	vst v63  }
0x2ff: {  	(v2sf) =	vpush v3, $0x5;
	s23 =	sadd.s32 s3, s24;
	s0 =	sand.u32 $0x1FFFFFF0, s0;
	s24 =	spop (v2sf)  }
0x300: {  	(v2sf) =	vpush v2, $0x5;
	[tilespmem:s7], [sflag:$0x4] =	stream.linear.gather [hbm4b:s23+s19], $0x80, $0x38;
	[tilespmem:$0x10880] =	vst v63  }
0x301: {  	s0 =	sadd.s32 s2, s0;
	s23 =	sand.u32 $0x1FFFFFF0, s24;
	s24 =	spop (v2sf)  }
0x302: {  	(v2sf) =	vpush v3, $0x6;
	[tilespmem:s10], [sflag:$0x2] =	stream.linear.gather [hbm4b:s0+s19], $0x80, $0x38;
	[tilespmem:$0x10880] =	vst v63  }
0x303: {  	s10 =	sadd.s32 s3, s23;
	s23 =	sand.u32 $0x1FFFFFF0, s24;
	s24 =	spop (v2sf)  }
0x304: {  	(v2sf) =	vpush v2, $0x6;
	[tilespmem:s8], [sflag:$0x4] =	stream.linear.gather [hbm4b:s10+s19], $0x80, $0x38;
	[tilespmem:$0x10880] =	vst v63  }
0x305: {  	s10 =	sadd.s32 s2, s23;
	s23 =	sand.u32 $0x1FFFFFF0, s24;
	s24 =	spop (v2sf)  }
0x306: {  	(v2sf) =	vpush v3, $0x7;
	[tilespmem:s16], [sflag:$0x2] =	stream.linear.gather [hbm4b:s10+s19], $0x80, $0x38;
	[tilespmem:$0x10880] =	vst v63  }
0x307: {  	s9 =	sadd.s32 s3, s23;
	s10 =	sand.u32 $0x1FFFFFF0, s24;
	s16 =	spop (v2sf)  }
0x308: {  	(v2sf) =	vpush v2, $0x7;
	[tilespmem:s22], [sflag:$0x4] =	stream.linear.gather [hbm4b:s9+s19], $0x80, $0x38;
	[tilespmem:$0x10880] =	vst v63  }
0x309: {  	s23 =	sand.u32 $0x1FFFFFF0, s16;
	s24 =	spop (v2sf);
	s22 =	sadd.s32 s2, s10  }
0x30a: {  	(v2sf) =	vpush v3, $0x8;
	[tilespmem:s1], [sflag:$0x2] =	stream.linear.gather [hbm4b:s22+s19], $0x80, $0x38;
	[tilespmem:$0x10880] =	vst v63  }
0x30b: {  	s26 =	sadd.s32 $0x10, s26;
	s1 =	sadd.s32 s3, s23;
	s8 =	spop (v2sf)  }
0x30c: {  	[tilespmem:s4], [sflag:$0x4] =	stream.linear.gather [hbm4b:s1+s19], $0x80, $0x38;
	[tilespmem:$0x10880] =	vst v63  }
0x30d: {  	s11 =	sadd.s32 $0x4980, s20;
	s7 =	sand.u32 $0x1FFFFFF0, s24;
	s10 =	sand.u32 $0x1FFFFFF0, s8  }
0x30e: {  	s9 =	sadd.s32 s2, s7;
	(v2sf) =	vpush v2, $0x8;
	s16 =	spop (v2sf);
	s22 =	sadd.s32 s3, s10  }
0x30f: {  	s23 =	sand.u32 $0x1FFFFFF0, s16;
	s24 =	spop (v2sf);
	s10 =	sld [smem:$0x7EE]  }
0x310: {  	(v2sf) =	vpush v3, $0x9;
	[tilespmem:s18], [sflag:$0x2] =	stream.linear.gather [hbm4b:s9+s19], $0x80, $0x38;
	[tilespmem:$0x10880] =	vst v63  }
0x311: {  	s7 =	sadd.s32 s2, s23;
	s8 =	sand.u32 $0x1FFFFFF0, s24;
	s9 =	spop (v2sf)  }
0x312: {  	[tilespmem:s13], [sflag:$0x4] =	stream.linear.gather [hbm4b:s22+s19], $0x80, $0x38;
	[tilespmem:$0x10880] =	vst v63  }
0x313: {  	(v2sf) =	vpush v2, $0x9;
	s13 =	sadd.s32 s3, s8;
	s16 =	sand.u32 $0x1FFFFFF0, s9;
	s18 =	spop (v2sf)  }
0x314: {  	[tilespmem:s10], [sflag:$0x2] =	stream.linear.gather [hbm4b:s7+s19], $0x80, $0x38;
	[tilespmem:$0x10880] =	vst v63  }
0x315: {  	(v2sf) =	vpush v3, $0xA;
	s22 =	sadd.s32 s2, s16;
	s23 =	sand.u32 $0x1FFFFFF0, s18;
	s24 =	spop (v2sf)  }
0x316: {  	[tilespmem:s14], [sflag:$0x4] =	stream.linear.gather [hbm4b:s13+s19], $0x80, $0x38;
	[tilespmem:$0x10880] =	vst v63  }
0x317: {  	(v2sf) =	vpush v2, $0xA;
	s7 =	sadd.s32 s3, s23;
	s8 =	sand.u32 $0x1FFFFFF0, s24;
	s9 =	spop (v2sf)  }
0x318: {  	[tilespmem:s6], [sflag:$0x2] =	stream.linear.gather [hbm4b:s22+s19], $0x80, $0x38;
	[tilespmem:$0x10880] =	vst v63  }
0x319: {  	(v2sf) =	vpush v3, $0xB;
	s10 =	sadd.s32 s2, s8;
	s13 =	sand.u32 $0x1FFFFFF0, s9;
	s14 =	spop (v2sf)  }
0x31a: {  	[tilespmem:s5], [sflag:$0x4] =	stream.linear.gather [hbm4b:s7+s19], $0x80, $0x38;
	[tilespmem:$0x10880] =	vst v63  }
0x31b: {  	s6 =	sld [smem:$0x7EF];
	s16 =	sadd.s32 s3, s13;
	s18 =	sand.u32 $0x1FFFFFF0, s14  }
0x31c: {  	[tilespmem:s12], [sflag:$0x2] =	stream.linear.gather [hbm4b:s10+s19], $0x80, $0x38;
	[tilespmem:$0x10880] =	vst v63  }
0x31d: {  	(v2sf) =	vpush v2, $0xB;
	s23 =	sadd.s32 s2, s18;
	s18 =	rddreg [dreg:$0xe];
	s22 =	spop (v2sf)  }
0x31e: {  	(v2sf) =	vpush v3, $0xC;
	[tilespmem:s31], [sflag:$0x4] =	stream.linear.gather [hbm4b:s16+s19], $0x80, $0x38;
	[tilespmem:$0x10880] =	vst v63  }
0x31f: {  	s12 =	rddreg [dreg:$0x1d];
	s24 =	sand.u32 $0x1FFFFFF0, s22;
	s31 =	spop (v2sf)  }
0x320: {  	(v2sf) =	vpush v2, $0xC;
	s10 =	rddreg [dreg:$0x1b];
	s7 =	sadd.s32 s3, s24;
	s8 =	sand.u32 $0x1FFFFFF0, s31  }
0x321: {  	[tilespmem:s6], [sflag:$0x2] =	stream.linear.gather [hbm4b:s23+s19], $0x80, $0x38;
	[tilespmem:$0x10880] =	vst v63  }
0x322: {  	s9 =	spop (v2sf);
	s31 =	rddreg [dreg:$0x16];
	s13 =	sadd.s32 s2, s8  }
0x323: {  	[tilespmem:s10], [sflag:$0x4] =	stream.linear.gather [hbm4b:s7+s19], $0x80, $0x38;
	[tilespmem:$0x10880] =	vst v63  }
0x324: {  	s14 =	sand.u32 $0x1FFFFFF0, s9;
	s16 =	spop (v2sf);
	s9 =	rddreg [dreg:$0x12]  }
0x325: {  	[tilespmem:s18], [sflag:$0x2] =	stream.linear.gather [hbm4b:s13+s19], $0x80, $0x38;
	[tilespmem:$0x10880] =	vst v63  }
0x326: {  	s22 =	sadd.s32 s3, s14;
	s23 =	sand.u32 $0x1FFFFFF0, s16;
	s24 =	spop (v2sf)  }
0x327: {  	[tilespmem:s31], [sflag:$0x4] =	stream.linear.gather [hbm4b:s22+s19], $0x80, $0x38;
	[tilespmem:$0x10880] =	vst v63  }
0x328: {  	s6 =	sadd.s32 s2, s23;
	s7 =	sand.u32 $0x1FFFFFF0, s24;
	s8 =	spop (v2sf)  }
0x329: {  	[tilespmem:s9], [sflag:$0x2] =	stream.linear.gather [hbm4b:s6+s19], $0x80, $0x38;
	[tilespmem:$0x10880] =	vst v63  }
0x32a: {  	s16 =	rddreg [dreg:$0x6];
	s10 =	sadd.s32 s3, s7;
	s13 =	sand.u32 $0x1FFFFFF0, s8  }
0x32b: {  	(v2sf) =	vpush v3, $0xD;
	[tilespmem:s16], [sflag:$0x4] =	stream.linear.gather [hbm4b:s10+s19], $0x80, $0x38;
	[tilespmem:$0x10880] =	vst v63  }
.Ltmp5:
0x32c: {  	(v2sf) =	vpush v2, $0xD;
	s14 =	spop (v2sf);
	s18 =	sadd.s32 s2, s13;
	(pc) =	sbr.rel @p0 .LBB2_12-.Ltmp5, $4  }
0x32d: {  	(v2sf) =	vpush v3, $0xE;
	s31 =	rddreg [dreg:$0xa];
	s22 =	sand.u32 $0x1FFFFFF0, s14;
	s23 =	spop (v2sf)  }
0x32e: {  	(v2sf) =	vpush v2, $0xE;
	[tilespmem:s11], [sflag:$0x2] =	stream.linear.gather [hbm4b:s18+s19], $0x80, $0x38;
	[tilespmem:$0x10880] =	vst v63  }
0x32f: {  	(v2sf) =	vpush v3, $0xF;
	s24 =	sadd.s32 s3, s22;
	s0 =	sand.u32 $0x1FFFFFF0, s23;
	s1 =	spop (v2sf)  }
0x330: {  	(v2sf) =	vpush v2, $0xF;
	[tilespmem:s31], [sflag:$0x4] =	stream.linear.gather [hbm4b:s24+s19], $0x80, $0x38;
	[tilespmem:$0x10880] =	vst v63  }
0x331: {  	_ =	sdelay $0x4  }
0x332: {  	s0 =	sadd.s32 s2, s0;
	s1 =	sand.u32 $0x1FFFFFF0, s1  }
0x333: {  	[tilespmem:s15], [sflag:$0x2] =	stream.linear.gather [hbm4b:s0+s19], $0x80, $0x38;
	[tilespmem:$0x10880] =	vst v63  }
0x334: {  	s8 =	sadd.s32 s3, s1  }
0x335: {  	[tilespmem:s28], [sflag:$0x4] =	stream.linear.gather [hbm4b:s8+s19], $0x80, $0x38;
	[tilespmem:$0x10880] =	vst v63  }
0x336: {  	s4 =	spop (v2sf)  }
0x337: {  	s9 =	sand.u32 $0x1FFFFFF0, s4;
	s10 =	spop (v2sf)  }
0x338: {  	s11 =	sadd.s32 s2, s9;
	s13 =	sand.u32 $0x1FFFFFF0, s10;
	s14 =	spop (v2sf)  }
0x339: {  	[tilespmem:s12], [sflag:$0x2] =	stream.linear.gather [hbm4b:s11+s19], $0x80, $0x38;
	[tilespmem:$0x10880] =	vst v63  }
0x33a: {  	s15 =	sadd.s32 s3, s13;
	s16 =	sand.u32 $0x1FFFFFF0, s14;
	s18 =	spop (v2sf)  }
0x33b: {  	[tilespmem:s29], [sflag:$0x4] =	stream.linear.gather [hbm4b:s15+s19], $0x80, $0x38;
	[tilespmem:$0x10880] =	vst v63  }
0x33c: {  	s21 =	sadd.s32 s2, s16;
	s22 =	sand.u32 $0x1FFFFFF0, s18;
	s23 =	spop (v2sf)  }
0x33d: {  	[tilespmem:s17], [sflag:$0x2] =	stream.linear.gather [hbm4b:s21+s19], $0x80, $0x38;
	[tilespmem:$0x10880] =	vst v63  }
0x33e: {  	s24 =	sadd.s32 s3, s22;
	s25 =	sand.u32 $0x1FFFFFF0, s23;
	s26 =	spop (v2sf)  }
0x33f: {  	[tilespmem:s30], [sflag:$0x4] =	stream.linear.gather [hbm4b:s24+s19], $0x80, $0x38;
	[tilespmem:$0x10880] =	vst v63  }
0x340: {  	s28 =	sadd.s32 $0x4B80, s20;
	s1 =	sadd.s32 s2, s25;
	s4 =	sand.u32 $0x1FFFFFF0, s26  }
0x341: {  	[tilespmem:s28], [sflag:$0x2] =	stream.linear.gather [hbm4b:s1+s19], $0x80, $0x38;
	[tilespmem:$0x10880] =	vst v63  }
0x342: {  	s31 =	simm.s32 $0x0;
	s29 =	sadd.s32 $0xCB80, s20;
	s30 =	sadd.s32 s3, s4  }
0x343: {  	[tilespmem:s29], [sflag:$0x4] =	stream.linear.gather [hbm4b:s30+s19], $0x80, $0x38;
	[tilespmem:$0x10880] =	vst v63  }
0x344: {  	v3 =	vld [tilespmem:s31+$0x400]  }
0x345: {  	v4 =	vld [tilespmem:s31+$0x8400]  }
0x346: {  	v7 =	vld [tilespmem:s31+$0x410]  }
0x347: {  	v8 =	vld [tilespmem:s31+$0x8410]  }
0x348: {  	v2 =	vld [tilespmem:s31+$0x420]  }
0x349: {  	v5 =	vld [tilespmem:s31+$0x8420]  }
0x34a: {  	v6 =	vld [tilespmem:s31+$0x8430];
	v9 =	vmul.f32 v4, v3  }
0x34b: {  	s0 =	simm.s32 $0x80;
	v3 =	vld [tilespmem:s31+$0x430]  }
0x34c: {  	s1 =	simm.s32 $0x400;
	v4 =	vld [tilespmem:s0+$0x400];
	v7 =	vmul.f32 v8, v7;
	v1 =	vadd.f32 v9, v1  }
.LBB2_14:
0x34d: {  	p0 =	sne.s32 s1, $0xFE00;
	v8 =	vld [tilespmem:s0+$0x8400]  }
0x34e: {  	v9 =	vld [tilespmem:s0+$0x410];
	v1 =	vadd.f32 v7, v1;
	v5 =	vmul.f32 v5, v2  }
0x34f: {  	v7 =	vld [tilespmem:s0+$0x8410]  }
.Ltmp6:
0x350: {  	v2 =	vld [tilespmem:s0+$0x420];
	v1 =	vadd.f32 v5, v1;
	v6 =	vmul.f32 v6, v3;
	(pc) =	sbr.rel @p0 .LBB2_14-.Ltmp6, $4  }
0x351: {  	v5 =	vld [tilespmem:s0+$0x8420]  }
0x352: {  	v8 =	vmul.f32 v8, v4;
	v3 =	vld [tilespmem:s0+$0x430];
	v1 =	vadd.f32 v6, v1  }
0x353: {  	v6 =	vld [tilespmem:s0+$0x8430];
	s0 =	sshra.s32 s1, $0x2  }
0x354: {  	s1 =	sadd.s32 $0x200, s1;
	v4 =	vld [tilespmem:s0+$0x400];
	v1 =	vadd.f32 v8, v1;
	v7 =	vmul.f32 v7, v9  }
0x355: {  	v8 =	vld [tilespmem:s0+$0x8400]  }
0x356: {  	v9 =	vld [tilespmem:s0+$0x410]  }
0x357: {  	v10 =	vld [tilespmem:s0+$0x8410]  }
0x358: {  	v11 =	vld [tilespmem:s0+$0x420]  }
0x359: {  	v12 =	vld [tilespmem:s0+$0x8420]  }
0x35a: {  	v13 =	vld [tilespmem:s0+$0x430];
	s30 =	simm.s32 $0x2  }
0x35b: {  	v14 =	vld [tilespmem:s0+$0x8430];
	v1 =	vadd.f32 v7, v1;
	v2 =	vmul.f32 v5, v2;
	_ =	swait.ge [sflag:s30], $0x4000  }
0x35c: {  	[sflag:s30] =	ssyncset.done $0x0  }
0x35d: {  	s31 =	simm.s32 $0x4;
	v1 =	vadd.f32 v2, v1;
	v2 =	vmul.f32 v6, v3;
	[sflag:s30] =	ssyncadd.s32 $0xFFFFC000  }
0x35e: {  	_ =	swait.ge [sflag:s31], $0x4000  }
0x35f: {  	v3 =	vmul.f32 v8, v4;
	v1 =	vadd.f32 v2, v1;
	[sflag:s31] =	ssyncset.done $0x0  }
0x360: {  	s1 =	simm.s32 $0x0;
	[sflag:s31] =	ssyncadd.s32 $0xFFFFC000  }
0x361: {  	v2 =	vmul.f32 v10, v9;
	v1 =	vadd.f32 v3, v1;
	v3 =	vld [tilespmem:s1+$0x4400]  }
0x362: {  	v5 =	vld [tilespmem:s1+$0xC400]  }
0x363: {  	v7 =	vld [tilespmem:s1+$0x4410];
	v1 =	vadd.f32 v2, v1;
	v2 =	vmul.f32 v12, v11  }
0x364: {  	v8 =	vld [tilespmem:s1+$0xC410]  }
0x365: {  	v6 =	vmul.f32 v14, v13;
	v4 =	vld [tilespmem:s1+$0xC420];
	v2 =	vadd.f32 v2, v1  }
0x366: {  	v1 =	vld [tilespmem:s1+$0x4420]  }
0x367: {  	v63 =	vmul.f32 v5, v3;
	v5 =	vld [tilespmem:s1+$0xC430];
	v6 =	vadd.f32 v6, v2  }
0x368: {  	s0 =	simm.s32 $0x80;
	s13 =	simm.s32 $0x0;
	s4 =	simm.s32 $0x6;
	v2 =	vld [tilespmem:s1+$0x4430]  }
0x369: {  	s6 =	simm.s32 $0x10400;
	s7 =	simm.s32 $0x10600;
	v3 =	vld [tilespmem:s0+$0x4400];
	v7 =	vmul.f32 v8, v7;
	s1 =	simm.s32 $0x400;
	v6 =	vadd.f32 v63, v6  }
.LBB2_16:
0x36a: {  	p0 =	sne.s32 s1, $0xFE00;
	v8 =	vld [tilespmem:s0+$0xC400]  }
0x36b: {  	v9 =	vld [tilespmem:s0+$0x4410];
	v6 =	vadd.f32 v7, v6;
	v4 =	vmul.f32 v4, v1  }
0x36c: {  	v7 =	vld [tilespmem:s0+$0xC410]  }
.Ltmp7:
0x36d: {  	v1 =	vld [tilespmem:s0+$0x4420];
	v6 =	vadd.f32 v4, v6;
	v5 =	vmul.f32 v5, v2;
	(pc) =	sbr.rel @p0 .LBB2_16-.Ltmp7, $4  }
0x36e: {  	v4 =	vld [tilespmem:s0+$0xC420]  }
0x36f: {  	v8 =	vmul.f32 v8, v3;
	v2 =	vld [tilespmem:s0+$0x4430];
	v6 =	vadd.f32 v5, v6  }
0x370: {  	v5 =	vld [tilespmem:s0+$0xC430];
	s0 =	sshra.s32 s1, $0x2  }
0x371: {  	s1 =	sadd.s32 $0x200, s1;
	v3 =	vld [tilespmem:s0+$0x4400];
	v6 =	vadd.f32 v8, v6;
	v7 =	vmul.f32 v7, v9  }
0x372: {  	v8 =	vld [tilespmem:s0+$0xC400]  }
0x373: {  	v9 =	vld [tilespmem:s0+$0x4410];
	v6 =	vadd.f32 v7, v6;
	v1 =	vmul.f32 v4, v1  }
0x374: {  	v60 =	vld [tilespmem:s0+$0xC410]  }
0x375: {  	v61 =	vld [tilespmem:s0+$0x4420];
	v1 =	vadd.f32 v1, v6;
	v2 =	vmul.f32 v5, v2  }
0x376: {  	v62 =	vld [tilespmem:s0+$0xC420]  }
0x377: {  	v63 =	vld [tilespmem:s0+$0x4430];
	v3 =	vmul.f32 v8, v3;
	v1 =	vadd.f32 v2, v1  }
0x378: {  	v2 =	vld [tilespmem:s0+$0xC430]  }
0x379: {  	v1 =	vadd.f32 v3, v1;
	v3 =	vmul.f32 v60, v9  }
0x37a: {  	[tilespmem:$0x10810] =	vst v0  }
0x37b: {  	[tilespmem:$0x10820] =	vst v0;
	v1 =	vadd.f32 v3, v1;
	v3 =	vmul.f32 v62, v61  }
0x37c: {  	[tilespmem:$0x10830] =	vst v0  }
0x37d: {  	[tilespmem:$0x10840] =	vst v0;
	v2 =	vmul.f32 v2, v63;
	v1 =	vadd.f32 v3, v1  }
0x37e: {  	[tilespmem:$0x10850] =	vst v0  }
0x37f: {  	[tilespmem:$0x10860] =	vst v0;
	v1 =	vadd.f32 v2, v1  }
0x380: {  	[tilespmem:$0x10870] =	vst v0  }
0x381: {  	s25 =	simm.s32 $0x5;
	[tilespmem:$0x10800] =	vst v1  }
0x382: {  	_ =	swait.ge [sflag:s25], $0x80  }
0x383: {  	[sflag:s25] =	ssyncset.done $0x0  }
0x384: {  	[sflag:s25] =	ssyncadd.s32 $0xFFFFFF80  }
0x385: {  	_ =	swait.ge [sflag:s25], $0x80  }
0x386: {  	[sflag:s25] =	ssyncset.done $0x0  }
0x387: {  	[sflag:s25] =	ssyncadd.s32 $0xFFFFFF80  }
0x388: {  	_ =	swait.ge [sflag:s25], $0x80  }
0x389: {  	[sflag:s25] =	ssyncset.done $0x0  }
0x38a: {  	[sflag:s25] =	ssyncadd.s32 $0xFFFFFF80  }
0x38b: {  	_ =	swait.ge [sflag:s25], $0x80  }
0x38c: {  	[sflag:s25] =	ssyncset.done $0x0  }
0x38d: {  	[sflag:s25] =	ssyncadd.s32 $0xFFFFFF80  }
0x38e: {  	_ =	swait.ge [sflag:s25], $0x80  }
0x38f: {  	[sflag:s25] =	ssyncset.done $0x0  }
0x390: {  	[sflag:s25] =	ssyncadd.s32 $0xFFFFFF80  }
0x391: {  	_ =	swait.ge [sflag:s25], $0x80  }
0x392: {  	[sflag:s25] =	ssyncset.done $0x0  }
0x393: {  	[sflag:s25] =	ssyncadd.s32 $0xFFFFFF80  }
0x394: {  	_ =	swait.ge [sflag:s25], $0x80  }
0x395: {  	[sflag:s25] =	ssyncset.done $0x0  }
0x396: {  	[sflag:s25] =	ssyncadd.s32 $0xFFFFFF80  }
0x397: {  	_ =	swait.ge [sflag:s25], $0x80  }
0x398: {  	s26 =	sld [smem:$0x7FA]  }
0x399: {  	[sflag:s25] =	ssyncset.done $0x0  }
0x39a: {  	s1 =	simm.s32 $0x10800;
	[sflag:s25] =	ssyncadd.s32 $0xFFFFFF80  }
0x39b: {  	[hbm4b:s26+s13] =	stream.linear.scatter [tilespmem:s1], [sflag:$0x6], $0x80, $0x38;
	[tilespmem:$0x10880] =	vst v63  }
0x39c: {  	_ =	swait.ge [sflag:s4], $0x80  }
0x39d: {  	s28 =	sld [smem:$0x7FB]  }
0x39e: {  	[sflag:s4] =	ssyncset.done $0x0  }
0x39f: {  	[sflag:s4] =	ssyncadd.s32 $0xFFFFFF80  }
0x3a0: {  	[hbm4b:s28+s13] =	stream.linear.scatter [tilespmem:s6], [sflag:$0x6], $0x200, $0x38;
	[tilespmem:$0x10880] =	vst v63  }
0x3a1: {  	_ =	swait.ge [sflag:s4], $0x200  }
0x3a2: {  	s29 =	sld [smem:$0x7FC]  }
0x3a3: {  	[sflag:s4] =	ssyncset.done $0x0  }
0x3a4: {  	[sflag:s4] =	ssyncadd.s32 $0xFFFFFE00  }
0x3a5: {  	[hbm4b:s29+s13] =	stream.linear.scatter [tilespmem:s7], [sflag:$0x6], $0x200, $0x38;
	[tilespmem:$0x10880] =	vst v63  }
0x3a6: {  	_ =	swait.ge [sflag:s4], $0x200  }
0x3a7: {  	s30 =	sld [smem:$0x7F5]  }
0x3a8: {  	s31 =	sld [smem:$0x7FD];
	_ =	sdelay $0x1  }
0x3a9: {  	s1 =	sadd.s32 $0x1, s30  }
0x3aa: {  	p0 =	sne.s32 s1, s31  }
.Ltmp8:
0x3ab: {  	_ = 	snop;
	(pc) =	sbr.rel @p0 .LBB2_1-.Ltmp8, $3  }
0x3ac: {  	_ =	sdelay $0x1  }
0x3ad: {  	[sflag:s4] =	ssyncset.done $0x0  }
0x3ae: {  	[sflag:s4] =	ssyncadd.s32 $0xFFFFFE00  }
0x3af: {  	_ =	sfence.sel $0x180000  }
0x3b0: {  	[bflag:$0x0] =	sbarrier.arrive $0xFFFF  }
0x3b1: {  	_ =	strace $0x90000047  }
0x3b2: {  	s0 =	stileid.u32;
	[bflag:$0x2] =	sbarrier.arrive $0xFFFF  }
0x3b3: {  	p0 =	sne.s32 s0, $0x0;
	s0 =	rddreg [dreg:$0x2]  }
0x3b4: {  	s0 =	sadd.s32 @!p0 $0x100000, s0  }
0x3b5: {  	[sflag:s0] =	ssyncadd.tile.s32 @!p0 $0x1;
	_ =	shalt  }
.Lfunc_end2:
_tile_overlayer_lowered:
.L_overlay_start_2:
0x3b6: {  	(tag) =	ssettag $0x2  }
0x3b7: {  	s0 =	rddreg [dreg:$0x0];
	s2 =	stileid.u32  }
0x3b8: {  	s1 =	rddreg [dreg:$0x1];
	p0 =	sne.s32 s2, $0x0  }
0x3b9: {  	s3 =	rddreg [dreg:$0x2];
	[bflag:$0x3] =	sbarrier.arrive $0xFFFF;
	s2 =	simm.s32 @!p0 $0x1C06  }
0x3ba: {  	[timem:s3], [sflag:s2] =	dma.local @!p0 [hbm:s0], s1  }
0x3bb: {  	s0 =	simm.s32 @!p0 $0x6  }
0x3bc: {  	_ =	swait.ge @!p0 [sflag:s0], s1  }
0x3bd: {  	s1 =	ssub.s32 @!p0 $0x0, s1;
	[sflag:s0] =	ssyncset.done @!p0 $0x0  }
0x3be: {  	[sflag:s0] =	ssyncadd.s32 @!p0 s1  }
0x3bf: {  	[bflag:$0x3] =	sbarrier.arrive $0xFFFF  }
0x3c0: {  	_ =	shalt  }

</sc_bundles>
